<compile_context>
chip_gen: v7x
topology: tpu7x:2x2x1
jax: 0.10.2.dev20260603
libtpu: 0.0.44.dev20260713+nightly
codegen_flags: <defaults>
</compile_context>

<pallas_src>
import jax
import jax.numpy as jnp
from jax import lax
from jax.experimental import pallas as pl
from jax.experimental.pallas import tpu as pltpu
from jax.experimental.pallas import tpu_sc as plsc

N = 10000
E = 320000
C = 128
DE = 16
NEG_SLOPE = 0.2

NC = 2
NS = 16
NW = NC * NS
EW = E // NW

K = 40
NCH = EW // K
NG = (K + 15) // 16

NPAD = 10240
RPT = NPAD // NS

_SC_PARAMS = pltpu.CompilerParams(needs_layout_passes=False,
                                  use_tc_tiling_on_sc=False)


def _dense_body(x_ref, wl_ref, wr_ref, bl_ref, br_ref, xl_ref, xr_ref):
    xv = x_ref[...]
    xl_ref[...] = jnp.dot(xv, wl_ref[...],
                          preferred_element_type=jnp.float32) + bl_ref[...]
    xr_ref[...] = jnp.dot(xv, wr_ref[...],
                          preferred_element_type=jnp.float32) + br_ref[...]


def _edge_body(eat_ref, we_ref, ef_ref):
    ef_ref[...] = lax.dot_general(
        eat_ref[...], we_ref[...],
        dimension_numbers=(((0,), (0,)), ((), ())),
        preferred_element_type=jnp.float32)


def _final_body(p_ref, pd_ref, bias_ref, out_ref):
    num = p_ref[0] + p_ref[1]
    den = pd_ref[0] + pd_ref[1]
    out_ref[...] = num / (den + 1e-16) + bias_ref[...]


def _sc_body(xl_hbm, xr_hbm, ef_hbm, src3_hbm, dst3_hbm, att_hbm,
             part_hbm, partd_hbm,
             acc_sh, accd_sh,
             src_i, dst_i, sc_i, xl_rows, xr_rows, ef_rows,
             ex_b, accbuf, att_v, zbuf,
             s_ix0, s_ix1, s_xl0, s_xl1, s_xr0, s_xr1, s_ef0, s_ef1,
             s_sc0, s_sc1, s_sd0, s_sd1):
    cid = lax.axis_index("c")
    sid = lax.axis_index("s")
    wid = cid * NS + sid
    zero16 = jnp.zeros((16,), jnp.float32)
    iota = lax.iota(jnp.int32, 16)
    s_ix = [s_ix0, s_ix1]
    s_xl = [s_xl0, s_xl1]
    s_xr = [s_xr0, s_xr1]
    s_ef = [s_ef0, s_ef1]
    s_sc = [s_sc0, s_sc1]
    s_sd = [s_sd0, s_sd1]

    def _z_row(e, _):
        for j in range(C // 16):
            xl_rows[0, e, pl.ds(16 * j, 16)] = zero16
        return 0
    lax.fori_loop(0, K, _z_row, 0)

    def _z1(e, _):
        zbuf[pl.ds(e * 16, 16)] = zero16
        return 0
    lax.fori_loop(0, RPT // 16, _z1, 0)
    row0 = sid * RPT
    for k in range(RPT // K):
        pltpu.sync_copy(xl_rows.at[0], acc_sh.at[pl.ds(row0 + k * K, K)])
    pltpu.sync_copy(zbuf, accd_sh.at[pl.ds(row0, RPT)])
    plsc.subcore_barrier()

    pltpu.sync_copy(att_hbm, att_v)
    att_j = [att_v[pl.ds(16 * j, 16)] for j in range(C // 16)]

    def issue_idx(c, b):
        pltpu.async_copy(src3_hbm.at[pl.ds(wid * EW + c * K, K)],
                         src_i.at[b, pl.ds(0, K)], s_ix[b])
        pltpu.async_copy(dst3_hbm.at[pl.ds(wid * EW + c * K, K)],
                         dst_i.at[b, pl.ds(0, K)], s_ix[b])

    def wait_idx(b):
        pltpu.make_async_copy(src3_hbm.at[pl.ds(0, K)],
                              src_i.at[b, pl.ds(0, K)], s_ix[b]).wait()
        pltpu.make_async_copy(src3_hbm.at[pl.ds(0, K)],
                              dst_i.at[b, pl.ds(0, K)], s_ix[b]).wait()

    def issue_gathers(c, b):
        pltpu.async_copy(xl_hbm.at[src_i.at[b, pl.ds(0, K)]],
                         xl_rows.at[b], s_xl[b])
        pltpu.async_copy(xr_hbm.at[dst_i.at[b, pl.ds(0, K)]],
                         xr_rows.at[b], s_xr[b])
        pltpu.async_copy(ef_hbm.at[pl.ds(wid * EW + c * K, K)],
                         ef_rows.at[b], s_ef[b])

    def wait_gathers(b):
        pltpu.make_async_copy(xl_hbm.at[pl.ds(0, K)],
                              xl_rows.at[b], s_xl[b]).wait()
        pltpu.make_async_copy(xl_hbm.at[pl.ds(0, K)],
                              xr_rows.at[b], s_xr[b]).wait()
        pltpu.make_async_copy(ef_hbm.at[pl.ds(0, K)],
                              ef_rows.at[b], s_ef[b]).wait()

    def drain_scatters(b):
        pltpu.make_async_copy(xl_hbm.at[pl.ds(0, K)],
                              xl_rows.at[b], s_sc[b]).wait()
        pltpu.make_async_copy(partd_hbm.at[0, pl.ds(0, K)],
                              ex_b.at[b, pl.ds(0, K)], s_sd[b]).wait()

    def slot(c, b):
        o = b ^ 1

        @pl.when(c >= 1)
        def _():
            drain_scatters(o)

        @pl.when(c + 1 < NCH)
        def _():
            wait_idx(o)
            issue_gathers(c + 1, o)
        wait_gathers(b)

        for off in (0, 16, K - 16):
            sc_i[b, pl.ds(off, 16)] = dst_i[b, pl.ds(off, 16)]

        @plsc.parallel_loop(0, K, unroll=8)
        def _edge_acc(e):
            acc0 = zero16
            acc1 = zero16
            for j in range(C // 16):
                m = (xl_rows[b, e, pl.ds(16 * j, 16)]
                     + xr_rows[b, e, pl.ds(16 * j, 16)]
                     + ef_rows[b, e, pl.ds(16 * j, 16)])
                m = jnp.maximum(m, NEG_SLOPE * m)
                if j % 2 == 0:
                    acc0 = acc0 + m * att_j[j]
                else:
                    acc1 = acc1 + m * att_j[j]
            accbuf[pl.ds(e * 16, 16)] = acc0 + acc1

        for g in range(NG):
            al = [zero16] * 4
            for col in range(16):
                al[col % 4] = al[col % 4] + plsc.load_gather(
                    accbuf, [iota * 16 + (col + g * 256)])
            ex_b[b, pl.ds(g * 16, 16)] = jnp.exp((al[0] + al[1])
                                                 + (al[2] + al[3]))

        @plsc.parallel_loop(0, K, unroll=4)
        def _edge_scale(e):
            s = plsc.load_gather(ex_b.at[b],
                                 [jnp.zeros((16,), jnp.int32) + e])
            for j in range(C // 16):
                xl_rows[b, e, pl.ds(16 * j, 16)] = (
                    xl_rows[b, e, pl.ds(16 * j, 16)] * s)

        pltpu.async_copy(xl_rows.at[b], acc_sh.at[sc_i.at[b]], s_sc[b],
                         add=True)
        pltpu.async_copy(ex_b.at[b, pl.ds(0, K)], accd_sh.at[sc_i.at[b]],
                         s_sd[b], add=True)

        @pl.when(c + 2 < NCH)
        def _():
            issue_idx(c + 2, b)

    pltpu.sync_copy(src3_hbm.at[pl.ds(wid * EW, K)], src_i.at[0, pl.ds(0, K)])
    pltpu.sync_copy(dst3_hbm.at[pl.ds(wid * EW, K)], dst_i.at[0, pl.ds(0, K)])
    issue_gathers(0, 0)
    issue_idx(1, 1)

    def _pair(p, _):
        slot(2 * p, 0)
        slot(2 * p + 1, 1)
        return 0
    lax.fori_loop(0, NCH // 2, _pair, 0)

    drain_scatters(1)

    plsc.subcore_barrier()
    pltpu.sync_copy(acc_sh.at[pl.ds(row0, RPT)],
                    part_hbm.at[cid, pl.ds(row0, RPT)])
    pltpu.sync_copy(accd_sh.at[pl.ds(row0, RPT)],
                    partd_hbm.at[cid, pl.ds(row0, RPT)])


def _sc_pass(xl, xr, ef, src3, dst3, att):
    mesh = plsc.VectorSubcoreMesh(core_axis_name="c", subcore_axis_name="s",
                                  num_cores=NC, num_subcores=NS)
    f = pl.kernel(
        _sc_body,
        out_type=[jax.ShapeDtypeStruct((NC, NPAD, C), jnp.float32),
                  jax.ShapeDtypeStruct((NC, NPAD), jnp.float32)],
        mesh=mesh,
        scratch_types=[
            pltpu.VMEM_SHARED((NPAD, C), jnp.float32),
            pltpu.VMEM_SHARED((NPAD,), jnp.float32),
            pltpu.VMEM((2, 48), jnp.int32),
            pltpu.VMEM((2, 48), jnp.int32),
            pltpu.VMEM((2, K), jnp.int32),
            pltpu.VMEM((2, K, C), jnp.float32),
            pltpu.VMEM((2, K, C), jnp.float32),
            pltpu.VMEM((2, K, C), jnp.float32),
            pltpu.VMEM((2, NG * 16), jnp.float32),
            pltpu.VMEM((NG * 256, ), jnp.float32),
            pltpu.VMEM((C,), jnp.float32),
            pltpu.VMEM((RPT,), jnp.float32),
        ] + [pltpu.SemaphoreType.DMA] * 12,
        compiler_params=_SC_PARAMS,
    )
    return f(xl, xr, ef, src3, dst3, att)


def kernel(x, edge_index, edge_attr, W_l, b_l, W_r, b_r, W_e, att, bias):
    src = edge_index[0]
    dst = edge_index[1]

    xl, xr = pl.pallas_call(
        _dense_body,
        out_shape=[jax.ShapeDtypeStruct((N, C), jnp.float32),
                   jax.ShapeDtypeStruct((N, C), jnp.float32)],
        grid=(5,),
        in_specs=[pl.BlockSpec((N // 5, C), lambda i: (i, 0)),
                  pl.BlockSpec((C, C), lambda i: (0, 0)),
                  pl.BlockSpec((C, C), lambda i: (0, 0)),
                  pl.BlockSpec((1, C), lambda i: (0, 0)),
                  pl.BlockSpec((1, C), lambda i: (0, 0))],
        out_specs=[pl.BlockSpec((N // 5, C), lambda i: (i, 0)),
                   pl.BlockSpec((N // 5, C), lambda i: (i, 0))],
    )(x, W_l, W_r, b_l.reshape(1, C), b_r.reshape(1, C))

    EB = 6400
    ef = pl.pallas_call(
        _edge_body,
        out_shape=jax.ShapeDtypeStruct((E, C), jnp.float32),
        grid=(E // EB,),
        in_specs=[pl.BlockSpec((DE, EB), lambda i: (0, i)),
                  pl.BlockSpec((DE, C), lambda i: (0, 0))],
        out_specs=pl.BlockSpec((EB, C), lambda i: (i, 0)),
    )(edge_attr.T, W_e)

    part, partd = _sc_pass(xl, xr, ef, src, dst, att)

    FB = 1000
    out = pl.pallas_call(
        _final_body,
        out_shape=jax.ShapeDtypeStruct((N, C), jnp.float32),
        grid=(N // FB,),
        in_specs=[pl.BlockSpec((NC, FB, C), lambda i: (0, i, 0)),
                  pl.BlockSpec((NC, FB, 1), lambda i: (0, i, 0)),
                  pl.BlockSpec((1, C), lambda i: (0, 0))],
        out_specs=pl.BlockSpec((FB, C), lambda i: (i, 0)),
    )(part, partd.reshape(NC, NPAD, 1), bias.reshape(1, C))
    return out

# --- scband reference (transcript-rebuilt; emitter-appended) ---
"""Pipeline reference for scband-edge-gatv2-conv-39599598469260 (READ-ONLY COPY).

The authoritative reference and input builder live on the scoring server;
editing this copy changes nothing except your own understanding.
"""

import jax, jax.numpy as jnp
import numpy as np

N_NODES = 10000
N_EDGES = 320000
D_IN = 128
D_OUT = 128
D_EDGE = 16


def setup_inputs(seed: int = 0) -> dict:
    key = jax.random.key(seed)
    ks = jax.random.split(key, 10)
    x = jax.random.normal(ks[0], (N_NODES, D_IN), dtype=jnp.float32)
    edge_index = jax.random.randint(ks[1], (2, N_EDGES), 0, N_NODES, dtype=jnp.int32)
    edge_attr = jax.random.normal(ks[2], (N_EDGES, D_EDGE), dtype=jnp.float32)
    s_in = 1.0 / np.sqrt(D_IN)
    s_e = 1.0 / np.sqrt(D_EDGE)
    s_o = 1.0 / np.sqrt(D_OUT)
    W_l = jax.random.normal(ks[3], (D_IN, D_OUT), dtype=jnp.float32) * s_in
    b_l = jnp.zeros((D_OUT,), dtype=jnp.float32)
    W_r = jax.random.normal(ks[4], (D_IN, D_OUT), dtype=jnp.float32) * s_in
    b_r = jnp.zeros((D_OUT,), dtype=jnp.float32)
    W_e = jax.random.normal(ks[5], (D_EDGE, D_OUT), dtype=jnp.float32) * s_e
    att = jax.random.normal(ks[6], (D_OUT,), dtype=jnp.float32) * s_o
    bias = jnp.zeros((D_OUT,), dtype=jnp.float32)
    return {"x": x, "edge_index": edge_index, "edge_attr": edge_attr,
            "W_l": W_l, "b_l": b_l, "W_r": W_r, "b_r": b_r,
            "W_e": W_e, "att": att, "bias": bias}


def reference(x, edge_index, edge_attr, W_l, b_l, W_r, b_r, W_e, att, bias):
    # GATv2Conv (heads=1, edge_dim=D_EDGE, bias=True), flow source_to_target.
    src = edge_index[0]
    dst = edge_index[1]
    n = x.shape[0]
    x_l = x @ W_l + b_l            # source-side transform [N, C]
    x_r = x @ W_r + b_r            # target-side transform [N, C]
    e_feat = edge_attr @ W_e       # lin_edge has bias=False in PyG [E, C]
    m = x_l[src] + x_r[dst] + e_feat
    m = jax.nn.leaky_relu(m, negative_slope=0.2)
    alpha = m @ att                # [E]
    # segment softmax over incoming edges of each dst node
    amax = jax.ops.segment_max(alpha, dst, num_segments=n)
    amax = jnp.where(jnp.isfinite(amax), amax, 0.0)
    ex = jnp.exp(alpha - amax[dst])
    denom = jax.ops.segment_sum(ex, dst, num_segments=n)
    a = ex / (denom[dst] + 1e-16)
    out = jax.ops.segment_sum(x_l[src] * a[:, None], dst, num_segments=n)
    return out + bias

if __name__ == "__main__":
    import jax
    _d = setup_inputs()
    print(jax.jit(kernel)(*tuple(_d.values())))

</pallas_src>

<mosaic_0001>
#map = affine_map<(d0, d1) -> (0, 0)>
#map1 = affine_map<(d0, d1) -> (0)>
#map2 = affine_map<(d0, d1) -> (0, 0, 0)>
module attributes {stable_mosaic.version = 14 : i64} {
  func.func @_sc_body(%arg0: i32, %arg1: i32, %arg2: memref<10000x128xf32, #tpu.memory_space<hbm>>, %arg3: memref<10000x128xf32, #tpu.memory_space<hbm>>, %arg4: memref<320000x128xf32, #tpu.memory_space<hbm>>, %arg5: memref<320000xi32, #tpu.memory_space<hbm>>, %arg6: memref<320000xi32, #tpu.memory_space<hbm>>, %arg7: memref<128xf32, #tpu.memory_space<hbm>>, %arg8: memref<2x10240x128xf32, #tpu.memory_space<hbm>>, %arg9: memref<2x10240xf32, #tpu.memory_space<hbm>>, %arg10: memref<10240x128xf32, #tpu.memory_space<vmem_shared>>, %arg11: memref<10240xf32, #tpu.memory_space<vmem_shared>>, %arg12: memref<2x48xi32, #tpu.memory_space<vmem>>, %arg13: memref<2x48xi32, #tpu.memory_space<vmem>>, %arg14: memref<2x40xi32, #tpu.memory_space<vmem>>, %arg15: memref<2x40x128xf32, #tpu.memory_space<vmem>>, %arg16: memref<2x40x128xf32, #tpu.memory_space<vmem>>, %arg17: memref<2x40x128xf32, #tpu.memory_space<vmem>>, %arg18: memref<2x48xf32, #tpu.memory_space<vmem>>, %arg19: memref<768xf32, #tpu.memory_space<vmem>>, %arg20: memref<128xf32, #tpu.memory_space<vmem>>, %arg21: memref<640xf32, #tpu.memory_space<vmem>>, %arg22: memref<!tpu.dma_semaphore, #tpu.memory_space<semaphore_mem>>, %arg23: memref<!tpu.dma_semaphore, #tpu.memory_space<semaphore_mem>>, %arg24: memref<!tpu.dma_semaphore, #tpu.memory_space<semaphore_mem>>, %arg25: memref<!tpu.dma_semaphore, #tpu.memory_space<semaphore_mem>>, %arg26: memref<!tpu.dma_semaphore, #tpu.memory_space<semaphore_mem>>, %arg27: memref<!tpu.dma_semaphore, #tpu.memory_space<semaphore_mem>>, %arg28: memref<!tpu.dma_semaphore, #tpu.memory_space<semaphore_mem>>, %arg29: memref<!tpu.dma_semaphore, #tpu.memory_space<semaphore_mem>>, %arg30: memref<!tpu.dma_semaphore, #tpu.memory_space<semaphore_mem>>, %arg31: memref<!tpu.dma_semaphore, #tpu.memory_space<semaphore_mem>>, %arg32: memref<!tpu.dma_semaphore, #tpu.memory_space<semaphore_mem>>, %arg33: memref<!tpu.dma_semaphore, #tpu.memory_space<semaphore_mem>>) attributes {dimension_semantics = [#tpu.dimension_semantics<core_parallel>, #tpu.dimension_semantics<subcore_parallel>], iteration_bounds = array<i64: 2, 16>, scalar_prefetch = 0 : i64, scratch_operands = 24 : i64, tpu.core_type = #tpu.core_type<sc_vector_subcore>, window_params = [{transform_indices = #map}, {transform_indices = #map}, {transform_indices = #map}, {transform_indices = #map1}, {transform_indices = #map1}, {transform_indices = #map1}, {transform_indices = #map2}, {transform_indices = #map}]} {
    %mul3A = arith.constant 16 : i32
    %mul3A_0 = arith.muli %arg0, %mul3A : i32
    %add3A = arith.addi %mul3A_0, %arg1 : i32
    %broadcast_in_dim3A = arith.constant 0.000000e+00 : f32
    %broadcast_in_dim3A_1 = vector.broadcast %broadcast_in_dim3A : f32 to vector<16xf32>
    %iota3A = tpu.iota {dimensions = array<i32: 0>} : vector<16xi32>
    %scan3A = arith.constant 0 : i32
    %scan3A_2 = arith.constant 0 : i32
    %scan3A_3 = arith.constant 40 : i32
    %scan3A_4 = arith.addi %scan3A_2, %scan3A_3 : i32
    %scan3A_5 = arith.constant 1 : i32
    %scan3A_6 = scf.for %scan3A_187 = %scan3A_2 to %scan3A_4 step %scan3A_5 iter_args(%scan3A_188 = %scan3A) -> (i32)  : i32 {
      %swap3A = arith.constant 0 : i32
      %swap3A_189 = arith.index_cast %swap3A : i32 to index
      %swap3A_190 = arith.index_cast %scan3A_187 : i32 to index
      %swap3A_191 = arith.constant 0 : index
      %swap3A_192 = tpu.vector_load %arg15[%swap3A_189, %swap3A_190, %swap3A_191] {strides = array<i32>} : memref<2x40x128xf32, #tpu.memory_space<vmem>>, vector<16xf32>,
      tpu.vector_store %arg15[%swap3A_189, %swap3A_190, %swap3A_191], %broadcast_in_dim3A_1 {strides = array<i32>} : memref<2x40x128xf32, #tpu.memory_space<vmem>>, vector<16xf32>,
      %swap3A_193 = arith.constant 0 : i32
      %swap3A_194 = arith.index_cast %swap3A_193 : i32 to index
      %swap3A_195 = arith.index_cast %scan3A_187 : i32 to index
      %swap3A_196 = arith.constant 16 : index
      %swap3A_197 = tpu.vector_load %arg15[%swap3A_194, %swap3A_195, %swap3A_196] {strides = array<i32>} : memref<2x40x128xf32, #tpu.memory_space<vmem>>, vector<16xf32>,
      tpu.vector_store %arg15[%swap3A_194, %swap3A_195, %swap3A_196], %broadcast_in_dim3A_1 {strides = array<i32>} : memref<2x40x128xf32, #tpu.memory_space<vmem>>, vector<16xf32>,
      %swap3A_198 = arith.constant 0 : i32
      %swap3A_199 = arith.index_cast %swap3A_198 : i32 to index
      %swap3A_200 = arith.index_cast %scan3A_187 : i32 to index
      %swap3A_201 = arith.constant 32 : index
      %swap3A_202 = tpu.vector_load %arg15[%swap3A_199, %swap3A_200, %swap3A_201] {strides = array<i32>} : memref<2x40x128xf32, #tpu.memory_space<vmem>>, vector<16xf32>,
      tpu.vector_store %arg15[%swap3A_199, %swap3A_200, %swap3A_201], %broadcast_in_dim3A_1 {strides = array<i32>} : memref<2x40x128xf32, #tpu.memory_space<vmem>>, vector<16xf32>,
      %swap3A_203 = arith.constant 0 : i32
      %swap3A_204 = arith.index_cast %swap3A_203 : i32 to index
      %swap3A_205 = arith.index_cast %scan3A_187 : i32 to index
      %swap3A_206 = arith.constant 48 : index
      %swap3A_207 = tpu.vector_load %arg15[%swap3A_204, %swap3A_205, %swap3A_206] {strides = array<i32>} : memref<2x40x128xf32, #tpu.memory_space<vmem>>, vector<16xf32>,
      tpu.vector_store %arg15[%swap3A_204, %swap3A_205, %swap3A_206], %broadcast_in_dim3A_1 {strides = array<i32>} : memref<2x40x128xf32, #tpu.memory_space<vmem>>, vector<16xf32>,
      %swap3A_208 = arith.constant 0 : i32
      %swap3A_209 = arith.index_cast %swap3A_208 : i32 to index
      %swap3A_210 = arith.index_cast %scan3A_187 : i32 to index
      %swap3A_211 = arith.constant 64 : index
      %swap3A_212 = tpu.vector_load %arg15[%swap3A_209, %swap3A_210, %swap3A_211] {strides = array<i32>} : memref<2x40x128xf32, #tpu.memory_space<vmem>>, vector<16xf32>,
      tpu.vector_store %arg15[%swap3A_209, %swap3A_210, %swap3A_211], %broadcast_in_dim3A_1 {strides = array<i32>} : memref<2x40x128xf32, #tpu.memory_space<vmem>>, vector<16xf32>,
      %swap3A_213 = arith.constant 0 : i32
      %swap3A_214 = arith.index_cast %swap3A_213 : i32 to index
      %swap3A_215 = arith.index_cast %scan3A_187 : i32 to index
      %swap3A_216 = arith.constant 80 : index
      %swap3A_217 = tpu.vector_load %arg15[%swap3A_214, %swap3A_215, %swap3A_216] {strides = array<i32>} : memref<2x40x128xf32, #tpu.memory_space<vmem>>, vector<16xf32>,
      tpu.vector_store %arg15[%swap3A_214, %swap3A_215, %swap3A_216], %broadcast_in_dim3A_1 {strides = array<i32>} : memref<2x40x128xf32, #tpu.memory_space<vmem>>, vector<16xf32>,
      %swap3A_218 = arith.constant 0 : i32
      %swap3A_219 = arith.index_cast %swap3A_218 : i32 to index
      %swap3A_220 = arith.index_cast %scan3A_187 : i32 to index
      %swap3A_221 = arith.constant 96 : index
      %swap3A_222 = tpu.vector_load %arg15[%swap3A_219, %swap3A_220, %swap3A_221] {strides = array<i32>} : memref<2x40x128xf32, #tpu.memory_space<vmem>>, vector<16xf32>,
      tpu.vector_store %arg15[%swap3A_219, %swap3A_220, %swap3A_221], %broadcast_in_dim3A_1 {strides = array<i32>} : memref<2x40x128xf32, #tpu.memory_space<vmem>>, vector<16xf32>,
      %swap3A_223 = arith.constant 0 : i32
      %swap3A_224 = arith.index_cast %swap3A_223 : i32 to index
      %swap3A_225 = arith.index_cast %scan3A_187 : i32 to index
      %swap3A_226 = arith.constant 112 : index
      %swap3A_227 = tpu.vector_load %arg15[%swap3A_224, %swap3A_225, %swap3A_226] {strides = array<i32>} : memref<2x40x128xf32, #tpu.memory_space<vmem>>, vector<16xf32>,
      tpu.vector_store %arg15[%swap3A_224, %swap3A_225, %swap3A_226], %broadcast_in_dim3A_1 {strides = array<i32>} : memref<2x40x128xf32, #tpu.memory_space<vmem>>, vector<16xf32>,
      %scan3A_228 = arith.constant 0 : i32
      scf.yield %scan3A_228 : i32
    }
    %scan3A_7 = arith.constant 40 : i32
    %scan3A_8 = arith.constant 0 : i32
    %scan3A_9 = arith.constant 0 : i32
    %scan3A_10 = arith.constant 40 : i32
    %scan3A_11 = arith.addi %scan3A_9, %scan3A_10 : i32
    %scan3A_12 = arith.constant 1 : i32
    %scan3A_13 = scf.for %scan3A_187 = %scan3A_9 to %scan3A_11 step %scan3A_12 iter_args(%scan3A_188 = %scan3A_8) -> (i32)  : i32 {
      %mul3A_189 = arith.constant 16 : i32
      %mul3A_190 = arith.muli %scan3A_187, %mul3A_189 : i32
      %swap3A = arith.index_cast %mul3A_190 : i32 to index
      %swap3A_191 = tpu.vector_load %arg21[%swap3A] {strides = array<i32>} : memref<640xf32, #tpu.memory_space<vmem>>, vector<16xf32>,
      tpu.vector_store %arg21[%swap3A], %broadcast_in_dim3A_1 {strides = array<i32>} : memref<640xf32, #tpu.memory_space<vmem>>, vector<16xf32>,
      %scan3A_192 = arith.constant 0 : i32
      scf.yield %scan3A_192 : i32
    }
    %scan3A_14 = arith.constant 40 : i32
    %mul3A_15 = arith.constant 640 : i32
    %mul3A_16 = arith.muli %arg1, %mul3A_15 : i32
    %add3A_17 = arith.constant 0 : i32
    %add3A_18 = arith.addi %mul3A_16, %add3A_17 : i32
    %run_scoped3A = arith.constant 0 : i32
    "tpu.region"() ({
      %run_scoped3A_187 = tpu.sem_alloc : memref<!tpu.dma_semaphore, #tpu.memory_space<semaphore_mem>>
      %dma_start3A_188 = arith.constant 0 : i32
      %dma_start3A_189 = arith.constant 0 : i32
      %dma_start3A_190 = tpu.memref_slice %arg15[%run_scoped3A, %dma_start3A_188, %dma_start3A_189] : memref<2x40x128xf32, #tpu.memory_space<vmem>> -> memref<1x40x128xf32, #tpu.memory_space<vmem>>
      %dma_start3A_191 = tpu.memref_squeeze %dma_start3A_190 : memref<1x40x128xf32, #tpu.memory_space<vmem>> -> memref<40x128xf32, #tpu.memory_space<vmem>>
      %dma_start3A_192 = arith.constant 0 : i32
      %dma_start3A_193 = tpu.memref_slice %arg10[%add3A_18, %dma_start3A_192] : memref<10240x128xf32, #tpu.memory_space<vmem_shared>> -> memref<40x128xf32, #tpu.memory_space<vmem_shared>>
      %dma_start3A_194 = arith.constant 0 : i32
      %dma_start3A_195 = tpu.memref_slice %arg10[%add3A_18, %dma_start3A_194] : memref<10240x128xf32, #tpu.memory_space<vmem_shared>> -> memref<40x128xf32, #tpu.memory_space<vmem_shared>>
      %dma_start3A_196 = arith.constant 0 : i32
      %dma_start3A_197 = arith.constant 0 : i32
      %dma_start3A_198 = tpu.memref_slice %arg15[%run_scoped3A, %dma_start3A_196, %dma_start3A_197] : memref<2x40x128xf32, #tpu.memory_space<vmem>> -> memref<1x40x128xf32, #tpu.memory_space<vmem>>
      %dma_start3A_199 = tpu.memref_squeeze %dma_start3A_198 : memref<1x40x128xf32, #tpu.memory_space<vmem>> -> memref<40x128xf32, #tpu.memory_space<vmem>>
      tpu.enqueue_dma source(%dma_start3A_199 : memref<40x128xf32, #tpu.memory_space<vmem>>) target(%dma_start3A_195 : memref<40x128xf32, #tpu.memory_space<vmem_shared>>) target_semaphore(%run_scoped3A_187 : memref<!tpu.dma_semaphore, #tpu.memory_space<semaphore_mem>>)
      %dma_wait3A_200 = arith.constant 0 : i32
      %dma_wait3A_201 = arith.constant 0 : i32
      %dma_wait3A_202 = tpu.memref_slice %arg15[%run_scoped3A, %dma_wait3A_200, %dma_wait3A_201] : memref<2x40x128xf32, #tpu.memory_space<vmem>> -> memref<1x40x128xf32, #tpu.memory_space<vmem>>
      %dma_wait3A_203 = tpu.memref_squeeze %dma_wait3A_202 : memref<1x40x128xf32, #tpu.memory_space<vmem>> -> memref<40x128xf32, #tpu.memory_space<vmem>>
      %dma_wait3A_204 = arith.constant 0 : i32
      %dma_wait3A_205 = tpu.memref_slice %arg10[%add3A_18, %dma_wait3A_204] : memref<10240x128xf32, #tpu.memory_space<vmem_shared>> -> memref<40x128xf32, #tpu.memory_space<vmem_shared>>
      %dma_wait3A_206 = arith.constant 0 : i32
      %dma_wait3A_207 = tpu.memref_slice %arg10[%add3A_18, %dma_wait3A_206] : memref<10240x128xf32, #tpu.memory_space<vmem_shared>> -> memref<40x128xf32, #tpu.memory_space<vmem_shared>>
      %dma_wait3A_208 = arith.constant 0 : i32
      %dma_wait3A_209 = arith.constant 0 : i32
      %dma_wait3A_210 = tpu.memref_slice %arg15[%run_scoped3A, %dma_wait3A_208, %dma_wait3A_209] : memref<2x40x128xf32, #tpu.memory_space<vmem>> -> memref<1x40x128xf32, #tpu.memory_space<vmem>>
      %dma_wait3A_211 = tpu.memref_squeeze %dma_wait3A_210 : memref<1x40x128xf32, #tpu.memory_space<vmem>> -> memref<40x128xf32, #tpu.memory_space<vmem>>
      tpu.wait_dma2 semaphore(%run_scoped3A_187 : memref<!tpu.dma_semaphore, #tpu.memory_space<semaphore_mem>>) src(%dma_wait3A_211 : memref<40x128xf32, #tpu.memory_space<vmem>>) dst(%dma_wait3A_207 : memref<40x128xf32, #tpu.memory_space<vmem_shared>>)
      tpu.yield
    }) : () -> ()
    %add3A_19 = arith.constant 40 : i32
    %add3A_20 = arith.addi %mul3A_16, %add3A_19 : i32
    %run_scoped3A_21 = arith.constant 0 : i32
    "tpu.region"() ({
      %run_scoped3A_187 = tpu.sem_alloc : memref<!tpu.dma_semaphore, #tpu.memory_space<semaphore_mem>>
      %dma_start3A_188 = arith.constant 0 : i32
      %dma_start3A_189 = arith.constant 0 : i32
      %dma_start3A_190 = tpu.memref_slice %arg15[%run_scoped3A_21, %dma_start3A_188, %dma_start3A_189] : memref<2x40x128xf32, #tpu.memory_space<vmem>> -> memref<1x40x128xf32, #tpu.memory_space<vmem>>
      %dma_start3A_191 = tpu.memref_squeeze %dma_start3A_190 : memref<1x40x128xf32, #tpu.memory_space<vmem>> -> memref<40x128xf32, #tpu.memory_space<vmem>>
      %dma_start3A_192 = arith.constant 0 : i32
      %dma_start3A_193 = tpu.memref_slice %arg10[%add3A_20, %dma_start3A_192] : memref<10240x128xf32, #tpu.memory_space<vmem_shared>> -> memref<40x128xf32, #tpu.memory_space<vmem_shared>>
      %dma_start3A_194 = arith.constant 0 : i32
      %dma_start3A_195 = tpu.memref_slice %arg10[%add3A_20, %dma_start3A_194] : memref<10240x128xf32, #tpu.memory_space<vmem_shared>> -> memref<40x128xf32, #tpu.memory_space<vmem_shared>>
      %dma_start3A_196 = arith.constant 0 : i32
      %dma_start3A_197 = arith.constant 0 : i32
      %dma_start3A_198 = tpu.memref_slice %arg15[%run_scoped3A_21, %dma_start3A_196, %dma_start3A_197] : memref<2x40x128xf32, #tpu.memory_space<vmem>> -> memref<1x40x128xf32, #tpu.memory_space<vmem>>
      %dma_start3A_199 = tpu.memref_squeeze %dma_start3A_198 : memref<1x40x128xf32, #tpu.memory_space<vmem>> -> memref<40x128xf32, #tpu.memory_space<vmem>>
      tpu.enqueue_dma source(%dma_start3A_199 : memref<40x128xf32, #tpu.memory_space<vmem>>) target(%dma_start3A_195 : memref<40x128xf32, #tpu.memory_space<vmem_shared>>) target_semaphore(%run_scoped3A_187 : memref<!tpu.dma_semaphore, #tpu.memory_space<semaphore_mem>>)
      %dma_wait3A_200 = arith.constant 0 : i32
      %dma_wait3A_201 = arith.constant 0 : i32
      %dma_wait3A_202 = tpu.memref_slice %arg15[%run_scoped3A_21, %dma_wait3A_200, %dma_wait3A_201] : memref<2x40x128xf32, #tpu.memory_space<vmem>> -> memref<1x40x128xf32, #tpu.memory_space<vmem>>
      %dma_wait3A_203 = tpu.memref_squeeze %dma_wait3A_202 : memref<1x40x128xf32, #tpu.memory_space<vmem>> -> memref<40x128xf32, #tpu.memory_space<vmem>>
      %dma_wait3A_204 = arith.constant 0 : i32
      %dma_wait3A_205 = tpu.memref_slice %arg10[%add3A_20, %dma_wait3A_204] : memref<10240x128xf32, #tpu.memory_space<vmem_shared>> -> memref<40x128xf32, #tpu.memory_space<vmem_shared>>
      %dma_wait3A_206 = arith.constant 0 : i32
      %dma_wait3A_207 = tpu.memref_slice %arg10[%add3A_20, %dma_wait3A_206] : memref<10240x128xf32, #tpu.memory_space<vmem_shared>> -> memref<40x128xf32, #tpu.memory_space<vmem_shared>>
      %dma_wait3A_208 = arith.constant 0 : i32
      %dma_wait3A_209 = arith.constant 0 : i32
      %dma_wait3A_210 = tpu.memref_slice %arg15[%run_scoped3A_21, %dma_wait3A_208, %dma_wait3A_209] : memref<2x40x128xf32, #tpu.memory_space<vmem>> -> memref<1x40x128xf32, #tpu.memory_space<vmem>>
      %dma_wait3A_211 = tpu.memref_squeeze %dma_wait3A_210 : memref<1x40x128xf32, #tpu.memory_space<vmem>> -> memref<40x128xf32, #tpu.memory_space<vmem>>
      tpu.wait_dma2 semaphore(%run_scoped3A_187 : memref<!tpu.dma_semaphore, #tpu.memory_space<semaphore_mem>>) src(%dma_wait3A_211 : memref<40x128xf32, #tpu.memory_space<vmem>>) dst(%dma_wait3A_207 : memref<40x128xf32, #tpu.memory_space<vmem_shared>>)
      tpu.yield
    }) : () -> ()
    %add3A_22 = arith.constant 80 : i32
    %add3A_23 = arith.addi %mul3A_16, %add3A_22 : i32
    %run_scoped3A_24 = arith.constant 0 : i32
    "tpu.region"() ({
      %run_scoped3A_187 = tpu.sem_alloc : memref<!tpu.dma_semaphore, #tpu.memory_space<semaphore_mem>>
      %dma_start3A_188 = arith.constant 0 : i32
      %dma_start3A_189 = arith.constant 0 : i32
      %dma_start3A_190 = tpu.memref_slice %arg15[%run_scoped3A_24, %dma_start3A_188, %dma_start3A_189] : memref<2x40x128xf32, #tpu.memory_space<vmem>> -> memref<1x40x128xf32, #tpu.memory_space<vmem>>
      %dma_start3A_191 = tpu.memref_squeeze %dma_start3A_190 : memref<1x40x128xf32, #tpu.memory_space<vmem>> -> memref<40x128xf32, #tpu.memory_space<vmem>>
      %dma_start3A_192 = arith.constant 0 : i32
      %dma_start3A_193 = tpu.memref_slice %arg10[%add3A_23, %dma_start3A_192] : memref<10240x128xf32, #tpu.memory_space<vmem_shared>> -> memref<40x128xf32, #tpu.memory_space<vmem_shared>>
      %dma_start3A_194 = arith.constant 0 : i32
      %dma_start3A_195 = tpu.memref_slice %arg10[%add3A_23, %dma_start3A_194] : memref<10240x128xf32, #tpu.memory_space<vmem_shared>> -> memref<40x128xf32, #tpu.memory_space<vmem_shared>>
      %dma_start3A_196 = arith.constant 0 : i32
      %dma_start3A_197 = arith.constant 0 : i32
      %dma_start3A_198 = tpu.memref_slice %arg15[%run_scoped3A_24, %dma_start3A_196, %dma_start3A_197] : memref<2x40x128xf32, #tpu.memory_space<vmem>> -> memref<1x40x128xf32, #tpu.memory_space<vmem>>
      %dma_start3A_199 = tpu.memref_squeeze %dma_start3A_198 : memref<1x40x128xf32, #tpu.memory_space<vmem>> -> memref<40x128xf32, #tpu.memory_space<vmem>>
      tpu.enqueue_dma source(%dma_start3A_199 : memref<40x128xf32, #tpu.memory_space<vmem>>) target(%dma_start3A_195 : memref<40x128xf32, #tpu.memory_space<vmem_shared>>) target_semaphore(%run_scoped3A_187 : memref<!tpu.dma_semaphore, #tpu.memory_space<semaphore_mem>>)
      %dma_wait3A_200 = arith.constant 0 : i32
      %dma_wait3A_201 = arith.constant 0 : i32
      %dma_wait3A_202 = tpu.memref_slice %arg15[%run_scoped3A_24, %dma_wait3A_200, %dma_wait3A_201] : memref<2x40x128xf32, #tpu.memory_space<vmem>> -> memref<1x40x128xf32, #tpu.memory_space<vmem>>
      %dma_wait3A_203 = tpu.memref_squeeze %dma_wait3A_202 : memref<1x40x128xf32, #tpu.memory_space<vmem>> -> memref<40x128xf32, #tpu.memory_space<vmem>>
      %dma_wait3A_204 = arith.constant 0 : i32
      %dma_wait3A_205 = tpu.memref_slice %arg10[%add3A_23, %dma_wait3A_204] : memref<10240x128xf32, #tpu.memory_space<vmem_shared>> -> memref<40x128xf32, #tpu.memory_space<vmem_shared>>
      %dma_wait3A_206 = arith.constant 0 : i32
      %dma_wait3A_207 = tpu.memref_slice %arg10[%add3A_23, %dma_wait3A_206] : memref<10240x128xf32, #tpu.memory_space<vmem_shared>> -> memref<40x128xf32, #tpu.memory_space<vmem_shared>>
      %dma_wait3A_208 = arith.constant 0 : i32
      %dma_wait3A_209 = arith.constant 0 : i32
      %dma_wait3A_210 = tpu.memref_slice %arg15[%run_scoped3A_24, %dma_wait3A_208, %dma_wait3A_209] : memref<2x40x128xf32, #tpu.memory_space<vmem>> -> memref<1x40x128xf32, #tpu.memory_space<vmem>>
      %dma_wait3A_211 = tpu.memref_squeeze %dma_wait3A_210 : memref<1x40x128xf32, #tpu.memory_space<vmem>> -> memref<40x128xf32, #tpu.memory_space<vmem>>
      tpu.wait_dma2 semaphore(%run_scoped3A_187 : memref<!tpu.dma_semaphore, #tpu.memory_space<semaphore_mem>>) src(%dma_wait3A_211 : memref<40x128xf32, #tpu.memory_space<vmem>>) dst(%dma_wait3A_207 : memref<40x128xf32, #tpu.memory_space<vmem_shared>>)
      tpu.yield
    }) : () -> ()
    %add3A_25 = arith.constant 120 : i32
    %add3A_26 = arith.addi %mul3A_16, %add3A_25 : i32
    %run_scoped3A_27 = arith.constant 0 : i32
    "tpu.region"() ({
      %run_scoped3A_187 = tpu.sem_alloc : memref<!tpu.dma_semaphore, #tpu.memory_space<semaphore_mem>>
      %dma_start3A_188 = arith.constant 0 : i32
      %dma_start3A_189 = arith.constant 0 : i32
      %dma_start3A_190 = tpu.memref_slice %arg15[%run_scoped3A_27, %dma_start3A_188, %dma_start3A_189] : memref<2x40x128xf32, #tpu.memory_space<vmem>> -> memref<1x40x128xf32, #tpu.memory_space<vmem>>
      %dma_start3A_191 = tpu.memref_squeeze %dma_start3A_190 : memref<1x40x128xf32, #tpu.memory_space<vmem>> -> memref<40x128xf32, #tpu.memory_space<vmem>>
      %dma_start3A_192 = arith.constant 0 : i32
      %dma_start3A_193 = tpu.memref_slice %arg10[%add3A_26, %dma_start3A_192] : memref<10240x128xf32, #tpu.memory_space<vmem_shared>> -> memref<40x128xf32, #tpu.memory_space<vmem_shared>>
      %dma_start3A_194 = arith.constant 0 : i32
      %dma_start3A_195 = tpu.memref_slice %arg10[%add3A_26, %dma_start3A_194] : memref<10240x128xf32, #tpu.memory_space<vmem_shared>> -> memref<40x128xf32, #tpu.memory_space<vmem_shared>>
      %dma_start3A_196 = arith.constant 0 : i32
      %dma_start3A_197 = arith.constant 0 : i32
      %dma_start3A_198 = tpu.memref_slice %arg15[%run_scoped3A_27, %dma_start3A_196, %dma_start3A_197] : memref<2x40x128xf32, #tpu.memory_space<vmem>> -> memref<1x40x128xf32, #tpu.memory_space<vmem>>
      %dma_start3A_199 = tpu.memref_squeeze %dma_start3A_198 : memref<1x40x128xf32, #tpu.memory_space<vmem>> -> memref<40x128xf32, #tpu.memory_space<vmem>>
      tpu.enqueue_dma source(%dma_start3A_199 : memref<40x128xf32, #tpu.memory_space<vmem>>) target(%dma_start3A_195 : memref<40x128xf32, #tpu.memory_space<vmem_shared>>) target_semaphore(%run_scoped3A_187 : memref<!tpu.dma_semaphore, #tpu.memory_space<semaphore_mem>>)
      %dma_wait3A_200 = arith.constant 0 : i32
      %dma_wait3A_201 = arith.constant 0 : i32
      %dma_wait3A_202 = tpu.memref_slice %arg15[%run_scoped3A_27, %dma_wait3A_200, %dma_wait3A_201] : memref<2x40x128xf32, #tpu.memory_space<vmem>> -> memref<1x40x128xf32, #tpu.memory_space<vmem>>
      %dma_wait3A_203 = tpu.memref_squeeze %dma_wait3A_202 : memref<1x40x128xf32, #tpu.memory_space<vmem>> -> memref<40x128xf32, #tpu.memory_space<vmem>>
      %dma_wait3A_204 = arith.constant 0 : i32
      %dma_wait3A_205 = tpu.memref_slice %arg10[%add3A_26, %dma_wait3A_204] : memref<10240x128xf32, #tpu.memory_space<vmem_shared>> -> memref<40x128xf32, #tpu.memory_space<vmem_shared>>
      %dma_wait3A_206 = arith.constant 0 : i32
      %dma_wait3A_207 = tpu.memref_slice %arg10[%add3A_26, %dma_wait3A_206] : memref<10240x128xf32, #tpu.memory_space<vmem_shared>> -> memref<40x128xf32, #tpu.memory_space<vmem_shared>>
      %dma_wait3A_208 = arith.constant 0 : i32
      %dma_wait3A_209 = arith.constant 0 : i32
      %dma_wait3A_210 = tpu.memref_slice %arg15[%run_scoped3A_27, %dma_wait3A_208, %dma_wait3A_209] : memref<2x40x128xf32, #tpu.memory_space<vmem>> -> memref<1x40x128xf32, #tpu.memory_space<vmem>>
      %dma_wait3A_211 = tpu.memref_squeeze %dma_wait3A_210 : memref<1x40x128xf32, #tpu.memory_space<vmem>> -> memref<40x128xf32, #tpu.memory_space<vmem>>
      tpu.wait_dma2 semaphore(%run_scoped3A_187 : memref<!tpu.dma_semaphore, #tpu.memory_space<semaphore_mem>>) src(%dma_wait3A_211 : memref<40x128xf32, #tpu.memory_space<vmem>>) dst(%dma_wait3A_207 : memref<40x128xf32, #tpu.memory_space<vmem_shared>>)
      tpu.yield
    }) : () -> ()
    %add3A_28 = arith.constant 160 : i32
    %add3A_29 = arith.addi %mul3A_16, %add3A_28 : i32
    %run_scoped3A_30 = arith.constant 0 : i32
    "tpu.region"() ({
      %run_scoped3A_187 = tpu.sem_alloc : memref<!tpu.dma_semaphore, #tpu.memory_space<semaphore_mem>>
      %dma_start3A_188 = arith.constant 0 : i32
      %dma_start3A_189 = arith.constant 0 : i32
      %dma_start3A_190 = tpu.memref_slice %arg15[%run_scoped3A_30, %dma_start3A_188, %dma_start3A_189] : memref<2x40x128xf32, #tpu.memory_space<vmem>> -> memref<1x40x128xf32, #tpu.memory_space<vmem>>
      %dma_start3A_191 = tpu.memref_squeeze %dma_start3A_190 : memref<1x40x128xf32, #tpu.memory_space<vmem>> -> memref<40x128xf32, #tpu.memory_space<vmem>>
      %dma_start3A_192 = arith.constant 0 : i32
      %dma_start3A_193 = tpu.memref_slice %arg10[%add3A_29, %dma_start3A_192] : memref<10240x128xf32, #tpu.memory_space<vmem_shared>> -> memref<40x128xf32, #tpu.memory_space<vmem_shared>>
      %dma_start3A_194 = arith.constant 0 : i32
      %dma_start3A_195 = tpu.memref_slice %arg10[%add3A_29, %dma_start3A_194] : memref<10240x128xf32, #tpu.memory_space<vmem_shared>> -> memref<40x128xf32, #tpu.memory_space<vmem_shared>>
      %dma_start3A_196 = arith.constant 0 : i32
      %dma_start3A_197 = arith.constant 0 : i32
      %dma_start3A_198 = tpu.memref_slice %arg15[%run_scoped3A_30, %dma_start3A_196, %dma_start3A_197] : memref<2x40x128xf32, #tpu.memory_space<vmem>> -> memref<1x40x128xf32, #tpu.memory_space<vmem>>
      %dma_start3A_199 = tpu.memref_squeeze %dma_start3A_198 : memref<1x40x128xf32, #tpu.memory_space<vmem>> -> memref<40x128xf32, #tpu.memory_space<vmem>>
      tpu.enqueue_dma source(%dma_start3A_199 : memref<40x128xf32, #tpu.memory_space<vmem>>) target(%dma_start3A_195 : memref<40x128xf32, #tpu.memory_space<vmem_shared>>) target_semaphore(%run_scoped3A_187 : memref<!tpu.dma_semaphore, #tpu.memory_space<semaphore_mem>>)
      %dma_wait3A_200 = arith.constant 0 : i32
      %dma_wait3A_201 = arith.constant 0 : i32
      %dma_wait3A_202 = tpu.memref_slice %arg15[%run_scoped3A_30, %dma_wait3A_200, %dma_wait3A_201] : memref<2x40x128xf32, #tpu.memory_space<vmem>> -> memref<1x40x128xf32, #tpu.memory_space<vmem>>
      %dma_wait3A_203 = tpu.memref_squeeze %dma_wait3A_202 : memref<1x40x128xf32, #tpu.memory_space<vmem>> -> memref<40x128xf32, #tpu.memory_space<vmem>>
      %dma_wait3A_204 = arith.constant 0 : i32
      %dma_wait3A_205 = tpu.memref_slice %arg10[%add3A_29, %dma_wait3A_204] : memref<10240x128xf32, #tpu.memory_space<vmem_shared>> -> memref<40x128xf32, #tpu.memory_space<vmem_shared>>
      %dma_wait3A_206 = arith.constant 0 : i32
      %dma_wait3A_207 = tpu.memref_slice %arg10[%add3A_29, %dma_wait3A_206] : memref<10240x128xf32, #tpu.memory_space<vmem_shared>> -> memref<40x128xf32, #tpu.memory_space<vmem_shared>>
      %dma_wait3A_208 = arith.constant 0 : i32
      %dma_wait3A_209 = arith.constant 0 : i32
      %dma_wait3A_210 = tpu.memref_slice %arg15[%run_scoped3A_30, %dma_wait3A_208, %dma_wait3A_209] : memref<2x40x128xf32, #tpu.memory_space<vmem>> -> memref<1x40x128xf32, #tpu.memory_space<vmem>>
      %dma_wait3A_211 = tpu.memref_squeeze %dma_wait3A_210 : memref<1x40x128xf32, #tpu.memory_space<vmem>> -> memref<40x128xf32, #tpu.memory_space<vmem>>
      tpu.wait_dma2 semaphore(%run_scoped3A_187 : memref<!tpu.dma_semaphore, #tpu.memory_space<semaphore_mem>>) src(%dma_wait3A_211 : memref<40x128xf32, #tpu.memory_space<vmem>>) dst(%dma_wait3A_207 : memref<40x128xf32, #tpu.memory_space<vmem_shared>>)
      tpu.yield
    }) : () -> ()
    %add3A_31 = arith.constant 200 : i32
    %add3A_32 = arith.addi %mul3A_16, %add3A_31 : i32
    %run_scoped3A_33 = arith.constant 0 : i32
    "tpu.region"() ({
      %run_scoped3A_187 = tpu.sem_alloc : memref<!tpu.dma_semaphore, #tpu.memory_space<semaphore_mem>>
      %dma_start3A_188 = arith.constant 0 : i32
      %dma_start3A_189 = arith.constant 0 : i32
      %dma_start3A_190 = tpu.memref_slice %arg15[%run_scoped3A_33, %dma_start3A_188, %dma_start3A_189] : memref<2x40x128xf32, #tpu.memory_space<vmem>> -> memref<1x40x128xf32, #tpu.memory_space<vmem>>
      %dma_start3A_191 = tpu.memref_squeeze %dma_start3A_190 : memref<1x40x128xf32, #tpu.memory_space<vmem>> -> memref<40x128xf32, #tpu.memory_space<vmem>>
      %dma_start3A_192 = arith.constant 0 : i32
      %dma_start3A_193 = tpu.memref_slice %arg10[%add3A_32, %dma_start3A_192] : memref<10240x128xf32, #tpu.memory_space<vmem_shared>> -> memref<40x128xf32, #tpu.memory_space<vmem_shared>>
      %dma_start3A_194 = arith.constant 0 : i32
      %dma_start3A_195 = tpu.memref_slice %arg10[%add3A_32, %dma_start3A_194] : memref<10240x128xf32, #tpu.memory_space<vmem_shared>> -> memref<40x128xf32, #tpu.memory_space<vmem_shared>>
      %dma_start3A_196 = arith.constant 0 : i32
      %dma_start3A_197 = arith.constant 0 : i32
      %dma_start3A_198 = tpu.memref_slice %arg15[%run_scoped3A_33, %dma_start3A_196, %dma_start3A_197] : memref<2x40x128xf32, #tpu.memory_space<vmem>> -> memref<1x40x128xf32, #tpu.memory_space<vmem>>
      %dma_start3A_199 = tpu.memref_squeeze %dma_start3A_198 : memref<1x40x128xf32, #tpu.memory_space<vmem>> -> memref<40x128xf32, #tpu.memory_space<vmem>>
      tpu.enqueue_dma source(%dma_start3A_199 : memref<40x128xf32, #tpu.memory_space<vmem>>) target(%dma_start3A_195 : memref<40x128xf32, #tpu.memory_space<vmem_shared>>) target_semaphore(%run_scoped3A_187 : memref<!tpu.dma_semaphore, #tpu.memory_space<semaphore_mem>>)
      %dma_wait3A_200 = arith.constant 0 : i32
      %dma_wait3A_201 = arith.constant 0 : i32
      %dma_wait3A_202 = tpu.memref_slice %arg15[%run_scoped3A_33, %dma_wait3A_200, %dma_wait3A_201] : memref<2x40x128xf32, #tpu.memory_space<vmem>> -> memref<1x40x128xf32, #tpu.memory_space<vmem>>
      %dma_wait3A_203 = tpu.memref_squeeze %dma_wait3A_202 : memref<1x40x128xf32, #tpu.memory_space<vmem>> -> memref<40x128xf32, #tpu.memory_space<vmem>>
      %dma_wait3A_204 = arith.constant 0 : i32
      %dma_wait3A_205 = tpu.memref_slice %arg10[%add3A_32, %dma_wait3A_204] : memref<10240x128xf32, #tpu.memory_space<vmem_shared>> -> memref<40x128xf32, #tpu.memory_space<vmem_shared>>
      %dma_wait3A_206 = arith.constant 0 : i32
      %dma_wait3A_207 = tpu.memref_slice %arg10[%add3A_32, %dma_wait3A_206] : memref<10240x128xf32, #tpu.memory_space<vmem_shared>> -> memref<40x128xf32, #tpu.memory_space<vmem_shared>>
      %dma_wait3A_208 = arith.constant 0 : i32
      %dma_wait3A_209 = arith.constant 0 : i32
      %dma_wait3A_210 = tpu.memref_slice %arg15[%run_scoped3A_33, %dma_wait3A_208, %dma_wait3A_209] : memref<2x40x128xf32, #tpu.memory_space<vmem>> -> memref<1x40x128xf32, #tpu.memory_space<vmem>>
      %dma_wait3A_211 = tpu.memref_squeeze %dma_wait3A_210 : memref<1x40x128xf32, #tpu.memory_space<vmem>> -> memref<40x128xf32, #tpu.memory_space<vmem>>
      tpu.wait_dma2 semaphore(%run_scoped3A_187 : memref<!tpu.dma_semaphore, #tpu.memory_space<semaphore_mem>>) src(%dma_wait3A_211 : memref<40x128xf32, #tpu.memory_space<vmem>>) dst(%dma_wait3A_207 : memref<40x128xf32, #tpu.memory_space<vmem_shared>>)
      tpu.yield
    }) : () -> ()
    %add3A_34 = arith.constant 240 : i32
    %add3A_35 = arith.addi %mul3A_16, %add3A_34 : i32
    %run_scoped3A_36 = arith.constant 0 : i32
    "tpu.region"() ({
      %run_scoped3A_187 = tpu.sem_alloc : memref<!tpu.dma_semaphore, #tpu.memory_space<semaphore_mem>>
      %dma_start3A_188 = arith.constant 0 : i32
      %dma_start3A_189 = arith.constant 0 : i32
      %dma_start3A_190 = tpu.memref_slice %arg15[%run_scoped3A_36, %dma_start3A_188, %dma_start3A_189] : memref<2x40x128xf32, #tpu.memory_space<vmem>> -> memref<1x40x128xf32, #tpu.memory_space<vmem>>
      %dma_start3A_191 = tpu.memref_squeeze %dma_start3A_190 : memref<1x40x128xf32, #tpu.memory_space<vmem>> -> memref<40x128xf32, #tpu.memory_space<vmem>>
      %dma_start3A_192 = arith.constant 0 : i32
      %dma_start3A_193 = tpu.memref_slice %arg10[%add3A_35, %dma_start3A_192] : memref<10240x128xf32, #tpu.memory_space<vmem_shared>> -> memref<40x128xf32, #tpu.memory_space<vmem_shared>>
      %dma_start3A_194 = arith.constant 0 : i32
      %dma_start3A_195 = tpu.memref_slice %arg10[%add3A_35, %dma_start3A_194] : memref<10240x128xf32, #tpu.memory_space<vmem_shared>> -> memref<40x128xf32, #tpu.memory_space<vmem_shared>>
      %dma_start3A_196 = arith.constant 0 : i32
      %dma_start3A_197 = arith.constant 0 : i32
      %dma_start3A_198 = tpu.memref_slice %arg15[%run_scoped3A_36, %dma_start3A_196, %dma_start3A_197] : memref<2x40x128xf32, #tpu.memory_space<vmem>> -> memref<1x40x128xf32, #tpu.memory_space<vmem>>
      %dma_start3A_199 = tpu.memref_squeeze %dma_start3A_198 : memref<1x40x128xf32, #tpu.memory_space<vmem>> -> memref<40x128xf32, #tpu.memory_space<vmem>>
      tpu.enqueue_dma source(%dma_start3A_199 : memref<40x128xf32, #tpu.memory_space<vmem>>) target(%dma_start3A_195 : memref<40x128xf32, #tpu.memory_space<vmem_shared>>) target_semaphore(%run_scoped3A_187 : memref<!tpu.dma_semaphore, #tpu.memory_space<semaphore_mem>>)
      %dma_wait3A_200 = arith.constant 0 : i32
      %dma_wait3A_201 = arith.constant 0 : i32
      %dma_wait3A_202 = tpu.memref_slice %arg15[%run_scoped3A_36, %dma_wait3A_200, %dma_wait3A_201] : memref<2x40x128xf32, #tpu.memory_space<vmem>> -> memref<1x40x128xf32, #tpu.memory_space<vmem>>
      %dma_wait3A_203 = tpu.memref_squeeze %dma_wait3A_202 : memref<1x40x128xf32, #tpu.memory_space<vmem>> -> memref<40x128xf32, #tpu.memory_space<vmem>>
      %dma_wait3A_204 = arith.constant 0 : i32
      %dma_wait3A_205 = tpu.memref_slice %arg10[%add3A_35, %dma_wait3A_204] : memref<10240x128xf32, #tpu.memory_space<vmem_shared>> -> memref<40x128xf32, #tpu.memory_space<vmem_shared>>
      %dma_wait3A_206 = arith.constant 0 : i32
      %dma_wait3A_207 = tpu.memref_slice %arg10[%add3A_35, %dma_wait3A_206] : memref<10240x128xf32, #tpu.memory_space<vmem_shared>> -> memref<40x128xf32, #tpu.memory_space<vmem_shared>>
      %dma_wait3A_208 = arith.constant 0 : i32
      %dma_wait3A_209 = arith.constant 0 : i32
      %dma_wait3A_210 = tpu.memref_slice %arg15[%run_scoped3A_36, %dma_wait3A_208, %dma_wait3A_209] : memref<2x40x128xf32, #tpu.memory_space<vmem>> -> memref<1x40x128xf32, #tpu.memory_space<vmem>>
      %dma_wait3A_211 = tpu.memref_squeeze %dma_wait3A_210 : memref<1x40x128xf32, #tpu.memory_space<vmem>> -> memref<40x128xf32, #tpu.memory_space<vmem>>
      tpu.wait_dma2 semaphore(%run_scoped3A_187 : memref<!tpu.dma_semaphore, #tpu.memory_space<semaphore_mem>>) src(%dma_wait3A_211 : memref<40x128xf32, #tpu.memory_space<vmem>>) dst(%dma_wait3A_207 : memref<40x128xf32, #tpu.memory_space<vmem_shared>>)
      tpu.yield
    }) : () -> ()
    %add3A_37 = arith.constant 280 : i32
    %add3A_38 = arith.addi %mul3A_16, %add3A_37 : i32
    %run_scoped3A_39 = arith.constant 0 : i32
    "tpu.region"() ({
      %run_scoped3A_187 = tpu.sem_alloc : memref<!tpu.dma_semaphore, #tpu.memory_space<semaphore_mem>>
      %dma_start3A_188 = arith.constant 0 : i32
      %dma_start3A_189 = arith.constant 0 : i32
      %dma_start3A_190 = tpu.memref_slice %arg15[%run_scoped3A_39, %dma_start3A_188, %dma_start3A_189] : memref<2x40x128xf32, #tpu.memory_space<vmem>> -> memref<1x40x128xf32, #tpu.memory_space<vmem>>
      %dma_start3A_191 = tpu.memref_squeeze %dma_start3A_190 : memref<1x40x128xf32, #tpu.memory_space<vmem>> -> memref<40x128xf32, #tpu.memory_space<vmem>>
      %dma_start3A_192 = arith.constant 0 : i32
      %dma_start3A_193 = tpu.memref_slice %arg10[%add3A_38, %dma_start3A_192] : memref<10240x128xf32, #tpu.memory_space<vmem_shared>> -> memref<40x128xf32, #tpu.memory_space<vmem_shared>>
      %dma_start3A_194 = arith.constant 0 : i32
      %dma_start3A_195 = tpu.memref_slice %arg10[%add3A_38, %dma_start3A_194] : memref<10240x128xf32, #tpu.memory_space<vmem_shared>> -> memref<40x128xf32, #tpu.memory_space<vmem_shared>>
      %dma_start3A_196 = arith.constant 0 : i32
      %dma_start3A_197 = arith.constant 0 : i32
      %dma_start3A_198 = tpu.memref_slice %arg15[%run_scoped3A_39, %dma_start3A_196, %dma_start3A_197] : memref<2x40x128xf32, #tpu.memory_space<vmem>> -> memref<1x40x128xf32, #tpu.memory_space<vmem>>
      %dma_start3A_199 = tpu.memref_squeeze %dma_start3A_198 : memref<1x40x128xf32, #tpu.memory_space<vmem>> -> memref<40x128xf32, #tpu.memory_space<vmem>>
      tpu.enqueue_dma source(%dma_start3A_199 : memref<40x128xf32, #tpu.memory_space<vmem>>) target(%dma_start3A_195 : memref<40x128xf32, #tpu.memory_space<vmem_shared>>) target_semaphore(%run_scoped3A_187 : memref<!tpu.dma_semaphore, #tpu.memory_space<semaphore_mem>>)
      %dma_wait3A_200 = arith.constant 0 : i32
      %dma_wait3A_201 = arith.constant 0 : i32
      %dma_wait3A_202 = tpu.memref_slice %arg15[%run_scoped3A_39, %dma_wait3A_200, %dma_wait3A_201] : memref<2x40x128xf32, #tpu.memory_space<vmem>> -> memref<1x40x128xf32, #tpu.memory_space<vmem>>
      %dma_wait3A_203 = tpu.memref_squeeze %dma_wait3A_202 : memref<1x40x128xf32, #tpu.memory_space<vmem>> -> memref<40x128xf32, #tpu.memory_space<vmem>>
      %dma_wait3A_204 = arith.constant 0 : i32
      %dma_wait3A_205 = tpu.memref_slice %arg10[%add3A_38, %dma_wait3A_204] : memref<10240x128xf32, #tpu.memory_space<vmem_shared>> -> memref<40x128xf32, #tpu.memory_space<vmem_shared>>
      %dma_wait3A_206 = arith.constant 0 : i32
      %dma_wait3A_207 = tpu.memref_slice %arg10[%add3A_38, %dma_wait3A_206] : memref<10240x128xf32, #tpu.memory_space<vmem_shared>> -> memref<40x128xf32, #tpu.memory_space<vmem_shared>>
      %dma_wait3A_208 = arith.constant 0 : i32
      %dma_wait3A_209 = arith.constant 0 : i32
      %dma_wait3A_210 = tpu.memref_slice %arg15[%run_scoped3A_39, %dma_wait3A_208, %dma_wait3A_209] : memref<2x40x128xf32, #tpu.memory_space<vmem>> -> memref<1x40x128xf32, #tpu.memory_space<vmem>>
      %dma_wait3A_211 = tpu.memref_squeeze %dma_wait3A_210 : memref<1x40x128xf32, #tpu.memory_space<vmem>> -> memref<40x128xf32, #tpu.memory_space<vmem>>
      tpu.wait_dma2 semaphore(%run_scoped3A_187 : memref<!tpu.dma_semaphore, #tpu.memory_space<semaphore_mem>>) src(%dma_wait3A_211 : memref<40x128xf32, #tpu.memory_space<vmem>>) dst(%dma_wait3A_207 : memref<40x128xf32, #tpu.memory_space<vmem_shared>>)
      tpu.yield
    }) : () -> ()
    %add3A_40 = arith.constant 320 : i32
    %add3A_41 = arith.addi %mul3A_16, %add3A_40 : i32
    %run_scoped3A_42 = arith.constant 0 : i32
    "tpu.region"() ({
      %run_scoped3A_187 = tpu.sem_alloc : memref<!tpu.dma_semaphore, #tpu.memory_space<semaphore_mem>>
      %dma_start3A_188 = arith.constant 0 : i32
      %dma_start3A_189 = arith.constant 0 : i32
      %dma_start3A_190 = tpu.memref_slice %arg15[%run_scoped3A_42, %dma_start3A_188, %dma_start3A_189] : memref<2x40x128xf32, #tpu.memory_space<vmem>> -> memref<1x40x128xf32, #tpu.memory_space<vmem>>
      %dma_start3A_191 = tpu.memref_squeeze %dma_start3A_190 : memref<1x40x128xf32, #tpu.memory_space<vmem>> -> memref<40x128xf32, #tpu.memory_space<vmem>>
      %dma_start3A_192 = arith.constant 0 : i32
      %dma_start3A_193 = tpu.memref_slice %arg10[%add3A_41, %dma_start3A_192] : memref<10240x128xf32, #tpu.memory_space<vmem_shared>> -> memref<40x128xf32, #tpu.memory_space<vmem_shared>>
      %dma_start3A_194 = arith.constant 0 : i32
      %dma_start3A_195 = tpu.memref_slice %arg10[%add3A_41, %dma_start3A_194] : memref<10240x128xf32, #tpu.memory_space<vmem_shared>> -> memref<40x128xf32, #tpu.memory_space<vmem_shared>>
      %dma_start3A_196 = arith.constant 0 : i32
      %dma_start3A_197 = arith.constant 0 : i32
      %dma_start3A_198 = tpu.memref_slice %arg15[%run_scoped3A_42, %dma_start3A_196, %dma_start3A_197] : memref<2x40x128xf32, #tpu.memory_space<vmem>> -> memref<1x40x128xf32, #tpu.memory_space<vmem>>
      %dma_start3A_199 = tpu.memref_squeeze %dma_start3A_198 : memref<1x40x128xf32, #tpu.memory_space<vmem>> -> memref<40x128xf32, #tpu.memory_space<vmem>>
      tpu.enqueue_dma source(%dma_start3A_199 : memref<40x128xf32, #tpu.memory_space<vmem>>) target(%dma_start3A_195 : memref<40x128xf32, #tpu.memory_space<vmem_shared>>) target_semaphore(%run_scoped3A_187 : memref<!tpu.dma_semaphore, #tpu.memory_space<semaphore_mem>>)
      %dma_wait3A_200 = arith.constant 0 : i32
      %dma_wait3A_201 = arith.constant 0 : i32
      %dma_wait3A_202 = tpu.memref_slice %arg15[%run_scoped3A_42, %dma_wait3A_200, %dma_wait3A_201] : memref<2x40x128xf32, #tpu.memory_space<vmem>> -> memref<1x40x128xf32, #tpu.memory_space<vmem>>
      %dma_wait3A_203 = tpu.memref_squeeze %dma_wait3A_202 : memref<1x40x128xf32, #tpu.memory_space<vmem>> -> memref<40x128xf32, #tpu.memory_space<vmem>>
      %dma_wait3A_204 = arith.constant 0 : i32
      %dma_wait3A_205 = tpu.memref_slice %arg10[%add3A_41, %dma_wait3A_204] : memref<10240x128xf32, #tpu.memory_space<vmem_shared>> -> memref<40x128xf32, #tpu.memory_space<vmem_shared>>
      %dma_wait3A_206 = arith.constant 0 : i32
      %dma_wait3A_207 = tpu.memref_slice %arg10[%add3A_41, %dma_wait3A_206] : memref<10240x128xf32, #tpu.memory_space<vmem_shared>> -> memref<40x128xf32, #tpu.memory_space<vmem_shared>>
      %dma_wait3A_208 = arith.constant 0 : i32
      %dma_wait3A_209 = arith.constant 0 : i32
      %dma_wait3A_210 = tpu.memref_slice %arg15[%run_scoped3A_42, %dma_wait3A_208, %dma_wait3A_209] : memref<2x40x128xf32, #tpu.memory_space<vmem>> -> memref<1x40x128xf32, #tpu.memory_space<vmem>>
      %dma_wait3A_211 = tpu.memref_squeeze %dma_wait3A_210 : memref<1x40x128xf32, #tpu.memory_space<vmem>> -> memref<40x128xf32, #tpu.memory_space<vmem>>
      tpu.wait_dma2 semaphore(%run_scoped3A_187 : memref<!tpu.dma_semaphore, #tpu.memory_space<semaphore_mem>>) src(%dma_wait3A_211 : memref<40x128xf32, #tpu.memory_space<vmem>>) dst(%dma_wait3A_207 : memref<40x128xf32, #tpu.memory_space<vmem_shared>>)
      tpu.yield
    }) : () -> ()
    %add3A_43 = arith.constant 360 : i32
    %add3A_44 = arith.addi %mul3A_16, %add3A_43 : i32
    %run_scoped3A_45 = arith.constant 0 : i32
    "tpu.region"() ({
      %run_scoped3A_187 = tpu.sem_alloc : memref<!tpu.dma_semaphore, #tpu.memory_space<semaphore_mem>>
      %dma_start3A_188 = arith.constant 0 : i32
      %dma_start3A_189 = arith.constant 0 : i32
      %dma_start3A_190 = tpu.memref_slice %arg15[%run_scoped3A_45, %dma_start3A_188, %dma_start3A_189] : memref<2x40x128xf32, #tpu.memory_space<vmem>> -> memref<1x40x128xf32, #tpu.memory_space<vmem>>
      %dma_start3A_191 = tpu.memref_squeeze %dma_start3A_190 : memref<1x40x128xf32, #tpu.memory_space<vmem>> -> memref<40x128xf32, #tpu.memory_space<vmem>>
      %dma_start3A_192 = arith.constant 0 : i32
      %dma_start3A_193 = tpu.memref_slice %arg10[%add3A_44, %dma_start3A_192] : memref<10240x128xf32, #tpu.memory_space<vmem_shared>> -> memref<40x128xf32, #tpu.memory_space<vmem_shared>>
      %dma_start3A_194 = arith.constant 0 : i32
      %dma_start3A_195 = tpu.memref_slice %arg10[%add3A_44, %dma_start3A_194] : memref<10240x128xf32, #tpu.memory_space<vmem_shared>> -> memref<40x128xf32, #tpu.memory_space<vmem_shared>>
      %dma_start3A_196 = arith.constant 0 : i32
      %dma_start3A_197 = arith.constant 0 : i32
      %dma_start3A_198 = tpu.memref_slice %arg15[%run_scoped3A_45, %dma_start3A_196, %dma_start3A_197] : memref<2x40x128xf32, #tpu.memory_space<vmem>> -> memref<1x40x128xf32, #tpu.memory_space<vmem>>
      %dma_start3A_199 = tpu.memref_squeeze %dma_start3A_198 : memref<1x40x128xf32, #tpu.memory_space<vmem>> -> memref<40x128xf32, #tpu.memory_space<vmem>>
      tpu.enqueue_dma source(%dma_start3A_199 : memref<40x128xf32, #tpu.memory_space<vmem>>) target(%dma_start3A_195 : memref<40x128xf32, #tpu.memory_space<vmem_shared>>) target_semaphore(%run_scoped3A_187 : memref<!tpu.dma_semaphore, #tpu.memory_space<semaphore_mem>>)
      %dma_wait3A_200 = arith.constant 0 : i32
      %dma_wait3A_201 = arith.constant 0 : i32
      %dma_wait3A_202 = tpu.memref_slice %arg15[%run_scoped3A_45, %dma_wait3A_200, %dma_wait3A_201] : memref<2x40x128xf32, #tpu.memory_space<vmem>> -> memref<1x40x128xf32, #tpu.memory_space<vmem>>
      %dma_wait3A_203 = tpu.memref_squeeze %dma_wait3A_202 : memref<1x40x128xf32, #tpu.memory_space<vmem>> -> memref<40x128xf32, #tpu.memory_space<vmem>>
      %dma_wait3A_204 = arith.constant 0 : i32
      %dma_wait3A_205 = tpu.memref_slice %arg10[%add3A_44, %dma_wait3A_204] : memref<10240x128xf32, #tpu.memory_space<vmem_shared>> -> memref<40x128xf32, #tpu.memory_space<vmem_shared>>
      %dma_wait3A_206 = arith.constant 0 : i32
      %dma_wait3A_207 = tpu.memref_slice %arg10[%add3A_44, %dma_wait3A_206] : memref<10240x128xf32, #tpu.memory_space<vmem_shared>> -> memref<40x128xf32, #tpu.memory_space<vmem_shared>>
      %dma_wait3A_208 = arith.constant 0 : i32
      %dma_wait3A_209 = arith.constant 0 : i32
      %dma_wait3A_210 = tpu.memref_slice %arg15[%run_scoped3A_45, %dma_wait3A_208, %dma_wait3A_209] : memref<2x40x128xf32, #tpu.memory_space<vmem>> -> memref<1x40x128xf32, #tpu.memory_space<vmem>>
      %dma_wait3A_211 = tpu.memref_squeeze %dma_wait3A_210 : memref<1x40x128xf32, #tpu.memory_space<vmem>> -> memref<40x128xf32, #tpu.memory_space<vmem>>
      tpu.wait_dma2 semaphore(%run_scoped3A_187 : memref<!tpu.dma_semaphore, #tpu.memory_space<semaphore_mem>>) src(%dma_wait3A_211 : memref<40x128xf32, #tpu.memory_space<vmem>>) dst(%dma_wait3A_207 : memref<40x128xf32, #tpu.memory_space<vmem_shared>>)
      tpu.yield
    }) : () -> ()
    %add3A_46 = arith.constant 400 : i32
    %add3A_47 = arith.addi %mul3A_16, %add3A_46 : i32
    %run_scoped3A_48 = arith.constant 0 : i32
    "tpu.region"() ({
      %run_scoped3A_187 = tpu.sem_alloc : memref<!tpu.dma_semaphore, #tpu.memory_space<semaphore_mem>>
      %dma_start3A_188 = arith.constant 0 : i32
      %dma_start3A_189 = arith.constant 0 : i32
      %dma_start3A_190 = tpu.memref_slice %arg15[%run_scoped3A_48, %dma_start3A_188, %dma_start3A_189] : memref<2x40x128xf32, #tpu.memory_space<vmem>> -> memref<1x40x128xf32, #tpu.memory_space<vmem>>
      %dma_start3A_191 = tpu.memref_squeeze %dma_start3A_190 : memref<1x40x128xf32, #tpu.memory_space<vmem>> -> memref<40x128xf32, #tpu.memory_space<vmem>>
      %dma_start3A_192 = arith.constant 0 : i32
      %dma_start3A_193 = tpu.memref_slice %arg10[%add3A_47, %dma_start3A_192] : memref<10240x128xf32, #tpu.memory_space<vmem_shared>> -> memref<40x128xf32, #tpu.memory_space<vmem_shared>>
      %dma_start3A_194 = arith.constant 0 : i32
      %dma_start3A_195 = tpu.memref_slice %arg10[%add3A_47, %dma_start3A_194] : memref<10240x128xf32, #tpu.memory_space<vmem_shared>> -> memref<40x128xf32, #tpu.memory_space<vmem_shared>>
      %dma_start3A_196 = arith.constant 0 : i32
      %dma_start3A_197 = arith.constant 0 : i32
      %dma_start3A_198 = tpu.memref_slice %arg15[%run_scoped3A_48, %dma_start3A_196, %dma_start3A_197] : memref<2x40x128xf32, #tpu.memory_space<vmem>> -> memref<1x40x128xf32, #tpu.memory_space<vmem>>
      %dma_start3A_199 = tpu.memref_squeeze %dma_start3A_198 : memref<1x40x128xf32, #tpu.memory_space<vmem>> -> memref<40x128xf32, #tpu.memory_space<vmem>>
      tpu.enqueue_dma source(%dma_start3A_199 : memref<40x128xf32, #tpu.memory_space<vmem>>) target(%dma_start3A_195 : memref<40x128xf32, #tpu.memory_space<vmem_shared>>) target_semaphore(%run_scoped3A_187 : memref<!tpu.dma_semaphore, #tpu.memory_space<semaphore_mem>>)
      %dma_wait3A_200 = arith.constant 0 : i32
      %dma_wait3A_201 = arith.constant 0 : i32
      %dma_wait3A_202 = tpu.memref_slice %arg15[%run_scoped3A_48, %dma_wait3A_200, %dma_wait3A_201] : memref<2x40x128xf32, #tpu.memory_space<vmem>> -> memref<1x40x128xf32, #tpu.memory_space<vmem>>
      %dma_wait3A_203 = tpu.memref_squeeze %dma_wait3A_202 : memref<1x40x128xf32, #tpu.memory_space<vmem>> -> memref<40x128xf32, #tpu.memory_space<vmem>>
      %dma_wait3A_204 = arith.constant 0 : i32
      %dma_wait3A_205 = tpu.memref_slice %arg10[%add3A_47, %dma_wait3A_204] : memref<10240x128xf32, #tpu.memory_space<vmem_shared>> -> memref<40x128xf32, #tpu.memory_space<vmem_shared>>
      %dma_wait3A_206 = arith.constant 0 : i32
      %dma_wait3A_207 = tpu.memref_slice %arg10[%add3A_47, %dma_wait3A_206] : memref<10240x128xf32, #tpu.memory_space<vmem_shared>> -> memref<40x128xf32, #tpu.memory_space<vmem_shared>>
      %dma_wait3A_208 = arith.constant 0 : i32
      %dma_wait3A_209 = arith.constant 0 : i32
      %dma_wait3A_210 = tpu.memref_slice %arg15[%run_scoped3A_48, %dma_wait3A_208, %dma_wait3A_209] : memref<2x40x128xf32, #tpu.memory_space<vmem>> -> memref<1x40x128xf32, #tpu.memory_space<vmem>>
      %dma_wait3A_211 = tpu.memref_squeeze %dma_wait3A_210 : memref<1x40x128xf32, #tpu.memory_space<vmem>> -> memref<40x128xf32, #tpu.memory_space<vmem>>
      tpu.wait_dma2 semaphore(%run_scoped3A_187 : memref<!tpu.dma_semaphore, #tpu.memory_space<semaphore_mem>>) src(%dma_wait3A_211 : memref<40x128xf32, #tpu.memory_space<vmem>>) dst(%dma_wait3A_207 : memref<40x128xf32, #tpu.memory_space<vmem_shared>>)
      tpu.yield
    }) : () -> ()
    %add3A_49 = arith.constant 440 : i32
    %add3A_50 = arith.addi %mul3A_16, %add3A_49 : i32
    %run_scoped3A_51 = arith.constant 0 : i32
    "tpu.region"() ({
      %run_scoped3A_187 = tpu.sem_alloc : memref<!tpu.dma_semaphore, #tpu.memory_space<semaphore_mem>>
      %dma_start3A_188 = arith.constant 0 : i32
      %dma_start3A_189 = arith.constant 0 : i32
      %dma_start3A_190 = tpu.memref_slice %arg15[%run_scoped3A_51, %dma_start3A_188, %dma_start3A_189] : memref<2x40x128xf32, #tpu.memory_space<vmem>> -> memref<1x40x128xf32, #tpu.memory_space<vmem>>
      %dma_start3A_191 = tpu.memref_squeeze %dma_start3A_190 : memref<1x40x128xf32, #tpu.memory_space<vmem>> -> memref<40x128xf32, #tpu.memory_space<vmem>>
      %dma_start3A_192 = arith.constant 0 : i32
      %dma_start3A_193 = tpu.memref_slice %arg10[%add3A_50, %dma_start3A_192] : memref<10240x128xf32, #tpu.memory_space<vmem_shared>> -> memref<40x128xf32, #tpu.memory_space<vmem_shared>>
      %dma_start3A_194 = arith.constant 0 : i32
      %dma_start3A_195 = tpu.memref_slice %arg10[%add3A_50, %dma_start3A_194] : memref<10240x128xf32, #tpu.memory_space<vmem_shared>> -> memref<40x128xf32, #tpu.memory_space<vmem_shared>>
      %dma_start3A_196 = arith.constant 0 : i32
      %dma_start3A_197 = arith.constant 0 : i32
      %dma_start3A_198 = tpu.memref_slice %arg15[%run_scoped3A_51, %dma_start3A_196, %dma_start3A_197] : memref<2x40x128xf32, #tpu.memory_space<vmem>> -> memref<1x40x128xf32, #tpu.memory_space<vmem>>
      %dma_start3A_199 = tpu.memref_squeeze %dma_start3A_198 : memref<1x40x128xf32, #tpu.memory_space<vmem>> -> memref<40x128xf32, #tpu.memory_space<vmem>>
      tpu.enqueue_dma source(%dma_start3A_199 : memref<40x128xf32, #tpu.memory_space<vmem>>) target(%dma_start3A_195 : memref<40x128xf32, #tpu.memory_space<vmem_shared>>) target_semaphore(%run_scoped3A_187 : memref<!tpu.dma_semaphore, #tpu.memory_space<semaphore_mem>>)
      %dma_wait3A_200 = arith.constant 0 : i32
      %dma_wait3A_201 = arith.constant 0 : i32
      %dma_wait3A_202 = tpu.memref_slice %arg15[%run_scoped3A_51, %dma_wait3A_200, %dma_wait3A_201] : memref<2x40x128xf32, #tpu.memory_space<vmem>> -> memref<1x40x128xf32, #tpu.memory_space<vmem>>
      %dma_wait3A_203 = tpu.memref_squeeze %dma_wait3A_202 : memref<1x40x128xf32, #tpu.memory_space<vmem>> -> memref<40x128xf32, #tpu.memory_space<vmem>>
      %dma_wait3A_204 = arith.constant 0 : i32
      %dma_wait3A_205 = tpu.memref_slice %arg10[%add3A_50, %dma_wait3A_204] : memref<10240x128xf32, #tpu.memory_space<vmem_shared>> -> memref<40x128xf32, #tpu.memory_space<vmem_shared>>
      %dma_wait3A_206 = arith.constant 0 : i32
      %dma_wait3A_207 = tpu.memref_slice %arg10[%add3A_50, %dma_wait3A_206] : memref<10240x128xf32, #tpu.memory_space<vmem_shared>> -> memref<40x128xf32, #tpu.memory_space<vmem_shared>>
      %dma_wait3A_208 = arith.constant 0 : i32
      %dma_wait3A_209 = arith.constant 0 : i32
      %dma_wait3A_210 = tpu.memref_slice %arg15[%run_scoped3A_51, %dma_wait3A_208, %dma_wait3A_209] : memref<2x40x128xf32, #tpu.memory_space<vmem>> -> memref<1x40x128xf32, #tpu.memory_space<vmem>>
      %dma_wait3A_211 = tpu.memref_squeeze %dma_wait3A_210 : memref<1x40x128xf32, #tpu.memory_space<vmem>> -> memref<40x128xf32, #tpu.memory_space<vmem>>
      tpu.wait_dma2 semaphore(%run_scoped3A_187 : memref<!tpu.dma_semaphore, #tpu.memory_space<semaphore_mem>>) src(%dma_wait3A_211 : memref<40x128xf32, #tpu.memory_space<vmem>>) dst(%dma_wait3A_207 : memref<40x128xf32, #tpu.memory_space<vmem_shared>>)
      tpu.yield
    }) : () -> ()
    %add3A_52 = arith.constant 480 : i32
    %add3A_53 = arith.addi %mul3A_16, %add3A_52 : i32
    %run_scoped3A_54 = arith.constant 0 : i32
    "tpu.region"() ({
      %run_scoped3A_187 = tpu.sem_alloc : memref<!tpu.dma_semaphore, #tpu.memory_space<semaphore_mem>>
      %dma_start3A_188 = arith.constant 0 : i32
      %dma_start3A_189 = arith.constant 0 : i32
      %dma_start3A_190 = tpu.memref_slice %arg15[%run_scoped3A_54, %dma_start3A_188, %dma_start3A_189] : memref<2x40x128xf32, #tpu.memory_space<vmem>> -> memref<1x40x128xf32, #tpu.memory_space<vmem>>
      %dma_start3A_191 = tpu.memref_squeeze %dma_start3A_190 : memref<1x40x128xf32, #tpu.memory_space<vmem>> -> memref<40x128xf32, #tpu.memory_space<vmem>>
      %dma_start3A_192 = arith.constant 0 : i32
      %dma_start3A_193 = tpu.memref_slice %arg10[%add3A_53, %dma_start3A_192] : memref<10240x128xf32, #tpu.memory_space<vmem_shared>> -> memref<40x128xf32, #tpu.memory_space<vmem_shared>>
      %dma_start3A_194 = arith.constant 0 : i32
      %dma_start3A_195 = tpu.memref_slice %arg10[%add3A_53, %dma_start3A_194] : memref<10240x128xf32, #tpu.memory_space<vmem_shared>> -> memref<40x128xf32, #tpu.memory_space<vmem_shared>>
      %dma_start3A_196 = arith.constant 0 : i32
      %dma_start3A_197 = arith.constant 0 : i32
      %dma_start3A_198 = tpu.memref_slice %arg15[%run_scoped3A_54, %dma_start3A_196, %dma_start3A_197] : memref<2x40x128xf32, #tpu.memory_space<vmem>> -> memref<1x40x128xf32, #tpu.memory_space<vmem>>
      %dma_start3A_199 = tpu.memref_squeeze %dma_start3A_198 : memref<1x40x128xf32, #tpu.memory_space<vmem>> -> memref<40x128xf32, #tpu.memory_space<vmem>>
      tpu.enqueue_dma source(%dma_start3A_199 : memref<40x128xf32, #tpu.memory_space<vmem>>) target(%dma_start3A_195 : memref<40x128xf32, #tpu.memory_space<vmem_shared>>) target_semaphore(%run_scoped3A_187 : memref<!tpu.dma_semaphore, #tpu.memory_space<semaphore_mem>>)
      %dma_wait3A_200 = arith.constant 0 : i32
      %dma_wait3A_201 = arith.constant 0 : i32
      %dma_wait3A_202 = tpu.memref_slice %arg15[%run_scoped3A_54, %dma_wait3A_200, %dma_wait3A_201] : memref<2x40x128xf32, #tpu.memory_space<vmem>> -> memref<1x40x128xf32, #tpu.memory_space<vmem>>
      %dma_wait3A_203 = tpu.memref_squeeze %dma_wait3A_202 : memref<1x40x128xf32, #tpu.memory_space<vmem>> -> memref<40x128xf32, #tpu.memory_space<vmem>>
      %dma_wait3A_204 = arith.constant 0 : i32
      %dma_wait3A_205 = tpu.memref_slice %arg10[%add3A_53, %dma_wait3A_204] : memref<10240x128xf32, #tpu.memory_space<vmem_shared>> -> memref<40x128xf32, #tpu.memory_space<vmem_shared>>
      %dma_wait3A_206 = arith.constant 0 : i32
      %dma_wait3A_207 = tpu.memref_slice %arg10[%add3A_53, %dma_wait3A_206] : memref<10240x128xf32, #tpu.memory_space<vmem_shared>> -> memref<40x128xf32, #tpu.memory_space<vmem_shared>>
      %dma_wait3A_208 = arith.constant 0 : i32
      %dma_wait3A_209 = arith.constant 0 : i32
      %dma_wait3A_210 = tpu.memref_slice %arg15[%run_scoped3A_54, %dma_wait3A_208, %dma_wait3A_209] : memref<2x40x128xf32, #tpu.memory_space<vmem>> -> memref<1x40x128xf32, #tpu.memory_space<vmem>>
      %dma_wait3A_211 = tpu.memref_squeeze %dma_wait3A_210 : memref<1x40x128xf32, #tpu.memory_space<vmem>> -> memref<40x128xf32, #tpu.memory_space<vmem>>
      tpu.wait_dma2 semaphore(%run_scoped3A_187 : memref<!tpu.dma_semaphore, #tpu.memory_space<semaphore_mem>>) src(%dma_wait3A_211 : memref<40x128xf32, #tpu.memory_space<vmem>>) dst(%dma_wait3A_207 : memref<40x128xf32, #tpu.memory_space<vmem_shared>>)
      tpu.yield
    }) : () -> ()
    %add3A_55 = arith.constant 520 : i32
    %add3A_56 = arith.addi %mul3A_16, %add3A_55 : i32
    %run_scoped3A_57 = arith.constant 0 : i32
    "tpu.region"() ({
      %run_scoped3A_187 = tpu.sem_alloc : memref<!tpu.dma_semaphore, #tpu.memory_space<semaphore_mem>>
      %dma_start3A_188 = arith.constant 0 : i32
      %dma_start3A_189 = arith.constant 0 : i32
      %dma_start3A_190 = tpu.memref_slice %arg15[%run_scoped3A_57, %dma_start3A_188, %dma_start3A_189] : memref<2x40x128xf32, #tpu.memory_space<vmem>> -> memref<1x40x128xf32, #tpu.memory_space<vmem>>
      %dma_start3A_191 = tpu.memref_squeeze %dma_start3A_190 : memref<1x40x128xf32, #tpu.memory_space<vmem>> -> memref<40x128xf32, #tpu.memory_space<vmem>>
      %dma_start3A_192 = arith.constant 0 : i32
      %dma_start3A_193 = tpu.memref_slice %arg10[%add3A_56, %dma_start3A_192] : memref<10240x128xf32, #tpu.memory_space<vmem_shared>> -> memref<40x128xf32, #tpu.memory_space<vmem_shared>>
      %dma_start3A_194 = arith.constant 0 : i32
      %dma_start3A_195 = tpu.memref_slice %arg10[%add3A_56, %dma_start3A_194] : memref<10240x128xf32, #tpu.memory_space<vmem_shared>> -> memref<40x128xf32, #tpu.memory_space<vmem_shared>>
      %dma_start3A_196 = arith.constant 0 : i32
      %dma_start3A_197 = arith.constant 0 : i32
      %dma_start3A_198 = tpu.memref_slice %arg15[%run_scoped3A_57, %dma_start3A_196, %dma_start3A_197] : memref<2x40x128xf32, #tpu.memory_space<vmem>> -> memref<1x40x128xf32, #tpu.memory_space<vmem>>
      %dma_start3A_199 = tpu.memref_squeeze %dma_start3A_198 : memref<1x40x128xf32, #tpu.memory_space<vmem>> -> memref<40x128xf32, #tpu.memory_space<vmem>>
      tpu.enqueue_dma source(%dma_start3A_199 : memref<40x128xf32, #tpu.memory_space<vmem>>) target(%dma_start3A_195 : memref<40x128xf32, #tpu.memory_space<vmem_shared>>) target_semaphore(%run_scoped3A_187 : memref<!tpu.dma_semaphore, #tpu.memory_space<semaphore_mem>>)
      %dma_wait3A_200 = arith.constant 0 : i32
      %dma_wait3A_201 = arith.constant 0 : i32
      %dma_wait3A_202 = tpu.memref_slice %arg15[%run_scoped3A_57, %dma_wait3A_200, %dma_wait3A_201] : memref<2x40x128xf32, #tpu.memory_space<vmem>> -> memref<1x40x128xf32, #tpu.memory_space<vmem>>
      %dma_wait3A_203 = tpu.memref_squeeze %dma_wait3A_202 : memref<1x40x128xf32, #tpu.memory_space<vmem>> -> memref<40x128xf32, #tpu.memory_space<vmem>>
      %dma_wait3A_204 = arith.constant 0 : i32
      %dma_wait3A_205 = tpu.memref_slice %arg10[%add3A_56, %dma_wait3A_204] : memref<10240x128xf32, #tpu.memory_space<vmem_shared>> -> memref<40x128xf32, #tpu.memory_space<vmem_shared>>
      %dma_wait3A_206 = arith.constant 0 : i32
      %dma_wait3A_207 = tpu.memref_slice %arg10[%add3A_56, %dma_wait3A_206] : memref<10240x128xf32, #tpu.memory_space<vmem_shared>> -> memref<40x128xf32, #tpu.memory_space<vmem_shared>>
      %dma_wait3A_208 = arith.constant 0 : i32
      %dma_wait3A_209 = arith.constant 0 : i32
      %dma_wait3A_210 = tpu.memref_slice %arg15[%run_scoped3A_57, %dma_wait3A_208, %dma_wait3A_209] : memref<2x40x128xf32, #tpu.memory_space<vmem>> -> memref<1x40x128xf32, #tpu.memory_space<vmem>>
      %dma_wait3A_211 = tpu.memref_squeeze %dma_wait3A_210 : memref<1x40x128xf32, #tpu.memory_space<vmem>> -> memref<40x128xf32, #tpu.memory_space<vmem>>
      tpu.wait_dma2 semaphore(%run_scoped3A_187 : memref<!tpu.dma_semaphore, #tpu.memory_space<semaphore_mem>>) src(%dma_wait3A_211 : memref<40x128xf32, #tpu.memory_space<vmem>>) dst(%dma_wait3A_207 : memref<40x128xf32, #tpu.memory_space<vmem_shared>>)
      tpu.yield
    }) : () -> ()
    %add3A_58 = arith.constant 560 : i32
    %add3A_59 = arith.addi %mul3A_16, %add3A_58 : i32
    %run_scoped3A_60 = arith.constant 0 : i32
    "tpu.region"() ({
      %run_scoped3A_187 = tpu.sem_alloc : memref<!tpu.dma_semaphore, #tpu.memory_space<semaphore_mem>>
      %dma_start3A_188 = arith.constant 0 : i32
      %dma_start3A_189 = arith.constant 0 : i32
      %dma_start3A_190 = tpu.memref_slice %arg15[%run_scoped3A_60, %dma_start3A_188, %dma_start3A_189] : memref<2x40x128xf32, #tpu.memory_space<vmem>> -> memref<1x40x128xf32, #tpu.memory_space<vmem>>
      %dma_start3A_191 = tpu.memref_squeeze %dma_start3A_190 : memref<1x40x128xf32, #tpu.memory_space<vmem>> -> memref<40x128xf32, #tpu.memory_space<vmem>>
      %dma_start3A_192 = arith.constant 0 : i32
      %dma_start3A_193 = tpu.memref_slice %arg10[%add3A_59, %dma_start3A_192] : memref<10240x128xf32, #tpu.memory_space<vmem_shared>> -> memref<40x128xf32, #tpu.memory_space<vmem_shared>>
      %dma_start3A_194 = arith.constant 0 : i32
      %dma_start3A_195 = tpu.memref_slice %arg10[%add3A_59, %dma_start3A_194] : memref<10240x128xf32, #tpu.memory_space<vmem_shared>> -> memref<40x128xf32, #tpu.memory_space<vmem_shared>>
      %dma_start3A_196 = arith.constant 0 : i32
      %dma_start3A_197 = arith.constant 0 : i32
      %dma_start3A_198 = tpu.memref_slice %arg15[%run_scoped3A_60, %dma_start3A_196, %dma_start3A_197] : memref<2x40x128xf32, #tpu.memory_space<vmem>> -> memref<1x40x128xf32, #tpu.memory_space<vmem>>
      %dma_start3A_199 = tpu.memref_squeeze %dma_start3A_198 : memref<1x40x128xf32, #tpu.memory_space<vmem>> -> memref<40x128xf32, #tpu.memory_space<vmem>>
      tpu.enqueue_dma source(%dma_start3A_199 : memref<40x128xf32, #tpu.memory_space<vmem>>) target(%dma_start3A_195 : memref<40x128xf32, #tpu.memory_space<vmem_shared>>) target_semaphore(%run_scoped3A_187 : memref<!tpu.dma_semaphore, #tpu.memory_space<semaphore_mem>>)
      %dma_wait3A_200 = arith.constant 0 : i32
      %dma_wait3A_201 = arith.constant 0 : i32
      %dma_wait3A_202 = tpu.memref_slice %arg15[%run_scoped3A_60, %dma_wait3A_200, %dma_wait3A_201] : memref<2x40x128xf32, #tpu.memory_space<vmem>> -> memref<1x40x128xf32, #tpu.memory_space<vmem>>
      %dma_wait3A_203 = tpu.memref_squeeze %dma_wait3A_202 : memref<1x40x128xf32, #tpu.memory_space<vmem>> -> memref<40x128xf32, #tpu.memory_space<vmem>>
      %dma_wait3A_204 = arith.constant 0 : i32
      %dma_wait3A_205 = tpu.memref_slice %arg10[%add3A_59, %dma_wait3A_204] : memref<10240x128xf32, #tpu.memory_space<vmem_shared>> -> memref<40x128xf32, #tpu.memory_space<vmem_shared>>
      %dma_wait3A_206 = arith.constant 0 : i32
      %dma_wait3A_207 = tpu.memref_slice %arg10[%add3A_59, %dma_wait3A_206] : memref<10240x128xf32, #tpu.memory_space<vmem_shared>> -> memref<40x128xf32, #tpu.memory_space<vmem_shared>>
      %dma_wait3A_208 = arith.constant 0 : i32
      %dma_wait3A_209 = arith.constant 0 : i32
      %dma_wait3A_210 = tpu.memref_slice %arg15[%run_scoped3A_60, %dma_wait3A_208, %dma_wait3A_209] : memref<2x40x128xf32, #tpu.memory_space<vmem>> -> memref<1x40x128xf32, #tpu.memory_space<vmem>>
      %dma_wait3A_211 = tpu.memref_squeeze %dma_wait3A_210 : memref<1x40x128xf32, #tpu.memory_space<vmem>> -> memref<40x128xf32, #tpu.memory_space<vmem>>
      tpu.wait_dma2 semaphore(%run_scoped3A_187 : memref<!tpu.dma_semaphore, #tpu.memory_space<semaphore_mem>>) src(%dma_wait3A_211 : memref<40x128xf32, #tpu.memory_space<vmem>>) dst(%dma_wait3A_207 : memref<40x128xf32, #tpu.memory_space<vmem_shared>>)
      tpu.yield
    }) : () -> ()
    %add3A_61 = arith.constant 600 : i32
    %add3A_62 = arith.addi %mul3A_16, %add3A_61 : i32
    %run_scoped3A_63 = arith.constant 0 : i32
    "tpu.region"() ({
      %run_scoped3A_187 = tpu.sem_alloc : memref<!tpu.dma_semaphore, #tpu.memory_space<semaphore_mem>>
      %dma_start3A_188 = arith.constant 0 : i32
      %dma_start3A_189 = arith.constant 0 : i32
      %dma_start3A_190 = tpu.memref_slice %arg15[%run_scoped3A_63, %dma_start3A_188, %dma_start3A_189] : memref<2x40x128xf32, #tpu.memory_space<vmem>> -> memref<1x40x128xf32, #tpu.memory_space<vmem>>
      %dma_start3A_191 = tpu.memref_squeeze %dma_start3A_190 : memref<1x40x128xf32, #tpu.memory_space<vmem>> -> memref<40x128xf32, #tpu.memory_space<vmem>>
      %dma_start3A_192 = arith.constant 0 : i32
      %dma_start3A_193 = tpu.memref_slice %arg10[%add3A_62, %dma_start3A_192] : memref<10240x128xf32, #tpu.memory_space<vmem_shared>> -> memref<40x128xf32, #tpu.memory_space<vmem_shared>>
      %dma_start3A_194 = arith.constant 0 : i32
      %dma_start3A_195 = tpu.memref_slice %arg10[%add3A_62, %dma_start3A_194] : memref<10240x128xf32, #tpu.memory_space<vmem_shared>> -> memref<40x128xf32, #tpu.memory_space<vmem_shared>>
      %dma_start3A_196 = arith.constant 0 : i32
      %dma_start3A_197 = arith.constant 0 : i32
      %dma_start3A_198 = tpu.memref_slice %arg15[%run_scoped3A_63, %dma_start3A_196, %dma_start3A_197] : memref<2x40x128xf32, #tpu.memory_space<vmem>> -> memref<1x40x128xf32, #tpu.memory_space<vmem>>
      %dma_start3A_199 = tpu.memref_squeeze %dma_start3A_198 : memref<1x40x128xf32, #tpu.memory_space<vmem>> -> memref<40x128xf32, #tpu.memory_space<vmem>>
      tpu.enqueue_dma source(%dma_start3A_199 : memref<40x128xf32, #tpu.memory_space<vmem>>) target(%dma_start3A_195 : memref<40x128xf32, #tpu.memory_space<vmem_shared>>) target_semaphore(%run_scoped3A_187 : memref<!tpu.dma_semaphore, #tpu.memory_space<semaphore_mem>>)
      %dma_wait3A_200 = arith.constant 0 : i32
      %dma_wait3A_201 = arith.constant 0 : i32
      %dma_wait3A_202 = tpu.memref_slice %arg15[%run_scoped3A_63, %dma_wait3A_200, %dma_wait3A_201] : memref<2x40x128xf32, #tpu.memory_space<vmem>> -> memref<1x40x128xf32, #tpu.memory_space<vmem>>
      %dma_wait3A_203 = tpu.memref_squeeze %dma_wait3A_202 : memref<1x40x128xf32, #tpu.memory_space<vmem>> -> memref<40x128xf32, #tpu.memory_space<vmem>>
      %dma_wait3A_204 = arith.constant 0 : i32
      %dma_wait3A_205 = tpu.memref_slice %arg10[%add3A_62, %dma_wait3A_204] : memref<10240x128xf32, #tpu.memory_space<vmem_shared>> -> memref<40x128xf32, #tpu.memory_space<vmem_shared>>
      %dma_wait3A_206 = arith.constant 0 : i32
      %dma_wait3A_207 = tpu.memref_slice %arg10[%add3A_62, %dma_wait3A_206] : memref<10240x128xf32, #tpu.memory_space<vmem_shared>> -> memref<40x128xf32, #tpu.memory_space<vmem_shared>>
      %dma_wait3A_208 = arith.constant 0 : i32
      %dma_wait3A_209 = arith.constant 0 : i32
      %dma_wait3A_210 = tpu.memref_slice %arg15[%run_scoped3A_63, %dma_wait3A_208, %dma_wait3A_209] : memref<2x40x128xf32, #tpu.memory_space<vmem>> -> memref<1x40x128xf32, #tpu.memory_space<vmem>>
      %dma_wait3A_211 = tpu.memref_squeeze %dma_wait3A_210 : memref<1x40x128xf32, #tpu.memory_space<vmem>> -> memref<40x128xf32, #tpu.memory_space<vmem>>
      tpu.wait_dma2 semaphore(%run_scoped3A_187 : memref<!tpu.dma_semaphore, #tpu.memory_space<semaphore_mem>>) src(%dma_wait3A_211 : memref<40x128xf32, #tpu.memory_space<vmem>>) dst(%dma_wait3A_207 : memref<40x128xf32, #tpu.memory_space<vmem_shared>>)
      tpu.yield
    }) : () -> ()
    "tpu.region"() ({
      %run_scoped3A_187 = tpu.sem_alloc : memref<!tpu.dma_semaphore, #tpu.memory_space<semaphore_mem>>
      %dma_start3A_188 = tpu.memref_slice %arg11[%mul3A_16] : memref<10240xf32, #tpu.memory_space<vmem_shared>> -> memref<640xf32, #tpu.memory_space<vmem_shared>>
      %dma_start3A_189 = tpu.memref_slice %arg11[%mul3A_16] : memref<10240xf32, #tpu.memory_space<vmem_shared>> -> memref<640xf32, #tpu.memory_space<vmem_shared>>
      tpu.enqueue_dma source(%arg21 : memref<640xf32, #tpu.memory_space<vmem>>) target(%dma_start3A_189 : memref<640xf32, #tpu.memory_space<vmem_shared>>) target_semaphore(%run_scoped3A_187 : memref<!tpu.dma_semaphore, #tpu.memory_space<semaphore_mem>>)
      %dma_wait3A_190 = tpu.memref_slice %arg11[%mul3A_16] : memref<10240xf32, #tpu.memory_space<vmem_shared>> -> memref<640xf32, #tpu.memory_space<vmem_shared>>
      %dma_wait3A_191 = tpu.memref_slice %arg11[%mul3A_16] : memref<10240xf32, #tpu.memory_space<vmem_shared>> -> memref<640xf32, #tpu.memory_space<vmem_shared>>
      tpu.wait_dma2 semaphore(%run_scoped3A_187 : memref<!tpu.dma_semaphore, #tpu.memory_space<semaphore_mem>>) src(%arg21 : memref<640xf32, #tpu.memory_space<vmem>>) dst(%dma_wait3A_191 : memref<640xf32, #tpu.memory_space<vmem_shared>>)
      tpu.yield
    }) : () -> ()
    %barrier3A = arith.constant 0 : index
    tpu.barrier barrier_id(%barrier3A)
    "tpu.region"() ({
      %run_scoped3A_187 = tpu.sem_alloc : memref<!tpu.dma_semaphore, #tpu.memory_space<semaphore_mem>>
      tpu.enqueue_dma source(%arg7 : memref<128xf32, #tpu.memory_space<hbm>>) target(%arg20 : memref<128xf32, #tpu.memory_space<vmem>>) target_semaphore(%run_scoped3A_187 : memref<!tpu.dma_semaphore, #tpu.memory_space<semaphore_mem>>)
      tpu.wait_dma2 semaphore(%run_scoped3A_187 : memref<!tpu.dma_semaphore, #tpu.memory_space<semaphore_mem>>) src(%arg7 : memref<128xf32, #tpu.memory_space<hbm>>) dst(%arg20 : memref<128xf32, #tpu.memory_space<vmem>>)
      tpu.yield
    }) : () -> ()
    %get3A = arith.constant 0 : index
    %get3A_64 = tpu.vector_load %arg20[%get3A] {strides = array<i32>} : memref<128xf32, #tpu.memory_space<vmem>>, vector<16xf32>,
    %get3A_65 = arith.constant 16 : index
    %get3A_66 = tpu.vector_load %arg20[%get3A_65] {strides = array<i32>} : memref<128xf32, #tpu.memory_space<vmem>>, vector<16xf32>,
    %get3A_67 = arith.constant 32 : index
    %get3A_68 = tpu.vector_load %arg20[%get3A_67] {strides = array<i32>} : memref<128xf32, #tpu.memory_space<vmem>>, vector<16xf32>,
    %get3A_69 = arith.constant 48 : index
    %get3A_70 = tpu.vector_load %arg20[%get3A_69] {strides = array<i32>} : memref<128xf32, #tpu.memory_space<vmem>>, vector<16xf32>,
    %get3A_71 = arith.constant 64 : index
    %get3A_72 = tpu.vector_load %arg20[%get3A_71] {strides = array<i32>} : memref<128xf32, #tpu.memory_space<vmem>>, vector<16xf32>,
    %get3A_73 = arith.constant 80 : index
    %get3A_74 = tpu.vector_load %arg20[%get3A_73] {strides = array<i32>} : memref<128xf32, #tpu.memory_space<vmem>>, vector<16xf32>,
    %get3A_75 = arith.constant 96 : index
    %get3A_76 = tpu.vector_load %arg20[%get3A_75] {strides = array<i32>} : memref<128xf32, #tpu.memory_space<vmem>>, vector<16xf32>,
    %get3A_77 = arith.constant 112 : index
    %get3A_78 = tpu.vector_load %arg20[%get3A_77] {strides = array<i32>} : memref<128xf32, #tpu.memory_space<vmem>>, vector<16xf32>,
    %mul3A_79 = arith.constant 10000 : i32
    %mul3A_80 = arith.muli %add3A, %mul3A_79 : i32
    %run_scoped3A_81 = arith.constant 0 : i32
    "tpu.region"() ({
      %run_scoped3A_187 = tpu.sem_alloc : memref<!tpu.dma_semaphore, #tpu.memory_space<semaphore_mem>>
      %dma_start3A_188 = arith.constant 0 : i32
      %dma_start3A_189 = tpu.memref_slice %arg12[%run_scoped3A_81, %dma_start3A_188] : memref<2x48xi32, #tpu.memory_space<vmem>> -> memref<1x40xi32, #tpu.memory_space<vmem>>
      %dma_start3A_190 = tpu.memref_squeeze %dma_start3A_189 : memref<1x40xi32, #tpu.memory_space<vmem>> -> memref<40xi32, #tpu.memory_space<vmem>>
      %dma_start3A_191 = tpu.memref_slice %arg5[%mul3A_80] : memref<320000xi32, #tpu.memory_space<hbm>> -> memref<40xi32, #tpu.memory_space<hbm>>
      %dma_start3A_192 = arith.constant 0 : i32
      %dma_start3A_193 = tpu.memref_slice %arg12[%run_scoped3A_81, %dma_start3A_192] : memref<2x48xi32, #tpu.memory_space<vmem>> -> memref<1x40xi32, #tpu.memory_space<vmem>>
      %dma_start3A_194 = tpu.memref_squeeze %dma_start3A_193 : memref<1x40xi32, #tpu.memory_space<vmem>> -> memref<40xi32, #tpu.memory_space<vmem>>
      %dma_start3A_195 = tpu.memref_slice %arg5[%mul3A_80] : memref<320000xi32, #tpu.memory_space<hbm>> -> memref<40xi32, #tpu.memory_space<hbm>>
      tpu.enqueue_dma source(%dma_start3A_195 : memref<40xi32, #tpu.memory_space<hbm>>) target(%dma_start3A_194 : memref<40xi32, #tpu.memory_space<vmem>>) target_semaphore(%run_scoped3A_187 : memref<!tpu.dma_semaphore, #tpu.memory_space<semaphore_mem>>)
      %dma_wait3A_196 = arith.constant 0 : i32
      %dma_wait3A_197 = tpu.memref_slice %arg12[%run_scoped3A_81, %dma_wait3A_196] : memref<2x48xi32, #tpu.memory_space<vmem>> -> memref<1x40xi32, #tpu.memory_space<vmem>>
      %dma_wait3A_198 = tpu.memref_squeeze %dma_wait3A_197 : memref<1x40xi32, #tpu.memory_space<vmem>> -> memref<40xi32, #tpu.memory_space<vmem>>
      %dma_wait3A_199 = tpu.memref_slice %arg5[%mul3A_80] : memref<320000xi32, #tpu.memory_space<hbm>> -> memref<40xi32, #tpu.memory_space<hbm>>
      %dma_wait3A_200 = arith.constant 0 : i32
      %dma_wait3A_201 = tpu.memref_slice %arg12[%run_scoped3A_81, %dma_wait3A_200] : memref<2x48xi32, #tpu.memory_space<vmem>> -> memref<1x40xi32, #tpu.memory_space<vmem>>
      %dma_wait3A_202 = tpu.memref_squeeze %dma_wait3A_201 : memref<1x40xi32, #tpu.memory_space<vmem>> -> memref<40xi32, #tpu.memory_space<vmem>>
      %dma_wait3A_203 = tpu.memref_slice %arg5[%mul3A_80] : memref<320000xi32, #tpu.memory_space<hbm>> -> memref<40xi32, #tpu.memory_space<hbm>>
      tpu.wait_dma2 semaphore(%run_scoped3A_187 : memref<!tpu.dma_semaphore, #tpu.memory_space<semaphore_mem>>) src(%dma_wait3A_203 : memref<40xi32, #tpu.memory_space<hbm>>) dst(%dma_wait3A_202 : memref<40xi32, #tpu.memory_space<vmem>>)
      tpu.yield
    }) : () -> ()
    %mul3A_82 = arith.constant 10000 : i32
    %mul3A_83 = arith.muli %add3A, %mul3A_82 : i32
    %run_scoped3A_84 = arith.constant 0 : i32
    "tpu.region"() ({
      %run_scoped3A_187 = tpu.sem_alloc : memref<!tpu.dma_semaphore, #tpu.memory_space<semaphore_mem>>
      %dma_start3A_188 = arith.constant 0 : i32
      %dma_start3A_189 = tpu.memref_slice %arg13[%run_scoped3A_84, %dma_start3A_188] : memref<2x48xi32, #tpu.memory_space<vmem>> -> memref<1x40xi32, #tpu.memory_space<vmem>>
      %dma_start3A_190 = tpu.memref_squeeze %dma_start3A_189 : memref<1x40xi32, #tpu.memory_space<vmem>> -> memref<40xi32, #tpu.memory_space<vmem>>
      %dma_start3A_191 = tpu.memref_slice %arg6[%mul3A_83] : memref<320000xi32, #tpu.memory_space<hbm>> -> memref<40xi32, #tpu.memory_space<hbm>>
      %dma_start3A_192 = arith.constant 0 : i32
      %dma_start3A_193 = tpu.memref_slice %arg13[%run_scoped3A_84, %dma_start3A_192] : memref<2x48xi32, #tpu.memory_space<vmem>> -> memref<1x40xi32, #tpu.memory_space<vmem>>
      %dma_start3A_194 = tpu.memref_squeeze %dma_start3A_193 : memref<1x40xi32, #tpu.memory_space<vmem>> -> memref<40xi32, #tpu.memory_space<vmem>>
      %dma_start3A_195 = tpu.memref_slice %arg6[%mul3A_83] : memref<320000xi32, #tpu.memory_space<hbm>> -> memref<40xi32, #tpu.memory_space<hbm>>
      tpu.enqueue_dma source(%dma_start3A_195 : memref<40xi32, #tpu.memory_space<hbm>>) target(%dma_start3A_194 : memref<40xi32, #tpu.memory_space<vmem>>) target_semaphore(%run_scoped3A_187 : memref<!tpu.dma_semaphore, #tpu.memory_space<semaphore_mem>>)
      %dma_wait3A_196 = arith.constant 0 : i32
      %dma_wait3A_197 = tpu.memref_slice %arg13[%run_scoped3A_84, %dma_wait3A_196] : memref<2x48xi32, #tpu.memory_space<vmem>> -> memref<1x40xi32, #tpu.memory_space<vmem>>
      %dma_wait3A_198 = tpu.memref_squeeze %dma_wait3A_197 : memref<1x40xi32, #tpu.memory_space<vmem>> -> memref<40xi32, #tpu.memory_space<vmem>>
      %dma_wait3A_199 = tpu.memref_slice %arg6[%mul3A_83] : memref<320000xi32, #tpu.memory_space<hbm>> -> memref<40xi32, #tpu.memory_space<hbm>>
      %dma_wait3A_200 = arith.constant 0 : i32
      %dma_wait3A_201 = tpu.memref_slice %arg13[%run_scoped3A_84, %dma_wait3A_200] : memref<2x48xi32, #tpu.memory_space<vmem>> -> memref<1x40xi32, #tpu.memory_space<vmem>>
      %dma_wait3A_202 = tpu.memref_squeeze %dma_wait3A_201 : memref<1x40xi32, #tpu.memory_space<vmem>> -> memref<40xi32, #tpu.memory_space<vmem>>
      %dma_wait3A_203 = tpu.memref_slice %arg6[%mul3A_83] : memref<320000xi32, #tpu.memory_space<hbm>> -> memref<40xi32, #tpu.memory_space<hbm>>
      tpu.wait_dma2 semaphore(%run_scoped3A_187 : memref<!tpu.dma_semaphore, #tpu.memory_space<semaphore_mem>>) src(%dma_wait3A_203 : memref<40xi32, #tpu.memory_space<hbm>>) dst(%dma_wait3A_202 : memref<40xi32, #tpu.memory_space<vmem>>)
      tpu.yield
    }) : () -> ()
    %dma_start3A = arith.constant 0 : i32
    %dma_start3A_85 = arith.constant 0 : i32
    %dma_start3A_86 = arith.constant 0 : i32
    %dma_start3A_87 = arith.constant 0 : i32
    %dma_start3A_88 = tpu.memref_slice %arg15[%dma_start3A_85, %dma_start3A_86, %dma_start3A_87] : memref<2x40x128xf32, #tpu.memory_space<vmem>> -> memref<1x40x128xf32, #tpu.memory_space<vmem>>
    %dma_start3A_89 = tpu.memref_squeeze %dma_start3A_88 : memref<1x40x128xf32, #tpu.memory_space<vmem>> -> memref<40x128xf32, #tpu.memory_space<vmem>>
    %dma_start3A_90 = arith.constant 0 : i32
    %dma_start3A_91 = tpu.memref_slice %arg12[%dma_start3A, %dma_start3A_90] : memref<2x48xi32, #tpu.memory_space<vmem>> -> memref<1x40xi32, #tpu.memory_space<vmem>>
    %dma_start3A_92 = tpu.memref_squeeze %dma_start3A_91 : memref<1x40xi32, #tpu.memory_space<vmem>> -> memref<40xi32, #tpu.memory_space<vmem>>
    %dma_start3A_93 = arith.constant 0 : i32
    %dma_start3A_94 = arith.constant 0 : i32
    %dma_start3A_95 = tpu.memref_slice %arg2[%dma_start3A_93, %dma_start3A_94] : memref<10000x128xf32, #tpu.memory_space<hbm>> -> memref<10000x128xf32, #tpu.memory_space<hbm>>
    tpu.enqueue_indirect_dma source(%dma_start3A_95 : memref<10000x128xf32, #tpu.memory_space<hbm>>) target(%dma_start3A_89 : memref<40x128xf32, #tpu.memory_space<vmem>>) offsets(%dma_start3A_92 : memref<40xi32, #tpu.memory_space<vmem>>) semaphore(%arg24 : memref<!tpu.dma_semaphore, #tpu.memory_space<semaphore_mem>>)
    %dma_start3A_96 = arith.constant 0 : i32
    %dma_start3A_97 = arith.constant 0 : i32
    %dma_start3A_98 = arith.constant 0 : i32
    %dma_start3A_99 = arith.constant 0 : i32
    %dma_start3A_100 = tpu.memref_slice %arg16[%dma_start3A_97, %dma_start3A_98, %dma_start3A_99] : memref<2x40x128xf32, #tpu.memory_space<vmem>> -> memref<1x40x128xf32, #tpu.memory_space<vmem>>
    %dma_start3A_101 = tpu.memref_squeeze %dma_start3A_100 : memref<1x40x128xf32, #tpu.memory_space<vmem>> -> memref<40x128xf32, #tpu.memory_space<vmem>>
    %dma_start3A_102 = arith.constant 0 : i32
    %dma_start3A_103 = tpu.memref_slice %arg13[%dma_start3A_96, %dma_start3A_102] : memref<2x48xi32, #tpu.memory_space<vmem>> -> memref<1x40xi32, #tpu.memory_space<vmem>>
    %dma_start3A_104 = tpu.memref_squeeze %dma_start3A_103 : memref<1x40xi32, #tpu.memory_space<vmem>> -> memref<40xi32, #tpu.memory_space<vmem>>
    %dma_start3A_105 = arith.constant 0 : i32
    %dma_start3A_106 = arith.constant 0 : i32
    %dma_start3A_107 = tpu.memref_slice %arg3[%dma_start3A_105, %dma_start3A_106] : memref<10000x128xf32, #tpu.memory_space<hbm>> -> memref<10000x128xf32, #tpu.memory_space<hbm>>
    tpu.enqueue_indirect_dma source(%dma_start3A_107 : memref<10000x128xf32, #tpu.memory_space<hbm>>) target(%dma_start3A_101 : memref<40x128xf32, #tpu.memory_space<vmem>>) offsets(%dma_start3A_104 : memref<40xi32, #tpu.memory_space<vmem>>) semaphore(%arg26 : memref<!tpu.dma_semaphore, #tpu.memory_space<semaphore_mem>>)
    %mul3A_108 = arith.constant 10000 : i32
    %mul3A_109 = arith.muli %add3A, %mul3A_108 : i32
    %add3A_110 = arith.constant 0 : i32
    %add3A_111 = arith.addi %mul3A_109, %add3A_110 : i32
    %dma_start3A_112 = arith.constant 0 : i32
    %dma_start3A_113 = arith.constant 0 : i32
    %dma_start3A_114 = arith.constant 0 : i32
    %dma_start3A_115 = tpu.memref_slice %arg17[%dma_start3A_112, %dma_start3A_113, %dma_start3A_114] : memref<2x40x128xf32, #tpu.memory_space<vmem>> -> memref<1x40x128xf32, #tpu.memory_space<vmem>>
    %dma_start3A_116 = tpu.memref_squeeze %dma_start3A_115 : memref<1x40x128xf32, #tpu.memory_space<vmem>> -> memref<40x128xf32, #tpu.memory_space<vmem>>
    %dma_start3A_117 = arith.constant 0 : i32
    %dma_start3A_118 = tpu.memref_slice %arg4[%add3A_111, %dma_start3A_117] : memref<320000x128xf32, #tpu.memory_space<hbm>> -> memref<40x128xf32, #tpu.memory_space<hbm>>
    %dma_start3A_119 = arith.constant 0 : i32
    %dma_start3A_120 = arith.constant 0 : i32
    %dma_start3A_121 = tpu.memref_slice %arg17[%dma_start3A_112, %dma_start3A_119, %dma_start3A_120] : memref<2x40x128xf32, #tpu.memory_space<vmem>> -> memref<1x40x128xf32, #tpu.memory_space<vmem>>
    %dma_start3A_122 = tpu.memref_squeeze %dma_start3A_121 : memref<1x40x128xf32, #tpu.memory_space<vmem>> -> memref<40x128xf32, #tpu.memory_space<vmem>>
    %dma_start3A_123 = arith.constant 0 : i32
    %dma_start3A_124 = tpu.memref_slice %arg4[%add3A_111, %dma_start3A_123] : memref<320000x128xf32, #tpu.memory_space<hbm>> -> memref<40x128xf32, #tpu.memory_space<hbm>>
    tpu.enqueue_dma source(%dma_start3A_124 : memref<40x128xf32, #tpu.memory_space<hbm>>) target(%dma_start3A_122 : memref<40x128xf32, #tpu.memory_space<vmem>>) target_semaphore(%arg28 : memref<!tpu.dma_semaphore, #tpu.memory_space<semaphore_mem>>)
    %mul3A_125 = arith.constant 10000 : i32
    %mul3A_126 = arith.muli %add3A, %mul3A_125 : i32
    %add3A_127 = arith.constant 40 : i32
    %add3A_128 = arith.addi %mul3A_126, %add3A_127 : i32
    %dma_start3A_129 = arith.constant 1 : i32
    %dma_start3A_130 = arith.constant 0 : i32
    %dma_start3A_131 = tpu.memref_slice %arg12[%dma_start3A_129, %dma_start3A_130] : memref<2x48xi32, #tpu.memory_space<vmem>> -> memref<1x40xi32, #tpu.memory_space<vmem>>
    %dma_start3A_132 = tpu.memref_squeeze %dma_start3A_131 : memref<1x40xi32, #tpu.memory_space<vmem>> -> memref<40xi32, #tpu.memory_space<vmem>>
    %dma_start3A_133 = tpu.memref_slice %arg5[%add3A_128] : memref<320000xi32, #tpu.memory_space<hbm>> -> memref<40xi32, #tpu.memory_space<hbm>>
    %dma_start3A_134 = arith.constant 0 : i32
    %dma_start3A_135 = tpu.memref_slice %arg12[%dma_start3A_129, %dma_start3A_134] : memref<2x48xi32, #tpu.memory_space<vmem>> -> memref<1x40xi32, #tpu.memory_space<vmem>>
    %dma_start3A_136 = tpu.memref_squeeze %dma_start3A_135 : memref<1x40xi32, #tpu.memory_space<vmem>> -> memref<40xi32, #tpu.memory_space<vmem>>
    %dma_start3A_137 = tpu.memref_slice %arg5[%add3A_128] : memref<320000xi32, #tpu.memory_space<hbm>> -> memref<40xi32, #tpu.memory_space<hbm>>
    tpu.enqueue_dma source(%dma_start3A_137 : memref<40xi32, #tpu.memory_space<hbm>>) target(%dma_start3A_136 : memref<40xi32, #tpu.memory_space<vmem>>) target_semaphore(%arg23 : memref<!tpu.dma_semaphore, #tpu.memory_space<semaphore_mem>>)
    %mul3A_138 = arith.constant 10000 : i32
    %mul3A_139 = arith.muli %add3A, %mul3A_138 : i32
    %add3A_140 = arith.constant 40 : i32
    %add3A_141 = arith.addi %mul3A_139, %add3A_140 : i32
    %dma_start3A_142 = arith.constant 1 : i32
    %dma_start3A_143 = arith.constant 0 : i32
    %dma_start3A_144 = tpu.memref_slice %arg13[%dma_start3A_142, %dma_start3A_143] : memref<2x48xi32, #tpu.memory_space<vmem>> -> memref<1x40xi32, #tpu.memory_space<vmem>>
    %dma_start3A_145 = tpu.memref_squeeze %dma_start3A_144 : memref<1x40xi32, #tpu.memory_space<vmem>> -> memref<40xi32, #tpu.memory_space<vmem>>
    %dma_start3A_146 = tpu.memref_slice %arg6[%add3A_141] : memref<320000xi32, #tpu.memory_space<hbm>> -> memref<40xi32, #tpu.memory_space<hbm>>
    %dma_start3A_147 = arith.constant 0 : i32
    %dma_start3A_148 = tpu.memref_slice %arg13[%dma_start3A_142, %dma_start3A_147] : memref<2x48xi32, #tpu.memory_space<vmem>> -> memref<1x40xi32, #tpu.memory_space<vmem>>
    %dma_start3A_149 = tpu.memref_squeeze %dma_start3A_148 : memref<1x40xi32, #tpu.memory_space<vmem>> -> memref<40xi32, #tpu.memory_space<vmem>>
    %dma_start3A_150 = tpu.memref_slice %arg6[%add3A_141] : memref<320000xi32, #tpu.memory_space<hbm>> -> memref<40xi32, #tpu.memory_space<hbm>>
    tpu.enqueue_dma source(%dma_start3A_150 : memref<40xi32, #tpu.memory_space<hbm>>) target(%dma_start3A_149 : memref<40xi32, #tpu.memory_space<vmem>>) target_semaphore(%arg23 : memref<!tpu.dma_semaphore, #tpu.memory_space<semaphore_mem>>)
    %scan3A_151 = arith.constant 0 : i32
    %scan3A_152 = arith.constant 0 : i32
    %scan3A_153 = arith.constant 125 : i32
    %scan3A_154 = arith.addi %scan3A_152, %scan3A_153 : i32
    %scan3A_155 = arith.constant 1 : i32
    %scan3A_156 = scf.for %scan3A_187 = %scan3A_152 to %scan3A_154 step %scan3A_155 iter_args(%scan3A_188 = %scan3A_151) -> (i32)  : i32 {
      %mul3A_189 = arith.constant 2 : i32
      %mul3A_190 = arith.muli %mul3A_189, %scan3A_187 : i32
      %ge3A = arith.constant 1 : i32
      %ge3A_191 = arith.cmpi sge, %mul3A_190, %ge3A : i32
      %convert_element_type3A = arith.extui %ge3A_191 : i1 to i32
      %cond3A = arith.constant 0 : i32
      %cond3A_192 = arith.cmpi ne, %convert_element_type3A, %cond3A : i32
      scf.if %cond3A_192 {
        %dma_wait3A_1236 = arith.constant 1 : i32
        %dma_wait3A_1237 = arith.constant 0 : i32
        %dma_wait3A_1238 = arith.constant 0 : i32
        %dma_wait3A_1239 = tpu.memref_slice %arg15[%dma_wait3A_1236, %dma_wait3A_1237, %dma_wait3A_1238] : memref<2x40x128xf32, #tpu.memory_space<vmem>> -> memref<1x40x128xf32, #tpu.memory_space<vmem>>
        %dma_wait3A_1240 = tpu.memref_squeeze %dma_wait3A_1239 : memref<1x40x128xf32, #tpu.memory_space<vmem>> -> memref<40x128xf32, #tpu.memory_space<vmem>>
        %dma_wait3A_1241 = arith.constant 0 : i32
        %dma_wait3A_1242 = arith.constant 0 : i32
        %dma_wait3A_1243 = tpu.memref_slice %arg2[%dma_wait3A_1241, %dma_wait3A_1242] : memref<10000x128xf32, #tpu.memory_space<hbm>> -> memref<40x128xf32, #tpu.memory_space<hbm>>
        %dma_wait3A_1244 = arith.constant 0 : i32
        %dma_wait3A_1245 = arith.constant 0 : i32
        %dma_wait3A_1246 = tpu.memref_slice %arg15[%dma_wait3A_1236, %dma_wait3A_1244, %dma_wait3A_1245] : memref<2x40x128xf32, #tpu.memory_space<vmem>> -> memref<1x40x128xf32, #tpu.memory_space<vmem>>
        %dma_wait3A_1247 = tpu.memref_squeeze %dma_wait3A_1246 : memref<1x40x128xf32, #tpu.memory_space<vmem>> -> memref<40x128xf32, #tpu.memory_space<vmem>>
        %dma_wait3A_1248 = arith.constant 0 : i32
        %dma_wait3A_1249 = arith.constant 0 : i32
        %dma_wait3A_1250 = tpu.memref_slice %arg2[%dma_wait3A_1248, %dma_wait3A_1249] : memref<10000x128xf32, #tpu.memory_space<hbm>> -> memref<40x128xf32, #tpu.memory_space<hbm>>
        tpu.wait_dma2 semaphore(%arg31 : memref<!tpu.dma_semaphore, #tpu.memory_space<semaphore_mem>>) src(%dma_wait3A_1250 : memref<40x128xf32, #tpu.memory_space<hbm>>) dst(%dma_wait3A_1247 : memref<40x128xf32, #tpu.memory_space<vmem>>)
        %dma_wait3A_1251 = arith.constant 0 : i32
        %dma_wait3A_1252 = arith.constant 1 : i32
        %dma_wait3A_1253 = arith.constant 0 : i32
        %dma_wait3A_1254 = tpu.memref_slice %arg18[%dma_wait3A_1252, %dma_wait3A_1253] : memref<2x48xf32, #tpu.memory_space<vmem>> -> memref<1x40xf32, #tpu.memory_space<vmem>>
        %dma_wait3A_1255 = tpu.memref_squeeze %dma_wait3A_1254 : memref<1x40xf32, #tpu.memory_space<vmem>> -> memref<40xf32, #tpu.memory_space<vmem>>
        %dma_wait3A_1256 = arith.constant 0 : i32
        %dma_wait3A_1257 = tpu.memref_slice %arg9[%dma_wait3A_1251, %dma_wait3A_1256] : memref<2x10240xf32, #tpu.memory_space<hbm>> -> memref<1x40xf32, #tpu.memory_space<hbm>>
        %dma_wait3A_1258 = tpu.memref_squeeze %dma_wait3A_1257 : memref<1x40xf32, #tpu.memory_space<hbm>> -> memref<40xf32, #tpu.memory_space<hbm>>
        %dma_wait3A_1259 = arith.constant 0 : i32
        %dma_wait3A_1260 = tpu.memref_slice %arg18[%dma_wait3A_1252, %dma_wait3A_1259] : memref<2x48xf32, #tpu.memory_space<vmem>> -> memref<1x40xf32, #tpu.memory_space<vmem>>
        %dma_wait3A_1261 = tpu.memref_squeeze %dma_wait3A_1260 : memref<1x40xf32, #tpu.memory_space<vmem>> -> memref<40xf32, #tpu.memory_space<vmem>>
        %dma_wait3A_1262 = arith.constant 0 : i32
        %dma_wait3A_1263 = tpu.memref_slice %arg9[%dma_wait3A_1251, %dma_wait3A_1262] : memref<2x10240xf32, #tpu.memory_space<hbm>> -> memref<1x40xf32, #tpu.memory_space<hbm>>
        %dma_wait3A_1264 = tpu.memref_squeeze %dma_wait3A_1263 : memref<1x40xf32, #tpu.memory_space<hbm>> -> memref<40xf32, #tpu.memory_space<hbm>>
        tpu.wait_dma2 semaphore(%arg33 : memref<!tpu.dma_semaphore, #tpu.memory_space<semaphore_mem>>) src(%dma_wait3A_1264 : memref<40xf32, #tpu.memory_space<hbm>>) dst(%dma_wait3A_1261 : memref<40xf32, #tpu.memory_space<vmem>>)
      } else {
      }
      %add3A_193 = arith.constant 1 : i32
      %add3A_194 = arith.addi %mul3A_190, %add3A_193 : i32
      %lt3A = arith.constant 250 : i32
      %lt3A_195 = arith.cmpi slt, %add3A_194, %lt3A : i32
      %convert_element_type3A_196 = arith.extui %lt3A_195 : i1 to i32
      %cond3A_197 = arith.constant 0 : i32
      %cond3A_198 = arith.cmpi ne, %convert_element_type3A_196, %cond3A_197 : i32
      scf.if %cond3A_198 {
        %dma_wait3A_1236 = arith.constant 1 : i32
        %dma_wait3A_1237 = arith.constant 0 : i32
        %dma_wait3A_1238 = tpu.memref_slice %arg12[%dma_wait3A_1236, %dma_wait3A_1237] : memref<2x48xi32, #tpu.memory_space<vmem>> -> memref<1x40xi32, #tpu.memory_space<vmem>>
        %dma_wait3A_1239 = tpu.memref_squeeze %dma_wait3A_1238 : memref<1x40xi32, #tpu.memory_space<vmem>> -> memref<40xi32, #tpu.memory_space<vmem>>
        %dma_wait3A_1240 = arith.constant 0 : i32
        %dma_wait3A_1241 = tpu.memref_slice %arg5[%dma_wait3A_1240] : memref<320000xi32, #tpu.memory_space<hbm>> -> memref<40xi32, #tpu.memory_space<hbm>>
        %dma_wait3A_1242 = arith.constant 0 : i32
        %dma_wait3A_1243 = tpu.memref_slice %arg12[%dma_wait3A_1236, %dma_wait3A_1242] : memref<2x48xi32, #tpu.memory_space<vmem>> -> memref<1x40xi32, #tpu.memory_space<vmem>>
        %dma_wait3A_1244 = tpu.memref_squeeze %dma_wait3A_1243 : memref<1x40xi32, #tpu.memory_space<vmem>> -> memref<40xi32, #tpu.memory_space<vmem>>
        %dma_wait3A_1245 = arith.constant 0 : i32
        %dma_wait3A_1246 = tpu.memref_slice %arg5[%dma_wait3A_1245] : memref<320000xi32, #tpu.memory_space<hbm>> -> memref<40xi32, #tpu.memory_space<hbm>>
        tpu.wait_dma2 semaphore(%arg23 : memref<!tpu.dma_semaphore, #tpu.memory_space<semaphore_mem>>) src(%dma_wait3A_1246 : memref<40xi32, #tpu.memory_space<hbm>>) dst(%dma_wait3A_1244 : memref<40xi32, #tpu.memory_space<vmem>>)
        %dma_wait3A_1247 = arith.constant 1 : i32
        %dma_wait3A_1248 = arith.constant 0 : i32
        %dma_wait3A_1249 = tpu.memref_slice %arg13[%dma_wait3A_1247, %dma_wait3A_1248] : memref<2x48xi32, #tpu.memory_space<vmem>> -> memref<1x40xi32, #tpu.memory_space<vmem>>
        %dma_wait3A_1250 = tpu.memref_squeeze %dma_wait3A_1249 : memref<1x40xi32, #tpu.memory_space<vmem>> -> memref<40xi32, #tpu.memory_space<vmem>>
        %dma_wait3A_1251 = arith.constant 0 : i32
        %dma_wait3A_1252 = tpu.memref_slice %arg5[%dma_wait3A_1251] : memref<320000xi32, #tpu.memory_space<hbm>> -> memref<40xi32, #tpu.memory_space<hbm>>
        %dma_wait3A_1253 = arith.constant 0 : i32
        %dma_wait3A_1254 = tpu.memref_slice %arg13[%dma_wait3A_1247, %dma_wait3A_1253] : memref<2x48xi32, #tpu.memory_space<vmem>> -> memref<1x40xi32, #tpu.memory_space<vmem>>
        %dma_wait3A_1255 = tpu.memref_squeeze %dma_wait3A_1254 : memref<1x40xi32, #tpu.memory_space<vmem>> -> memref<40xi32, #tpu.memory_space<vmem>>
        %dma_wait3A_1256 = arith.constant 0 : i32
        %dma_wait3A_1257 = tpu.memref_slice %arg5[%dma_wait3A_1256] : memref<320000xi32, #tpu.memory_space<hbm>> -> memref<40xi32, #tpu.memory_space<hbm>>
        tpu.wait_dma2 semaphore(%arg23 : memref<!tpu.dma_semaphore, #tpu.memory_space<semaphore_mem>>) src(%dma_wait3A_1257 : memref<40xi32, #tpu.memory_space<hbm>>) dst(%dma_wait3A_1255 : memref<40xi32, #tpu.memory_space<vmem>>)
        %add3A_1258 = arith.constant 1 : i32
        %add3A_1259 = arith.addi %mul3A_190, %add3A_1258 : i32
        %dma_start3A_1260 = arith.constant 1 : i32
        %dma_start3A_1261 = arith.constant 1 : i32
        %dma_start3A_1262 = arith.constant 0 : i32
        %dma_start3A_1263 = arith.constant 0 : i32
        %dma_start3A_1264 = tpu.memref_slice %arg15[%dma_start3A_1261, %dma_start3A_1262, %dma_start3A_1263] : memref<2x40x128xf32, #tpu.memory_space<vmem>> -> memref<1x40x128xf32, #tpu.memory_space<vmem>>
        %dma_start3A_1265 = tpu.memref_squeeze %dma_start3A_1264 : memref<1x40x128xf32, #tpu.memory_space<vmem>> -> memref<40x128xf32, #tpu.memory_space<vmem>>
        %dma_start3A_1266 = arith.constant 0 : i32
        %dma_start3A_1267 = tpu.memref_slice %arg12[%dma_start3A_1260, %dma_start3A_1266] : memref<2x48xi32, #tpu.memory_space<vmem>> -> memref<1x40xi32, #tpu.memory_space<vmem>>
        %dma_start3A_1268 = tpu.memref_squeeze %dma_start3A_1267 : memref<1x40xi32, #tpu.memory_space<vmem>> -> memref<40xi32, #tpu.memory_space<vmem>>
        %dma_start3A_1269 = arith.constant 0 : i32
        %dma_start3A_1270 = arith.constant 0 : i32
        %dma_start3A_1271 = tpu.memref_slice %arg2[%dma_start3A_1269, %dma_start3A_1270] : memref<10000x128xf32, #tpu.memory_space<hbm>> -> memref<10000x128xf32, #tpu.memory_space<hbm>>
        tpu.enqueue_indirect_dma source(%dma_start3A_1271 : memref<10000x128xf32, #tpu.memory_space<hbm>>) target(%dma_start3A_1265 : memref<40x128xf32, #tpu.memory_space<vmem>>) offsets(%dma_start3A_1268 : memref<40xi32, #tpu.memory_space<vmem>>) semaphore(%arg25 : memref<!tpu.dma_semaphore, #tpu.memory_space<semaphore_mem>>)
        %dma_start3A_1272 = arith.constant 1 : i32
        %dma_start3A_1273 = arith.constant 1 : i32
        %dma_start3A_1274 = arith.constant 0 : i32
        %dma_start3A_1275 = arith.constant 0 : i32
        %dma_start3A_1276 = tpu.memref_slice %arg16[%dma_start3A_1273, %dma_start3A_1274, %dma_start3A_1275] : memref<2x40x128xf32, #tpu.memory_space<vmem>> -> memref<1x40x128xf32, #tpu.memory_space<vmem>>
        %dma_start3A_1277 = tpu.memref_squeeze %dma_start3A_1276 : memref<1x40x128xf32, #tpu.memory_space<vmem>> -> memref<40x128xf32, #tpu.memory_space<vmem>>
        %dma_start3A_1278 = arith.constant 0 : i32
        %dma_start3A_1279 = tpu.memref_slice %arg13[%dma_start3A_1272, %dma_start3A_1278] : memref<2x48xi32, #tpu.memory_space<vmem>> -> memref<1x40xi32, #tpu.memory_space<vmem>>
        %dma_start3A_1280 = tpu.memref_squeeze %dma_start3A_1279 : memref<1x40xi32, #tpu.memory_space<vmem>> -> memref<40xi32, #tpu.memory_space<vmem>>
        %dma_start3A_1281 = arith.constant 0 : i32
        %dma_start3A_1282 = arith.constant 0 : i32
        %dma_start3A_1283 = tpu.memref_slice %arg3[%dma_start3A_1281, %dma_start3A_1282] : memref<10000x128xf32, #tpu.memory_space<hbm>> -> memref<10000x128xf32, #tpu.memory_space<hbm>>
        tpu.enqueue_indirect_dma source(%dma_start3A_1283 : memref<10000x128xf32, #tpu.memory_space<hbm>>) target(%dma_start3A_1277 : memref<40x128xf32, #tpu.memory_space<vmem>>) offsets(%dma_start3A_1280 : memref<40xi32, #tpu.memory_space<vmem>>) semaphore(%arg27 : memref<!tpu.dma_semaphore, #tpu.memory_space<semaphore_mem>>)
        %mul3A_1284 = arith.constant 10000 : i32
        %mul3A_1285 = arith.muli %add3A, %mul3A_1284 : i32
        %mul3A_1286 = arith.constant 40 : i32
        %mul3A_1287 = arith.muli %add3A_1259, %mul3A_1286 : i32
        %add3A_1288 = arith.addi %mul3A_1285, %mul3A_1287 : i32
        %dma_start3A_1289 = arith.constant 1 : i32
        %dma_start3A_1290 = arith.constant 0 : i32
        %dma_start3A_1291 = arith.constant 0 : i32
        %dma_start3A_1292 = tpu.memref_slice %arg17[%dma_start3A_1289, %dma_start3A_1290, %dma_start3A_1291] : memref<2x40x128xf32, #tpu.memory_space<vmem>> -> memref<1x40x128xf32, #tpu.memory_space<vmem>>
        %dma_start3A_1293 = tpu.memref_squeeze %dma_start3A_1292 : memref<1x40x128xf32, #tpu.memory_space<vmem>> -> memref<40x128xf32, #tpu.memory_space<vmem>>
        %dma_start3A_1294 = arith.constant 0 : i32
        %dma_start3A_1295 = tpu.memref_slice %arg4[%add3A_1288, %dma_start3A_1294] : memref<320000x128xf32, #tpu.memory_space<hbm>> -> memref<40x128xf32, #tpu.memory_space<hbm>>
        %dma_start3A_1296 = arith.constant 0 : i32
        %dma_start3A_1297 = arith.constant 0 : i32
        %dma_start3A_1298 = tpu.memref_slice %arg17[%dma_start3A_1289, %dma_start3A_1296, %dma_start3A_1297] : memref<2x40x128xf32, #tpu.memory_space<vmem>> -> memref<1x40x128xf32, #tpu.memory_space<vmem>>
        %dma_start3A_1299 = tpu.memref_squeeze %dma_start3A_1298 : memref<1x40x128xf32, #tpu.memory_space<vmem>> -> memref<40x128xf32, #tpu.memory_space<vmem>>
        %dma_start3A_1300 = arith.constant 0 : i32
        %dma_start3A_1301 = tpu.memref_slice %arg4[%add3A_1288, %dma_start3A_1300] : memref<320000x128xf32, #tpu.memory_space<hbm>> -> memref<40x128xf32, #tpu.memory_space<hbm>>
        tpu.enqueue_dma source(%dma_start3A_1301 : memref<40x128xf32, #tpu.memory_space<hbm>>) target(%dma_start3A_1299 : memref<40x128xf32, #tpu.memory_space<vmem>>) target_semaphore(%arg29 : memref<!tpu.dma_semaphore, #tpu.memory_space<semaphore_mem>>)
      } else {
      }
      %dma_wait3A_199 = arith.constant 0 : i32
      %dma_wait3A_200 = arith.constant 0 : i32
      %dma_wait3A_201 = arith.constant 0 : i32
      %dma_wait3A_202 = tpu.memref_slice %arg15[%dma_wait3A_199, %dma_wait3A_200, %dma_wait3A_201] : memref<2x40x128xf32, #tpu.memory_space<vmem>> -> memref<1x40x128xf32, #tpu.memory_space<vmem>>
      %dma_wait3A_203 = tpu.memref_squeeze %dma_wait3A_202 : memref<1x40x128xf32, #tpu.memory_space<vmem>> -> memref<40x128xf32, #tpu.memory_space<vmem>>
      %dma_wait3A_204 = arith.constant 0 : i32
      %dma_wait3A_205 = arith.constant 0 : i32
      %dma_wait3A_206 = tpu.memref_slice %arg2[%dma_wait3A_204, %dma_wait3A_205] : memref<10000x128xf32, #tpu.memory_space<hbm>> -> memref<40x128xf32, #tpu.memory_space<hbm>>
      %dma_wait3A_207 = arith.constant 0 : i32
      %dma_wait3A_208 = arith.constant 0 : i32
      %dma_wait3A_209 = tpu.memref_slice %arg15[%dma_wait3A_199, %dma_wait3A_207, %dma_wait3A_208] : memref<2x40x128xf32, #tpu.memory_space<vmem>> -> memref<1x40x128xf32, #tpu.memory_space<vmem>>
      %dma_wait3A_210 = tpu.memref_squeeze %dma_wait3A_209 : memref<1x40x128xf32, #tpu.memory_space<vmem>> -> memref<40x128xf32, #tpu.memory_space<vmem>>
      %dma_wait3A_211 = arith.constant 0 : i32
      %dma_wait3A_212 = arith.constant 0 : i32
      %dma_wait3A_213 = tpu.memref_slice %arg2[%dma_wait3A_211, %dma_wait3A_212] : memref<10000x128xf32, #tpu.memory_space<hbm>> -> memref<40x128xf32, #tpu.memory_space<hbm>>
      tpu.wait_dma2 semaphore(%arg24 : memref<!tpu.dma_semaphore, #tpu.memory_space<semaphore_mem>>) src(%dma_wait3A_213 : memref<40x128xf32, #tpu.memory_space<hbm>>) dst(%dma_wait3A_210 : memref<40x128xf32, #tpu.memory_space<vmem>>)
      %dma_wait3A_214 = arith.constant 0 : i32
      %dma_wait3A_215 = arith.constant 0 : i32
      %dma_wait3A_216 = arith.constant 0 : i32
      %dma_wait3A_217 = tpu.memref_slice %arg16[%dma_wait3A_214, %dma_wait3A_215, %dma_wait3A_216] : memref<2x40x128xf32, #tpu.memory_space<vmem>> -> memref<1x40x128xf32, #tpu.memory_space<vmem>>
      %dma_wait3A_218 = tpu.memref_squeeze %dma_wait3A_217 : memref<1x40x128xf32, #tpu.memory_space<vmem>> -> memref<40x128xf32, #tpu.memory_space<vmem>>
      %dma_wait3A_219 = arith.constant 0 : i32
      %dma_wait3A_220 = arith.constant 0 : i32
      %dma_wait3A_221 = tpu.memref_slice %arg2[%dma_wait3A_219, %dma_wait3A_220] : memref<10000x128xf32, #tpu.memory_space<hbm>> -> memref<40x128xf32, #tpu.memory_space<hbm>>
      %dma_wait3A_222 = arith.constant 0 : i32
      %dma_wait3A_223 = arith.constant 0 : i32
      %dma_wait3A_224 = tpu.memref_slice %arg16[%dma_wait3A_214, %dma_wait3A_222, %dma_wait3A_223] : memref<2x40x128xf32, #tpu.memory_space<vmem>> -> memref<1x40x128xf32, #tpu.memory_space<vmem>>
      %dma_wait3A_225 = tpu.memref_squeeze %dma_wait3A_224 : memref<1x40x128xf32, #tpu.memory_space<vmem>> -> memref<40x128xf32, #tpu.memory_space<vmem>>
      %dma_wait3A_226 = arith.constant 0 : i32
      %dma_wait3A_227 = arith.constant 0 : i32
      %dma_wait3A_228 = tpu.memref_slice %arg2[%dma_wait3A_226, %dma_wait3A_227] : memref<10000x128xf32, #tpu.memory_space<hbm>> -> memref<40x128xf32, #tpu.memory_space<hbm>>
      tpu.wait_dma2 semaphore(%arg26 : memref<!tpu.dma_semaphore, #tpu.memory_space<semaphore_mem>>) src(%dma_wait3A_228 : memref<40x128xf32, #tpu.memory_space<hbm>>) dst(%dma_wait3A_225 : memref<40x128xf32, #tpu.memory_space<vmem>>)
      %dma_wait3A_229 = arith.constant 0 : i32
      %dma_wait3A_230 = arith.constant 0 : i32
      %dma_wait3A_231 = arith.constant 0 : i32
      %dma_wait3A_232 = tpu.memref_slice %arg17[%dma_wait3A_229, %dma_wait3A_230, %dma_wait3A_231] : memref<2x40x128xf32, #tpu.memory_space<vmem>> -> memref<1x40x128xf32, #tpu.memory_space<vmem>>
      %dma_wait3A_233 = tpu.memref_squeeze %dma_wait3A_232 : memref<1x40x128xf32, #tpu.memory_space<vmem>> -> memref<40x128xf32, #tpu.memory_space<vmem>>
      %dma_wait3A_234 = arith.constant 0 : i32
      %dma_wait3A_235 = arith.constant 0 : i32
      %dma_wait3A_236 = tpu.memref_slice %arg4[%dma_wait3A_234, %dma_wait3A_235] : memref<320000x128xf32, #tpu.memory_space<hbm>> -> memref<40x128xf32, #tpu.memory_space<hbm>>
      %dma_wait3A_237 = arith.constant 0 : i32
      %dma_wait3A_238 = arith.constant 0 : i32
      %dma_wait3A_239 = tpu.memref_slice %arg17[%dma_wait3A_229, %dma_wait3A_237, %dma_wait3A_238] : memref<2x40x128xf32, #tpu.memory_space<vmem>> -> memref<1x40x128xf32, #tpu.memory_space<vmem>>
      %dma_wait3A_240 = tpu.memref_squeeze %dma_wait3A_239 : memref<1x40x128xf32, #tpu.memory_space<vmem>> -> memref<40x128xf32, #tpu.memory_space<vmem>>
      %dma_wait3A_241 = arith.constant 0 : i32
      %dma_wait3A_242 = arith.constant 0 : i32
      %dma_wait3A_243 = tpu.memref_slice %arg4[%dma_wait3A_241, %dma_wait3A_242] : memref<320000x128xf32, #tpu.memory_space<hbm>> -> memref<40x128xf32, #tpu.memory_space<hbm>>
      tpu.wait_dma2 semaphore(%arg28 : memref<!tpu.dma_semaphore, #tpu.memory_space<semaphore_mem>>) src(%dma_wait3A_243 : memref<40x128xf32, #tpu.memory_space<hbm>>) dst(%dma_wait3A_240 : memref<40x128xf32, #tpu.memory_space<vmem>>)
      %get3A_244 = arith.constant 0 : i32
      %get3A_245 = arith.index_cast %get3A_244 : i32 to index
      %get3A_246 = arith.constant 0 : index
      %get3A_247 = tpu.vector_load %arg13[%get3A_245, %get3A_246] {strides = array<i32>} : memref<2x48xi32, #tpu.memory_space<vmem>>, vector<16xi32>,
      %swap3A = arith.constant 0 : i32
      %swap3A_248 = arith.index_cast %swap3A : i32 to index
      %swap3A_249 = arith.constant 0 : index
      %swap3A_250 = tpu.vector_load %arg14[%swap3A_248, %swap3A_249] {strides = array<i32>} : memref<2x40xi32, #tpu.memory_space<vmem>>, vector<16xi32>,
      tpu.vector_store %arg14[%swap3A_248, %swap3A_249], %get3A_247 {strides = array<i32>} : memref<2x40xi32, #tpu.memory_space<vmem>>, vector<16xi32>,
      %get3A_251 = arith.constant 0 : i32
      %get3A_252 = arith.index_cast %get3A_251 : i32 to index
      %get3A_253 = arith.constant 16 : index
      %get3A_254 = tpu.vector_load %arg13[%get3A_252, %get3A_253] {strides = array<i32>} : memref<2x48xi32, #tpu.memory_space<vmem>>, vector<16xi32>,
      %swap3A_255 = arith.constant 0 : i32
      %swap3A_256 = arith.index_cast %swap3A_255 : i32 to index
      %swap3A_257 = arith.constant 16 : index
      %swap3A_258 = tpu.vector_load %arg14[%swap3A_256, %swap3A_257] {strides = array<i32>} : memref<2x40xi32, #tpu.memory_space<vmem>>, vector<16xi32>,
      tpu.vector_store %arg14[%swap3A_256, %swap3A_257], %get3A_254 {strides = array<i32>} : memref<2x40xi32, #tpu.memory_space<vmem>>, vector<16xi32>,
      %get3A_259 = arith.constant 0 : i32
      %get3A_260 = arith.index_cast %get3A_259 : i32 to index
      %get3A_261 = arith.constant 24 : index
      %get3A_262 = tpu.vector_load %arg13[%get3A_260, %get3A_261] {strides = array<i32>} : memref<2x48xi32, #tpu.memory_space<vmem>>, vector<16xi32>,
      %swap3A_263 = arith.constant 0 : i32
      %swap3A_264 = arith.index_cast %swap3A_263 : i32 to index
      %swap3A_265 = arith.constant 24 : index
      %swap3A_266 = tpu.vector_load %arg14[%swap3A_264, %swap3A_265] {strides = array<i32>} : memref<2x40xi32, #tpu.memory_space<vmem>>, vector<16xi32>,
      tpu.vector_store %arg14[%swap3A_264, %swap3A_265], %get3A_262 {strides = array<i32>} : memref<2x40xi32, #tpu.memory_space<vmem>>, vector<16xi32>,
      %parallel_loop3A = arith.constant 0 : i32
      %parallel_loop3A_267 = arith.constant 40 : i32
      %parallel_loop3A_268 = arith.constant 1 : i32
      scf.for %parallel_loop3A_1236 = %parallel_loop3A to %parallel_loop3A_267 step %parallel_loop3A_268  : i32 {
        %parallel_loop3A_1237 = arith.constant 0 : i32
        %parallel_loop3A_1238 = arith.index_cast %parallel_loop3A_1237 : i32 to index
        %parallel_loop3A_1239 = arith.index_cast %parallel_loop3A_1236 : i32 to index
        %parallel_loop3A_1240 = arith.constant 0 : index
        %parallel_loop3A_1241 = tpu.vector_load %arg15[%parallel_loop3A_1238, %parallel_loop3A_1239, %parallel_loop3A_1240] {strides = array<i32>} : memref<2x40x128xf32, #tpu.memory_space<vmem>>, vector<16xf32>,
        %parallel_loop3A_1242 = arith.constant 0 : i32
        %parallel_loop3A_1243 = arith.index_cast %parallel_loop3A_1242 : i32 to index
        %parallel_loop3A_1244 = arith.index_cast %parallel_loop3A_1236 : i32 to index
        %parallel_loop3A_1245 = arith.constant 0 : index
        %parallel_loop3A_1246 = tpu.vector_load %arg16[%parallel_loop3A_1243, %parallel_loop3A_1244, %parallel_loop3A_1245] {strides = array<i32>} : memref<2x40x128xf32, #tpu.memory_space<vmem>>, vector<16xf32>,
        %parallel_loop3A_1247 = arith.addf %parallel_loop3A_1241, %parallel_loop3A_1246 : vector<16xf32>
        %parallel_loop3A_1248 = arith.constant 0 : i32
        %parallel_loop3A_1249 = arith.index_cast %parallel_loop3A_1248 : i32 to index
        %parallel_loop3A_1250 = arith.index_cast %parallel_loop3A_1236 : i32 to index
        %parallel_loop3A_1251 = arith.constant 0 : index
        %parallel_loop3A_1252 = tpu.vector_load %arg17[%parallel_loop3A_1249, %parallel_loop3A_1250, %parallel_loop3A_1251] {strides = array<i32>} : memref<2x40x128xf32, #tpu.memory_space<vmem>>, vector<16xf32>,
        %parallel_loop3A_1253 = arith.addf %parallel_loop3A_1247, %parallel_loop3A_1252 : vector<16xf32>
        %parallel_loop3A_1254 = arith.constant 2.000000e-01 : f32
        %parallel_loop3A_1255 = vector.broadcast %parallel_loop3A_1254 : f32 to vector<16xf32>
        %parallel_loop3A_1256 = arith.mulf %parallel_loop3A_1255, %parallel_loop3A_1253 : vector<16xf32>
        %parallel_loop3A_1257 = arith.maximumf %parallel_loop3A_1253, %parallel_loop3A_1256 : vector<16xf32>
        %parallel_loop3A_1258 = arith.mulf %parallel_loop3A_1257, %get3A_64 : vector<16xf32>
        %parallel_loop3A_1259 = arith.addf %broadcast_in_dim3A_1, %parallel_loop3A_1258 : vector<16xf32>
        %parallel_loop3A_1260 = arith.constant 0 : i32
        %parallel_loop3A_1261 = arith.index_cast %parallel_loop3A_1260 : i32 to index
        %parallel_loop3A_1262 = arith.index_cast %parallel_loop3A_1236 : i32 to index
        %parallel_loop3A_1263 = arith.constant 16 : index
        %parallel_loop3A_1264 = tpu.vector_load %arg15[%parallel_loop3A_1261, %parallel_loop3A_1262, %parallel_loop3A_1263] {strides = array<i32>} : memref<2x40x128xf32, #tpu.memory_space<vmem>>, vector<16xf32>,
        %parallel_loop3A_1265 = arith.constant 0 : i32
        %parallel_loop3A_1266 = arith.index_cast %parallel_loop3A_1265 : i32 to index
        %parallel_loop3A_1267 = arith.index_cast %parallel_loop3A_1236 : i32 to index
        %parallel_loop3A_1268 = arith.constant 16 : index
        %parallel_loop3A_1269 = tpu.vector_load %arg16[%parallel_loop3A_1266, %parallel_loop3A_1267, %parallel_loop3A_1268] {strides = array<i32>} : memref<2x40x128xf32, #tpu.memory_space<vmem>>, vector<16xf32>,
        %parallel_loop3A_1270 = arith.addf %parallel_loop3A_1264, %parallel_loop3A_1269 : vector<16xf32>
        %parallel_loop3A_1271 = arith.constant 0 : i32
        %parallel_loop3A_1272 = arith.index_cast %parallel_loop3A_1271 : i32 to index
        %parallel_loop3A_1273 = arith.index_cast %parallel_loop3A_1236 : i32 to index
        %parallel_loop3A_1274 = arith.constant 16 : index
        %parallel_loop3A_1275 = tpu.vector_load %arg17[%parallel_loop3A_1272, %parallel_loop3A_1273, %parallel_loop3A_1274] {strides = array<i32>} : memref<2x40x128xf32, #tpu.memory_space<vmem>>, vector<16xf32>,
        %parallel_loop3A_1276 = arith.addf %parallel_loop3A_1270, %parallel_loop3A_1275 : vector<16xf32>
        %parallel_loop3A_1277 = arith.constant 2.000000e-01 : f32
        %parallel_loop3A_1278 = vector.broadcast %parallel_loop3A_1277 : f32 to vector<16xf32>
        %parallel_loop3A_1279 = arith.mulf %parallel_loop3A_1278, %parallel_loop3A_1276 : vector<16xf32>
        %parallel_loop3A_1280 = arith.maximumf %parallel_loop3A_1276, %parallel_loop3A_1279 : vector<16xf32>
        %parallel_loop3A_1281 = arith.mulf %parallel_loop3A_1280, %get3A_66 : vector<16xf32>
        %parallel_loop3A_1282 = arith.addf %broadcast_in_dim3A_1, %parallel_loop3A_1281 : vector<16xf32>
        %parallel_loop3A_1283 = arith.constant 0 : i32
        %parallel_loop3A_1284 = arith.index_cast %parallel_loop3A_1283 : i32 to index
        %parallel_loop3A_1285 = arith.index_cast %parallel_loop3A_1236 : i32 to index
        %parallel_loop3A_1286 = arith.constant 32 : index
        %parallel_loop3A_1287 = tpu.vector_load %arg15[%parallel_loop3A_1284, %parallel_loop3A_1285, %parallel_loop3A_1286] {strides = array<i32>} : memref<2x40x128xf32, #tpu.memory_space<vmem>>, vector<16xf32>,
        %parallel_loop3A_1288 = arith.constant 0 : i32
        %parallel_loop3A_1289 = arith.index_cast %parallel_loop3A_1288 : i32 to index
        %parallel_loop3A_1290 = arith.index_cast %parallel_loop3A_1236 : i32 to index
        %parallel_loop3A_1291 = arith.constant 32 : index
        %parallel_loop3A_1292 = tpu.vector_load %arg16[%parallel_loop3A_1289, %parallel_loop3A_1290, %parallel_loop3A_1291] {strides = array<i32>} : memref<2x40x128xf32, #tpu.memory_space<vmem>>, vector<16xf32>,
        %parallel_loop3A_1293 = arith.addf %parallel_loop3A_1287, %parallel_loop3A_1292 : vector<16xf32>
        %parallel_loop3A_1294 = arith.constant 0 : i32
        %parallel_loop3A_1295 = arith.index_cast %parallel_loop3A_1294 : i32 to index
        %parallel_loop3A_1296 = arith.index_cast %parallel_loop3A_1236 : i32 to index
        %parallel_loop3A_1297 = arith.constant 32 : index
        %parallel_loop3A_1298 = tpu.vector_load %arg17[%parallel_loop3A_1295, %parallel_loop3A_1296, %parallel_loop3A_1297] {strides = array<i32>} : memref<2x40x128xf32, #tpu.memory_space<vmem>>, vector<16xf32>,
        %parallel_loop3A_1299 = arith.addf %parallel_loop3A_1293, %parallel_loop3A_1298 : vector<16xf32>
        %parallel_loop3A_1300 = arith.constant 2.000000e-01 : f32
        %parallel_loop3A_1301 = vector.broadcast %parallel_loop3A_1300 : f32 to vector<16xf32>
        %parallel_loop3A_1302 = arith.mulf %parallel_loop3A_1301, %parallel_loop3A_1299 : vector<16xf32>
        %parallel_loop3A_1303 = arith.maximumf %parallel_loop3A_1299, %parallel_loop3A_1302 : vector<16xf32>
        %parallel_loop3A_1304 = arith.mulf %parallel_loop3A_1303, %get3A_68 : vector<16xf32>
        %parallel_loop3A_1305 = arith.addf %parallel_loop3A_1259, %parallel_loop3A_1304 : vector<16xf32>
        %parallel_loop3A_1306 = arith.constant 0 : i32
        %parallel_loop3A_1307 = arith.index_cast %parallel_loop3A_1306 : i32 to index
        %parallel_loop3A_1308 = arith.index_cast %parallel_loop3A_1236 : i32 to index
        %parallel_loop3A_1309 = arith.constant 48 : index
        %parallel_loop3A_1310 = tpu.vector_load %arg15[%parallel_loop3A_1307, %parallel_loop3A_1308, %parallel_loop3A_1309] {strides = array<i32>} : memref<2x40x128xf32, #tpu.memory_space<vmem>>, vector<16xf32>,
        %parallel_loop3A_1311 = arith.constant 0 : i32
        %parallel_loop3A_1312 = arith.index_cast %parallel_loop3A_1311 : i32 to index
        %parallel_loop3A_1313 = arith.index_cast %parallel_loop3A_1236 : i32 to index
        %parallel_loop3A_1314 = arith.constant 48 : index
        %parallel_loop3A_1315 = tpu.vector_load %arg16[%parallel_loop3A_1312, %parallel_loop3A_1313, %parallel_loop3A_1314] {strides = array<i32>} : memref<2x40x128xf32, #tpu.memory_space<vmem>>, vector<16xf32>,
        %parallel_loop3A_1316 = arith.addf %parallel_loop3A_1310, %parallel_loop3A_1315 : vector<16xf32>
        %parallel_loop3A_1317 = arith.constant 0 : i32
        %parallel_loop3A_1318 = arith.index_cast %parallel_loop3A_1317 : i32 to index
        %parallel_loop3A_1319 = arith.index_cast %parallel_loop3A_1236 : i32 to index
        %parallel_loop3A_1320 = arith.constant 48 : index
        %parallel_loop3A_1321 = tpu.vector_load %arg17[%parallel_loop3A_1318, %parallel_loop3A_1319, %parallel_loop3A_1320] {strides = array<i32>} : memref<2x40x128xf32, #tpu.memory_space<vmem>>, vector<16xf32>,
        %parallel_loop3A_1322 = arith.addf %parallel_loop3A_1316, %parallel_loop3A_1321 : vector<16xf32>
        %parallel_loop3A_1323 = arith.constant 2.000000e-01 : f32
        %parallel_loop3A_1324 = vector.broadcast %parallel_loop3A_1323 : f32 to vector<16xf32>
        %parallel_loop3A_1325 = arith.mulf %parallel_loop3A_1324, %parallel_loop3A_1322 : vector<16xf32>
        %parallel_loop3A_1326 = arith.maximumf %parallel_loop3A_1322, %parallel_loop3A_1325 : vector<16xf32>
        %parallel_loop3A_1327 = arith.mulf %parallel_loop3A_1326, %get3A_70 : vector<16xf32>
        %parallel_loop3A_1328 = arith.addf %parallel_loop3A_1282, %parallel_loop3A_1327 : vector<16xf32>
        %parallel_loop3A_1329 = arith.constant 0 : i32
        %parallel_loop3A_1330 = arith.index_cast %parallel_loop3A_1329 : i32 to index
        %parallel_loop3A_1331 = arith.index_cast %parallel_loop3A_1236 : i32 to index
        %parallel_loop3A_1332 = arith.constant 64 : index
        %parallel_loop3A_1333 = tpu.vector_load %arg15[%parallel_loop3A_1330, %parallel_loop3A_1331, %parallel_loop3A_1332] {strides = array<i32>} : memref<2x40x128xf32, #tpu.memory_space<vmem>>, vector<16xf32>,
        %parallel_loop3A_1334 = arith.constant 0 : i32
        %parallel_loop3A_1335 = arith.index_cast %parallel_loop3A_1334 : i32 to index
        %parallel_loop3A_1336 = arith.index_cast %parallel_loop3A_1236 : i32 to index
        %parallel_loop3A_1337 = arith.constant 64 : index
        %parallel_loop3A_1338 = tpu.vector_load %arg16[%parallel_loop3A_1335, %parallel_loop3A_1336, %parallel_loop3A_1337] {strides = array<i32>} : memref<2x40x128xf32, #tpu.memory_space<vmem>>, vector<16xf32>,
        %parallel_loop3A_1339 = arith.addf %parallel_loop3A_1333, %parallel_loop3A_1338 : vector<16xf32>
        %parallel_loop3A_1340 = arith.constant 0 : i32
        %parallel_loop3A_1341 = arith.index_cast %parallel_loop3A_1340 : i32 to index
        %parallel_loop3A_1342 = arith.index_cast %parallel_loop3A_1236 : i32 to index
        %parallel_loop3A_1343 = arith.constant 64 : index
        %parallel_loop3A_1344 = tpu.vector_load %arg17[%parallel_loop3A_1341, %parallel_loop3A_1342, %parallel_loop3A_1343] {strides = array<i32>} : memref<2x40x128xf32, #tpu.memory_space<vmem>>, vector<16xf32>,
        %parallel_loop3A_1345 = arith.addf %parallel_loop3A_1339, %parallel_loop3A_1344 : vector<16xf32>
        %parallel_loop3A_1346 = arith.constant 2.000000e-01 : f32
        %parallel_loop3A_1347 = vector.broadcast %parallel_loop3A_1346 : f32 to vector<16xf32>
        %parallel_loop3A_1348 = arith.mulf %parallel_loop3A_1347, %parallel_loop3A_1345 : vector<16xf32>
        %parallel_loop3A_1349 = arith.maximumf %parallel_loop3A_1345, %parallel_loop3A_1348 : vector<16xf32>
        %parallel_loop3A_1350 = arith.mulf %parallel_loop3A_1349, %get3A_72 : vector<16xf32>
        %parallel_loop3A_1351 = arith.addf %parallel_loop3A_1305, %parallel_loop3A_1350 : vector<16xf32>
        %parallel_loop3A_1352 = arith.constant 0 : i32
        %parallel_loop3A_1353 = arith.index_cast %parallel_loop3A_1352 : i32 to index
        %parallel_loop3A_1354 = arith.index_cast %parallel_loop3A_1236 : i32 to index
        %parallel_loop3A_1355 = arith.constant 80 : index
        %parallel_loop3A_1356 = tpu.vector_load %arg15[%parallel_loop3A_1353, %parallel_loop3A_1354, %parallel_loop3A_1355] {strides = array<i32>} : memref<2x40x128xf32, #tpu.memory_space<vmem>>, vector<16xf32>,
        %parallel_loop3A_1357 = arith.constant 0 : i32
        %parallel_loop3A_1358 = arith.index_cast %parallel_loop3A_1357 : i32 to index
        %parallel_loop3A_1359 = arith.index_cast %parallel_loop3A_1236 : i32 to index
        %parallel_loop3A_1360 = arith.constant 80 : index
        %parallel_loop3A_1361 = tpu.vector_load %arg16[%parallel_loop3A_1358, %parallel_loop3A_1359, %parallel_loop3A_1360] {strides = array<i32>} : memref<2x40x128xf32, #tpu.memory_space<vmem>>, vector<16xf32>,
        %parallel_loop3A_1362 = arith.addf %parallel_loop3A_1356, %parallel_loop3A_1361 : vector<16xf32>
        %parallel_loop3A_1363 = arith.constant 0 : i32
        %parallel_loop3A_1364 = arith.index_cast %parallel_loop3A_1363 : i32 to index
        %parallel_loop3A_1365 = arith.index_cast %parallel_loop3A_1236 : i32 to index
        %parallel_loop3A_1366 = arith.constant 80 : index
        %parallel_loop3A_1367 = tpu.vector_load %arg17[%parallel_loop3A_1364, %parallel_loop3A_1365, %parallel_loop3A_1366] {strides = array<i32>} : memref<2x40x128xf32, #tpu.memory_space<vmem>>, vector<16xf32>,
        %parallel_loop3A_1368 = arith.addf %parallel_loop3A_1362, %parallel_loop3A_1367 : vector<16xf32>
        %parallel_loop3A_1369 = arith.constant 2.000000e-01 : f32
        %parallel_loop3A_1370 = vector.broadcast %parallel_loop3A_1369 : f32 to vector<16xf32>
        %parallel_loop3A_1371 = arith.mulf %parallel_loop3A_1370, %parallel_loop3A_1368 : vector<16xf32>
        %parallel_loop3A_1372 = arith.maximumf %parallel_loop3A_1368, %parallel_loop3A_1371 : vector<16xf32>
        %parallel_loop3A_1373 = arith.mulf %parallel_loop3A_1372, %get3A_74 : vector<16xf32>
        %parallel_loop3A_1374 = arith.addf %parallel_loop3A_1328, %parallel_loop3A_1373 : vector<16xf32>
        %parallel_loop3A_1375 = arith.constant 0 : i32
        %parallel_loop3A_1376 = arith.index_cast %parallel_loop3A_1375 : i32 to index
        %parallel_loop3A_1377 = arith.index_cast %parallel_loop3A_1236 : i32 to index
        %parallel_loop3A_1378 = arith.constant 96 : index
        %parallel_loop3A_1379 = tpu.vector_load %arg15[%parallel_loop3A_1376, %parallel_loop3A_1377, %parallel_loop3A_1378] {strides = array<i32>} : memref<2x40x128xf32, #tpu.memory_space<vmem>>, vector<16xf32>,
        %parallel_loop3A_1380 = arith.constant 0 : i32
        %parallel_loop3A_1381 = arith.index_cast %parallel_loop3A_1380 : i32 to index
        %parallel_loop3A_1382 = arith.index_cast %parallel_loop3A_1236 : i32 to index
        %parallel_loop3A_1383 = arith.constant 96 : index
        %parallel_loop3A_1384 = tpu.vector_load %arg16[%parallel_loop3A_1381, %parallel_loop3A_1382, %parallel_loop3A_1383] {strides = array<i32>} : memref<2x40x128xf32, #tpu.memory_space<vmem>>, vector<16xf32>,
        %parallel_loop3A_1385 = arith.addf %parallel_loop3A_1379, %parallel_loop3A_1384 : vector<16xf32>
        %parallel_loop3A_1386 = arith.constant 0 : i32
        %parallel_loop3A_1387 = arith.index_cast %parallel_loop3A_1386 : i32 to index
        %parallel_loop3A_1388 = arith.index_cast %parallel_loop3A_1236 : i32 to index
        %parallel_loop3A_1389 = arith.constant 96 : index
        %parallel_loop3A_1390 = tpu.vector_load %arg17[%parallel_loop3A_1387, %parallel_loop3A_1388, %parallel_loop3A_1389] {strides = array<i32>} : memref<2x40x128xf32, #tpu.memory_space<vmem>>, vector<16xf32>,
        %parallel_loop3A_1391 = arith.addf %parallel_loop3A_1385, %parallel_loop3A_1390 : vector<16xf32>
        %parallel_loop3A_1392 = arith.constant 2.000000e-01 : f32
        %parallel_loop3A_1393 = vector.broadcast %parallel_loop3A_1392 : f32 to vector<16xf32>
        %parallel_loop3A_1394 = arith.mulf %parallel_loop3A_1393, %parallel_loop3A_1391 : vector<16xf32>
        %parallel_loop3A_1395 = arith.maximumf %parallel_loop3A_1391, %parallel_loop3A_1394 : vector<16xf32>
        %parallel_loop3A_1396 = arith.mulf %parallel_loop3A_1395, %get3A_76 : vector<16xf32>
        %parallel_loop3A_1397 = arith.addf %parallel_loop3A_1351, %parallel_loop3A_1396 : vector<16xf32>
        %parallel_loop3A_1398 = arith.constant 0 : i32
        %parallel_loop3A_1399 = arith.index_cast %parallel_loop3A_1398 : i32 to index
        %parallel_loop3A_1400 = arith.index_cast %parallel_loop3A_1236 : i32 to index
        %parallel_loop3A_1401 = arith.constant 112 : index
        %parallel_loop3A_1402 = tpu.vector_load %arg15[%parallel_loop3A_1399, %parallel_loop3A_1400, %parallel_loop3A_1401] {strides = array<i32>} : memref<2x40x128xf32, #tpu.memory_space<vmem>>, vector<16xf32>,
        %parallel_loop3A_1403 = arith.constant 0 : i32
        %parallel_loop3A_1404 = arith.index_cast %parallel_loop3A_1403 : i32 to index
        %parallel_loop3A_1405 = arith.index_cast %parallel_loop3A_1236 : i32 to index
        %parallel_loop3A_1406 = arith.constant 112 : index
        %parallel_loop3A_1407 = tpu.vector_load %arg16[%parallel_loop3A_1404, %parallel_loop3A_1405, %parallel_loop3A_1406] {strides = array<i32>} : memref<2x40x128xf32, #tpu.memory_space<vmem>>, vector<16xf32>,
        %parallel_loop3A_1408 = arith.addf %parallel_loop3A_1402, %parallel_loop3A_1407 : vector<16xf32>
        %parallel_loop3A_1409 = arith.constant 0 : i32
        %parallel_loop3A_1410 = arith.index_cast %parallel_loop3A_1409 : i32 to index
        %parallel_loop3A_1411 = arith.index_cast %parallel_loop3A_1236 : i32 to index
        %parallel_loop3A_1412 = arith.constant 112 : index
        %parallel_loop3A_1413 = tpu.vector_load %arg17[%parallel_loop3A_1410, %parallel_loop3A_1411, %parallel_loop3A_1412] {strides = array<i32>} : memref<2x40x128xf32, #tpu.memory_space<vmem>>, vector<16xf32>,
        %parallel_loop3A_1414 = arith.addf %parallel_loop3A_1408, %parallel_loop3A_1413 : vector<16xf32>
        %parallel_loop3A_1415 = arith.constant 2.000000e-01 : f32
        %parallel_loop3A_1416 = vector.broadcast %parallel_loop3A_1415 : f32 to vector<16xf32>
        %parallel_loop3A_1417 = arith.mulf %parallel_loop3A_1416, %parallel_loop3A_1414 : vector<16xf32>
        %parallel_loop3A_1418 = arith.maximumf %parallel_loop3A_1414, %parallel_loop3A_1417 : vector<16xf32>
        %parallel_loop3A_1419 = arith.mulf %parallel_loop3A_1418, %get3A_78 : vector<16xf32>
        %parallel_loop3A_1420 = arith.addf %parallel_loop3A_1374, %parallel_loop3A_1419 : vector<16xf32>
        %parallel_loop3A_1421 = arith.addf %parallel_loop3A_1397, %parallel_loop3A_1420 : vector<16xf32>
        %parallel_loop3A_1422 = arith.constant 16 : i32
        %parallel_loop3A_1423 = arith.muli %parallel_loop3A_1236, %parallel_loop3A_1422 : i32
        %parallel_loop3A_1424 = arith.index_cast %parallel_loop3A_1423 : i32 to index
        %parallel_loop3A_1425 = tpu.vector_load %arg19[%parallel_loop3A_1424] {strides = array<i32>} : memref<768xf32, #tpu.memory_space<vmem>>, vector<16xf32>,
        tpu.vector_store %arg19[%parallel_loop3A_1424], %parallel_loop3A_1421 {strides = array<i32>} : memref<768xf32, #tpu.memory_space<vmem>>, vector<16xf32>,
      } {sc.loop_unroll_factor = 8 : i64, sc.parallel_access}
      %mul3A_269 = arith.constant 16 : i32
      %mul3A_270 = vector.broadcast %mul3A_269 : i32 to vector<16xi32>
      %mul3A_271 = arith.muli %iota3A, %mul3A_270 : vector<16xi32>
      %add3A_272 = arith.constant 0 : i32
      %add3A_273 = vector.broadcast %add3A_272 : i32 to vector<16xi32>
      %add3A_274 = arith.addi %mul3A_271, %add3A_273 : vector<16xi32>
      %gather3A = tpu.vector_load_idx %arg19[%add3A_274] : memref<768xf32, #tpu.memory_space<vmem>>[vector<16xi32>], vector<16xf32>,
      %add3A_275 = arith.addf %broadcast_in_dim3A_1, %gather3A : vector<16xf32>
      %mul3A_276 = arith.constant 16 : i32
      %mul3A_277 = vector.broadcast %mul3A_276 : i32 to vector<16xi32>
      %mul3A_278 = arith.muli %iota3A, %mul3A_277 : vector<16xi32>
      %add3A_279 = arith.constant 1 : i32
      %add3A_280 = vector.broadcast %add3A_279 : i32 to vector<16xi32>
      %add3A_281 = arith.addi %mul3A_278, %add3A_280 : vector<16xi32>
      %gather3A_282 = tpu.vector_load_idx %arg19[%add3A_281] : memref<768xf32, #tpu.memory_space<vmem>>[vector<16xi32>], vector<16xf32>,
      %add3A_283 = arith.addf %broadcast_in_dim3A_1, %gather3A_282 : vector<16xf32>
      %mul3A_284 = arith.constant 16 : i32
      %mul3A_285 = vector.broadcast %mul3A_284 : i32 to vector<16xi32>
      %mul3A_286 = arith.muli %iota3A, %mul3A_285 : vector<16xi32>
      %add3A_287 = arith.constant 2 : i32
      %add3A_288 = vector.broadcast %add3A_287 : i32 to vector<16xi32>
      %add3A_289 = arith.addi %mul3A_286, %add3A_288 : vector<16xi32>
      %gather3A_290 = tpu.vector_load_idx %arg19[%add3A_289] : memref<768xf32, #tpu.memory_space<vmem>>[vector<16xi32>], vector<16xf32>,
      %add3A_291 = arith.addf %broadcast_in_dim3A_1, %gather3A_290 : vector<16xf32>
      %mul3A_292 = arith.constant 16 : i32
      %mul3A_293 = vector.broadcast %mul3A_292 : i32 to vector<16xi32>
      %mul3A_294 = arith.muli %iota3A, %mul3A_293 : vector<16xi32>
      %add3A_295 = arith.constant 3 : i32
      %add3A_296 = vector.broadcast %add3A_295 : i32 to vector<16xi32>
      %add3A_297 = arith.addi %mul3A_294, %add3A_296 : vector<16xi32>
      %gather3A_298 = tpu.vector_load_idx %arg19[%add3A_297] : memref<768xf32, #tpu.memory_space<vmem>>[vector<16xi32>], vector<16xf32>,
      %add3A_299 = arith.addf %broadcast_in_dim3A_1, %gather3A_298 : vector<16xf32>
      %mul3A_300 = arith.constant 16 : i32
      %mul3A_301 = vector.broadcast %mul3A_300 : i32 to vector<16xi32>
      %mul3A_302 = arith.muli %iota3A, %mul3A_301 : vector<16xi32>
      %add3A_303 = arith.constant 4 : i32
      %add3A_304 = vector.broadcast %add3A_303 : i32 to vector<16xi32>
      %add3A_305 = arith.addi %mul3A_302, %add3A_304 : vector<16xi32>
      %gather3A_306 = tpu.vector_load_idx %arg19[%add3A_305] : memref<768xf32, #tpu.memory_space<vmem>>[vector<16xi32>], vector<16xf32>,
      %add3A_307 = arith.addf %add3A_275, %gather3A_306 : vector<16xf32>
      %mul3A_308 = arith.constant 16 : i32
      %mul3A_309 = vector.broadcast %mul3A_308 : i32 to vector<16xi32>
      %mul3A_310 = arith.muli %iota3A, %mul3A_309 : vector<16xi32>
      %add3A_311 = arith.constant 5 : i32
      %add3A_312 = vector.broadcast %add3A_311 : i32 to vector<16xi32>
      %add3A_313 = arith.addi %mul3A_310, %add3A_312 : vector<16xi32>
      %gather3A_314 = tpu.vector_load_idx %arg19[%add3A_313] : memref<768xf32, #tpu.memory_space<vmem>>[vector<16xi32>], vector<16xf32>,
      %add3A_315 = arith.addf %add3A_283, %gather3A_314 : vector<16xf32>
      %mul3A_316 = arith.constant 16 : i32
      %mul3A_317 = vector.broadcast %mul3A_316 : i32 to vector<16xi32>
      %mul3A_318 = arith.muli %iota3A, %mul3A_317 : vector<16xi32>
      %add3A_319 = arith.constant 6 : i32
      %add3A_320 = vector.broadcast %add3A_319 : i32 to vector<16xi32>
      %add3A_321 = arith.addi %mul3A_318, %add3A_320 : vector<16xi32>
      %gather3A_322 = tpu.vector_load_idx %arg19[%add3A_321] : memref<768xf32, #tpu.memory_space<vmem>>[vector<16xi32>], vector<16xf32>,
      %add3A_323 = arith.addf %add3A_291, %gather3A_322 : vector<16xf32>
      %mul3A_324 = arith.constant 16 : i32
      %mul3A_325 = vector.broadcast %mul3A_324 : i32 to vector<16xi32>
      %mul3A_326 = arith.muli %iota3A, %mul3A_325 : vector<16xi32>
      %add3A_327 = arith.constant 7 : i32
      %add3A_328 = vector.broadcast %add3A_327 : i32 to vector<16xi32>
      %add3A_329 = arith.addi %mul3A_326, %add3A_328 : vector<16xi32>
      %gather3A_330 = tpu.vector_load_idx %arg19[%add3A_329] : memref<768xf32, #tpu.memory_space<vmem>>[vector<16xi32>], vector<16xf32>,
      %add3A_331 = arith.addf %add3A_299, %gather3A_330 : vector<16xf32>
      %mul3A_332 = arith.constant 16 : i32
      %mul3A_333 = vector.broadcast %mul3A_332 : i32 to vector<16xi32>
      %mul3A_334 = arith.muli %iota3A, %mul3A_333 : vector<16xi32>
      %add3A_335 = arith.constant 8 : i32
      %add3A_336 = vector.broadcast %add3A_335 : i32 to vector<16xi32>
      %add3A_337 = arith.addi %mul3A_334, %add3A_336 : vector<16xi32>
      %gather3A_338 = tpu.vector_load_idx %arg19[%add3A_337] : memref<768xf32, #tpu.memory_space<vmem>>[vector<16xi32>], vector<16xf32>,
      %add3A_339 = arith.addf %add3A_307, %gather3A_338 : vector<16xf32>
      %mul3A_340 = arith.constant 16 : i32
      %mul3A_341 = vector.broadcast %mul3A_340 : i32 to vector<16xi32>
      %mul3A_342 = arith.muli %iota3A, %mul3A_341 : vector<16xi32>
      %add3A_343 = arith.constant 9 : i32
      %add3A_344 = vector.broadcast %add3A_343 : i32 to vector<16xi32>
      %add3A_345 = arith.addi %mul3A_342, %add3A_344 : vector<16xi32>
      %gather3A_346 = tpu.vector_load_idx %arg19[%add3A_345] : memref<768xf32, #tpu.memory_space<vmem>>[vector<16xi32>], vector<16xf32>,
      %add3A_347 = arith.addf %add3A_315, %gather3A_346 : vector<16xf32>
      %mul3A_348 = arith.constant 16 : i32
      %mul3A_349 = vector.broadcast %mul3A_348 : i32 to vector<16xi32>
      %mul3A_350 = arith.muli %iota3A, %mul3A_349 : vector<16xi32>
      %add3A_351 = arith.constant 10 : i32
      %add3A_352 = vector.broadcast %add3A_351 : i32 to vector<16xi32>
      %add3A_353 = arith.addi %mul3A_350, %add3A_352 : vector<16xi32>
      %gather3A_354 = tpu.vector_load_idx %arg19[%add3A_353] : memref<768xf32, #tpu.memory_space<vmem>>[vector<16xi32>], vector<16xf32>,
      %add3A_355 = arith.addf %add3A_323, %gather3A_354 : vector<16xf32>
      %mul3A_356 = arith.constant 16 : i32
      %mul3A_357 = vector.broadcast %mul3A_356 : i32 to vector<16xi32>
      %mul3A_358 = arith.muli %iota3A, %mul3A_357 : vector<16xi32>
      %add3A_359 = arith.constant 11 : i32
      %add3A_360 = vector.broadcast %add3A_359 : i32 to vector<16xi32>
      %add3A_361 = arith.addi %mul3A_358, %add3A_360 : vector<16xi32>
      %gather3A_362 = tpu.vector_load_idx %arg19[%add3A_361] : memref<768xf32, #tpu.memory_space<vmem>>[vector<16xi32>], vector<16xf32>,
      %add3A_363 = arith.addf %add3A_331, %gather3A_362 : vector<16xf32>
      %mul3A_364 = arith.constant 16 : i32
      %mul3A_365 = vector.broadcast %mul3A_364 : i32 to vector<16xi32>
      %mul3A_366 = arith.muli %iota3A, %mul3A_365 : vector<16xi32>
      %add3A_367 = arith.constant 12 : i32
      %add3A_368 = vector.broadcast %add3A_367 : i32 to vector<16xi32>
      %add3A_369 = arith.addi %mul3A_366, %add3A_368 : vector<16xi32>
      %gather3A_370 = tpu.vector_load_idx %arg19[%add3A_369] : memref<768xf32, #tpu.memory_space<vmem>>[vector<16xi32>], vector<16xf32>,
      %add3A_371 = arith.addf %add3A_339, %gather3A_370 : vector<16xf32>
      %mul3A_372 = arith.constant 16 : i32
      %mul3A_373 = vector.broadcast %mul3A_372 : i32 to vector<16xi32>
      %mul3A_374 = arith.muli %iota3A, %mul3A_373 : vector<16xi32>
      %add3A_375 = arith.constant 13 : i32
      %add3A_376 = vector.broadcast %add3A_375 : i32 to vector<16xi32>
      %add3A_377 = arith.addi %mul3A_374, %add3A_376 : vector<16xi32>
      %gather3A_378 = tpu.vector_load_idx %arg19[%add3A_377] : memref<768xf32, #tpu.memory_space<vmem>>[vector<16xi32>], vector<16xf32>,
      %add3A_379 = arith.addf %add3A_347, %gather3A_378 : vector<16xf32>
      %mul3A_380 = arith.constant 16 : i32
      %mul3A_381 = vector.broadcast %mul3A_380 : i32 to vector<16xi32>
      %mul3A_382 = arith.muli %iota3A, %mul3A_381 : vector<16xi32>
      %add3A_383 = arith.constant 14 : i32
      %add3A_384 = vector.broadcast %add3A_383 : i32 to vector<16xi32>
      %add3A_385 = arith.addi %mul3A_382, %add3A_384 : vector<16xi32>
      %gather3A_386 = tpu.vector_load_idx %arg19[%add3A_385] : memref<768xf32, #tpu.memory_space<vmem>>[vector<16xi32>], vector<16xf32>,
      %add3A_387 = arith.addf %add3A_355, %gather3A_386 : vector<16xf32>
      %mul3A_388 = arith.constant 16 : i32
      %mul3A_389 = vector.broadcast %mul3A_388 : i32 to vector<16xi32>
      %mul3A_390 = arith.muli %iota3A, %mul3A_389 : vector<16xi32>
      %add3A_391 = arith.constant 15 : i32
      %add3A_392 = vector.broadcast %add3A_391 : i32 to vector<16xi32>
      %add3A_393 = arith.addi %mul3A_390, %add3A_392 : vector<16xi32>
      %gather3A_394 = tpu.vector_load_idx %arg19[%add3A_393] : memref<768xf32, #tpu.memory_space<vmem>>[vector<16xi32>], vector<16xf32>,
      %add3A_395 = arith.addf %add3A_363, %gather3A_394 : vector<16xf32>
      %add3A_396 = arith.addf %add3A_371, %add3A_379 : vector<16xf32>
      %add3A_397 = arith.addf %add3A_387, %add3A_395 : vector<16xf32>
      %add3A_398 = arith.addf %add3A_396, %add3A_397 : vector<16xf32>
      %exp3A = math.exp %add3A_398 : vector<16xf32>
      %swap3A_399 = arith.constant 0 : i32
      %swap3A_400 = arith.index_cast %swap3A_399 : i32 to index
      %swap3A_401 = arith.constant 0 : index
      %swap3A_402 = tpu.vector_load %arg18[%swap3A_400, %swap3A_401] {strides = array<i32>} : memref<2x48xf32, #tpu.memory_space<vmem>>, vector<16xf32>,
      tpu.vector_store %arg18[%swap3A_400, %swap3A_401], %exp3A {strides = array<i32>} : memref<2x48xf32, #tpu.memory_space<vmem>>, vector<16xf32>,
      %mul3A_403 = arith.constant 16 : i32
      %mul3A_404 = vector.broadcast %mul3A_403 : i32 to vector<16xi32>
      %mul3A_405 = arith.muli %iota3A, %mul3A_404 : vector<16xi32>
      %add3A_406 = arith.constant 256 : i32
      %add3A_407 = vector.broadcast %add3A_406 : i32 to vector<16xi32>
      %add3A_408 = arith.addi %mul3A_405, %add3A_407 : vector<16xi32>
      %gather3A_409 = tpu.vector_load_idx %arg19[%add3A_408] : memref<768xf32, #tpu.memory_space<vmem>>[vector<16xi32>], vector<16xf32>,
      %add3A_410 = arith.addf %broadcast_in_dim3A_1, %gather3A_409 : vector<16xf32>
      %mul3A_411 = arith.constant 16 : i32
      %mul3A_412 = vector.broadcast %mul3A_411 : i32 to vector<16xi32>
      %mul3A_413 = arith.muli %iota3A, %mul3A_412 : vector<16xi32>
      %add3A_414 = arith.constant 257 : i32
      %add3A_415 = vector.broadcast %add3A_414 : i32 to vector<16xi32>
      %add3A_416 = arith.addi %mul3A_413, %add3A_415 : vector<16xi32>
      %gather3A_417 = tpu.vector_load_idx %arg19[%add3A_416] : memref<768xf32, #tpu.memory_space<vmem>>[vector<16xi32>], vector<16xf32>,
      %add3A_418 = arith.addf %broadcast_in_dim3A_1, %gather3A_417 : vector<16xf32>
      %mul3A_419 = arith.constant 16 : i32
      %mul3A_420 = vector.broadcast %mul3A_419 : i32 to vector<16xi32>
      %mul3A_421 = arith.muli %iota3A, %mul3A_420 : vector<16xi32>
      %add3A_422 = arith.constant 258 : i32
      %add3A_423 = vector.broadcast %add3A_422 : i32 to vector<16xi32>
      %add3A_424 = arith.addi %mul3A_421, %add3A_423 : vector<16xi32>
      %gather3A_425 = tpu.vector_load_idx %arg19[%add3A_424] : memref<768xf32, #tpu.memory_space<vmem>>[vector<16xi32>], vector<16xf32>,
      %add3A_426 = arith.addf %broadcast_in_dim3A_1, %gather3A_425 : vector<16xf32>
      %mul3A_427 = arith.constant 16 : i32
      %mul3A_428 = vector.broadcast %mul3A_427 : i32 to vector<16xi32>
      %mul3A_429 = arith.muli %iota3A, %mul3A_428 : vector<16xi32>
      %add3A_430 = arith.constant 259 : i32
      %add3A_431 = vector.broadcast %add3A_430 : i32 to vector<16xi32>
      %add3A_432 = arith.addi %mul3A_429, %add3A_431 : vector<16xi32>
      %gather3A_433 = tpu.vector_load_idx %arg19[%add3A_432] : memref<768xf32, #tpu.memory_space<vmem>>[vector<16xi32>], vector<16xf32>,
      %add3A_434 = arith.addf %broadcast_in_dim3A_1, %gather3A_433 : vector<16xf32>
      %mul3A_435 = arith.constant 16 : i32
      %mul3A_436 = vector.broadcast %mul3A_435 : i32 to vector<16xi32>
      %mul3A_437 = arith.muli %iota3A, %mul3A_436 : vector<16xi32>
      %add3A_438 = arith.constant 260 : i32
      %add3A_439 = vector.broadcast %add3A_438 : i32 to vector<16xi32>
      %add3A_440 = arith.addi %mul3A_437, %add3A_439 : vector<16xi32>
      %gather3A_441 = tpu.vector_load_idx %arg19[%add3A_440] : memref<768xf32, #tpu.memory_space<vmem>>[vector<16xi32>], vector<16xf32>,
      %add3A_442 = arith.addf %add3A_410, %gather3A_441 : vector<16xf32>
      %mul3A_443 = arith.constant 16 : i32
      %mul3A_444 = vector.broadcast %mul3A_443 : i32 to vector<16xi32>
      %mul3A_445 = arith.muli %iota3A, %mul3A_444 : vector<16xi32>
      %add3A_446 = arith.constant 261 : i32
      %add3A_447 = vector.broadcast %add3A_446 : i32 to vector<16xi32>
      %add3A_448 = arith.addi %mul3A_445, %add3A_447 : vector<16xi32>
      %gather3A_449 = tpu.vector_load_idx %arg19[%add3A_448] : memref<768xf32, #tpu.memory_space<vmem>>[vector<16xi32>], vector<16xf32>,
      %add3A_450 = arith.addf %add3A_418, %gather3A_449 : vector<16xf32>
      %mul3A_451 = arith.constant 16 : i32
      %mul3A_452 = vector.broadcast %mul3A_451 : i32 to vector<16xi32>
      %mul3A_453 = arith.muli %iota3A, %mul3A_452 : vector<16xi32>
      %add3A_454 = arith.constant 262 : i32
      %add3A_455 = vector.broadcast %add3A_454 : i32 to vector<16xi32>
      %add3A_456 = arith.addi %mul3A_453, %add3A_455 : vector<16xi32>
      %gather3A_457 = tpu.vector_load_idx %arg19[%add3A_456] : memref<768xf32, #tpu.memory_space<vmem>>[vector<16xi32>], vector<16xf32>,
      %add3A_458 = arith.addf %add3A_426, %gather3A_457 : vector<16xf32>
      %mul3A_459 = arith.constant 16 : i32
      %mul3A_460 = vector.broadcast %mul3A_459 : i32 to vector<16xi32>
      %mul3A_461 = arith.muli %iota3A, %mul3A_460 : vector<16xi32>
      %add3A_462 = arith.constant 263 : i32
      %add3A_463 = vector.broadcast %add3A_462 : i32 to vector<16xi32>
      %add3A_464 = arith.addi %mul3A_461, %add3A_463 : vector<16xi32>
      %gather3A_465 = tpu.vector_load_idx %arg19[%add3A_464] : memref<768xf32, #tpu.memory_space<vmem>>[vector<16xi32>], vector<16xf32>,
      %add3A_466 = arith.addf %add3A_434, %gather3A_465 : vector<16xf32>
      %mul3A_467 = arith.constant 16 : i32
      %mul3A_468 = vector.broadcast %mul3A_467 : i32 to vector<16xi32>
      %mul3A_469 = arith.muli %iota3A, %mul3A_468 : vector<16xi32>
      %add3A_470 = arith.constant 264 : i32
      %add3A_471 = vector.broadcast %add3A_470 : i32 to vector<16xi32>
      %add3A_472 = arith.addi %mul3A_469, %add3A_471 : vector<16xi32>
      %gather3A_473 = tpu.vector_load_idx %arg19[%add3A_472] : memref<768xf32, #tpu.memory_space<vmem>>[vector<16xi32>], vector<16xf32>,
      %add3A_474 = arith.addf %add3A_442, %gather3A_473 : vector<16xf32>
      %mul3A_475 = arith.constant 16 : i32
      %mul3A_476 = vector.broadcast %mul3A_475 : i32 to vector<16xi32>
      %mul3A_477 = arith.muli %iota3A, %mul3A_476 : vector<16xi32>
      %add3A_478 = arith.constant 265 : i32
      %add3A_479 = vector.broadcast %add3A_478 : i32 to vector<16xi32>
      %add3A_480 = arith.addi %mul3A_477, %add3A_479 : vector<16xi32>
      %gather3A_481 = tpu.vector_load_idx %arg19[%add3A_480] : memref<768xf32, #tpu.memory_space<vmem>>[vector<16xi32>], vector<16xf32>,
      %add3A_482 = arith.addf %add3A_450, %gather3A_481 : vector<16xf32>
      %mul3A_483 = arith.constant 16 : i32
      %mul3A_484 = vector.broadcast %mul3A_483 : i32 to vector<16xi32>
      %mul3A_485 = arith.muli %iota3A, %mul3A_484 : vector<16xi32>
      %add3A_486 = arith.constant 266 : i32
      %add3A_487 = vector.broadcast %add3A_486 : i32 to vector<16xi32>
      %add3A_488 = arith.addi %mul3A_485, %add3A_487 : vector<16xi32>
      %gather3A_489 = tpu.vector_load_idx %arg19[%add3A_488] : memref<768xf32, #tpu.memory_space<vmem>>[vector<16xi32>], vector<16xf32>,
      %add3A_490 = arith.addf %add3A_458, %gather3A_489 : vector<16xf32>
      %mul3A_491 = arith.constant 16 : i32
      %mul3A_492 = vector.broadcast %mul3A_491 : i32 to vector<16xi32>
      %mul3A_493 = arith.muli %iota3A, %mul3A_492 : vector<16xi32>
      %add3A_494 = arith.constant 267 : i32
      %add3A_495 = vector.broadcast %add3A_494 : i32 to vector<16xi32>
      %add3A_496 = arith.addi %mul3A_493, %add3A_495 : vector<16xi32>
      %gather3A_497 = tpu.vector_load_idx %arg19[%add3A_496] : memref<768xf32, #tpu.memory_space<vmem>>[vector<16xi32>], vector<16xf32>,
      %add3A_498 = arith.addf %add3A_466, %gather3A_497 : vector<16xf32>
      %mul3A_499 = arith.constant 16 : i32
      %mul3A_500 = vector.broadcast %mul3A_499 : i32 to vector<16xi32>
      %mul3A_501 = arith.muli %iota3A, %mul3A_500 : vector<16xi32>
      %add3A_502 = arith.constant 268 : i32
      %add3A_503 = vector.broadcast %add3A_502 : i32 to vector<16xi32>
      %add3A_504 = arith.addi %mul3A_501, %add3A_503 : vector<16xi32>
      %gather3A_505 = tpu.vector_load_idx %arg19[%add3A_504] : memref<768xf32, #tpu.memory_space<vmem>>[vector<16xi32>], vector<16xf32>,
      %add3A_506 = arith.addf %add3A_474, %gather3A_505 : vector<16xf32>
      %mul3A_507 = arith.constant 16 : i32
      %mul3A_508 = vector.broadcast %mul3A_507 : i32 to vector<16xi32>
      %mul3A_509 = arith.muli %iota3A, %mul3A_508 : vector<16xi32>
      %add3A_510 = arith.constant 269 : i32
      %add3A_511 = vector.broadcast %add3A_510 : i32 to vector<16xi32>
      %add3A_512 = arith.addi %mul3A_509, %add3A_511 : vector<16xi32>
      %gather3A_513 = tpu.vector_load_idx %arg19[%add3A_512] : memref<768xf32, #tpu.memory_space<vmem>>[vector<16xi32>], vector<16xf32>,
      %add3A_514 = arith.addf %add3A_482, %gather3A_513 : vector<16xf32>
      %mul3A_515 = arith.constant 16 : i32
      %mul3A_516 = vector.broadcast %mul3A_515 : i32 to vector<16xi32>
      %mul3A_517 = arith.muli %iota3A, %mul3A_516 : vector<16xi32>
      %add3A_518 = arith.constant 270 : i32
      %add3A_519 = vector.broadcast %add3A_518 : i32 to vector<16xi32>
      %add3A_520 = arith.addi %mul3A_517, %add3A_519 : vector<16xi32>
      %gather3A_521 = tpu.vector_load_idx %arg19[%add3A_520] : memref<768xf32, #tpu.memory_space<vmem>>[vector<16xi32>], vector<16xf32>,
      %add3A_522 = arith.addf %add3A_490, %gather3A_521 : vector<16xf32>
      %mul3A_523 = arith.constant 16 : i32
      %mul3A_524 = vector.broadcast %mul3A_523 : i32 to vector<16xi32>
      %mul3A_525 = arith.muli %iota3A, %mul3A_524 : vector<16xi32>
      %add3A_526 = arith.constant 271 : i32
      %add3A_527 = vector.broadcast %add3A_526 : i32 to vector<16xi32>
      %add3A_528 = arith.addi %mul3A_525, %add3A_527 : vector<16xi32>
      %gather3A_529 = tpu.vector_load_idx %arg19[%add3A_528] : memref<768xf32, #tpu.memory_space<vmem>>[vector<16xi32>], vector<16xf32>,
      %add3A_530 = arith.addf %add3A_498, %gather3A_529 : vector<16xf32>
      %add3A_531 = arith.addf %add3A_506, %add3A_514 : vector<16xf32>
      %add3A_532 = arith.addf %add3A_522, %add3A_530 : vector<16xf32>
      %add3A_533 = arith.addf %add3A_531, %add3A_532 : vector<16xf32>
      %exp3A_534 = math.exp %add3A_533 : vector<16xf32>
      %swap3A_535 = arith.constant 0 : i32
      %swap3A_536 = arith.index_cast %swap3A_535 : i32 to index
      %swap3A_537 = arith.constant 16 : index
      %swap3A_538 = tpu.vector_load %arg18[%swap3A_536, %swap3A_537] {strides = array<i32>} : memref<2x48xf32, #tpu.memory_space<vmem>>, vector<16xf32>,
      tpu.vector_store %arg18[%swap3A_536, %swap3A_537], %exp3A_534 {strides = array<i32>} : memref<2x48xf32, #tpu.memory_space<vmem>>, vector<16xf32>,
      %mul3A_539 = arith.constant 16 : i32
      %mul3A_540 = vector.broadcast %mul3A_539 : i32 to vector<16xi32>
      %mul3A_541 = arith.muli %iota3A, %mul3A_540 : vector<16xi32>
      %add3A_542 = arith.constant 512 : i32
      %add3A_543 = vector.broadcast %add3A_542 : i32 to vector<16xi32>
      %add3A_544 = arith.addi %mul3A_541, %add3A_543 : vector<16xi32>
      %gather3A_545 = tpu.vector_load_idx %arg19[%add3A_544] : memref<768xf32, #tpu.memory_space<vmem>>[vector<16xi32>], vector<16xf32>,
      %add3A_546 = arith.addf %broadcast_in_dim3A_1, %gather3A_545 : vector<16xf32>
      %mul3A_547 = arith.constant 16 : i32
      %mul3A_548 = vector.broadcast %mul3A_547 : i32 to vector<16xi32>
      %mul3A_549 = arith.muli %iota3A, %mul3A_548 : vector<16xi32>
      %add3A_550 = arith.constant 513 : i32
      %add3A_551 = vector.broadcast %add3A_550 : i32 to vector<16xi32>
      %add3A_552 = arith.addi %mul3A_549, %add3A_551 : vector<16xi32>
      %gather3A_553 = tpu.vector_load_idx %arg19[%add3A_552] : memref<768xf32, #tpu.memory_space<vmem>>[vector<16xi32>], vector<16xf32>,
      %add3A_554 = arith.addf %broadcast_in_dim3A_1, %gather3A_553 : vector<16xf32>
      %mul3A_555 = arith.constant 16 : i32
      %mul3A_556 = vector.broadcast %mul3A_555 : i32 to vector<16xi32>
      %mul3A_557 = arith.muli %iota3A, %mul3A_556 : vector<16xi32>
      %add3A_558 = arith.constant 514 : i32
      %add3A_559 = vector.broadcast %add3A_558 : i32 to vector<16xi32>
      %add3A_560 = arith.addi %mul3A_557, %add3A_559 : vector<16xi32>
      %gather3A_561 = tpu.vector_load_idx %arg19[%add3A_560] : memref<768xf32, #tpu.memory_space<vmem>>[vector<16xi32>], vector<16xf32>,
      %add3A_562 = arith.addf %broadcast_in_dim3A_1, %gather3A_561 : vector<16xf32>
      %mul3A_563 = arith.constant 16 : i32
      %mul3A_564 = vector.broadcast %mul3A_563 : i32 to vector<16xi32>
      %mul3A_565 = arith.muli %iota3A, %mul3A_564 : vector<16xi32>
      %add3A_566 = arith.constant 515 : i32
      %add3A_567 = vector.broadcast %add3A_566 : i32 to vector<16xi32>
      %add3A_568 = arith.addi %mul3A_565, %add3A_567 : vector<16xi32>
      %gather3A_569 = tpu.vector_load_idx %arg19[%add3A_568] : memref<768xf32, #tpu.memory_space<vmem>>[vector<16xi32>], vector<16xf32>,
      %add3A_570 = arith.addf %broadcast_in_dim3A_1, %gather3A_569 : vector<16xf32>
      %mul3A_571 = arith.constant 16 : i32
      %mul3A_572 = vector.broadcast %mul3A_571 : i32 to vector<16xi32>
      %mul3A_573 = arith.muli %iota3A, %mul3A_572 : vector<16xi32>
      %add3A_574 = arith.constant 516 : i32
      %add3A_575 = vector.broadcast %add3A_574 : i32 to vector<16xi32>
      %add3A_576 = arith.addi %mul3A_573, %add3A_575 : vector<16xi32>
      %gather3A_577 = tpu.vector_load_idx %arg19[%add3A_576] : memref<768xf32, #tpu.memory_space<vmem>>[vector<16xi32>], vector<16xf32>,
      %add3A_578 = arith.addf %add3A_546, %gather3A_577 : vector<16xf32>
      %mul3A_579 = arith.constant 16 : i32
      %mul3A_580 = vector.broadcast %mul3A_579 : i32 to vector<16xi32>
      %mul3A_581 = arith.muli %iota3A, %mul3A_580 : vector<16xi32>
      %add3A_582 = arith.constant 517 : i32
      %add3A_583 = vector.broadcast %add3A_582 : i32 to vector<16xi32>
      %add3A_584 = arith.addi %mul3A_581, %add3A_583 : vector<16xi32>
      %gather3A_585 = tpu.vector_load_idx %arg19[%add3A_584] : memref<768xf32, #tpu.memory_space<vmem>>[vector<16xi32>], vector<16xf32>,
      %add3A_586 = arith.addf %add3A_554, %gather3A_585 : vector<16xf32>
      %mul3A_587 = arith.constant 16 : i32
      %mul3A_588 = vector.broadcast %mul3A_587 : i32 to vector<16xi32>
      %mul3A_589 = arith.muli %iota3A, %mul3A_588 : vector<16xi32>
      %add3A_590 = arith.constant 518 : i32
      %add3A_591 = vector.broadcast %add3A_590 : i32 to vector<16xi32>
      %add3A_592 = arith.addi %mul3A_589, %add3A_591 : vector<16xi32>
      %gather3A_593 = tpu.vector_load_idx %arg19[%add3A_592] : memref<768xf32, #tpu.memory_space<vmem>>[vector<16xi32>], vector<16xf32>,
      %add3A_594 = arith.addf %add3A_562, %gather3A_593 : vector<16xf32>
      %mul3A_595 = arith.constant 16 : i32
      %mul3A_596 = vector.broadcast %mul3A_595 : i32 to vector<16xi32>
      %mul3A_597 = arith.muli %iota3A, %mul3A_596 : vector<16xi32>
      %add3A_598 = arith.constant 519 : i32
      %add3A_599 = vector.broadcast %add3A_598 : i32 to vector<16xi32>
      %add3A_600 = arith.addi %mul3A_597, %add3A_599 : vector<16xi32>
      %gather3A_601 = tpu.vector_load_idx %arg19[%add3A_600] : memref<768xf32, #tpu.memory_space<vmem>>[vector<16xi32>], vector<16xf32>,
      %add3A_602 = arith.addf %add3A_570, %gather3A_601 : vector<16xf32>
      %mul3A_603 = arith.constant 16 : i32
      %mul3A_604 = vector.broadcast %mul3A_603 : i32 to vector<16xi32>
      %mul3A_605 = arith.muli %iota3A, %mul3A_604 : vector<16xi32>
      %add3A_606 = arith.constant 520 : i32
      %add3A_607 = vector.broadcast %add3A_606 : i32 to vector<16xi32>
      %add3A_608 = arith.addi %mul3A_605, %add3A_607 : vector<16xi32>
      %gather3A_609 = tpu.vector_load_idx %arg19[%add3A_608] : memref<768xf32, #tpu.memory_space<vmem>>[vector<16xi32>], vector<16xf32>,
      %add3A_610 = arith.addf %add3A_578, %gather3A_609 : vector<16xf32>
      %mul3A_611 = arith.constant 16 : i32
      %mul3A_612 = vector.broadcast %mul3A_611 : i32 to vector<16xi32>
      %mul3A_613 = arith.muli %iota3A, %mul3A_612 : vector<16xi32>
      %add3A_614 = arith.constant 521 : i32
      %add3A_615 = vector.broadcast %add3A_614 : i32 to vector<16xi32>
      %add3A_616 = arith.addi %mul3A_613, %add3A_615 : vector<16xi32>
      %gather3A_617 = tpu.vector_load_idx %arg19[%add3A_616] : memref<768xf32, #tpu.memory_space<vmem>>[vector<16xi32>], vector<16xf32>,
      %add3A_618 = arith.addf %add3A_586, %gather3A_617 : vector<16xf32>
      %mul3A_619 = arith.constant 16 : i32
      %mul3A_620 = vector.broadcast %mul3A_619 : i32 to vector<16xi32>
      %mul3A_621 = arith.muli %iota3A, %mul3A_620 : vector<16xi32>
      %add3A_622 = arith.constant 522 : i32
      %add3A_623 = vector.broadcast %add3A_622 : i32 to vector<16xi32>
      %add3A_624 = arith.addi %mul3A_621, %add3A_623 : vector<16xi32>
      %gather3A_625 = tpu.vector_load_idx %arg19[%add3A_624] : memref<768xf32, #tpu.memory_space<vmem>>[vector<16xi32>], vector<16xf32>,
      %add3A_626 = arith.addf %add3A_594, %gather3A_625 : vector<16xf32>
      %mul3A_627 = arith.constant 16 : i32
      %mul3A_628 = vector.broadcast %mul3A_627 : i32 to vector<16xi32>
      %mul3A_629 = arith.muli %iota3A, %mul3A_628 : vector<16xi32>
      %add3A_630 = arith.constant 523 : i32
      %add3A_631 = vector.broadcast %add3A_630 : i32 to vector<16xi32>
      %add3A_632 = arith.addi %mul3A_629, %add3A_631 : vector<16xi32>
      %gather3A_633 = tpu.vector_load_idx %arg19[%add3A_632] : memref<768xf32, #tpu.memory_space<vmem>>[vector<16xi32>], vector<16xf32>,
      %add3A_634 = arith.addf %add3A_602, %gather3A_633 : vector<16xf32>
      %mul3A_635 = arith.constant 16 : i32
      %mul3A_636 = vector.broadcast %mul3A_635 : i32 to vector<16xi32>
      %mul3A_637 = arith.muli %iota3A, %mul3A_636 : vector<16xi32>
      %add3A_638 = arith.constant 524 : i32
      %add3A_639 = vector.broadcast %add3A_638 : i32 to vector<16xi32>
      %add3A_640 = arith.addi %mul3A_637, %add3A_639 : vector<16xi32>
      %gather3A_641 = tpu.vector_load_idx %arg19[%add3A_640] : memref<768xf32, #tpu.memory_space<vmem>>[vector<16xi32>], vector<16xf32>,
      %add3A_642 = arith.addf %add3A_610, %gather3A_641 : vector<16xf32>
      %mul3A_643 = arith.constant 16 : i32
      %mul3A_644 = vector.broadcast %mul3A_643 : i32 to vector<16xi32>
      %mul3A_645 = arith.muli %iota3A, %mul3A_644 : vector<16xi32>
      %add3A_646 = arith.constant 525 : i32
      %add3A_647 = vector.broadcast %add3A_646 : i32 to vector<16xi32>
      %add3A_648 = arith.addi %mul3A_645, %add3A_647 : vector<16xi32>
      %gather3A_649 = tpu.vector_load_idx %arg19[%add3A_648] : memref<768xf32, #tpu.memory_space<vmem>>[vector<16xi32>], vector<16xf32>,
      %add3A_650 = arith.addf %add3A_618, %gather3A_649 : vector<16xf32>
      %mul3A_651 = arith.constant 16 : i32
      %mul3A_652 = vector.broadcast %mul3A_651 : i32 to vector<16xi32>
      %mul3A_653 = arith.muli %iota3A, %mul3A_652 : vector<16xi32>
      %add3A_654 = arith.constant 526 : i32
      %add3A_655 = vector.broadcast %add3A_654 : i32 to vector<16xi32>
      %add3A_656 = arith.addi %mul3A_653, %add3A_655 : vector<16xi32>
      %gather3A_657 = tpu.vector_load_idx %arg19[%add3A_656] : memref<768xf32, #tpu.memory_space<vmem>>[vector<16xi32>], vector<16xf32>,
      %add3A_658 = arith.addf %add3A_626, %gather3A_657 : vector<16xf32>
      %mul3A_659 = arith.constant 16 : i32
      %mul3A_660 = vector.broadcast %mul3A_659 : i32 to vector<16xi32>
      %mul3A_661 = arith.muli %iota3A, %mul3A_660 : vector<16xi32>
      %add3A_662 = arith.constant 527 : i32
      %add3A_663 = vector.broadcast %add3A_662 : i32 to vector<16xi32>
      %add3A_664 = arith.addi %mul3A_661, %add3A_663 : vector<16xi32>
      %gather3A_665 = tpu.vector_load_idx %arg19[%add3A_664] : memref<768xf32, #tpu.memory_space<vmem>>[vector<16xi32>], vector<16xf32>,
      %add3A_666 = arith.addf %add3A_634, %gather3A_665 : vector<16xf32>
      %add3A_667 = arith.addf %add3A_642, %add3A_650 : vector<16xf32>
      %add3A_668 = arith.addf %add3A_658, %add3A_666 : vector<16xf32>
      %add3A_669 = arith.addf %add3A_667, %add3A_668 : vector<16xf32>
      %exp3A_670 = math.exp %add3A_669 : vector<16xf32>
      %swap3A_671 = arith.constant 0 : i32
      %swap3A_672 = arith.index_cast %swap3A_671 : i32 to index
      %swap3A_673 = arith.constant 32 : index
      %swap3A_674 = tpu.vector_load %arg18[%swap3A_672, %swap3A_673] {strides = array<i32>} : memref<2x48xf32, #tpu.memory_space<vmem>>, vector<16xf32>,
      tpu.vector_store %arg18[%swap3A_672, %swap3A_673], %exp3A_670 {strides = array<i32>} : memref<2x48xf32, #tpu.memory_space<vmem>>, vector<16xf32>,
      %parallel_loop3A_675 = arith.constant 0 : i32
      %parallel_loop3A_676 = arith.constant 40 : i32
      %parallel_loop3A_677 = arith.constant 1 : i32
      scf.for %parallel_loop3A_1236 = %parallel_loop3A_675 to %parallel_loop3A_676 step %parallel_loop3A_677  : i32 {
        %parallel_loop3A_1237 = arith.constant 0 : i32
        %parallel_loop3A_1238 = vector.broadcast %parallel_loop3A_1237 : i32 to vector<16xi32>
        %parallel_loop3A_1239 = vector.broadcast %parallel_loop3A_1236 : i32 to vector<16xi32>
        %parallel_loop3A_1240 = arith.addi %parallel_loop3A_1238, %parallel_loop3A_1239 : vector<16xi32>
        %parallel_loop3A_1241 = arith.constant 0 : i32
        %parallel_loop3A_1242 = arith.constant 0 : i32
        %parallel_loop3A_1243 = tpu.memref_slice %arg18[%parallel_loop3A_1241, %parallel_loop3A_1242] : memref<2x48xf32, #tpu.memory_space<vmem>> -> memref<1x48xf32, #tpu.memory_space<vmem>>
        %parallel_loop3A_1244 = tpu.memref_squeeze %parallel_loop3A_1243 : memref<1x48xf32, #tpu.memory_space<vmem>> -> memref<48xf32, #tpu.memory_space<vmem>>
        %parallel_loop3A_1245 = tpu.vector_load_idx %parallel_loop3A_1244[%parallel_loop3A_1240] : memref<48xf32, #tpu.memory_space<vmem>>[vector<16xi32>], vector<16xf32>,
        %parallel_loop3A_1246 = arith.constant 0 : i32
        %parallel_loop3A_1247 = arith.index_cast %parallel_loop3A_1246 : i32 to index
        %parallel_loop3A_1248 = arith.index_cast %parallel_loop3A_1236 : i32 to index
        %parallel_loop3A_1249 = arith.constant 0 : index
        %parallel_loop3A_1250 = tpu.vector_load %arg15[%parallel_loop3A_1247, %parallel_loop3A_1248, %parallel_loop3A_1249] {strides = array<i32>} : memref<2x40x128xf32, #tpu.memory_space<vmem>>, vector<16xf32>,
        %parallel_loop3A_1251 = arith.mulf %parallel_loop3A_1250, %parallel_loop3A_1245 : vector<16xf32>
        %parallel_loop3A_1252 = arith.constant 0 : i32
        %parallel_loop3A_1253 = arith.index_cast %parallel_loop3A_1252 : i32 to index
        %parallel_loop3A_1254 = arith.index_cast %parallel_loop3A_1236 : i32 to index
        %parallel_loop3A_1255 = arith.constant 0 : index
        %parallel_loop3A_1256 = tpu.vector_load %arg15[%parallel_loop3A_1253, %parallel_loop3A_1254, %parallel_loop3A_1255] {strides = array<i32>} : memref<2x40x128xf32, #tpu.memory_space<vmem>>, vector<16xf32>,
        tpu.vector_store %arg15[%parallel_loop3A_1253, %parallel_loop3A_1254, %parallel_loop3A_1255], %parallel_loop3A_1251 {strides = array<i32>} : memref<2x40x128xf32, #tpu.memory_space<vmem>>, vector<16xf32>,
        %parallel_loop3A_1257 = arith.constant 0 : i32
        %parallel_loop3A_1258 = arith.index_cast %parallel_loop3A_1257 : i32 to index
        %parallel_loop3A_1259 = arith.index_cast %parallel_loop3A_1236 : i32 to index
        %parallel_loop3A_1260 = arith.constant 16 : index
        %parallel_loop3A_1261 = tpu.vector_load %arg15[%parallel_loop3A_1258, %parallel_loop3A_1259, %parallel_loop3A_1260] {strides = array<i32>} : memref<2x40x128xf32, #tpu.memory_space<vmem>>, vector<16xf32>,
        %parallel_loop3A_1262 = arith.mulf %parallel_loop3A_1261, %parallel_loop3A_1245 : vector<16xf32>
        %parallel_loop3A_1263 = arith.constant 0 : i32
        %parallel_loop3A_1264 = arith.index_cast %parallel_loop3A_1263 : i32 to index
        %parallel_loop3A_1265 = arith.index_cast %parallel_loop3A_1236 : i32 to index
        %parallel_loop3A_1266 = arith.constant 16 : index
        %parallel_loop3A_1267 = tpu.vector_load %arg15[%parallel_loop3A_1264, %parallel_loop3A_1265, %parallel_loop3A_1266] {strides = array<i32>} : memref<2x40x128xf32, #tpu.memory_space<vmem>>, vector<16xf32>,
        tpu.vector_store %arg15[%parallel_loop3A_1264, %parallel_loop3A_1265, %parallel_loop3A_1266], %parallel_loop3A_1262 {strides = array<i32>} : memref<2x40x128xf32, #tpu.memory_space<vmem>>, vector<16xf32>,
        %parallel_loop3A_1268 = arith.constant 0 : i32
        %parallel_loop3A_1269 = arith.index_cast %parallel_loop3A_1268 : i32 to index
        %parallel_loop3A_1270 = arith.index_cast %parallel_loop3A_1236 : i32 to index
        %parallel_loop3A_1271 = arith.constant 32 : index
        %parallel_loop3A_1272 = tpu.vector_load %arg15[%parallel_loop3A_1269, %parallel_loop3A_1270, %parallel_loop3A_1271] {strides = array<i32>} : memref<2x40x128xf32, #tpu.memory_space<vmem>>, vector<16xf32>,
        %parallel_loop3A_1273 = arith.mulf %parallel_loop3A_1272, %parallel_loop3A_1245 : vector<16xf32>
        %parallel_loop3A_1274 = arith.constant 0 : i32
        %parallel_loop3A_1275 = arith.index_cast %parallel_loop3A_1274 : i32 to index
        %parallel_loop3A_1276 = arith.index_cast %parallel_loop3A_1236 : i32 to index
        %parallel_loop3A_1277 = arith.constant 32 : index
        %parallel_loop3A_1278 = tpu.vector_load %arg15[%parallel_loop3A_1275, %parallel_loop3A_1276, %parallel_loop3A_1277] {strides = array<i32>} : memref<2x40x128xf32, #tpu.memory_space<vmem>>, vector<16xf32>,
        tpu.vector_store %arg15[%parallel_loop3A_1275, %parallel_loop3A_1276, %parallel_loop3A_1277], %parallel_loop3A_1273 {strides = array<i32>} : memref<2x40x128xf32, #tpu.memory_space<vmem>>, vector<16xf32>,
        %parallel_loop3A_1279 = arith.constant 0 : i32
        %parallel_loop3A_1280 = arith.index_cast %parallel_loop3A_1279 : i32 to index
        %parallel_loop3A_1281 = arith.index_cast %parallel_loop3A_1236 : i32 to index
        %parallel_loop3A_1282 = arith.constant 48 : index
        %parallel_loop3A_1283 = tpu.vector_load %arg15[%parallel_loop3A_1280, %parallel_loop3A_1281, %parallel_loop3A_1282] {strides = array<i32>} : memref<2x40x128xf32, #tpu.memory_space<vmem>>, vector<16xf32>,
        %parallel_loop3A_1284 = arith.mulf %parallel_loop3A_1283, %parallel_loop3A_1245 : vector<16xf32>
        %parallel_loop3A_1285 = arith.constant 0 : i32
        %parallel_loop3A_1286 = arith.index_cast %parallel_loop3A_1285 : i32 to index
        %parallel_loop3A_1287 = arith.index_cast %parallel_loop3A_1236 : i32 to index
        %parallel_loop3A_1288 = arith.constant 48 : index
        %parallel_loop3A_1289 = tpu.vector_load %arg15[%parallel_loop3A_1286, %parallel_loop3A_1287, %parallel_loop3A_1288] {strides = array<i32>} : memref<2x40x128xf32, #tpu.memory_space<vmem>>, vector<16xf32>,
        tpu.vector_store %arg15[%parallel_loop3A_1286, %parallel_loop3A_1287, %parallel_loop3A_1288], %parallel_loop3A_1284 {strides = array<i32>} : memref<2x40x128xf32, #tpu.memory_space<vmem>>, vector<16xf32>,
        %parallel_loop3A_1290 = arith.constant 0 : i32
        %parallel_loop3A_1291 = arith.index_cast %parallel_loop3A_1290 : i32 to index
        %parallel_loop3A_1292 = arith.index_cast %parallel_loop3A_1236 : i32 to index
        %parallel_loop3A_1293 = arith.constant 64 : index
        %parallel_loop3A_1294 = tpu.vector_load %arg15[%parallel_loop3A_1291, %parallel_loop3A_1292, %parallel_loop3A_1293] {strides = array<i32>} : memref<2x40x128xf32, #tpu.memory_space<vmem>>, vector<16xf32>,
        %parallel_loop3A_1295 = arith.mulf %parallel_loop3A_1294, %parallel_loop3A_1245 : vector<16xf32>
        %parallel_loop3A_1296 = arith.constant 0 : i32
        %parallel_loop3A_1297 = arith.index_cast %parallel_loop3A_1296 : i32 to index
        %parallel_loop3A_1298 = arith.index_cast %parallel_loop3A_1236 : i32 to index
        %parallel_loop3A_1299 = arith.constant 64 : index
        %parallel_loop3A_1300 = tpu.vector_load %arg15[%parallel_loop3A_1297, %parallel_loop3A_1298, %parallel_loop3A_1299] {strides = array<i32>} : memref<2x40x128xf32, #tpu.memory_space<vmem>>, vector<16xf32>,
        tpu.vector_store %arg15[%parallel_loop3A_1297, %parallel_loop3A_1298, %parallel_loop3A_1299], %parallel_loop3A_1295 {strides = array<i32>} : memref<2x40x128xf32, #tpu.memory_space<vmem>>, vector<16xf32>,
        %parallel_loop3A_1301 = arith.constant 0 : i32
        %parallel_loop3A_1302 = arith.index_cast %parallel_loop3A_1301 : i32 to index
        %parallel_loop3A_1303 = arith.index_cast %parallel_loop3A_1236 : i32 to index
        %parallel_loop3A_1304 = arith.constant 80 : index
        %parallel_loop3A_1305 = tpu.vector_load %arg15[%parallel_loop3A_1302, %parallel_loop3A_1303, %parallel_loop3A_1304] {strides = array<i32>} : memref<2x40x128xf32, #tpu.memory_space<vmem>>, vector<16xf32>,
        %parallel_loop3A_1306 = arith.mulf %parallel_loop3A_1305, %parallel_loop3A_1245 : vector<16xf32>
        %parallel_loop3A_1307 = arith.constant 0 : i32
        %parallel_loop3A_1308 = arith.index_cast %parallel_loop3A_1307 : i32 to index
        %parallel_loop3A_1309 = arith.index_cast %parallel_loop3A_1236 : i32 to index
        %parallel_loop3A_1310 = arith.constant 80 : index
        %parallel_loop3A_1311 = tpu.vector_load %arg15[%parallel_loop3A_1308, %parallel_loop3A_1309, %parallel_loop3A_1310] {strides = array<i32>} : memref<2x40x128xf32, #tpu.memory_space<vmem>>, vector<16xf32>,
        tpu.vector_store %arg15[%parallel_loop3A_1308, %parallel_loop3A_1309, %parallel_loop3A_1310], %parallel_loop3A_1306 {strides = array<i32>} : memref<2x40x128xf32, #tpu.memory_space<vmem>>, vector<16xf32>,
        %parallel_loop3A_1312 = arith.constant 0 : i32
        %parallel_loop3A_1313 = arith.index_cast %parallel_loop3A_1312 : i32 to index
        %parallel_loop3A_1314 = arith.index_cast %parallel_loop3A_1236 : i32 to index
        %parallel_loop3A_1315 = arith.constant 96 : index
        %parallel_loop3A_1316 = tpu.vector_load %arg15[%parallel_loop3A_1313, %parallel_loop3A_1314, %parallel_loop3A_1315] {strides = array<i32>} : memref<2x40x128xf32, #tpu.memory_space<vmem>>, vector<16xf32>,
        %parallel_loop3A_1317 = arith.mulf %parallel_loop3A_1316, %parallel_loop3A_1245 : vector<16xf32>
        %parallel_loop3A_1318 = arith.constant 0 : i32
        %parallel_loop3A_1319 = arith.index_cast %parallel_loop3A_1318 : i32 to index
        %parallel_loop3A_1320 = arith.index_cast %parallel_loop3A_1236 : i32 to index
        %parallel_loop3A_1321 = arith.constant 96 : index
        %parallel_loop3A_1322 = tpu.vector_load %arg15[%parallel_loop3A_1319, %parallel_loop3A_1320, %parallel_loop3A_1321] {strides = array<i32>} : memref<2x40x128xf32, #tpu.memory_space<vmem>>, vector<16xf32>,
        tpu.vector_store %arg15[%parallel_loop3A_1319, %parallel_loop3A_1320, %parallel_loop3A_1321], %parallel_loop3A_1317 {strides = array<i32>} : memref<2x40x128xf32, #tpu.memory_space<vmem>>, vector<16xf32>,
        %parallel_loop3A_1323 = arith.constant 0 : i32
        %parallel_loop3A_1324 = arith.index_cast %parallel_loop3A_1323 : i32 to index
        %parallel_loop3A_1325 = arith.index_cast %parallel_loop3A_1236 : i32 to index
        %parallel_loop3A_1326 = arith.constant 112 : index
        %parallel_loop3A_1327 = tpu.vector_load %arg15[%parallel_loop3A_1324, %parallel_loop3A_1325, %parallel_loop3A_1326] {strides = array<i32>} : memref<2x40x128xf32, #tpu.memory_space<vmem>>, vector<16xf32>,
        %parallel_loop3A_1328 = arith.mulf %parallel_loop3A_1327, %parallel_loop3A_1245 : vector<16xf32>
        %parallel_loop3A_1329 = arith.constant 0 : i32
        %parallel_loop3A_1330 = arith.index_cast %parallel_loop3A_1329 : i32 to index
        %parallel_loop3A_1331 = arith.index_cast %parallel_loop3A_1236 : i32 to index
        %parallel_loop3A_1332 = arith.constant 112 : index
        %parallel_loop3A_1333 = tpu.vector_load %arg15[%parallel_loop3A_1330, %parallel_loop3A_1331, %parallel_loop3A_1332] {strides = array<i32>} : memref<2x40x128xf32, #tpu.memory_space<vmem>>, vector<16xf32>,
        tpu.vector_store %arg15[%parallel_loop3A_1330, %parallel_loop3A_1331, %parallel_loop3A_1332], %parallel_loop3A_1328 {strides = array<i32>} : memref<2x40x128xf32, #tpu.memory_space<vmem>>, vector<16xf32>,
      } {sc.loop_unroll_factor = 4 : i64, sc.parallel_access}
      %dma_start3A_678 = arith.constant 0 : i32
      %dma_start3A_679 = arith.constant 0 : i32
      %dma_start3A_680 = arith.constant 0 : i32
      %dma_start3A_681 = arith.constant 0 : i32
      %dma_start3A_682 = tpu.memref_slice %arg15[%dma_start3A_678, %dma_start3A_680, %dma_start3A_681] : memref<2x40x128xf32, #tpu.memory_space<vmem>> -> memref<1x40x128xf32, #tpu.memory_space<vmem>>
      %dma_start3A_683 = tpu.memref_squeeze %dma_start3A_682 : memref<1x40x128xf32, #tpu.memory_space<vmem>> -> memref<40x128xf32, #tpu.memory_space<vmem>>
      %dma_start3A_684 = arith.constant 0 : i32
      %dma_start3A_685 = tpu.memref_slice %arg14[%dma_start3A_679, %dma_start3A_684] : memref<2x40xi32, #tpu.memory_space<vmem>> -> memref<1x40xi32, #tpu.memory_space<vmem>>
      %dma_start3A_686 = tpu.memref_squeeze %dma_start3A_685 : memref<1x40xi32, #tpu.memory_space<vmem>> -> memref<40xi32, #tpu.memory_space<vmem>>
      %dma_start3A_687 = arith.constant 0 : i32
      %dma_start3A_688 = arith.constant 0 : i32
      %dma_start3A_689 = tpu.memref_slice %arg10[%dma_start3A_687, %dma_start3A_688] : memref<10240x128xf32, #tpu.memory_space<vmem_shared>> -> memref<10240x128xf32, #tpu.memory_space<vmem_shared>>
      tpu.enqueue_indirect_dma source(%dma_start3A_683 : memref<40x128xf32, #tpu.memory_space<vmem>>) target(%dma_start3A_689 : memref<10240x128xf32, #tpu.memory_space<vmem_shared>>) offsets(%dma_start3A_686 : memref<40xi32, #tpu.memory_space<vmem>>) semaphore(%arg30 : memref<!tpu.dma_semaphore, #tpu.memory_space<semaphore_mem>>) {add = true}
      %dma_start3A_690 = arith.constant 0 : i32
      %dma_start3A_691 = arith.constant 0 : i32
      %dma_start3A_692 = arith.constant 0 : i32
      %dma_start3A_693 = tpu.memref_slice %arg18[%dma_start3A_690, %dma_start3A_692] : memref<2x48xf32, #tpu.memory_space<vmem>> -> memref<1x40xf32, #tpu.memory_space<vmem>>
      %dma_start3A_694 = tpu.memref_squeeze %dma_start3A_693 : memref<1x40xf32, #tpu.memory_space<vmem>> -> memref<40xf32, #tpu.memory_space<vmem>>
      %dma_start3A_695 = arith.constant 0 : i32
      %dma_start3A_696 = tpu.memref_slice %arg14[%dma_start3A_691, %dma_start3A_695] : memref<2x40xi32, #tpu.memory_space<vmem>> -> memref<1x40xi32, #tpu.memory_space<vmem>>
      %dma_start3A_697 = tpu.memref_squeeze %dma_start3A_696 : memref<1x40xi32, #tpu.memory_space<vmem>> -> memref<40xi32, #tpu.memory_space<vmem>>
      %dma_start3A_698 = arith.constant 0 : i32
      %dma_start3A_699 = tpu.memref_slice %arg11[%dma_start3A_698] : memref<10240xf32, #tpu.memory_space<vmem_shared>> -> memref<10240xf32, #tpu.memory_space<vmem_shared>>
      tpu.enqueue_indirect_dma source(%dma_start3A_694 : memref<40xf32, #tpu.memory_space<vmem>>) target(%dma_start3A_699 : memref<10240xf32, #tpu.memory_space<vmem_shared>>) offsets(%dma_start3A_697 : memref<40xi32, #tpu.memory_space<vmem>>) semaphore(%arg32 : memref<!tpu.dma_semaphore, #tpu.memory_space<semaphore_mem>>) {add = true}
      %add3A_700 = arith.constant 2 : i32
      %add3A_701 = arith.addi %mul3A_190, %add3A_700 : i32
      %lt3A_702 = arith.constant 250 : i32
      %lt3A_703 = arith.cmpi slt, %add3A_701, %lt3A_702 : i32
      %convert_element_type3A_704 = arith.extui %lt3A_703 : i1 to i32
      %cond3A_705 = arith.constant 0 : i32
      %cond3A_706 = arith.cmpi ne, %convert_element_type3A_704, %cond3A_705 : i32
      scf.if %cond3A_706 {
        %add3A_1236 = arith.constant 2 : i32
        %add3A_1237 = arith.addi %mul3A_190, %add3A_1236 : i32
        %mul3A_1238 = arith.constant 10000 : i32
        %mul3A_1239 = arith.muli %add3A, %mul3A_1238 : i32
        %mul3A_1240 = arith.constant 40 : i32
        %mul3A_1241 = arith.muli %add3A_1237, %mul3A_1240 : i32
        %add3A_1242 = arith.addi %mul3A_1239, %mul3A_1241 : i32
        %dma_start3A_1243 = arith.constant 0 : i32
        %dma_start3A_1244 = arith.constant 0 : i32
        %dma_start3A_1245 = tpu.memref_slice %arg12[%dma_start3A_1243, %dma_start3A_1244] : memref<2x48xi32, #tpu.memory_space<vmem>> -> memref<1x40xi32, #tpu.memory_space<vmem>>
        %dma_start3A_1246 = tpu.memref_squeeze %dma_start3A_1245 : memref<1x40xi32, #tpu.memory_space<vmem>> -> memref<40xi32, #tpu.memory_space<vmem>>
        %dma_start3A_1247 = tpu.memref_slice %arg5[%add3A_1242] : memref<320000xi32, #tpu.memory_space<hbm>> -> memref<40xi32, #tpu.memory_space<hbm>>
        %dma_start3A_1248 = arith.constant 0 : i32
        %dma_start3A_1249 = tpu.memref_slice %arg12[%dma_start3A_1243, %dma_start3A_1248] : memref<2x48xi32, #tpu.memory_space<vmem>> -> memref<1x40xi32, #tpu.memory_space<vmem>>
        %dma_start3A_1250 = tpu.memref_squeeze %dma_start3A_1249 : memref<1x40xi32, #tpu.memory_space<vmem>> -> memref<40xi32, #tpu.memory_space<vmem>>
        %dma_start3A_1251 = tpu.memref_slice %arg5[%add3A_1242] : memref<320000xi32, #tpu.memory_space<hbm>> -> memref<40xi32, #tpu.memory_space<hbm>>
        tpu.enqueue_dma source(%dma_start3A_1251 : memref<40xi32, #tpu.memory_space<hbm>>) target(%dma_start3A_1250 : memref<40xi32, #tpu.memory_space<vmem>>) target_semaphore(%arg22 : memref<!tpu.dma_semaphore, #tpu.memory_space<semaphore_mem>>)
        %mul3A_1252 = arith.constant 10000 : i32
        %mul3A_1253 = arith.muli %add3A, %mul3A_1252 : i32
        %mul3A_1254 = arith.constant 40 : i32
        %mul3A_1255 = arith.muli %add3A_1237, %mul3A_1254 : i32
        %add3A_1256 = arith.addi %mul3A_1253, %mul3A_1255 : i32
        %dma_start3A_1257 = arith.constant 0 : i32
        %dma_start3A_1258 = arith.constant 0 : i32
        %dma_start3A_1259 = tpu.memref_slice %arg13[%dma_start3A_1257, %dma_start3A_1258] : memref<2x48xi32, #tpu.memory_space<vmem>> -> memref<1x40xi32, #tpu.memory_space<vmem>>
        %dma_start3A_1260 = tpu.memref_squeeze %dma_start3A_1259 : memref<1x40xi32, #tpu.memory_space<vmem>> -> memref<40xi32, #tpu.memory_space<vmem>>
        %dma_start3A_1261 = tpu.memref_slice %arg6[%add3A_1256] : memref<320000xi32, #tpu.memory_space<hbm>> -> memref<40xi32, #tpu.memory_space<hbm>>
        %dma_start3A_1262 = arith.constant 0 : i32
        %dma_start3A_1263 = tpu.memref_slice %arg13[%dma_start3A_1257, %dma_start3A_1262] : memref<2x48xi32, #tpu.memory_space<vmem>> -> memref<1x40xi32, #tpu.memory_space<vmem>>
        %dma_start3A_1264 = tpu.memref_squeeze %dma_start3A_1263 : memref<1x40xi32, #tpu.memory_space<vmem>> -> memref<40xi32, #tpu.memory_space<vmem>>
        %dma_start3A_1265 = tpu.memref_slice %arg6[%add3A_1256] : memref<320000xi32, #tpu.memory_space<hbm>> -> memref<40xi32, #tpu.memory_space<hbm>>
        tpu.enqueue_dma source(%dma_start3A_1265 : memref<40xi32, #tpu.memory_space<hbm>>) target(%dma_start3A_1264 : memref<40xi32, #tpu.memory_space<vmem>>) target_semaphore(%arg22 : memref<!tpu.dma_semaphore, #tpu.memory_space<semaphore_mem>>)
      } else {
      }
      %mul3A_707 = arith.constant 2 : i32
      %mul3A_708 = arith.muli %mul3A_707, %scan3A_187 : i32
      %add3A_709 = arith.constant 1 : i32
      %add3A_710 = arith.addi %mul3A_708, %add3A_709 : i32
      %ge3A_711 = arith.constant 1 : i32
      %ge3A_712 = arith.cmpi sge, %add3A_710, %ge3A_711 : i32
      %convert_element_type3A_713 = arith.extui %ge3A_712 : i1 to i32
      %cond3A_714 = arith.constant 0 : i32
      %cond3A_715 = arith.cmpi ne, %convert_element_type3A_713, %cond3A_714 : i32
      scf.if %cond3A_715 {
        %dma_wait3A_1236 = arith.constant 0 : i32
        %dma_wait3A_1237 = arith.constant 0 : i32
        %dma_wait3A_1238 = arith.constant 0 : i32
        %dma_wait3A_1239 = tpu.memref_slice %arg15[%dma_wait3A_1236, %dma_wait3A_1237, %dma_wait3A_1238] : memref<2x40x128xf32, #tpu.memory_space<vmem>> -> memref<1x40x128xf32, #tpu.memory_space<vmem>>
        %dma_wait3A_1240 = tpu.memref_squeeze %dma_wait3A_1239 : memref<1x40x128xf32, #tpu.memory_space<vmem>> -> memref<40x128xf32, #tpu.memory_space<vmem>>
        %dma_wait3A_1241 = arith.constant 0 : i32
        %dma_wait3A_1242 = arith.constant 0 : i32
        %dma_wait3A_1243 = tpu.memref_slice %arg2[%dma_wait3A_1241, %dma_wait3A_1242] : memref<10000x128xf32, #tpu.memory_space<hbm>> -> memref<40x128xf32, #tpu.memory_space<hbm>>
        %dma_wait3A_1244 = arith.constant 0 : i32
        %dma_wait3A_1245 = arith.constant 0 : i32
        %dma_wait3A_1246 = tpu.memref_slice %arg15[%dma_wait3A_1236, %dma_wait3A_1244, %dma_wait3A_1245] : memref<2x40x128xf32, #tpu.memory_space<vmem>> -> memref<1x40x128xf32, #tpu.memory_space<vmem>>
        %dma_wait3A_1247 = tpu.memref_squeeze %dma_wait3A_1246 : memref<1x40x128xf32, #tpu.memory_space<vmem>> -> memref<40x128xf32, #tpu.memory_space<vmem>>
        %dma_wait3A_1248 = arith.constant 0 : i32
        %dma_wait3A_1249 = arith.constant 0 : i32
        %dma_wait3A_1250 = tpu.memref_slice %arg2[%dma_wait3A_1248, %dma_wait3A_1249] : memref<10000x128xf32, #tpu.memory_space<hbm>> -> memref<40x128xf32, #tpu.memory_space<hbm>>
        tpu.wait_dma2 semaphore(%arg30 : memref<!tpu.dma_semaphore, #tpu.memory_space<semaphore_mem>>) src(%dma_wait3A_1250 : memref<40x128xf32, #tpu.memory_space<hbm>>) dst(%dma_wait3A_1247 : memref<40x128xf32, #tpu.memory_space<vmem>>)
        %dma_wait3A_1251 = arith.constant 0 : i32
        %dma_wait3A_1252 = arith.constant 0 : i32
        %dma_wait3A_1253 = arith.constant 0 : i32
        %dma_wait3A_1254 = tpu.memref_slice %arg18[%dma_wait3A_1252, %dma_wait3A_1253] : memref<2x48xf32, #tpu.memory_space<vmem>> -> memref<1x40xf32, #tpu.memory_space<vmem>>
        %dma_wait3A_1255 = tpu.memref_squeeze %dma_wait3A_1254 : memref<1x40xf32, #tpu.memory_space<vmem>> -> memref<40xf32, #tpu.memory_space<vmem>>
        %dma_wait3A_1256 = arith.constant 0 : i32
        %dma_wait3A_1257 = tpu.memref_slice %arg9[%dma_wait3A_1251, %dma_wait3A_1256] : memref<2x10240xf32, #tpu.memory_space<hbm>> -> memref<1x40xf32, #tpu.memory_space<hbm>>
        %dma_wait3A_1258 = tpu.memref_squeeze %dma_wait3A_1257 : memref<1x40xf32, #tpu.memory_space<hbm>> -> memref<40xf32, #tpu.memory_space<hbm>>
        %dma_wait3A_1259 = arith.constant 0 : i32
        %dma_wait3A_1260 = tpu.memref_slice %arg18[%dma_wait3A_1252, %dma_wait3A_1259] : memref<2x48xf32, #tpu.memory_space<vmem>> -> memref<1x40xf32, #tpu.memory_space<vmem>>
        %dma_wait3A_1261 = tpu.memref_squeeze %dma_wait3A_1260 : memref<1x40xf32, #tpu.memory_space<vmem>> -> memref<40xf32, #tpu.memory_space<vmem>>
        %dma_wait3A_1262 = arith.constant 0 : i32
        %dma_wait3A_1263 = tpu.memref_slice %arg9[%dma_wait3A_1251, %dma_wait3A_1262] : memref<2x10240xf32, #tpu.memory_space<hbm>> -> memref<1x40xf32, #tpu.memory_space<hbm>>
        %dma_wait3A_1264 = tpu.memref_squeeze %dma_wait3A_1263 : memref<1x40xf32, #tpu.memory_space<hbm>> -> memref<40xf32, #tpu.memory_space<hbm>>
        tpu.wait_dma2 semaphore(%arg32 : memref<!tpu.dma_semaphore, #tpu.memory_space<semaphore_mem>>) src(%dma_wait3A_1264 : memref<40xf32, #tpu.memory_space<hbm>>) dst(%dma_wait3A_1261 : memref<40xf32, #tpu.memory_space<vmem>>)
      } else {
      }
      %add3A_716 = arith.constant 1 : i32
      %add3A_717 = arith.addi %add3A_710, %add3A_716 : i32
      %lt3A_718 = arith.constant 250 : i32
      %lt3A_719 = arith.cmpi slt, %add3A_717, %lt3A_718 : i32
      %convert_element_type3A_720 = arith.extui %lt3A_719 : i1 to i32
      %cond3A_721 = arith.constant 0 : i32
      %cond3A_722 = arith.cmpi ne, %convert_element_type3A_720, %cond3A_721 : i32
      scf.if %cond3A_722 {
        %dma_wait3A_1236 = arith.constant 0 : i32
        %dma_wait3A_1237 = arith.constant 0 : i32
        %dma_wait3A_1238 = tpu.memref_slice %arg12[%dma_wait3A_1236, %dma_wait3A_1237] : memref<2x48xi32, #tpu.memory_space<vmem>> -> memref<1x40xi32, #tpu.memory_space<vmem>>
        %dma_wait3A_1239 = tpu.memref_squeeze %dma_wait3A_1238 : memref<1x40xi32, #tpu.memory_space<vmem>> -> memref<40xi32, #tpu.memory_space<vmem>>
        %dma_wait3A_1240 = arith.constant 0 : i32
        %dma_wait3A_1241 = tpu.memref_slice %arg5[%dma_wait3A_1240] : memref<320000xi32, #tpu.memory_space<hbm>> -> memref<40xi32, #tpu.memory_space<hbm>>
        %dma_wait3A_1242 = arith.constant 0 : i32
        %dma_wait3A_1243 = tpu.memref_slice %arg12[%dma_wait3A_1236, %dma_wait3A_1242] : memref<2x48xi32, #tpu.memory_space<vmem>> -> memref<1x40xi32, #tpu.memory_space<vmem>>
        %dma_wait3A_1244 = tpu.memref_squeeze %dma_wait3A_1243 : memref<1x40xi32, #tpu.memory_space<vmem>> -> memref<40xi32, #tpu.memory_space<vmem>>
        %dma_wait3A_1245 = arith.constant 0 : i32
        %dma_wait3A_1246 = tpu.memref_slice %arg5[%dma_wait3A_1245] : memref<320000xi32, #tpu.memory_space<hbm>> -> memref<40xi32, #tpu.memory_space<hbm>>
        tpu.wait_dma2 semaphore(%arg22 : memref<!tpu.dma_semaphore, #tpu.memory_space<semaphore_mem>>) src(%dma_wait3A_1246 : memref<40xi32, #tpu.memory_space<hbm>>) dst(%dma_wait3A_1244 : memref<40xi32, #tpu.memory_space<vmem>>)
        %dma_wait3A_1247 = arith.constant 0 : i32
        %dma_wait3A_1248 = arith.constant 0 : i32
        %dma_wait3A_1249 = tpu.memref_slice %arg13[%dma_wait3A_1247, %dma_wait3A_1248] : memref<2x48xi32, #tpu.memory_space<vmem>> -> memref<1x40xi32, #tpu.memory_space<vmem>>
        %dma_wait3A_1250 = tpu.memref_squeeze %dma_wait3A_1249 : memref<1x40xi32, #tpu.memory_space<vmem>> -> memref<40xi32, #tpu.memory_space<vmem>>
        %dma_wait3A_1251 = arith.constant 0 : i32
        %dma_wait3A_1252 = tpu.memref_slice %arg5[%dma_wait3A_1251] : memref<320000xi32, #tpu.memory_space<hbm>> -> memref<40xi32, #tpu.memory_space<hbm>>
        %dma_wait3A_1253 = arith.constant 0 : i32
        %dma_wait3A_1254 = tpu.memref_slice %arg13[%dma_wait3A_1247, %dma_wait3A_1253] : memref<2x48xi32, #tpu.memory_space<vmem>> -> memref<1x40xi32, #tpu.memory_space<vmem>>
        %dma_wait3A_1255 = tpu.memref_squeeze %dma_wait3A_1254 : memref<1x40xi32, #tpu.memory_space<vmem>> -> memref<40xi32, #tpu.memory_space<vmem>>
        %dma_wait3A_1256 = arith.constant 0 : i32
        %dma_wait3A_1257 = tpu.memref_slice %arg5[%dma_wait3A_1256] : memref<320000xi32, #tpu.memory_space<hbm>> -> memref<40xi32, #tpu.memory_space<hbm>>
        tpu.wait_dma2 semaphore(%arg22 : memref<!tpu.dma_semaphore, #tpu.memory_space<semaphore_mem>>) src(%dma_wait3A_1257 : memref<40xi32, #tpu.memory_space<hbm>>) dst(%dma_wait3A_1255 : memref<40xi32, #tpu.memory_space<vmem>>)
        %add3A_1258 = arith.constant 1 : i32
        %add3A_1259 = arith.addi %add3A_710, %add3A_1258 : i32
        %dma_start3A_1260 = arith.constant 0 : i32
        %dma_start3A_1261 = arith.constant 0 : i32
        %dma_start3A_1262 = arith.constant 0 : i32
        %dma_start3A_1263 = arith.constant 0 : i32
        %dma_start3A_1264 = tpu.memref_slice %arg15[%dma_start3A_1261, %dma_start3A_1262, %dma_start3A_1263] : memref<2x40x128xf32, #tpu.memory_space<vmem>> -> memref<1x40x128xf32, #tpu.memory_space<vmem>>
        %dma_start3A_1265 = tpu.memref_squeeze %dma_start3A_1264 : memref<1x40x128xf32, #tpu.memory_space<vmem>> -> memref<40x128xf32, #tpu.memory_space<vmem>>
        %dma_start3A_1266 = arith.constant 0 : i32
        %dma_start3A_1267 = tpu.memref_slice %arg12[%dma_start3A_1260, %dma_start3A_1266] : memref<2x48xi32, #tpu.memory_space<vmem>> -> memref<1x40xi32, #tpu.memory_space<vmem>>
        %dma_start3A_1268 = tpu.memref_squeeze %dma_start3A_1267 : memref<1x40xi32, #tpu.memory_space<vmem>> -> memref<40xi32, #tpu.memory_space<vmem>>
        %dma_start3A_1269 = arith.constant 0 : i32
        %dma_start3A_1270 = arith.constant 0 : i32
        %dma_start3A_1271 = tpu.memref_slice %arg2[%dma_start3A_1269, %dma_start3A_1270] : memref<10000x128xf32, #tpu.memory_space<hbm>> -> memref<10000x128xf32, #tpu.memory_space<hbm>>
        tpu.enqueue_indirect_dma source(%dma_start3A_1271 : memref<10000x128xf32, #tpu.memory_space<hbm>>) target(%dma_start3A_1265 : memref<40x128xf32, #tpu.memory_space<vmem>>) offsets(%dma_start3A_1268 : memref<40xi32, #tpu.memory_space<vmem>>) semaphore(%arg24 : memref<!tpu.dma_semaphore, #tpu.memory_space<semaphore_mem>>)
        %dma_start3A_1272 = arith.constant 0 : i32
        %dma_start3A_1273 = arith.constant 0 : i32
        %dma_start3A_1274 = arith.constant 0 : i32
        %dma_start3A_1275 = arith.constant 0 : i32
        %dma_start3A_1276 = tpu.memref_slice %arg16[%dma_start3A_1273, %dma_start3A_1274, %dma_start3A_1275] : memref<2x40x128xf32, #tpu.memory_space<vmem>> -> memref<1x40x128xf32, #tpu.memory_space<vmem>>
        %dma_start3A_1277 = tpu.memref_squeeze %dma_start3A_1276 : memref<1x40x128xf32, #tpu.memory_space<vmem>> -> memref<40x128xf32, #tpu.memory_space<vmem>>
        %dma_start3A_1278 = arith.constant 0 : i32
        %dma_start3A_1279 = tpu.memref_slice %arg13[%dma_start3A_1272, %dma_start3A_1278] : memref<2x48xi32, #tpu.memory_space<vmem>> -> memref<1x40xi32, #tpu.memory_space<vmem>>
        %dma_start3A_1280 = tpu.memref_squeeze %dma_start3A_1279 : memref<1x40xi32, #tpu.memory_space<vmem>> -> memref<40xi32, #tpu.memory_space<vmem>>
        %dma_start3A_1281 = arith.constant 0 : i32
        %dma_start3A_1282 = arith.constant 0 : i32
        %dma_start3A_1283 = tpu.memref_slice %arg3[%dma_start3A_1281, %dma_start3A_1282] : memref<10000x128xf32, #tpu.memory_space<hbm>> -> memref<10000x128xf32, #tpu.memory_space<hbm>>
        tpu.enqueue_indirect_dma source(%dma_start3A_1283 : memref<10000x128xf32, #tpu.memory_space<hbm>>) target(%dma_start3A_1277 : memref<40x128xf32, #tpu.memory_space<vmem>>) offsets(%dma_start3A_1280 : memref<40xi32, #tpu.memory_space<vmem>>) semaphore(%arg26 : memref<!tpu.dma_semaphore, #tpu.memory_space<semaphore_mem>>)
        %mul3A_1284 = arith.constant 10000 : i32
        %mul3A_1285 = arith.muli %add3A, %mul3A_1284 : i32
        %mul3A_1286 = arith.constant 40 : i32
        %mul3A_1287 = arith.muli %add3A_1259, %mul3A_1286 : i32
        %add3A_1288 = arith.addi %mul3A_1285, %mul3A_1287 : i32
        %dma_start3A_1289 = arith.constant 0 : i32
        %dma_start3A_1290 = arith.constant 0 : i32
        %dma_start3A_1291 = arith.constant 0 : i32
        %dma_start3A_1292 = tpu.memref_slice %arg17[%dma_start3A_1289, %dma_start3A_1290, %dma_start3A_1291] : memref<2x40x128xf32, #tpu.memory_space<vmem>> -> memref<1x40x128xf32, #tpu.memory_space<vmem>>
        %dma_start3A_1293 = tpu.memref_squeeze %dma_start3A_1292 : memref<1x40x128xf32, #tpu.memory_space<vmem>> -> memref<40x128xf32, #tpu.memory_space<vmem>>
        %dma_start3A_1294 = arith.constant 0 : i32
        %dma_start3A_1295 = tpu.memref_slice %arg4[%add3A_1288, %dma_start3A_1294] : memref<320000x128xf32, #tpu.memory_space<hbm>> -> memref<40x128xf32, #tpu.memory_space<hbm>>
        %dma_start3A_1296 = arith.constant 0 : i32
        %dma_start3A_1297 = arith.constant 0 : i32
        %dma_start3A_1298 = tpu.memref_slice %arg17[%dma_start3A_1289, %dma_start3A_1296, %dma_start3A_1297] : memref<2x40x128xf32, #tpu.memory_space<vmem>> -> memref<1x40x128xf32, #tpu.memory_space<vmem>>
        %dma_start3A_1299 = tpu.memref_squeeze %dma_start3A_1298 : memref<1x40x128xf32, #tpu.memory_space<vmem>> -> memref<40x128xf32, #tpu.memory_space<vmem>>
        %dma_start3A_1300 = arith.constant 0 : i32
        %dma_start3A_1301 = tpu.memref_slice %arg4[%add3A_1288, %dma_start3A_1300] : memref<320000x128xf32, #tpu.memory_space<hbm>> -> memref<40x128xf32, #tpu.memory_space<hbm>>
        tpu.enqueue_dma source(%dma_start3A_1301 : memref<40x128xf32, #tpu.memory_space<hbm>>) target(%dma_start3A_1299 : memref<40x128xf32, #tpu.memory_space<vmem>>) target_semaphore(%arg28 : memref<!tpu.dma_semaphore, #tpu.memory_space<semaphore_mem>>)
      } else {
      }
      %dma_wait3A_723 = arith.constant 1 : i32
      %dma_wait3A_724 = arith.constant 0 : i32
      %dma_wait3A_725 = arith.constant 0 : i32
      %dma_wait3A_726 = tpu.memref_slice %arg15[%dma_wait3A_723, %dma_wait3A_724, %dma_wait3A_725] : memref<2x40x128xf32, #tpu.memory_space<vmem>> -> memref<1x40x128xf32, #tpu.memory_space<vmem>>
      %dma_wait3A_727 = tpu.memref_squeeze %dma_wait3A_726 : memref<1x40x128xf32, #tpu.memory_space<vmem>> -> memref<40x128xf32, #tpu.memory_space<vmem>>
      %dma_wait3A_728 = arith.constant 0 : i32
      %dma_wait3A_729 = arith.constant 0 : i32
      %dma_wait3A_730 = tpu.memref_slice %arg2[%dma_wait3A_728, %dma_wait3A_729] : memref<10000x128xf32, #tpu.memory_space<hbm>> -> memref<40x128xf32, #tpu.memory_space<hbm>>
      %dma_wait3A_731 = arith.constant 0 : i32
      %dma_wait3A_732 = arith.constant 0 : i32
      %dma_wait3A_733 = tpu.memref_slice %arg15[%dma_wait3A_723, %dma_wait3A_731, %dma_wait3A_732] : memref<2x40x128xf32, #tpu.memory_space<vmem>> -> memref<1x40x128xf32, #tpu.memory_space<vmem>>
      %dma_wait3A_734 = tpu.memref_squeeze %dma_wait3A_733 : memref<1x40x128xf32, #tpu.memory_space<vmem>> -> memref<40x128xf32, #tpu.memory_space<vmem>>
      %dma_wait3A_735 = arith.constant 0 : i32
      %dma_wait3A_736 = arith.constant 0 : i32
      %dma_wait3A_737 = tpu.memref_slice %arg2[%dma_wait3A_735, %dma_wait3A_736] : memref<10000x128xf32, #tpu.memory_space<hbm>> -> memref<40x128xf32, #tpu.memory_space<hbm>>
      tpu.wait_dma2 semaphore(%arg25 : memref<!tpu.dma_semaphore, #tpu.memory_space<semaphore_mem>>) src(%dma_wait3A_737 : memref<40x128xf32, #tpu.memory_space<hbm>>) dst(%dma_wait3A_734 : memref<40x128xf32, #tpu.memory_space<vmem>>)
      %dma_wait3A_738 = arith.constant 1 : i32
      %dma_wait3A_739 = arith.constant 0 : i32
      %dma_wait3A_740 = arith.constant 0 : i32
      %dma_wait3A_741 = tpu.memref_slice %arg16[%dma_wait3A_738, %dma_wait3A_739, %dma_wait3A_740] : memref<2x40x128xf32, #tpu.memory_space<vmem>> -> memref<1x40x128xf32, #tpu.memory_space<vmem>>
      %dma_wait3A_742 = tpu.memref_squeeze %dma_wait3A_741 : memref<1x40x128xf32, #tpu.memory_space<vmem>> -> memref<40x128xf32, #tpu.memory_space<vmem>>
      %dma_wait3A_743 = arith.constant 0 : i32
      %dma_wait3A_744 = arith.constant 0 : i32
      %dma_wait3A_745 = tpu.memref_slice %arg2[%dma_wait3A_743, %dma_wait3A_744] : memref<10000x128xf32, #tpu.memory_space<hbm>> -> memref<40x128xf32, #tpu.memory_space<hbm>>
      %dma_wait3A_746 = arith.constant 0 : i32
      %dma_wait3A_747 = arith.constant 0 : i32
      %dma_wait3A_748 = tpu.memref_slice %arg16[%dma_wait3A_738, %dma_wait3A_746, %dma_wait3A_747] : memref<2x40x128xf32, #tpu.memory_space<vmem>> -> memref<1x40x128xf32, #tpu.memory_space<vmem>>
      %dma_wait3A_749 = tpu.memref_squeeze %dma_wait3A_748 : memref<1x40x128xf32, #tpu.memory_space<vmem>> -> memref<40x128xf32, #tpu.memory_space<vmem>>
      %dma_wait3A_750 = arith.constant 0 : i32
      %dma_wait3A_751 = arith.constant 0 : i32
      %dma_wait3A_752 = tpu.memref_slice %arg2[%dma_wait3A_750, %dma_wait3A_751] : memref<10000x128xf32, #tpu.memory_space<hbm>> -> memref<40x128xf32, #tpu.memory_space<hbm>>
      tpu.wait_dma2 semaphore(%arg27 : memref<!tpu.dma_semaphore, #tpu.memory_space<semaphore_mem>>) src(%dma_wait3A_752 : memref<40x128xf32, #tpu.memory_space<hbm>>) dst(%dma_wait3A_749 : memref<40x128xf32, #tpu.memory_space<vmem>>)
      %dma_wait3A_753 = arith.constant 1 : i32
      %dma_wait3A_754 = arith.constant 0 : i32
      %dma_wait3A_755 = arith.constant 0 : i32
      %dma_wait3A_756 = tpu.memref_slice %arg17[%dma_wait3A_753, %dma_wait3A_754, %dma_wait3A_755] : memref<2x40x128xf32, #tpu.memory_space<vmem>> -> memref<1x40x128xf32, #tpu.memory_space<vmem>>
      %dma_wait3A_757 = tpu.memref_squeeze %dma_wait3A_756 : memref<1x40x128xf32, #tpu.memory_space<vmem>> -> memref<40x128xf32, #tpu.memory_space<vmem>>
      %dma_wait3A_758 = arith.constant 0 : i32
      %dma_wait3A_759 = arith.constant 0 : i32
      %dma_wait3A_760 = tpu.memref_slice %arg4[%dma_wait3A_758, %dma_wait3A_759] : memref<320000x128xf32, #tpu.memory_space<hbm>> -> memref<40x128xf32, #tpu.memory_space<hbm>>
      %dma_wait3A_761 = arith.constant 0 : i32
      %dma_wait3A_762 = arith.constant 0 : i32
      %dma_wait3A_763 = tpu.memref_slice %arg17[%dma_wait3A_753, %dma_wait3A_761, %dma_wait3A_762] : memref<2x40x128xf32, #tpu.memory_space<vmem>> -> memref<1x40x128xf32, #tpu.memory_space<vmem>>
      %dma_wait3A_764 = tpu.memref_squeeze %dma_wait3A_763 : memref<1x40x128xf32, #tpu.memory_space<vmem>> -> memref<40x128xf32, #tpu.memory_space<vmem>>
      %dma_wait3A_765 = arith.constant 0 : i32
      %dma_wait3A_766 = arith.constant 0 : i32
      %dma_wait3A_767 = tpu.memref_slice %arg4[%dma_wait3A_765, %dma_wait3A_766] : memref<320000x128xf32, #tpu.memory_space<hbm>> -> memref<40x128xf32, #tpu.memory_space<hbm>>
      tpu.wait_dma2 semaphore(%arg29 : memref<!tpu.dma_semaphore, #tpu.memory_space<semaphore_mem>>) src(%dma_wait3A_767 : memref<40x128xf32, #tpu.memory_space<hbm>>) dst(%dma_wait3A_764 : memref<40x128xf32, #tpu.memory_space<vmem>>)
      %get3A_768 = arith.constant 1 : i32
      %get3A_769 = arith.index_cast %get3A_768 : i32 to index
      %get3A_770 = arith.constant 0 : index
      %get3A_771 = tpu.vector_load %arg13[%get3A_769, %get3A_770] {strides = array<i32>} : memref<2x48xi32, #tpu.memory_space<vmem>>, vector<16xi32>,
      %swap3A_772 = arith.constant 1 : i32
      %swap3A_773 = arith.index_cast %swap3A_772 : i32 to index
      %swap3A_774 = arith.constant 0 : index
      %swap3A_775 = tpu.vector_load %arg14[%swap3A_773, %swap3A_774] {strides = array<i32>} : memref<2x40xi32, #tpu.memory_space<vmem>>, vector<16xi32>,
      tpu.vector_store %arg14[%swap3A_773, %swap3A_774], %get3A_771 {strides = array<i32>} : memref<2x40xi32, #tpu.memory_space<vmem>>, vector<16xi32>,
      %get3A_776 = arith.constant 1 : i32
      %get3A_777 = arith.index_cast %get3A_776 : i32 to index
      %get3A_778 = arith.constant 16 : index
      %get3A_779 = tpu.vector_load %arg13[%get3A_777, %get3A_778] {strides = array<i32>} : memref<2x48xi32, #tpu.memory_space<vmem>>, vector<16xi32>,
      %swap3A_780 = arith.constant 1 : i32
      %swap3A_781 = arith.index_cast %swap3A_780 : i32 to index
      %swap3A_782 = arith.constant 16 : index
      %swap3A_783 = tpu.vector_load %arg14[%swap3A_781, %swap3A_782] {strides = array<i32>} : memref<2x40xi32, #tpu.memory_space<vmem>>, vector<16xi32>,
      tpu.vector_store %arg14[%swap3A_781, %swap3A_782], %get3A_779 {strides = array<i32>} : memref<2x40xi32, #tpu.memory_space<vmem>>, vector<16xi32>,
      %get3A_784 = arith.constant 1 : i32
      %get3A_785 = arith.index_cast %get3A_784 : i32 to index
      %get3A_786 = arith.constant 24 : index
      %get3A_787 = tpu.vector_load %arg13[%get3A_785, %get3A_786] {strides = array<i32>} : memref<2x48xi32, #tpu.memory_space<vmem>>, vector<16xi32>,
      %swap3A_788 = arith.constant 1 : i32
      %swap3A_789 = arith.index_cast %swap3A_788 : i32 to index
      %swap3A_790 = arith.constant 24 : index
      %swap3A_791 = tpu.vector_load %arg14[%swap3A_789, %swap3A_790] {strides = array<i32>} : memref<2x40xi32, #tpu.memory_space<vmem>>, vector<16xi32>,
      tpu.vector_store %arg14[%swap3A_789, %swap3A_790], %get3A_787 {strides = array<i32>} : memref<2x40xi32, #tpu.memory_space<vmem>>, vector<16xi32>,
      %parallel_loop3A_792 = arith.constant 0 : i32
      %parallel_loop3A_793 = arith.constant 40 : i32
      %parallel_loop3A_794 = arith.constant 1 : i32
      scf.for %parallel_loop3A_1236 = %parallel_loop3A_792 to %parallel_loop3A_793 step %parallel_loop3A_794  : i32 {
        %parallel_loop3A_1237 = arith.constant 1 : i32
        %parallel_loop3A_1238 = arith.index_cast %parallel_loop3A_1237 : i32 to index
        %parallel_loop3A_1239 = arith.index_cast %parallel_loop3A_1236 : i32 to index
        %parallel_loop3A_1240 = arith.constant 0 : index
        %parallel_loop3A_1241 = tpu.vector_load %arg15[%parallel_loop3A_1238, %parallel_loop3A_1239, %parallel_loop3A_1240] {strides = array<i32>} : memref<2x40x128xf32, #tpu.memory_space<vmem>>, vector<16xf32>,
        %parallel_loop3A_1242 = arith.constant 1 : i32
        %parallel_loop3A_1243 = arith.index_cast %parallel_loop3A_1242 : i32 to index
        %parallel_loop3A_1244 = arith.index_cast %parallel_loop3A_1236 : i32 to index
        %parallel_loop3A_1245 = arith.constant 0 : index
        %parallel_loop3A_1246 = tpu.vector_load %arg16[%parallel_loop3A_1243, %parallel_loop3A_1244, %parallel_loop3A_1245] {strides = array<i32>} : memref<2x40x128xf32, #tpu.memory_space<vmem>>, vector<16xf32>,
        %parallel_loop3A_1247 = arith.addf %parallel_loop3A_1241, %parallel_loop3A_1246 : vector<16xf32>
        %parallel_loop3A_1248 = arith.constant 1 : i32
        %parallel_loop3A_1249 = arith.index_cast %parallel_loop3A_1248 : i32 to index
        %parallel_loop3A_1250 = arith.index_cast %parallel_loop3A_1236 : i32 to index
        %parallel_loop3A_1251 = arith.constant 0 : index
        %parallel_loop3A_1252 = tpu.vector_load %arg17[%parallel_loop3A_1249, %parallel_loop3A_1250, %parallel_loop3A_1251] {strides = array<i32>} : memref<2x40x128xf32, #tpu.memory_space<vmem>>, vector<16xf32>,
        %parallel_loop3A_1253 = arith.addf %parallel_loop3A_1247, %parallel_loop3A_1252 : vector<16xf32>
        %parallel_loop3A_1254 = arith.constant 2.000000e-01 : f32
        %parallel_loop3A_1255 = vector.broadcast %parallel_loop3A_1254 : f32 to vector<16xf32>
        %parallel_loop3A_1256 = arith.mulf %parallel_loop3A_1255, %parallel_loop3A_1253 : vector<16xf32>
        %parallel_loop3A_1257 = arith.maximumf %parallel_loop3A_1253, %parallel_loop3A_1256 : vector<16xf32>
        %parallel_loop3A_1258 = arith.mulf %parallel_loop3A_1257, %get3A_64 : vector<16xf32>
        %parallel_loop3A_1259 = arith.addf %broadcast_in_dim3A_1, %parallel_loop3A_1258 : vector<16xf32>
        %parallel_loop3A_1260 = arith.constant 1 : i32
        %parallel_loop3A_1261 = arith.index_cast %parallel_loop3A_1260 : i32 to index
        %parallel_loop3A_1262 = arith.index_cast %parallel_loop3A_1236 : i32 to index
        %parallel_loop3A_1263 = arith.constant 16 : index
        %parallel_loop3A_1264 = tpu.vector_load %arg15[%parallel_loop3A_1261, %parallel_loop3A_1262, %parallel_loop3A_1263] {strides = array<i32>} : memref<2x40x128xf32, #tpu.memory_space<vmem>>, vector<16xf32>,
        %parallel_loop3A_1265 = arith.constant 1 : i32
        %parallel_loop3A_1266 = arith.index_cast %parallel_loop3A_1265 : i32 to index
        %parallel_loop3A_1267 = arith.index_cast %parallel_loop3A_1236 : i32 to index
        %parallel_loop3A_1268 = arith.constant 16 : index
        %parallel_loop3A_1269 = tpu.vector_load %arg16[%parallel_loop3A_1266, %parallel_loop3A_1267, %parallel_loop3A_1268] {strides = array<i32>} : memref<2x40x128xf32, #tpu.memory_space<vmem>>, vector<16xf32>,
        %parallel_loop3A_1270 = arith.addf %parallel_loop3A_1264, %parallel_loop3A_1269 : vector<16xf32>
        %parallel_loop3A_1271 = arith.constant 1 : i32
        %parallel_loop3A_1272 = arith.index_cast %parallel_loop3A_1271 : i32 to index
        %parallel_loop3A_1273 = arith.index_cast %parallel_loop3A_1236 : i32 to index
        %parallel_loop3A_1274 = arith.constant 16 : index
        %parallel_loop3A_1275 = tpu.vector_load %arg17[%parallel_loop3A_1272, %parallel_loop3A_1273, %parallel_loop3A_1274] {strides = array<i32>} : memref<2x40x128xf32, #tpu.memory_space<vmem>>, vector<16xf32>,
        %parallel_loop3A_1276 = arith.addf %parallel_loop3A_1270, %parallel_loop3A_1275 : vector<16xf32>
        %parallel_loop3A_1277 = arith.constant 2.000000e-01 : f32
        %parallel_loop3A_1278 = vector.broadcast %parallel_loop3A_1277 : f32 to vector<16xf32>
        %parallel_loop3A_1279 = arith.mulf %parallel_loop3A_1278, %parallel_loop3A_1276 : vector<16xf32>
        %parallel_loop3A_1280 = arith.maximumf %parallel_loop3A_1276, %parallel_loop3A_1279 : vector<16xf32>
        %parallel_loop3A_1281 = arith.mulf %parallel_loop3A_1280, %get3A_66 : vector<16xf32>
        %parallel_loop3A_1282 = arith.addf %broadcast_in_dim3A_1, %parallel_loop3A_1281 : vector<16xf32>
        %parallel_loop3A_1283 = arith.constant 1 : i32
        %parallel_loop3A_1284 = arith.index_cast %parallel_loop3A_1283 : i32 to index
        %parallel_loop3A_1285 = arith.index_cast %parallel_loop3A_1236 : i32 to index
        %parallel_loop3A_1286 = arith.constant 32 : index
        %parallel_loop3A_1287 = tpu.vector_load %arg15[%parallel_loop3A_1284, %parallel_loop3A_1285, %parallel_loop3A_1286] {strides = array<i32>} : memref<2x40x128xf32, #tpu.memory_space<vmem>>, vector<16xf32>,
        %parallel_loop3A_1288 = arith.constant 1 : i32
        %parallel_loop3A_1289 = arith.index_cast %parallel_loop3A_1288 : i32 to index
        %parallel_loop3A_1290 = arith.index_cast %parallel_loop3A_1236 : i32 to index
        %parallel_loop3A_1291 = arith.constant 32 : index
        %parallel_loop3A_1292 = tpu.vector_load %arg16[%parallel_loop3A_1289, %parallel_loop3A_1290, %parallel_loop3A_1291] {strides = array<i32>} : memref<2x40x128xf32, #tpu.memory_space<vmem>>, vector<16xf32>,
        %parallel_loop3A_1293 = arith.addf %parallel_loop3A_1287, %parallel_loop3A_1292 : vector<16xf32>
        %parallel_loop3A_1294 = arith.constant 1 : i32
        %parallel_loop3A_1295 = arith.index_cast %parallel_loop3A_1294 : i32 to index
        %parallel_loop3A_1296 = arith.index_cast %parallel_loop3A_1236 : i32 to index
        %parallel_loop3A_1297 = arith.constant 32 : index
        %parallel_loop3A_1298 = tpu.vector_load %arg17[%parallel_loop3A_1295, %parallel_loop3A_1296, %parallel_loop3A_1297] {strides = array<i32>} : memref<2x40x128xf32, #tpu.memory_space<vmem>>, vector<16xf32>,
        %parallel_loop3A_1299 = arith.addf %parallel_loop3A_1293, %parallel_loop3A_1298 : vector<16xf32>
        %parallel_loop3A_1300 = arith.constant 2.000000e-01 : f32
        %parallel_loop3A_1301 = vector.broadcast %parallel_loop3A_1300 : f32 to vector<16xf32>
        %parallel_loop3A_1302 = arith.mulf %parallel_loop3A_1301, %parallel_loop3A_1299 : vector<16xf32>
        %parallel_loop3A_1303 = arith.maximumf %parallel_loop3A_1299, %parallel_loop3A_1302 : vector<16xf32>
        %parallel_loop3A_1304 = arith.mulf %parallel_loop3A_1303, %get3A_68 : vector<16xf32>
        %parallel_loop3A_1305 = arith.addf %parallel_loop3A_1259, %parallel_loop3A_1304 : vector<16xf32>
        %parallel_loop3A_1306 = arith.constant 1 : i32
        %parallel_loop3A_1307 = arith.index_cast %parallel_loop3A_1306 : i32 to index
        %parallel_loop3A_1308 = arith.index_cast %parallel_loop3A_1236 : i32 to index
        %parallel_loop3A_1309 = arith.constant 48 : index
        %parallel_loop3A_1310 = tpu.vector_load %arg15[%parallel_loop3A_1307, %parallel_loop3A_1308, %parallel_loop3A_1309] {strides = array<i32>} : memref<2x40x128xf32, #tpu.memory_space<vmem>>, vector<16xf32>,
        %parallel_loop3A_1311 = arith.constant 1 : i32
        %parallel_loop3A_1312 = arith.index_cast %parallel_loop3A_1311 : i32 to index
        %parallel_loop3A_1313 = arith.index_cast %parallel_loop3A_1236 : i32 to index
        %parallel_loop3A_1314 = arith.constant 48 : index
        %parallel_loop3A_1315 = tpu.vector_load %arg16[%parallel_loop3A_1312, %parallel_loop3A_1313, %parallel_loop3A_1314] {strides = array<i32>} : memref<2x40x128xf32, #tpu.memory_space<vmem>>, vector<16xf32>,
        %parallel_loop3A_1316 = arith.addf %parallel_loop3A_1310, %parallel_loop3A_1315 : vector<16xf32>
        %parallel_loop3A_1317 = arith.constant 1 : i32
        %parallel_loop3A_1318 = arith.index_cast %parallel_loop3A_1317 : i32 to index
        %parallel_loop3A_1319 = arith.index_cast %parallel_loop3A_1236 : i32 to index
        %parallel_loop3A_1320 = arith.constant 48 : index
        %parallel_loop3A_1321 = tpu.vector_load %arg17[%parallel_loop3A_1318, %parallel_loop3A_1319, %parallel_loop3A_1320] {strides = array<i32>} : memref<2x40x128xf32, #tpu.memory_space<vmem>>, vector<16xf32>,
        %parallel_loop3A_1322 = arith.addf %parallel_loop3A_1316, %parallel_loop3A_1321 : vector<16xf32>
        %parallel_loop3A_1323 = arith.constant 2.000000e-01 : f32
        %parallel_loop3A_1324 = vector.broadcast %parallel_loop3A_1323 : f32 to vector<16xf32>
        %parallel_loop3A_1325 = arith.mulf %parallel_loop3A_1324, %parallel_loop3A_1322 : vector<16xf32>
        %parallel_loop3A_1326 = arith.maximumf %parallel_loop3A_1322, %parallel_loop3A_1325 : vector<16xf32>
        %parallel_loop3A_1327 = arith.mulf %parallel_loop3A_1326, %get3A_70 : vector<16xf32>
        %parallel_loop3A_1328 = arith.addf %parallel_loop3A_1282, %parallel_loop3A_1327 : vector<16xf32>
        %parallel_loop3A_1329 = arith.constant 1 : i32
        %parallel_loop3A_1330 = arith.index_cast %parallel_loop3A_1329 : i32 to index
        %parallel_loop3A_1331 = arith.index_cast %parallel_loop3A_1236 : i32 to index
        %parallel_loop3A_1332 = arith.constant 64 : index
        %parallel_loop3A_1333 = tpu.vector_load %arg15[%parallel_loop3A_1330, %parallel_loop3A_1331, %parallel_loop3A_1332] {strides = array<i32>} : memref<2x40x128xf32, #tpu.memory_space<vmem>>, vector<16xf32>,
        %parallel_loop3A_1334 = arith.constant 1 : i32
        %parallel_loop3A_1335 = arith.index_cast %parallel_loop3A_1334 : i32 to index
        %parallel_loop3A_1336 = arith.index_cast %parallel_loop3A_1236 : i32 to index
        %parallel_loop3A_1337 = arith.constant 64 : index
        %parallel_loop3A_1338 = tpu.vector_load %arg16[%parallel_loop3A_1335, %parallel_loop3A_1336, %parallel_loop3A_1337] {strides = array<i32>} : memref<2x40x128xf32, #tpu.memory_space<vmem>>, vector<16xf32>,
        %parallel_loop3A_1339 = arith.addf %parallel_loop3A_1333, %parallel_loop3A_1338 : vector<16xf32>
        %parallel_loop3A_1340 = arith.constant 1 : i32
        %parallel_loop3A_1341 = arith.index_cast %parallel_loop3A_1340 : i32 to index
        %parallel_loop3A_1342 = arith.index_cast %parallel_loop3A_1236 : i32 to index
        %parallel_loop3A_1343 = arith.constant 64 : index
        %parallel_loop3A_1344 = tpu.vector_load %arg17[%parallel_loop3A_1341, %parallel_loop3A_1342, %parallel_loop3A_1343] {strides = array<i32>} : memref<2x40x128xf32, #tpu.memory_space<vmem>>, vector<16xf32>,
        %parallel_loop3A_1345 = arith.addf %parallel_loop3A_1339, %parallel_loop3A_1344 : vector<16xf32>
        %parallel_loop3A_1346 = arith.constant 2.000000e-01 : f32
        %parallel_loop3A_1347 = vector.broadcast %parallel_loop3A_1346 : f32 to vector<16xf32>
        %parallel_loop3A_1348 = arith.mulf %parallel_loop3A_1347, %parallel_loop3A_1345 : vector<16xf32>
        %parallel_loop3A_1349 = arith.maximumf %parallel_loop3A_1345, %parallel_loop3A_1348 : vector<16xf32>
        %parallel_loop3A_1350 = arith.mulf %parallel_loop3A_1349, %get3A_72 : vector<16xf32>
        %parallel_loop3A_1351 = arith.addf %parallel_loop3A_1305, %parallel_loop3A_1350 : vector<16xf32>
        %parallel_loop3A_1352 = arith.constant 1 : i32
        %parallel_loop3A_1353 = arith.index_cast %parallel_loop3A_1352 : i32 to index
        %parallel_loop3A_1354 = arith.index_cast %parallel_loop3A_1236 : i32 to index
        %parallel_loop3A_1355 = arith.constant 80 : index
        %parallel_loop3A_1356 = tpu.vector_load %arg15[%parallel_loop3A_1353, %parallel_loop3A_1354, %parallel_loop3A_1355] {strides = array<i32>} : memref<2x40x128xf32, #tpu.memory_space<vmem>>, vector<16xf32>,
        %parallel_loop3A_1357 = arith.constant 1 : i32
        %parallel_loop3A_1358 = arith.index_cast %parallel_loop3A_1357 : i32 to index
        %parallel_loop3A_1359 = arith.index_cast %parallel_loop3A_1236 : i32 to index
        %parallel_loop3A_1360 = arith.constant 80 : index
        %parallel_loop3A_1361 = tpu.vector_load %arg16[%parallel_loop3A_1358, %parallel_loop3A_1359, %parallel_loop3A_1360] {strides = array<i32>} : memref<2x40x128xf32, #tpu.memory_space<vmem>>, vector<16xf32>,
        %parallel_loop3A_1362 = arith.addf %parallel_loop3A_1356, %parallel_loop3A_1361 : vector<16xf32>
        %parallel_loop3A_1363 = arith.constant 1 : i32
        %parallel_loop3A_1364 = arith.index_cast %parallel_loop3A_1363 : i32 to index
        %parallel_loop3A_1365 = arith.index_cast %parallel_loop3A_1236 : i32 to index
        %parallel_loop3A_1366 = arith.constant 80 : index
        %parallel_loop3A_1367 = tpu.vector_load %arg17[%parallel_loop3A_1364, %parallel_loop3A_1365, %parallel_loop3A_1366] {strides = array<i32>} : memref<2x40x128xf32, #tpu.memory_space<vmem>>, vector<16xf32>,
        %parallel_loop3A_1368 = arith.addf %parallel_loop3A_1362, %parallel_loop3A_1367 : vector<16xf32>
        %parallel_loop3A_1369 = arith.constant 2.000000e-01 : f32
        %parallel_loop3A_1370 = vector.broadcast %parallel_loop3A_1369 : f32 to vector<16xf32>
        %parallel_loop3A_1371 = arith.mulf %parallel_loop3A_1370, %parallel_loop3A_1368 : vector<16xf32>
        %parallel_loop3A_1372 = arith.maximumf %parallel_loop3A_1368, %parallel_loop3A_1371 : vector<16xf32>
        %parallel_loop3A_1373 = arith.mulf %parallel_loop3A_1372, %get3A_74 : vector<16xf32>
        %parallel_loop3A_1374 = arith.addf %parallel_loop3A_1328, %parallel_loop3A_1373 : vector<16xf32>
        %parallel_loop3A_1375 = arith.constant 1 : i32
        %parallel_loop3A_1376 = arith.index_cast %parallel_loop3A_1375 : i32 to index
        %parallel_loop3A_1377 = arith.index_cast %parallel_loop3A_1236 : i32 to index
        %parallel_loop3A_1378 = arith.constant 96 : index
        %parallel_loop3A_1379 = tpu.vector_load %arg15[%parallel_loop3A_1376, %parallel_loop3A_1377, %parallel_loop3A_1378] {strides = array<i32>} : memref<2x40x128xf32, #tpu.memory_space<vmem>>, vector<16xf32>,
        %parallel_loop3A_1380 = arith.constant 1 : i32
        %parallel_loop3A_1381 = arith.index_cast %parallel_loop3A_1380 : i32 to index
        %parallel_loop3A_1382 = arith.index_cast %parallel_loop3A_1236 : i32 to index
        %parallel_loop3A_1383 = arith.constant 96 : index
        %parallel_loop3A_1384 = tpu.vector_load %arg16[%parallel_loop3A_1381, %parallel_loop3A_1382, %parallel_loop3A_1383] {strides = array<i32>} : memref<2x40x128xf32, #tpu.memory_space<vmem>>, vector<16xf32>,
        %parallel_loop3A_1385 = arith.addf %parallel_loop3A_1379, %parallel_loop3A_1384 : vector<16xf32>
        %parallel_loop3A_1386 = arith.constant 1 : i32
        %parallel_loop3A_1387 = arith.index_cast %parallel_loop3A_1386 : i32 to index
        %parallel_loop3A_1388 = arith.index_cast %parallel_loop3A_1236 : i32 to index
        %parallel_loop3A_1389 = arith.constant 96 : index
        %parallel_loop3A_1390 = tpu.vector_load %arg17[%parallel_loop3A_1387, %parallel_loop3A_1388, %parallel_loop3A_1389] {strides = array<i32>} : memref<2x40x128xf32, #tpu.memory_space<vmem>>, vector<16xf32>,
        %parallel_loop3A_1391 = arith.addf %parallel_loop3A_1385, %parallel_loop3A_1390 : vector<16xf32>
        %parallel_loop3A_1392 = arith.constant 2.000000e-01 : f32
        %parallel_loop3A_1393 = vector.broadcast %parallel_loop3A_1392 : f32 to vector<16xf32>
        %parallel_loop3A_1394 = arith.mulf %parallel_loop3A_1393, %parallel_loop3A_1391 : vector<16xf32>
        %parallel_loop3A_1395 = arith.maximumf %parallel_loop3A_1391, %parallel_loop3A_1394 : vector<16xf32>
        %parallel_loop3A_1396 = arith.mulf %parallel_loop3A_1395, %get3A_76 : vector<16xf32>
        %parallel_loop3A_1397 = arith.addf %parallel_loop3A_1351, %parallel_loop3A_1396 : vector<16xf32>
        %parallel_loop3A_1398 = arith.constant 1 : i32
        %parallel_loop3A_1399 = arith.index_cast %parallel_loop3A_1398 : i32 to index
        %parallel_loop3A_1400 = arith.index_cast %parallel_loop3A_1236 : i32 to index
        %parallel_loop3A_1401 = arith.constant 112 : index
        %parallel_loop3A_1402 = tpu.vector_load %arg15[%parallel_loop3A_1399, %parallel_loop3A_1400, %parallel_loop3A_1401] {strides = array<i32>} : memref<2x40x128xf32, #tpu.memory_space<vmem>>, vector<16xf32>,
        %parallel_loop3A_1403 = arith.constant 1 : i32
        %parallel_loop3A_1404 = arith.index_cast %parallel_loop3A_1403 : i32 to index
        %parallel_loop3A_1405 = arith.index_cast %parallel_loop3A_1236 : i32 to index
        %parallel_loop3A_1406 = arith.constant 112 : index
        %parallel_loop3A_1407 = tpu.vector_load %arg16[%parallel_loop3A_1404, %parallel_loop3A_1405, %parallel_loop3A_1406] {strides = array<i32>} : memref<2x40x128xf32, #tpu.memory_space<vmem>>, vector<16xf32>,
        %parallel_loop3A_1408 = arith.addf %parallel_loop3A_1402, %parallel_loop3A_1407 : vector<16xf32>
        %parallel_loop3A_1409 = arith.constant 1 : i32
        %parallel_loop3A_1410 = arith.index_cast %parallel_loop3A_1409 : i32 to index
        %parallel_loop3A_1411 = arith.index_cast %parallel_loop3A_1236 : i32 to index
        %parallel_loop3A_1412 = arith.constant 112 : index
        %parallel_loop3A_1413 = tpu.vector_load %arg17[%parallel_loop3A_1410, %parallel_loop3A_1411, %parallel_loop3A_1412] {strides = array<i32>} : memref<2x40x128xf32, #tpu.memory_space<vmem>>, vector<16xf32>,
        %parallel_loop3A_1414 = arith.addf %parallel_loop3A_1408, %parallel_loop3A_1413 : vector<16xf32>
        %parallel_loop3A_1415 = arith.constant 2.000000e-01 : f32
        %parallel_loop3A_1416 = vector.broadcast %parallel_loop3A_1415 : f32 to vector<16xf32>
        %parallel_loop3A_1417 = arith.mulf %parallel_loop3A_1416, %parallel_loop3A_1414 : vector<16xf32>
        %parallel_loop3A_1418 = arith.maximumf %parallel_loop3A_1414, %parallel_loop3A_1417 : vector<16xf32>
        %parallel_loop3A_1419 = arith.mulf %parallel_loop3A_1418, %get3A_78 : vector<16xf32>
        %parallel_loop3A_1420 = arith.addf %parallel_loop3A_1374, %parallel_loop3A_1419 : vector<16xf32>
        %parallel_loop3A_1421 = arith.addf %parallel_loop3A_1397, %parallel_loop3A_1420 : vector<16xf32>
        %parallel_loop3A_1422 = arith.constant 16 : i32
        %parallel_loop3A_1423 = arith.muli %parallel_loop3A_1236, %parallel_loop3A_1422 : i32
        %parallel_loop3A_1424 = arith.index_cast %parallel_loop3A_1423 : i32 to index
        %parallel_loop3A_1425 = tpu.vector_load %arg19[%parallel_loop3A_1424] {strides = array<i32>} : memref<768xf32, #tpu.memory_space<vmem>>, vector<16xf32>,
        tpu.vector_store %arg19[%parallel_loop3A_1424], %parallel_loop3A_1421 {strides = array<i32>} : memref<768xf32, #tpu.memory_space<vmem>>, vector<16xf32>,
      } {sc.loop_unroll_factor = 8 : i64, sc.parallel_access}
      %mul3A_795 = arith.constant 16 : i32
      %mul3A_796 = vector.broadcast %mul3A_795 : i32 to vector<16xi32>
      %mul3A_797 = arith.muli %iota3A, %mul3A_796 : vector<16xi32>
      %add3A_798 = arith.constant 0 : i32
      %add3A_799 = vector.broadcast %add3A_798 : i32 to vector<16xi32>
      %add3A_800 = arith.addi %mul3A_797, %add3A_799 : vector<16xi32>
      %gather3A_801 = tpu.vector_load_idx %arg19[%add3A_800] : memref<768xf32, #tpu.memory_space<vmem>>[vector<16xi32>], vector<16xf32>,
      %add3A_802 = arith.addf %broadcast_in_dim3A_1, %gather3A_801 : vector<16xf32>
      %mul3A_803 = arith.constant 16 : i32
      %mul3A_804 = vector.broadcast %mul3A_803 : i32 to vector<16xi32>
      %mul3A_805 = arith.muli %iota3A, %mul3A_804 : vector<16xi32>
      %add3A_806 = arith.constant 1 : i32
      %add3A_807 = vector.broadcast %add3A_806 : i32 to vector<16xi32>
      %add3A_808 = arith.addi %mul3A_805, %add3A_807 : vector<16xi32>
      %gather3A_809 = tpu.vector_load_idx %arg19[%add3A_808] : memref<768xf32, #tpu.memory_space<vmem>>[vector<16xi32>], vector<16xf32>,
      %add3A_810 = arith.addf %broadcast_in_dim3A_1, %gather3A_809 : vector<16xf32>
      %mul3A_811 = arith.constant 16 : i32
      %mul3A_812 = vector.broadcast %mul3A_811 : i32 to vector<16xi32>
      %mul3A_813 = arith.muli %iota3A, %mul3A_812 : vector<16xi32>
      %add3A_814 = arith.constant 2 : i32
      %add3A_815 = vector.broadcast %add3A_814 : i32 to vector<16xi32>
      %add3A_816 = arith.addi %mul3A_813, %add3A_815 : vector<16xi32>
      %gather3A_817 = tpu.vector_load_idx %arg19[%add3A_816] : memref<768xf32, #tpu.memory_space<vmem>>[vector<16xi32>], vector<16xf32>,
      %add3A_818 = arith.addf %broadcast_in_dim3A_1, %gather3A_817 : vector<16xf32>
      %mul3A_819 = arith.constant 16 : i32
      %mul3A_820 = vector.broadcast %mul3A_819 : i32 to vector<16xi32>
      %mul3A_821 = arith.muli %iota3A, %mul3A_820 : vector<16xi32>
      %add3A_822 = arith.constant 3 : i32
      %add3A_823 = vector.broadcast %add3A_822 : i32 to vector<16xi32>
      %add3A_824 = arith.addi %mul3A_821, %add3A_823 : vector<16xi32>
      %gather3A_825 = tpu.vector_load_idx %arg19[%add3A_824] : memref<768xf32, #tpu.memory_space<vmem>>[vector<16xi32>], vector<16xf32>,
      %add3A_826 = arith.addf %broadcast_in_dim3A_1, %gather3A_825 : vector<16xf32>
      %mul3A_827 = arith.constant 16 : i32
      %mul3A_828 = vector.broadcast %mul3A_827 : i32 to vector<16xi32>
      %mul3A_829 = arith.muli %iota3A, %mul3A_828 : vector<16xi32>
      %add3A_830 = arith.constant 4 : i32
      %add3A_831 = vector.broadcast %add3A_830 : i32 to vector<16xi32>
      %add3A_832 = arith.addi %mul3A_829, %add3A_831 : vector<16xi32>
      %gather3A_833 = tpu.vector_load_idx %arg19[%add3A_832] : memref<768xf32, #tpu.memory_space<vmem>>[vector<16xi32>], vector<16xf32>,
      %add3A_834 = arith.addf %add3A_802, %gather3A_833 : vector<16xf32>
      %mul3A_835 = arith.constant 16 : i32
      %mul3A_836 = vector.broadcast %mul3A_835 : i32 to vector<16xi32>
      %mul3A_837 = arith.muli %iota3A, %mul3A_836 : vector<16xi32>
      %add3A_838 = arith.constant 5 : i32
      %add3A_839 = vector.broadcast %add3A_838 : i32 to vector<16xi32>
      %add3A_840 = arith.addi %mul3A_837, %add3A_839 : vector<16xi32>
      %gather3A_841 = tpu.vector_load_idx %arg19[%add3A_840] : memref<768xf32, #tpu.memory_space<vmem>>[vector<16xi32>], vector<16xf32>,
      %add3A_842 = arith.addf %add3A_810, %gather3A_841 : vector<16xf32>
      %mul3A_843 = arith.constant 16 : i32
      %mul3A_844 = vector.broadcast %mul3A_843 : i32 to vector<16xi32>
      %mul3A_845 = arith.muli %iota3A, %mul3A_844 : vector<16xi32>
      %add3A_846 = arith.constant 6 : i32
      %add3A_847 = vector.broadcast %add3A_846 : i32 to vector<16xi32>
      %add3A_848 = arith.addi %mul3A_845, %add3A_847 : vector<16xi32>
      %gather3A_849 = tpu.vector_load_idx %arg19[%add3A_848] : memref<768xf32, #tpu.memory_space<vmem>>[vector<16xi32>], vector<16xf32>,
      %add3A_850 = arith.addf %add3A_818, %gather3A_849 : vector<16xf32>
      %mul3A_851 = arith.constant 16 : i32
      %mul3A_852 = vector.broadcast %mul3A_851 : i32 to vector<16xi32>
      %mul3A_853 = arith.muli %iota3A, %mul3A_852 : vector<16xi32>
      %add3A_854 = arith.constant 7 : i32
      %add3A_855 = vector.broadcast %add3A_854 : i32 to vector<16xi32>
      %add3A_856 = arith.addi %mul3A_853, %add3A_855 : vector<16xi32>
      %gather3A_857 = tpu.vector_load_idx %arg19[%add3A_856] : memref<768xf32, #tpu.memory_space<vmem>>[vector<16xi32>], vector<16xf32>,
      %add3A_858 = arith.addf %add3A_826, %gather3A_857 : vector<16xf32>
      %mul3A_859 = arith.constant 16 : i32
      %mul3A_860 = vector.broadcast %mul3A_859 : i32 to vector<16xi32>
      %mul3A_861 = arith.muli %iota3A, %mul3A_860 : vector<16xi32>
      %add3A_862 = arith.constant 8 : i32
      %add3A_863 = vector.broadcast %add3A_862 : i32 to vector<16xi32>
      %add3A_864 = arith.addi %mul3A_861, %add3A_863 : vector<16xi32>
      %gather3A_865 = tpu.vector_load_idx %arg19[%add3A_864] : memref<768xf32, #tpu.memory_space<vmem>>[vector<16xi32>], vector<16xf32>,
      %add3A_866 = arith.addf %add3A_834, %gather3A_865 : vector<16xf32>
      %mul3A_867 = arith.constant 16 : i32
      %mul3A_868 = vector.broadcast %mul3A_867 : i32 to vector<16xi32>
      %mul3A_869 = arith.muli %iota3A, %mul3A_868 : vector<16xi32>
      %add3A_870 = arith.constant 9 : i32
      %add3A_871 = vector.broadcast %add3A_870 : i32 to vector<16xi32>
      %add3A_872 = arith.addi %mul3A_869, %add3A_871 : vector<16xi32>
      %gather3A_873 = tpu.vector_load_idx %arg19[%add3A_872] : memref<768xf32, #tpu.memory_space<vmem>>[vector<16xi32>], vector<16xf32>,
      %add3A_874 = arith.addf %add3A_842, %gather3A_873 : vector<16xf32>
      %mul3A_875 = arith.constant 16 : i32
      %mul3A_876 = vector.broadcast %mul3A_875 : i32 to vector<16xi32>
      %mul3A_877 = arith.muli %iota3A, %mul3A_876 : vector<16xi32>
      %add3A_878 = arith.constant 10 : i32
      %add3A_879 = vector.broadcast %add3A_878 : i32 to vector<16xi32>
      %add3A_880 = arith.addi %mul3A_877, %add3A_879 : vector<16xi32>
      %gather3A_881 = tpu.vector_load_idx %arg19[%add3A_880] : memref<768xf32, #tpu.memory_space<vmem>>[vector<16xi32>], vector<16xf32>,
      %add3A_882 = arith.addf %add3A_850, %gather3A_881 : vector<16xf32>
      %mul3A_883 = arith.constant 16 : i32
      %mul3A_884 = vector.broadcast %mul3A_883 : i32 to vector<16xi32>
      %mul3A_885 = arith.muli %iota3A, %mul3A_884 : vector<16xi32>
      %add3A_886 = arith.constant 11 : i32
      %add3A_887 = vector.broadcast %add3A_886 : i32 to vector<16xi32>
      %add3A_888 = arith.addi %mul3A_885, %add3A_887 : vector<16xi32>
      %gather3A_889 = tpu.vector_load_idx %arg19[%add3A_888] : memref<768xf32, #tpu.memory_space<vmem>>[vector<16xi32>], vector<16xf32>,
      %add3A_890 = arith.addf %add3A_858, %gather3A_889 : vector<16xf32>
      %mul3A_891 = arith.constant 16 : i32
      %mul3A_892 = vector.broadcast %mul3A_891 : i32 to vector<16xi32>
      %mul3A_893 = arith.muli %iota3A, %mul3A_892 : vector<16xi32>
      %add3A_894 = arith.constant 12 : i32
      %add3A_895 = vector.broadcast %add3A_894 : i32 to vector<16xi32>
      %add3A_896 = arith.addi %mul3A_893, %add3A_895 : vector<16xi32>
      %gather3A_897 = tpu.vector_load_idx %arg19[%add3A_896] : memref<768xf32, #tpu.memory_space<vmem>>[vector<16xi32>], vector<16xf32>,
      %add3A_898 = arith.addf %add3A_866, %gather3A_897 : vector<16xf32>
      %mul3A_899 = arith.constant 16 : i32
      %mul3A_900 = vector.broadcast %mul3A_899 : i32 to vector<16xi32>
      %mul3A_901 = arith.muli %iota3A, %mul3A_900 : vector<16xi32>
      %add3A_902 = arith.constant 13 : i32
      %add3A_903 = vector.broadcast %add3A_902 : i32 to vector<16xi32>
      %add3A_904 = arith.addi %mul3A_901, %add3A_903 : vector<16xi32>
      %gather3A_905 = tpu.vector_load_idx %arg19[%add3A_904] : memref<768xf32, #tpu.memory_space<vmem>>[vector<16xi32>], vector<16xf32>,
      %add3A_906 = arith.addf %add3A_874, %gather3A_905 : vector<16xf32>
      %mul3A_907 = arith.constant 16 : i32
      %mul3A_908 = vector.broadcast %mul3A_907 : i32 to vector<16xi32>
      %mul3A_909 = arith.muli %iota3A, %mul3A_908 : vector<16xi32>
      %add3A_910 = arith.constant 14 : i32
      %add3A_911 = vector.broadcast %add3A_910 : i32 to vector<16xi32>
      %add3A_912 = arith.addi %mul3A_909, %add3A_911 : vector<16xi32>
      %gather3A_913 = tpu.vector_load_idx %arg19[%add3A_912] : memref<768xf32, #tpu.memory_space<vmem>>[vector<16xi32>], vector<16xf32>,
      %add3A_914 = arith.addf %add3A_882, %gather3A_913 : vector<16xf32>
      %mul3A_915 = arith.constant 16 : i32
      %mul3A_916 = vector.broadcast %mul3A_915 : i32 to vector<16xi32>
      %mul3A_917 = arith.muli %iota3A, %mul3A_916 : vector<16xi32>
      %add3A_918 = arith.constant 15 : i32
      %add3A_919 = vector.broadcast %add3A_918 : i32 to vector<16xi32>
      %add3A_920 = arith.addi %mul3A_917, %add3A_919 : vector<16xi32>
      %gather3A_921 = tpu.vector_load_idx %arg19[%add3A_920] : memref<768xf32, #tpu.memory_space<vmem>>[vector<16xi32>], vector<16xf32>,
      %add3A_922 = arith.addf %add3A_890, %gather3A_921 : vector<16xf32>
      %add3A_923 = arith.addf %add3A_898, %add3A_906 : vector<16xf32>
      %add3A_924 = arith.addf %add3A_914, %add3A_922 : vector<16xf32>
      %add3A_925 = arith.addf %add3A_923, %add3A_924 : vector<16xf32>
      %exp3A_926 = math.exp %add3A_925 : vector<16xf32>
      %swap3A_927 = arith.constant 1 : i32
      %swap3A_928 = arith.index_cast %swap3A_927 : i32 to index
      %swap3A_929 = arith.constant 0 : index
      %swap3A_930 = tpu.vector_load %arg18[%swap3A_928, %swap3A_929] {strides = array<i32>} : memref<2x48xf32, #tpu.memory_space<vmem>>, vector<16xf32>,
      tpu.vector_store %arg18[%swap3A_928, %swap3A_929], %exp3A_926 {strides = array<i32>} : memref<2x48xf32, #tpu.memory_space<vmem>>, vector<16xf32>,
      %mul3A_931 = arith.constant 16 : i32
      %mul3A_932 = vector.broadcast %mul3A_931 : i32 to vector<16xi32>
      %mul3A_933 = arith.muli %iota3A, %mul3A_932 : vector<16xi32>
      %add3A_934 = arith.constant 256 : i32
      %add3A_935 = vector.broadcast %add3A_934 : i32 to vector<16xi32>
      %add3A_936 = arith.addi %mul3A_933, %add3A_935 : vector<16xi32>
      %gather3A_937 = tpu.vector_load_idx %arg19[%add3A_936] : memref<768xf32, #tpu.memory_space<vmem>>[vector<16xi32>], vector<16xf32>,
      %add3A_938 = arith.addf %broadcast_in_dim3A_1, %gather3A_937 : vector<16xf32>
      %mul3A_939 = arith.constant 16 : i32
      %mul3A_940 = vector.broadcast %mul3A_939 : i32 to vector<16xi32>
      %mul3A_941 = arith.muli %iota3A, %mul3A_940 : vector<16xi32>
      %add3A_942 = arith.constant 257 : i32
      %add3A_943 = vector.broadcast %add3A_942 : i32 to vector<16xi32>
      %add3A_944 = arith.addi %mul3A_941, %add3A_943 : vector<16xi32>
      %gather3A_945 = tpu.vector_load_idx %arg19[%add3A_944] : memref<768xf32, #tpu.memory_space<vmem>>[vector<16xi32>], vector<16xf32>,
      %add3A_946 = arith.addf %broadcast_in_dim3A_1, %gather3A_945 : vector<16xf32>
      %mul3A_947 = arith.constant 16 : i32
      %mul3A_948 = vector.broadcast %mul3A_947 : i32 to vector<16xi32>
      %mul3A_949 = arith.muli %iota3A, %mul3A_948 : vector<16xi32>
      %add3A_950 = arith.constant 258 : i32
      %add3A_951 = vector.broadcast %add3A_950 : i32 to vector<16xi32>
      %add3A_952 = arith.addi %mul3A_949, %add3A_951 : vector<16xi32>
      %gather3A_953 = tpu.vector_load_idx %arg19[%add3A_952] : memref<768xf32, #tpu.memory_space<vmem>>[vector<16xi32>], vector<16xf32>,
      %add3A_954 = arith.addf %broadcast_in_dim3A_1, %gather3A_953 : vector<16xf32>
      %mul3A_955 = arith.constant 16 : i32
      %mul3A_956 = vector.broadcast %mul3A_955 : i32 to vector<16xi32>
      %mul3A_957 = arith.muli %iota3A, %mul3A_956 : vector<16xi32>
      %add3A_958 = arith.constant 259 : i32
      %add3A_959 = vector.broadcast %add3A_958 : i32 to vector<16xi32>
      %add3A_960 = arith.addi %mul3A_957, %add3A_959 : vector<16xi32>
      %gather3A_961 = tpu.vector_load_idx %arg19[%add3A_960] : memref<768xf32, #tpu.memory_space<vmem>>[vector<16xi32>], vector<16xf32>,
      %add3A_962 = arith.addf %broadcast_in_dim3A_1, %gather3A_961 : vector<16xf32>
      %mul3A_963 = arith.constant 16 : i32
      %mul3A_964 = vector.broadcast %mul3A_963 : i32 to vector<16xi32>
      %mul3A_965 = arith.muli %iota3A, %mul3A_964 : vector<16xi32>
      %add3A_966 = arith.constant 260 : i32
      %add3A_967 = vector.broadcast %add3A_966 : i32 to vector<16xi32>
      %add3A_968 = arith.addi %mul3A_965, %add3A_967 : vector<16xi32>
      %gather3A_969 = tpu.vector_load_idx %arg19[%add3A_968] : memref<768xf32, #tpu.memory_space<vmem>>[vector<16xi32>], vector<16xf32>,
      %add3A_970 = arith.addf %add3A_938, %gather3A_969 : vector<16xf32>
      %mul3A_971 = arith.constant 16 : i32
      %mul3A_972 = vector.broadcast %mul3A_971 : i32 to vector<16xi32>
      %mul3A_973 = arith.muli %iota3A, %mul3A_972 : vector<16xi32>
      %add3A_974 = arith.constant 261 : i32
      %add3A_975 = vector.broadcast %add3A_974 : i32 to vector<16xi32>
      %add3A_976 = arith.addi %mul3A_973, %add3A_975 : vector<16xi32>
      %gather3A_977 = tpu.vector_load_idx %arg19[%add3A_976] : memref<768xf32, #tpu.memory_space<vmem>>[vector<16xi32>], vector<16xf32>,
      %add3A_978 = arith.addf %add3A_946, %gather3A_977 : vector<16xf32>
      %mul3A_979 = arith.constant 16 : i32
      %mul3A_980 = vector.broadcast %mul3A_979 : i32 to vector<16xi32>
      %mul3A_981 = arith.muli %iota3A, %mul3A_980 : vector<16xi32>
      %add3A_982 = arith.constant 262 : i32
      %add3A_983 = vector.broadcast %add3A_982 : i32 to vector<16xi32>
      %add3A_984 = arith.addi %mul3A_981, %add3A_983 : vector<16xi32>
      %gather3A_985 = tpu.vector_load_idx %arg19[%add3A_984] : memref<768xf32, #tpu.memory_space<vmem>>[vector<16xi32>], vector<16xf32>,
      %add3A_986 = arith.addf %add3A_954, %gather3A_985 : vector<16xf32>
      %mul3A_987 = arith.constant 16 : i32
      %mul3A_988 = vector.broadcast %mul3A_987 : i32 to vector<16xi32>
      %mul3A_989 = arith.muli %iota3A, %mul3A_988 : vector<16xi32>
      %add3A_990 = arith.constant 263 : i32
      %add3A_991 = vector.broadcast %add3A_990 : i32 to vector<16xi32>
      %add3A_992 = arith.addi %mul3A_989, %add3A_991 : vector<16xi32>
      %gather3A_993 = tpu.vector_load_idx %arg19[%add3A_992] : memref<768xf32, #tpu.memory_space<vmem>>[vector<16xi32>], vector<16xf32>,
      %add3A_994 = arith.addf %add3A_962, %gather3A_993 : vector<16xf32>
      %mul3A_995 = arith.constant 16 : i32
      %mul3A_996 = vector.broadcast %mul3A_995 : i32 to vector<16xi32>
      %mul3A_997 = arith.muli %iota3A, %mul3A_996 : vector<16xi32>
      %add3A_998 = arith.constant 264 : i32
      %add3A_999 = vector.broadcast %add3A_998 : i32 to vector<16xi32>
      %add3A_1000 = arith.addi %mul3A_997, %add3A_999 : vector<16xi32>
      %gather3A_1001 = tpu.vector_load_idx %arg19[%add3A_1000] : memref<768xf32, #tpu.memory_space<vmem>>[vector<16xi32>], vector<16xf32>,
      %add3A_1002 = arith.addf %add3A_970, %gather3A_1001 : vector<16xf32>
      %mul3A_1003 = arith.constant 16 : i32
      %mul3A_1004 = vector.broadcast %mul3A_1003 : i32 to vector<16xi32>
      %mul3A_1005 = arith.muli %iota3A, %mul3A_1004 : vector<16xi32>
      %add3A_1006 = arith.constant 265 : i32
      %add3A_1007 = vector.broadcast %add3A_1006 : i32 to vector<16xi32>
      %add3A_1008 = arith.addi %mul3A_1005, %add3A_1007 : vector<16xi32>
      %gather3A_1009 = tpu.vector_load_idx %arg19[%add3A_1008] : memref<768xf32, #tpu.memory_space<vmem>>[vector<16xi32>], vector<16xf32>,
      %add3A_1010 = arith.addf %add3A_978, %gather3A_1009 : vector<16xf32>
      %mul3A_1011 = arith.constant 16 : i32
      %mul3A_1012 = vector.broadcast %mul3A_1011 : i32 to vector<16xi32>
      %mul3A_1013 = arith.muli %iota3A, %mul3A_1012 : vector<16xi32>
      %add3A_1014 = arith.constant 266 : i32
      %add3A_1015 = vector.broadcast %add3A_1014 : i32 to vector<16xi32>
      %add3A_1016 = arith.addi %mul3A_1013, %add3A_1015 : vector<16xi32>
      %gather3A_1017 = tpu.vector_load_idx %arg19[%add3A_1016] : memref<768xf32, #tpu.memory_space<vmem>>[vector<16xi32>], vector<16xf32>,
      %add3A_1018 = arith.addf %add3A_986, %gather3A_1017 : vector<16xf32>
      %mul3A_1019 = arith.constant 16 : i32
      %mul3A_1020 = vector.broadcast %mul3A_1019 : i32 to vector<16xi32>
      %mul3A_1021 = arith.muli %iota3A, %mul3A_1020 : vector<16xi32>
      %add3A_1022 = arith.constant 267 : i32
      %add3A_1023 = vector.broadcast %add3A_1022 : i32 to vector<16xi32>
      %add3A_1024 = arith.addi %mul3A_1021, %add3A_1023 : vector<16xi32>
      %gather3A_1025 = tpu.vector_load_idx %arg19[%add3A_1024] : memref<768xf32, #tpu.memory_space<vmem>>[vector<16xi32>], vector<16xf32>,
      %add3A_1026 = arith.addf %add3A_994, %gather3A_1025 : vector<16xf32>
      %mul3A_1027 = arith.constant 16 : i32
      %mul3A_1028 = vector.broadcast %mul3A_1027 : i32 to vector<16xi32>
      %mul3A_1029 = arith.muli %iota3A, %mul3A_1028 : vector<16xi32>
      %add3A_1030 = arith.constant 268 : i32
      %add3A_1031 = vector.broadcast %add3A_1030 : i32 to vector<16xi32>
      %add3A_1032 = arith.addi %mul3A_1029, %add3A_1031 : vector<16xi32>
      %gather3A_1033 = tpu.vector_load_idx %arg19[%add3A_1032] : memref<768xf32, #tpu.memory_space<vmem>>[vector<16xi32>], vector<16xf32>,
      %add3A_1034 = arith.addf %add3A_1002, %gather3A_1033 : vector<16xf32>
      %mul3A_1035 = arith.constant 16 : i32
      %mul3A_1036 = vector.broadcast %mul3A_1035 : i32 to vector<16xi32>
      %mul3A_1037 = arith.muli %iota3A, %mul3A_1036 : vector<16xi32>
      %add3A_1038 = arith.constant 269 : i32
      %add3A_1039 = vector.broadcast %add3A_1038 : i32 to vector<16xi32>
      %add3A_1040 = arith.addi %mul3A_1037, %add3A_1039 : vector<16xi32>
      %gather3A_1041 = tpu.vector_load_idx %arg19[%add3A_1040] : memref<768xf32, #tpu.memory_space<vmem>>[vector<16xi32>], vector<16xf32>,
      %add3A_1042 = arith.addf %add3A_1010, %gather3A_1041 : vector<16xf32>
      %mul3A_1043 = arith.constant 16 : i32
      %mul3A_1044 = vector.broadcast %mul3A_1043 : i32 to vector<16xi32>
      %mul3A_1045 = arith.muli %iota3A, %mul3A_1044 : vector<16xi32>
      %add3A_1046 = arith.constant 270 : i32
      %add3A_1047 = vector.broadcast %add3A_1046 : i32 to vector<16xi32>
      %add3A_1048 = arith.addi %mul3A_1045, %add3A_1047 : vector<16xi32>
      %gather3A_1049 = tpu.vector_load_idx %arg19[%add3A_1048] : memref<768xf32, #tpu.memory_space<vmem>>[vector<16xi32>], vector<16xf32>,
      %add3A_1050 = arith.addf %add3A_1018, %gather3A_1049 : vector<16xf32>
      %mul3A_1051 = arith.constant 16 : i32
      %mul3A_1052 = vector.broadcast %mul3A_1051 : i32 to vector<16xi32>
      %mul3A_1053 = arith.muli %iota3A, %mul3A_1052 : vector<16xi32>
      %add3A_1054 = arith.constant 271 : i32
      %add3A_1055 = vector.broadcast %add3A_1054 : i32 to vector<16xi32>
      %add3A_1056 = arith.addi %mul3A_1053, %add3A_1055 : vector<16xi32>
      %gather3A_1057 = tpu.vector_load_idx %arg19[%add3A_1056] : memref<768xf32, #tpu.memory_space<vmem>>[vector<16xi32>], vector<16xf32>,
      %add3A_1058 = arith.addf %add3A_1026, %gather3A_1057 : vector<16xf32>
      %add3A_1059 = arith.addf %add3A_1034, %add3A_1042 : vector<16xf32>
      %add3A_1060 = arith.addf %add3A_1050, %add3A_1058 : vector<16xf32>
      %add3A_1061 = arith.addf %add3A_1059, %add3A_1060 : vector<16xf32>
      %exp3A_1062 = math.exp %add3A_1061 : vector<16xf32>
      %swap3A_1063 = arith.constant 1 : i32
      %swap3A_1064 = arith.index_cast %swap3A_1063 : i32 to index
      %swap3A_1065 = arith.constant 16 : index
      %swap3A_1066 = tpu.vector_load %arg18[%swap3A_1064, %swap3A_1065] {strides = array<i32>} : memref<2x48xf32, #tpu.memory_space<vmem>>, vector<16xf32>,
      tpu.vector_store %arg18[%swap3A_1064, %swap3A_1065], %exp3A_1062 {strides = array<i32>} : memref<2x48xf32, #tpu.memory_space<vmem>>, vector<16xf32>,
      %mul3A_1067 = arith.constant 16 : i32
      %mul3A_1068 = vector.broadcast %mul3A_1067 : i32 to vector<16xi32>
      %mul3A_1069 = arith.muli %iota3A, %mul3A_1068 : vector<16xi32>
      %add3A_1070 = arith.constant 512 : i32
      %add3A_1071 = vector.broadcast %add3A_1070 : i32 to vector<16xi32>
      %add3A_1072 = arith.addi %mul3A_1069, %add3A_1071 : vector<16xi32>
      %gather3A_1073 = tpu.vector_load_idx %arg19[%add3A_1072] : memref<768xf32, #tpu.memory_space<vmem>>[vector<16xi32>], vector<16xf32>,
      %add3A_1074 = arith.addf %broadcast_in_dim3A_1, %gather3A_1073 : vector<16xf32>
      %mul3A_1075 = arith.constant 16 : i32
      %mul3A_1076 = vector.broadcast %mul3A_1075 : i32 to vector<16xi32>
      %mul3A_1077 = arith.muli %iota3A, %mul3A_1076 : vector<16xi32>
      %add3A_1078 = arith.constant 513 : i32
      %add3A_1079 = vector.broadcast %add3A_1078 : i32 to vector<16xi32>
      %add3A_1080 = arith.addi %mul3A_1077, %add3A_1079 : vector<16xi32>
      %gather3A_1081 = tpu.vector_load_idx %arg19[%add3A_1080] : memref<768xf32, #tpu.memory_space<vmem>>[vector<16xi32>], vector<16xf32>,
      %add3A_1082 = arith.addf %broadcast_in_dim3A_1, %gather3A_1081 : vector<16xf32>
      %mul3A_1083 = arith.constant 16 : i32
      %mul3A_1084 = vector.broadcast %mul3A_1083 : i32 to vector<16xi32>
      %mul3A_1085 = arith.muli %iota3A, %mul3A_1084 : vector<16xi32>
      %add3A_1086 = arith.constant 514 : i32
      %add3A_1087 = vector.broadcast %add3A_1086 : i32 to vector<16xi32>
      %add3A_1088 = arith.addi %mul3A_1085, %add3A_1087 : vector<16xi32>
      %gather3A_1089 = tpu.vector_load_idx %arg19[%add3A_1088] : memref<768xf32, #tpu.memory_space<vmem>>[vector<16xi32>], vector<16xf32>,
      %add3A_1090 = arith.addf %broadcast_in_dim3A_1, %gather3A_1089 : vector<16xf32>
      %mul3A_1091 = arith.constant 16 : i32
      %mul3A_1092 = vector.broadcast %mul3A_1091 : i32 to vector<16xi32>
      %mul3A_1093 = arith.muli %iota3A, %mul3A_1092 : vector<16xi32>
      %add3A_1094 = arith.constant 515 : i32
      %add3A_1095 = vector.broadcast %add3A_1094 : i32 to vector<16xi32>
      %add3A_1096 = arith.addi %mul3A_1093, %add3A_1095 : vector<16xi32>
      %gather3A_1097 = tpu.vector_load_idx %arg19[%add3A_1096] : memref<768xf32, #tpu.memory_space<vmem>>[vector<16xi32>], vector<16xf32>,
      %add3A_1098 = arith.addf %broadcast_in_dim3A_1, %gather3A_1097 : vector<16xf32>
      %mul3A_1099 = arith.constant 16 : i32
      %mul3A_1100 = vector.broadcast %mul3A_1099 : i32 to vector<16xi32>
      %mul3A_1101 = arith.muli %iota3A, %mul3A_1100 : vector<16xi32>
      %add3A_1102 = arith.constant 516 : i32
      %add3A_1103 = vector.broadcast %add3A_1102 : i32 to vector<16xi32>
      %add3A_1104 = arith.addi %mul3A_1101, %add3A_1103 : vector<16xi32>
      %gather3A_1105 = tpu.vector_load_idx %arg19[%add3A_1104] : memref<768xf32, #tpu.memory_space<vmem>>[vector<16xi32>], vector<16xf32>,
      %add3A_1106 = arith.addf %add3A_1074, %gather3A_1105 : vector<16xf32>
      %mul3A_1107 = arith.constant 16 : i32
      %mul3A_1108 = vector.broadcast %mul3A_1107 : i32 to vector<16xi32>
      %mul3A_1109 = arith.muli %iota3A, %mul3A_1108 : vector<16xi32>
      %add3A_1110 = arith.constant 517 : i32
      %add3A_1111 = vector.broadcast %add3A_1110 : i32 to vector<16xi32>
      %add3A_1112 = arith.addi %mul3A_1109, %add3A_1111 : vector<16xi32>
      %gather3A_1113 = tpu.vector_load_idx %arg19[%add3A_1112] : memref<768xf32, #tpu.memory_space<vmem>>[vector<16xi32>], vector<16xf32>,
      %add3A_1114 = arith.addf %add3A_1082, %gather3A_1113 : vector<16xf32>
      %mul3A_1115 = arith.constant 16 : i32
      %mul3A_1116 = vector.broadcast %mul3A_1115 : i32 to vector<16xi32>
      %mul3A_1117 = arith.muli %iota3A, %mul3A_1116 : vector<16xi32>
      %add3A_1118 = arith.constant 518 : i32
      %add3A_1119 = vector.broadcast %add3A_1118 : i32 to vector<16xi32>
      %add3A_1120 = arith.addi %mul3A_1117, %add3A_1119 : vector<16xi32>
      %gather3A_1121 = tpu.vector_load_idx %arg19[%add3A_1120] : memref<768xf32, #tpu.memory_space<vmem>>[vector<16xi32>], vector<16xf32>,
      %add3A_1122 = arith.addf %add3A_1090, %gather3A_1121 : vector<16xf32>
      %mul3A_1123 = arith.constant 16 : i32
      %mul3A_1124 = vector.broadcast %mul3A_1123 : i32 to vector<16xi32>
      %mul3A_1125 = arith.muli %iota3A, %mul3A_1124 : vector<16xi32>
      %add3A_1126 = arith.constant 519 : i32
      %add3A_1127 = vector.broadcast %add3A_1126 : i32 to vector<16xi32>
      %add3A_1128 = arith.addi %mul3A_1125, %add3A_1127 : vector<16xi32>
      %gather3A_1129 = tpu.vector_load_idx %arg19[%add3A_1128] : memref<768xf32, #tpu.memory_space<vmem>>[vector<16xi32>], vector<16xf32>,
      %add3A_1130 = arith.addf %add3A_1098, %gather3A_1129 : vector<16xf32>
      %mul3A_1131 = arith.constant 16 : i32
      %mul3A_1132 = vector.broadcast %mul3A_1131 : i32 to vector<16xi32>
      %mul3A_1133 = arith.muli %iota3A, %mul3A_1132 : vector<16xi32>
      %add3A_1134 = arith.constant 520 : i32
      %add3A_1135 = vector.broadcast %add3A_1134 : i32 to vector<16xi32>
      %add3A_1136 = arith.addi %mul3A_1133, %add3A_1135 : vector<16xi32>
      %gather3A_1137 = tpu.vector_load_idx %arg19[%add3A_1136] : memref<768xf32, #tpu.memory_space<vmem>>[vector<16xi32>], vector<16xf32>,
      %add3A_1138 = arith.addf %add3A_1106, %gather3A_1137 : vector<16xf32>
      %mul3A_1139 = arith.constant 16 : i32
      %mul3A_1140 = vector.broadcast %mul3A_1139 : i32 to vector<16xi32>
      %mul3A_1141 = arith.muli %iota3A, %mul3A_1140 : vector<16xi32>
      %add3A_1142 = arith.constant 521 : i32
      %add3A_1143 = vector.broadcast %add3A_1142 : i32 to vector<16xi32>
      %add3A_1144 = arith.addi %mul3A_1141, %add3A_1143 : vector<16xi32>
      %gather3A_1145 = tpu.vector_load_idx %arg19[%add3A_1144] : memref<768xf32, #tpu.memory_space<vmem>>[vector<16xi32>], vector<16xf32>,
      %add3A_1146 = arith.addf %add3A_1114, %gather3A_1145 : vector<16xf32>
      %mul3A_1147 = arith.constant 16 : i32
      %mul3A_1148 = vector.broadcast %mul3A_1147 : i32 to vector<16xi32>
      %mul3A_1149 = arith.muli %iota3A, %mul3A_1148 : vector<16xi32>
      %add3A_1150 = arith.constant 522 : i32
      %add3A_1151 = vector.broadcast %add3A_1150 : i32 to vector<16xi32>
      %add3A_1152 = arith.addi %mul3A_1149, %add3A_1151 : vector<16xi32>
      %gather3A_1153 = tpu.vector_load_idx %arg19[%add3A_1152] : memref<768xf32, #tpu.memory_space<vmem>>[vector<16xi32>], vector<16xf32>,
      %add3A_1154 = arith.addf %add3A_1122, %gather3A_1153 : vector<16xf32>
      %mul3A_1155 = arith.constant 16 : i32
      %mul3A_1156 = vector.broadcast %mul3A_1155 : i32 to vector<16xi32>
      %mul3A_1157 = arith.muli %iota3A, %mul3A_1156 : vector<16xi32>
      %add3A_1158 = arith.constant 523 : i32
      %add3A_1159 = vector.broadcast %add3A_1158 : i32 to vector<16xi32>
      %add3A_1160 = arith.addi %mul3A_1157, %add3A_1159 : vector<16xi32>
      %gather3A_1161 = tpu.vector_load_idx %arg19[%add3A_1160] : memref<768xf32, #tpu.memory_space<vmem>>[vector<16xi32>], vector<16xf32>,
      %add3A_1162 = arith.addf %add3A_1130, %gather3A_1161 : vector<16xf32>
      %mul3A_1163 = arith.constant 16 : i32
      %mul3A_1164 = vector.broadcast %mul3A_1163 : i32 to vector<16xi32>
      %mul3A_1165 = arith.muli %iota3A, %mul3A_1164 : vector<16xi32>
      %add3A_1166 = arith.constant 524 : i32
      %add3A_1167 = vector.broadcast %add3A_1166 : i32 to vector<16xi32>
      %add3A_1168 = arith.addi %mul3A_1165, %add3A_1167 : vector<16xi32>
      %gather3A_1169 = tpu.vector_load_idx %arg19[%add3A_1168] : memref<768xf32, #tpu.memory_space<vmem>>[vector<16xi32>], vector<16xf32>,
      %add3A_1170 = arith.addf %add3A_1138, %gather3A_1169 : vector<16xf32>
      %mul3A_1171 = arith.constant 16 : i32
      %mul3A_1172 = vector.broadcast %mul3A_1171 : i32 to vector<16xi32>
      %mul3A_1173 = arith.muli %iota3A, %mul3A_1172 : vector<16xi32>
      %add3A_1174 = arith.constant 525 : i32
      %add3A_1175 = vector.broadcast %add3A_1174 : i32 to vector<16xi32>
      %add3A_1176 = arith.addi %mul3A_1173, %add3A_1175 : vector<16xi32>
      %gather3A_1177 = tpu.vector_load_idx %arg19[%add3A_1176] : memref<768xf32, #tpu.memory_space<vmem>>[vector<16xi32>], vector<16xf32>,
      %add3A_1178 = arith.addf %add3A_1146, %gather3A_1177 : vector<16xf32>
      %mul3A_1179 = arith.constant 16 : i32
      %mul3A_1180 = vector.broadcast %mul3A_1179 : i32 to vector<16xi32>
      %mul3A_1181 = arith.muli %iota3A, %mul3A_1180 : vector<16xi32>
      %add3A_1182 = arith.constant 526 : i32
      %add3A_1183 = vector.broadcast %add3A_1182 : i32 to vector<16xi32>
      %add3A_1184 = arith.addi %mul3A_1181, %add3A_1183 : vector<16xi32>
      %gather3A_1185 = tpu.vector_load_idx %arg19[%add3A_1184] : memref<768xf32, #tpu.memory_space<vmem>>[vector<16xi32>], vector<16xf32>,
      %add3A_1186 = arith.addf %add3A_1154, %gather3A_1185 : vector<16xf32>
      %mul3A_1187 = arith.constant 16 : i32
      %mul3A_1188 = vector.broadcast %mul3A_1187 : i32 to vector<16xi32>
      %mul3A_1189 = arith.muli %iota3A, %mul3A_1188 : vector<16xi32>
      %add3A_1190 = arith.constant 527 : i32
      %add3A_1191 = vector.broadcast %add3A_1190 : i32 to vector<16xi32>
      %add3A_1192 = arith.addi %mul3A_1189, %add3A_1191 : vector<16xi32>
      %gather3A_1193 = tpu.vector_load_idx %arg19[%add3A_1192] : memref<768xf32, #tpu.memory_space<vmem>>[vector<16xi32>], vector<16xf32>,
      %add3A_1194 = arith.addf %add3A_1162, %gather3A_1193 : vector<16xf32>
      %add3A_1195 = arith.addf %add3A_1170, %add3A_1178 : vector<16xf32>
      %add3A_1196 = arith.addf %add3A_1186, %add3A_1194 : vector<16xf32>
      %add3A_1197 = arith.addf %add3A_1195, %add3A_1196 : vector<16xf32>
      %exp3A_1198 = math.exp %add3A_1197 : vector<16xf32>
      %swap3A_1199 = arith.constant 1 : i32
      %swap3A_1200 = arith.index_cast %swap3A_1199 : i32 to index
      %swap3A_1201 = arith.constant 32 : index
      %swap3A_1202 = tpu.vector_load %arg18[%swap3A_1200, %swap3A_1201] {strides = array<i32>} : memref<2x48xf32, #tpu.memory_space<vmem>>, vector<16xf32>,
      tpu.vector_store %arg18[%swap3A_1200, %swap3A_1201], %exp3A_1198 {strides = array<i32>} : memref<2x48xf32, #tpu.memory_space<vmem>>, vector<16xf32>,
      %parallel_loop3A_1203 = arith.constant 0 : i32
      %parallel_loop3A_1204 = arith.constant 40 : i32
      %parallel_loop3A_1205 = arith.constant 1 : i32
      scf.for %parallel_loop3A_1236 = %parallel_loop3A_1203 to %parallel_loop3A_1204 step %parallel_loop3A_1205  : i32 {
        %parallel_loop3A_1237 = arith.constant 0 : i32
        %parallel_loop3A_1238 = vector.broadcast %parallel_loop3A_1237 : i32 to vector<16xi32>
        %parallel_loop3A_1239 = vector.broadcast %parallel_loop3A_1236 : i32 to vector<16xi32>
        %parallel_loop3A_1240 = arith.addi %parallel_loop3A_1238, %parallel_loop3A_1239 : vector<16xi32>
        %parallel_loop3A_1241 = arith.constant 1 : i32
        %parallel_loop3A_1242 = arith.constant 0 : i32
        %parallel_loop3A_1243 = tpu.memref_slice %arg18[%parallel_loop3A_1241, %parallel_loop3A_1242] : memref<2x48xf32, #tpu.memory_space<vmem>> -> memref<1x48xf32, #tpu.memory_space<vmem>>
        %parallel_loop3A_1244 = tpu.memref_squeeze %parallel_loop3A_1243 : memref<1x48xf32, #tpu.memory_space<vmem>> -> memref<48xf32, #tpu.memory_space<vmem>>
        %parallel_loop3A_1245 = tpu.vector_load_idx %parallel_loop3A_1244[%parallel_loop3A_1240] : memref<48xf32, #tpu.memory_space<vmem>>[vector<16xi32>], vector<16xf32>,
        %parallel_loop3A_1246 = arith.constant 1 : i32
        %parallel_loop3A_1247 = arith.index_cast %parallel_loop3A_1246 : i32 to index
        %parallel_loop3A_1248 = arith.index_cast %parallel_loop3A_1236 : i32 to index
        %parallel_loop3A_1249 = arith.constant 0 : index
        %parallel_loop3A_1250 = tpu.vector_load %arg15[%parallel_loop3A_1247, %parallel_loop3A_1248, %parallel_loop3A_1249] {strides = array<i32>} : memref<2x40x128xf32, #tpu.memory_space<vmem>>, vector<16xf32>,
        %parallel_loop3A_1251 = arith.mulf %parallel_loop3A_1250, %parallel_loop3A_1245 : vector<16xf32>
        %parallel_loop3A_1252 = arith.constant 1 : i32
        %parallel_loop3A_1253 = arith.index_cast %parallel_loop3A_1252 : i32 to index
        %parallel_loop3A_1254 = arith.index_cast %parallel_loop3A_1236 : i32 to index
        %parallel_loop3A_1255 = arith.constant 0 : index
        %parallel_loop3A_1256 = tpu.vector_load %arg15[%parallel_loop3A_1253, %parallel_loop3A_1254, %parallel_loop3A_1255] {strides = array<i32>} : memref<2x40x128xf32, #tpu.memory_space<vmem>>, vector<16xf32>,
        tpu.vector_store %arg15[%parallel_loop3A_1253, %parallel_loop3A_1254, %parallel_loop3A_1255], %parallel_loop3A_1251 {strides = array<i32>} : memref<2x40x128xf32, #tpu.memory_space<vmem>>, vector<16xf32>,
        %parallel_loop3A_1257 = arith.constant 1 : i32
        %parallel_loop3A_1258 = arith.index_cast %parallel_loop3A_1257 : i32 to index
        %parallel_loop3A_1259 = arith.index_cast %parallel_loop3A_1236 : i32 to index
        %parallel_loop3A_1260 = arith.constant 16 : index
        %parallel_loop3A_1261 = tpu.vector_load %arg15[%parallel_loop3A_1258, %parallel_loop3A_1259, %parallel_loop3A_1260] {strides = array<i32>} : memref<2x40x128xf32, #tpu.memory_space<vmem>>, vector<16xf32>,
        %parallel_loop3A_1262 = arith.mulf %parallel_loop3A_1261, %parallel_loop3A_1245 : vector<16xf32>
        %parallel_loop3A_1263 = arith.constant 1 : i32
        %parallel_loop3A_1264 = arith.index_cast %parallel_loop3A_1263 : i32 to index
        %parallel_loop3A_1265 = arith.index_cast %parallel_loop3A_1236 : i32 to index
        %parallel_loop3A_1266 = arith.constant 16 : index
        %parallel_loop3A_1267 = tpu.vector_load %arg15[%parallel_loop3A_1264, %parallel_loop3A_1265, %parallel_loop3A_1266] {strides = array<i32>} : memref<2x40x128xf32, #tpu.memory_space<vmem>>, vector<16xf32>,
        tpu.vector_store %arg15[%parallel_loop3A_1264, %parallel_loop3A_1265, %parallel_loop3A_1266], %parallel_loop3A_1262 {strides = array<i32>} : memref<2x40x128xf32, #tpu.memory_space<vmem>>, vector<16xf32>,
        %parallel_loop3A_1268 = arith.constant 1 : i32
        %parallel_loop3A_1269 = arith.index_cast %parallel_loop3A_1268 : i32 to index
        %parallel_loop3A_1270 = arith.index_cast %parallel_loop3A_1236 : i32 to index
        %parallel_loop3A_1271 = arith.constant 32 : index
        %parallel_loop3A_1272 = tpu.vector_load %arg15[%parallel_loop3A_1269, %parallel_loop3A_1270, %parallel_loop3A_1271] {strides = array<i32>} : memref<2x40x128xf32, #tpu.memory_space<vmem>>, vector<16xf32>,
        %parallel_loop3A_1273 = arith.mulf %parallel_loop3A_1272, %parallel_loop3A_1245 : vector<16xf32>
        %parallel_loop3A_1274 = arith.constant 1 : i32
        %parallel_loop3A_1275 = arith.index_cast %parallel_loop3A_1274 : i32 to index
        %parallel_loop3A_1276 = arith.index_cast %parallel_loop3A_1236 : i32 to index
        %parallel_loop3A_1277 = arith.constant 32 : index
        %parallel_loop3A_1278 = tpu.vector_load %arg15[%parallel_loop3A_1275, %parallel_loop3A_1276, %parallel_loop3A_1277] {strides = array<i32>} : memref<2x40x128xf32, #tpu.memory_space<vmem>>, vector<16xf32>,
        tpu.vector_store %arg15[%parallel_loop3A_1275, %parallel_loop3A_1276, %parallel_loop3A_1277], %parallel_loop3A_1273 {strides = array<i32>} : memref<2x40x128xf32, #tpu.memory_space<vmem>>, vector<16xf32>,
        %parallel_loop3A_1279 = arith.constant 1 : i32
        %parallel_loop3A_1280 = arith.index_cast %parallel_loop3A_1279 : i32 to index
        %parallel_loop3A_1281 = arith.index_cast %parallel_loop3A_1236 : i32 to index
        %parallel_loop3A_1282 = arith.constant 48 : index
        %parallel_loop3A_1283 = tpu.vector_load %arg15[%parallel_loop3A_1280, %parallel_loop3A_1281, %parallel_loop3A_1282] {strides = array<i32>} : memref<2x40x128xf32, #tpu.memory_space<vmem>>, vector<16xf32>,
        %parallel_loop3A_1284 = arith.mulf %parallel_loop3A_1283, %parallel_loop3A_1245 : vector<16xf32>
        %parallel_loop3A_1285 = arith.constant 1 : i32
        %parallel_loop3A_1286 = arith.index_cast %parallel_loop3A_1285 : i32 to index
        %parallel_loop3A_1287 = arith.index_cast %parallel_loop3A_1236 : i32 to index
        %parallel_loop3A_1288 = arith.constant 48 : index
        %parallel_loop3A_1289 = tpu.vector_load %arg15[%parallel_loop3A_1286, %parallel_loop3A_1287, %parallel_loop3A_1288] {strides = array<i32>} : memref<2x40x128xf32, #tpu.memory_space<vmem>>, vector<16xf32>,
        tpu.vector_store %arg15[%parallel_loop3A_1286, %parallel_loop3A_1287, %parallel_loop3A_1288], %parallel_loop3A_1284 {strides = array<i32>} : memref<2x40x128xf32, #tpu.memory_space<vmem>>, vector<16xf32>,
        %parallel_loop3A_1290 = arith.constant 1 : i32
        %parallel_loop3A_1291 = arith.index_cast %parallel_loop3A_1290 : i32 to index
        %parallel_loop3A_1292 = arith.index_cast %parallel_loop3A_1236 : i32 to index
        %parallel_loop3A_1293 = arith.constant 64 : index
        %parallel_loop3A_1294 = tpu.vector_load %arg15[%parallel_loop3A_1291, %parallel_loop3A_1292, %parallel_loop3A_1293] {strides = array<i32>} : memref<2x40x128xf32, #tpu.memory_space<vmem>>, vector<16xf32>,
        %parallel_loop3A_1295 = arith.mulf %parallel_loop3A_1294, %parallel_loop3A_1245 : vector<16xf32>
        %parallel_loop3A_1296 = arith.constant 1 : i32
        %parallel_loop3A_1297 = arith.index_cast %parallel_loop3A_1296 : i32 to index
        %parallel_loop3A_1298 = arith.index_cast %parallel_loop3A_1236 : i32 to index
        %parallel_loop3A_1299 = arith.constant 64 : index
        %parallel_loop3A_1300 = tpu.vector_load %arg15[%parallel_loop3A_1297, %parallel_loop3A_1298, %parallel_loop3A_1299] {strides = array<i32>} : memref<2x40x128xf32, #tpu.memory_space<vmem>>, vector<16xf32>,
        tpu.vector_store %arg15[%parallel_loop3A_1297, %parallel_loop3A_1298, %parallel_loop3A_1299], %parallel_loop3A_1295 {strides = array<i32>} : memref<2x40x128xf32, #tpu.memory_space<vmem>>, vector<16xf32>,
        %parallel_loop3A_1301 = arith.constant 1 : i32
        %parallel_loop3A_1302 = arith.index_cast %parallel_loop3A_1301 : i32 to index
        %parallel_loop3A_1303 = arith.index_cast %parallel_loop3A_1236 : i32 to index
        %parallel_loop3A_1304 = arith.constant 80 : index
        %parallel_loop3A_1305 = tpu.vector_load %arg15[%parallel_loop3A_1302, %parallel_loop3A_1303, %parallel_loop3A_1304] {strides = array<i32>} : memref<2x40x128xf32, #tpu.memory_space<vmem>>, vector<16xf32>,
        %parallel_loop3A_1306 = arith.mulf %parallel_loop3A_1305, %parallel_loop3A_1245 : vector<16xf32>
        %parallel_loop3A_1307 = arith.constant 1 : i32
        %parallel_loop3A_1308 = arith.index_cast %parallel_loop3A_1307 : i32 to index
        %parallel_loop3A_1309 = arith.index_cast %parallel_loop3A_1236 : i32 to index
        %parallel_loop3A_1310 = arith.constant 80 : index
        %parallel_loop3A_1311 = tpu.vector_load %arg15[%parallel_loop3A_1308, %parallel_loop3A_1309, %parallel_loop3A_1310] {strides = array<i32>} : memref<2x40x128xf32, #tpu.memory_space<vmem>>, vector<16xf32>,
        tpu.vector_store %arg15[%parallel_loop3A_1308, %parallel_loop3A_1309, %parallel_loop3A_1310], %parallel_loop3A_1306 {strides = array<i32>} : memref<2x40x128xf32, #tpu.memory_space<vmem>>, vector<16xf32>,
        %parallel_loop3A_1312 = arith.constant 1 : i32
        %parallel_loop3A_1313 = arith.index_cast %parallel_loop3A_1312 : i32 to index
        %parallel_loop3A_1314 = arith.index_cast %parallel_loop3A_1236 : i32 to index
        %parallel_loop3A_1315 = arith.constant 96 : index
        %parallel_loop3A_1316 = tpu.vector_load %arg15[%parallel_loop3A_1313, %parallel_loop3A_1314, %parallel_loop3A_1315] {strides = array<i32>} : memref<2x40x128xf32, #tpu.memory_space<vmem>>, vector<16xf32>,
        %parallel_loop3A_1317 = arith.mulf %parallel_loop3A_1316, %parallel_loop3A_1245 : vector<16xf32>
        %parallel_loop3A_1318 = arith.constant 1 : i32
        %parallel_loop3A_1319 = arith.index_cast %parallel_loop3A_1318 : i32 to index
        %parallel_loop3A_1320 = arith.index_cast %parallel_loop3A_1236 : i32 to index
        %parallel_loop3A_1321 = arith.constant 96 : index
        %parallel_loop3A_1322 = tpu.vector_load %arg15[%parallel_loop3A_1319, %parallel_loop3A_1320, %parallel_loop3A_1321] {strides = array<i32>} : memref<2x40x128xf32, #tpu.memory_space<vmem>>, vector<16xf32>,
        tpu.vector_store %arg15[%parallel_loop3A_1319, %parallel_loop3A_1320, %parallel_loop3A_1321], %parallel_loop3A_1317 {strides = array<i32>} : memref<2x40x128xf32, #tpu.memory_space<vmem>>, vector<16xf32>,
        %parallel_loop3A_1323 = arith.constant 1 : i32
        %parallel_loop3A_1324 = arith.index_cast %parallel_loop3A_1323 : i32 to index
        %parallel_loop3A_1325 = arith.index_cast %parallel_loop3A_1236 : i32 to index
        %parallel_loop3A_1326 = arith.constant 112 : index
        %parallel_loop3A_1327 = tpu.vector_load %arg15[%parallel_loop3A_1324, %parallel_loop3A_1325, %parallel_loop3A_1326] {strides = array<i32>} : memref<2x40x128xf32, #tpu.memory_space<vmem>>, vector<16xf32>,
        %parallel_loop3A_1328 = arith.mulf %parallel_loop3A_1327, %parallel_loop3A_1245 : vector<16xf32>
        %parallel_loop3A_1329 = arith.constant 1 : i32
        %parallel_loop3A_1330 = arith.index_cast %parallel_loop3A_1329 : i32 to index
        %parallel_loop3A_1331 = arith.index_cast %parallel_loop3A_1236 : i32 to index
        %parallel_loop3A_1332 = arith.constant 112 : index
        %parallel_loop3A_1333 = tpu.vector_load %arg15[%parallel_loop3A_1330, %parallel_loop3A_1331, %parallel_loop3A_1332] {strides = array<i32>} : memref<2x40x128xf32, #tpu.memory_space<vmem>>, vector<16xf32>,
        tpu.vector_store %arg15[%parallel_loop3A_1330, %parallel_loop3A_1331, %parallel_loop3A_1332], %parallel_loop3A_1328 {strides = array<i32>} : memref<2x40x128xf32, #tpu.memory_space<vmem>>, vector<16xf32>,
      } {sc.loop_unroll_factor = 4 : i64, sc.parallel_access}
      %dma_start3A_1206 = arith.constant 1 : i32
      %dma_start3A_1207 = arith.constant 1 : i32
      %dma_start3A_1208 = arith.constant 0 : i32
      %dma_start3A_1209 = arith.constant 0 : i32
      %dma_start3A_1210 = tpu.memref_slice %arg15[%dma_start3A_1206, %dma_start3A_1208, %dma_start3A_1209] : memref<2x40x128xf32, #tpu.memory_space<vmem>> -> memref<1x40x128xf32, #tpu.memory_space<vmem>>
      %dma_start3A_1211 = tpu.memref_squeeze %dma_start3A_1210 : memref<1x40x128xf32, #tpu.memory_space<vmem>> -> memref<40x128xf32, #tpu.memory_space<vmem>>
      %dma_start3A_1212 = arith.constant 0 : i32
      %dma_start3A_1213 = tpu.memref_slice %arg14[%dma_start3A_1207, %dma_start3A_1212] : memref<2x40xi32, #tpu.memory_space<vmem>> -> memref<1x40xi32, #tpu.memory_space<vmem>>
      %dma_start3A_1214 = tpu.memref_squeeze %dma_start3A_1213 : memref<1x40xi32, #tpu.memory_space<vmem>> -> memref<40xi32, #tpu.memory_space<vmem>>
      %dma_start3A_1215 = arith.constant 0 : i32
      %dma_start3A_1216 = arith.constant 0 : i32
      %dma_start3A_1217 = tpu.memref_slice %arg10[%dma_start3A_1215, %dma_start3A_1216] : memref<10240x128xf32, #tpu.memory_space<vmem_shared>> -> memref<10240x128xf32, #tpu.memory_space<vmem_shared>>
      tpu.enqueue_indirect_dma source(%dma_start3A_1211 : memref<40x128xf32, #tpu.memory_space<vmem>>) target(%dma_start3A_1217 : memref<10240x128xf32, #tpu.memory_space<vmem_shared>>) offsets(%dma_start3A_1214 : memref<40xi32, #tpu.memory_space<vmem>>) semaphore(%arg31 : memref<!tpu.dma_semaphore, #tpu.memory_space<semaphore_mem>>) {add = true}
      %dma_start3A_1218 = arith.constant 1 : i32
      %dma_start3A_1219 = arith.constant 1 : i32
      %dma_start3A_1220 = arith.constant 0 : i32
      %dma_start3A_1221 = tpu.memref_slice %arg18[%dma_start3A_1218, %dma_start3A_1220] : memref<2x48xf32, #tpu.memory_space<vmem>> -> memref<1x40xf32, #tpu.memory_space<vmem>>
      %dma_start3A_1222 = tpu.memref_squeeze %dma_start3A_1221 : memref<1x40xf32, #tpu.memory_space<vmem>> -> memref<40xf32, #tpu.memory_space<vmem>>
      %dma_start3A_1223 = arith.constant 0 : i32
      %dma_start3A_1224 = tpu.memref_slice %arg14[%dma_start3A_1219, %dma_start3A_1223] : memref<2x40xi32, #tpu.memory_space<vmem>> -> memref<1x40xi32, #tpu.memory_space<vmem>>
      %dma_start3A_1225 = tpu.memref_squeeze %dma_start3A_1224 : memref<1x40xi32, #tpu.memory_space<vmem>> -> memref<40xi32, #tpu.memory_space<vmem>>
      %dma_start3A_1226 = arith.constant 0 : i32
      %dma_start3A_1227 = tpu.memref_slice %arg11[%dma_start3A_1226] : memref<10240xf32, #tpu.memory_space<vmem_shared>> -> memref<10240xf32, #tpu.memory_space<vmem_shared>>
      tpu.enqueue_indirect_dma source(%dma_start3A_1222 : memref<40xf32, #tpu.memory_space<vmem>>) target(%dma_start3A_1227 : memref<10240xf32, #tpu.memory_space<vmem_shared>>) offsets(%dma_start3A_1225 : memref<40xi32, #tpu.memory_space<vmem>>) semaphore(%arg33 : memref<!tpu.dma_semaphore, #tpu.memory_space<semaphore_mem>>) {add = true}
      %add3A_1228 = arith.constant 2 : i32
      %add3A_1229 = arith.addi %add3A_710, %add3A_1228 : i32
      %lt3A_1230 = arith.constant 250 : i32
      %lt3A_1231 = arith.cmpi slt, %add3A_1229, %lt3A_1230 : i32
      %convert_element_type3A_1232 = arith.extui %lt3A_1231 : i1 to i32
      %cond3A_1233 = arith.constant 0 : i32
      %cond3A_1234 = arith.cmpi ne, %convert_element_type3A_1232, %cond3A_1233 : i32
      scf.if %cond3A_1234 {
        %add3A_1236 = arith.constant 2 : i32
        %add3A_1237 = arith.addi %add3A_710, %add3A_1236 : i32
        %mul3A_1238 = arith.constant 10000 : i32
        %mul3A_1239 = arith.muli %add3A, %mul3A_1238 : i32
        %mul3A_1240 = arith.constant 40 : i32
        %mul3A_1241 = arith.muli %add3A_1237, %mul3A_1240 : i32
        %add3A_1242 = arith.addi %mul3A_1239, %mul3A_1241 : i32
        %dma_start3A_1243 = arith.constant 1 : i32
        %dma_start3A_1244 = arith.constant 0 : i32
        %dma_start3A_1245 = tpu.memref_slice %arg12[%dma_start3A_1243, %dma_start3A_1244] : memref<2x48xi32, #tpu.memory_space<vmem>> -> memref<1x40xi32, #tpu.memory_space<vmem>>
        %dma_start3A_1246 = tpu.memref_squeeze %dma_start3A_1245 : memref<1x40xi32, #tpu.memory_space<vmem>> -> memref<40xi32, #tpu.memory_space<vmem>>
        %dma_start3A_1247 = tpu.memref_slice %arg5[%add3A_1242] : memref<320000xi32, #tpu.memory_space<hbm>> -> memref<40xi32, #tpu.memory_space<hbm>>
        %dma_start3A_1248 = arith.constant 0 : i32
        %dma_start3A_1249 = tpu.memref_slice %arg12[%dma_start3A_1243, %dma_start3A_1248] : memref<2x48xi32, #tpu.memory_space<vmem>> -> memref<1x40xi32, #tpu.memory_space<vmem>>
        %dma_start3A_1250 = tpu.memref_squeeze %dma_start3A_1249 : memref<1x40xi32, #tpu.memory_space<vmem>> -> memref<40xi32, #tpu.memory_space<vmem>>
        %dma_start3A_1251 = tpu.memref_slice %arg5[%add3A_1242] : memref<320000xi32, #tpu.memory_space<hbm>> -> memref<40xi32, #tpu.memory_space<hbm>>
        tpu.enqueue_dma source(%dma_start3A_1251 : memref<40xi32, #tpu.memory_space<hbm>>) target(%dma_start3A_1250 : memref<40xi32, #tpu.memory_space<vmem>>) target_semaphore(%arg23 : memref<!tpu.dma_semaphore, #tpu.memory_space<semaphore_mem>>)
        %mul3A_1252 = arith.constant 10000 : i32
        %mul3A_1253 = arith.muli %add3A, %mul3A_1252 : i32
        %mul3A_1254 = arith.constant 40 : i32
        %mul3A_1255 = arith.muli %add3A_1237, %mul3A_1254 : i32
        %add3A_1256 = arith.addi %mul3A_1253, %mul3A_1255 : i32
        %dma_start3A_1257 = arith.constant 1 : i32
        %dma_start3A_1258 = arith.constant 0 : i32
        %dma_start3A_1259 = tpu.memref_slice %arg13[%dma_start3A_1257, %dma_start3A_1258] : memref<2x48xi32, #tpu.memory_space<vmem>> -> memref<1x40xi32, #tpu.memory_space<vmem>>
        %dma_start3A_1260 = tpu.memref_squeeze %dma_start3A_1259 : memref<1x40xi32, #tpu.memory_space<vmem>> -> memref<40xi32, #tpu.memory_space<vmem>>
        %dma_start3A_1261 = tpu.memref_slice %arg6[%add3A_1256] : memref<320000xi32, #tpu.memory_space<hbm>> -> memref<40xi32, #tpu.memory_space<hbm>>
        %dma_start3A_1262 = arith.constant 0 : i32
        %dma_start3A_1263 = tpu.memref_slice %arg13[%dma_start3A_1257, %dma_start3A_1262] : memref<2x48xi32, #tpu.memory_space<vmem>> -> memref<1x40xi32, #tpu.memory_space<vmem>>
        %dma_start3A_1264 = tpu.memref_squeeze %dma_start3A_1263 : memref<1x40xi32, #tpu.memory_space<vmem>> -> memref<40xi32, #tpu.memory_space<vmem>>
        %dma_start3A_1265 = tpu.memref_slice %arg6[%add3A_1256] : memref<320000xi32, #tpu.memory_space<hbm>> -> memref<40xi32, #tpu.memory_space<hbm>>
        tpu.enqueue_dma source(%dma_start3A_1265 : memref<40xi32, #tpu.memory_space<hbm>>) target(%dma_start3A_1264 : memref<40xi32, #tpu.memory_space<vmem>>) target_semaphore(%arg23 : memref<!tpu.dma_semaphore, #tpu.memory_space<semaphore_mem>>)
      } else {
      }
      %scan3A_1235 = arith.constant 0 : i32
      scf.yield %scan3A_1235 : i32
    }
    %scan3A_157 = arith.constant 125 : i32
    %dma_wait3A = arith.constant 1 : i32
    %dma_wait3A_158 = arith.constant 0 : i32
    %dma_wait3A_159 = arith.constant 0 : i32
    %dma_wait3A_160 = tpu.memref_slice %arg15[%dma_wait3A, %dma_wait3A_158, %dma_wait3A_159] : memref<2x40x128xf32, #tpu.memory_space<vmem>> -> memref<1x40x128xf32, #tpu.memory_space<vmem>>
    %dma_wait3A_161 = tpu.memref_squeeze %dma_wait3A_160 : memref<1x40x128xf32, #tpu.memory_space<vmem>> -> memref<40x128xf32, #tpu.memory_space<vmem>>
    %dma_wait3A_162 = arith.constant 0 : i32
    %dma_wait3A_163 = arith.constant 0 : i32
    %dma_wait3A_164 = tpu.memref_slice %arg2[%dma_wait3A_162, %dma_wait3A_163] : memref<10000x128xf32, #tpu.memory_space<hbm>> -> memref<40x128xf32, #tpu.memory_space<hbm>>
    %dma_wait3A_165 = arith.constant 0 : i32
    %dma_wait3A_166 = arith.constant 0 : i32
    %dma_wait3A_167 = tpu.memref_slice %arg15[%dma_wait3A, %dma_wait3A_165, %dma_wait3A_166] : memref<2x40x128xf32, #tpu.memory_space<vmem>> -> memref<1x40x128xf32, #tpu.memory_space<vmem>>
    %dma_wait3A_168 = tpu.memref_squeeze %dma_wait3A_167 : memref<1x40x128xf32, #tpu.memory_space<vmem>> -> memref<40x128xf32, #tpu.memory_space<vmem>>
    %dma_wait3A_169 = arith.constant 0 : i32
    %dma_wait3A_170 = arith.constant 0 : i32
    %dma_wait3A_171 = tpu.memref_slice %arg2[%dma_wait3A_169, %dma_wait3A_170] : memref<10000x128xf32, #tpu.memory_space<hbm>> -> memref<40x128xf32, #tpu.memory_space<hbm>>
    tpu.wait_dma2 semaphore(%arg31 : memref<!tpu.dma_semaphore, #tpu.memory_space<semaphore_mem>>) src(%dma_wait3A_171 : memref<40x128xf32, #tpu.memory_space<hbm>>) dst(%dma_wait3A_168 : memref<40x128xf32, #tpu.memory_space<vmem>>)
    %dma_wait3A_172 = arith.constant 0 : i32
    %dma_wait3A_173 = arith.constant 1 : i32
    %dma_wait3A_174 = arith.constant 0 : i32
    %dma_wait3A_175 = tpu.memref_slice %arg18[%dma_wait3A_173, %dma_wait3A_174] : memref<2x48xf32, #tpu.memory_space<vmem>> -> memref<1x40xf32, #tpu.memory_space<vmem>>
    %dma_wait3A_176 = tpu.memref_squeeze %dma_wait3A_175 : memref<1x40xf32, #tpu.memory_space<vmem>> -> memref<40xf32, #tpu.memory_space<vmem>>
    %dma_wait3A_177 = arith.constant 0 : i32
    %dma_wait3A_178 = tpu.memref_slice %arg9[%dma_wait3A_172, %dma_wait3A_177] : memref<2x10240xf32, #tpu.memory_space<hbm>> -> memref<1x40xf32, #tpu.memory_space<hbm>>
    %dma_wait3A_179 = tpu.memref_squeeze %dma_wait3A_178 : memref<1x40xf32, #tpu.memory_space<hbm>> -> memref<40xf32, #tpu.memory_space<hbm>>
    %dma_wait3A_180 = arith.constant 0 : i32
    %dma_wait3A_181 = tpu.memref_slice %arg18[%dma_wait3A_173, %dma_wait3A_180] : memref<2x48xf32, #tpu.memory_space<vmem>> -> memref<1x40xf32, #tpu.memory_space<vmem>>
    %dma_wait3A_182 = tpu.memref_squeeze %dma_wait3A_181 : memref<1x40xf32, #tpu.memory_space<vmem>> -> memref<40xf32, #tpu.memory_space<vmem>>
    %dma_wait3A_183 = arith.constant 0 : i32
    %dma_wait3A_184 = tpu.memref_slice %arg9[%dma_wait3A_172, %dma_wait3A_183] : memref<2x10240xf32, #tpu.memory_space<hbm>> -> memref<1x40xf32, #tpu.memory_space<hbm>>
    %dma_wait3A_185 = tpu.memref_squeeze %dma_wait3A_184 : memref<1x40xf32, #tpu.memory_space<hbm>> -> memref<40xf32, #tpu.memory_space<hbm>>
    tpu.wait_dma2 semaphore(%arg33 : memref<!tpu.dma_semaphore, #tpu.memory_space<semaphore_mem>>) src(%dma_wait3A_185 : memref<40xf32, #tpu.memory_space<hbm>>) dst(%dma_wait3A_182 : memref<40xf32, #tpu.memory_space<vmem>>)
    %barrier3A_186 = arith.constant 0 : index
    tpu.barrier barrier_id(%barrier3A_186)
    "tpu.region"() ({
      %run_scoped3A_187 = tpu.sem_alloc : memref<!tpu.dma_semaphore, #tpu.memory_space<semaphore_mem>>
      %dma_start3A_188 = arith.constant 0 : i32
      %dma_start3A_189 = tpu.memref_slice %arg8[%arg0, %mul3A_16, %dma_start3A_188] : memref<2x10240x128xf32, #tpu.memory_space<hbm>> -> memref<1x640x128xf32, #tpu.memory_space<hbm>>
      %dma_start3A_190 = tpu.memref_squeeze %dma_start3A_189 : memref<1x640x128xf32, #tpu.memory_space<hbm>> -> memref<640x128xf32, #tpu.memory_space<hbm>>
      %dma_start3A_191 = arith.constant 0 : i32
      %dma_start3A_192 = tpu.memref_slice %arg10[%mul3A_16, %dma_start3A_191] : memref<10240x128xf32, #tpu.memory_space<vmem_shared>> -> memref<640x128xf32, #tpu.memory_space<vmem_shared>>
      tpu.enqueue_dma source(%dma_start3A_192 : memref<640x128xf32, #tpu.memory_space<vmem_shared>>) target(%dma_start3A_190 : memref<640x128xf32, #tpu.memory_space<hbm>>) target_semaphore(%run_scoped3A_187 : memref<!tpu.dma_semaphore, #tpu.memory_space<semaphore_mem>>)
      %dma_wait3A_193 = arith.constant 0 : i32
      %dma_wait3A_194 = tpu.memref_slice %arg8[%arg0, %mul3A_16, %dma_wait3A_193] : memref<2x10240x128xf32, #tpu.memory_space<hbm>> -> memref<1x640x128xf32, #tpu.memory_space<hbm>>
      %dma_wait3A_195 = tpu.memref_squeeze %dma_wait3A_194 : memref<1x640x128xf32, #tpu.memory_space<hbm>> -> memref<640x128xf32, #tpu.memory_space<hbm>>
      %dma_wait3A_196 = arith.constant 0 : i32
      %dma_wait3A_197 = tpu.memref_slice %arg10[%mul3A_16, %dma_wait3A_196] : memref<10240x128xf32, #tpu.memory_space<vmem_shared>> -> memref<640x128xf32, #tpu.memory_space<vmem_shared>>
      tpu.wait_dma2 semaphore(%run_scoped3A_187 : memref<!tpu.dma_semaphore, #tpu.memory_space<semaphore_mem>>) src(%dma_wait3A_197 : memref<640x128xf32, #tpu.memory_space<vmem_shared>>) dst(%dma_wait3A_195 : memref<640x128xf32, #tpu.memory_space<hbm>>)
      tpu.yield
    }) : () -> ()
    "tpu.region"() ({
      %run_scoped3A_187 = tpu.sem_alloc : memref<!tpu.dma_semaphore, #tpu.memory_space<semaphore_mem>>
      %dma_start3A_188 = tpu.memref_slice %arg9[%arg0, %mul3A_16] : memref<2x10240xf32, #tpu.memory_space<hbm>> -> memref<1x640xf32, #tpu.memory_space<hbm>>
      %dma_start3A_189 = tpu.memref_squeeze %dma_start3A_188 : memref<1x640xf32, #tpu.memory_space<hbm>> -> memref<640xf32, #tpu.memory_space<hbm>>
      %dma_start3A_190 = tpu.memref_slice %arg11[%mul3A_16] : memref<10240xf32, #tpu.memory_space<vmem_shared>> -> memref<640xf32, #tpu.memory_space<vmem_shared>>
      tpu.enqueue_dma source(%dma_start3A_190 : memref<640xf32, #tpu.memory_space<vmem_shared>>) target(%dma_start3A_189 : memref<640xf32, #tpu.memory_space<hbm>>) target_semaphore(%run_scoped3A_187 : memref<!tpu.dma_semaphore, #tpu.memory_space<semaphore_mem>>)
      %dma_wait3A_191 = tpu.memref_slice %arg9[%arg0, %mul3A_16] : memref<2x10240xf32, #tpu.memory_space<hbm>> -> memref<1x640xf32, #tpu.memory_space<hbm>>
      %dma_wait3A_192 = tpu.memref_squeeze %dma_wait3A_191 : memref<1x640xf32, #tpu.memory_space<hbm>> -> memref<640xf32, #tpu.memory_space<hbm>>
      %dma_wait3A_193 = tpu.memref_slice %arg11[%mul3A_16] : memref<10240xf32, #tpu.memory_space<vmem_shared>> -> memref<640xf32, #tpu.memory_space<vmem_shared>>
      tpu.wait_dma2 semaphore(%run_scoped3A_187 : memref<!tpu.dma_semaphore, #tpu.memory_space<semaphore_mem>>) src(%dma_wait3A_193 : memref<640xf32, #tpu.memory_space<vmem_shared>>) dst(%dma_wait3A_192 : memref<640xf32, #tpu.memory_space<hbm>>)
      tpu.yield
    }) : () -> ()
    return
  }
}

module attributes {stable_mosaic.version = 14 : i64} {
  func.func @_dense_body(%arg0: i32, %arg1: memref<2000x128xf32, #tpu.memory_space<vmem>>, %arg2: memref<128x128xf32, #tpu.memory_space<vmem>>, %arg3: memref<128x128xf32, #tpu.memory_space<vmem>>, %arg4: memref<1x128xf32, #tpu.memory_space<vmem>>, %arg5: memref<1x128xf32, #tpu.memory_space<vmem>>, %arg6: memref<2000x128xf32, #tpu.memory_space<vmem>>, %arg7: memref<2000x128xf32, #tpu.memory_space<vmem>>) attributes {dimension_semantics = [#tpu.dimension_semantics<arbitrary>], iteration_bounds = array<i64: 5>, scalar_prefetch = 0 : i64, scratch_operands = 0 : i64, tpu.core_type = #tpu.core_type<tc>, window_params = [{transform_indices = @transform_0, window_bounds = array<i64: 2000, 128>}, {pipeline_mode = #tpu.pipeline_mode<synchronous>, transform_indices = @transform_1, window_bounds = array<i64: 128, 128>}, {pipeline_mode = #tpu.pipeline_mode<synchronous>, transform_indices = @transform_2, window_bounds = array<i64: 128, 128>}, {pipeline_mode = #tpu.pipeline_mode<synchronous>, transform_indices = @transform_3, window_bounds = array<i64: 1, 128>}, {pipeline_mode = #tpu.pipeline_mode<synchronous>, transform_indices = @transform_4, window_bounds = array<i64: 1, 128>}, {transform_indices = @transform_5, window_bounds = array<i64: 2000, 128>}, {transform_indices = @transform_6, window_bounds = array<i64: 2000, 128>}]} {
    %get3A = arith.constant 0 : index
    %get3A_0 = arith.constant 0 : index
    %get3A_1 = vector.load %arg1[%get3A, %get3A_0] : memref<2000x128xf32, #tpu.memory_space<vmem>>, vector<2000x128xf32>
    %get3A_2 = arith.constant 0 : index
    %get3A_3 = arith.constant 0 : index
    %get3A_4 = vector.load %arg2[%get3A_2, %get3A_3] : memref<128x128xf32, #tpu.memory_space<vmem>>, vector<128x128xf32>
    %dot_general3A = arith.constant dense<0.000000e+00> : vector<2000x128xf32>
    %dot_general3A_5 = tpu.matmul %get3A_1, %get3A_4, %dot_general3A {dimension_numbers = #tpu.dot_dimension_numbers<[1], [0], [0], [1], [0, 0, 1, 1], [], []>, transpose_lhs_hint = false} : vector<2000x128xf32>, vector<128x128xf32>, vector<2000x128xf32> -> vector<2000x128xf32>
    %get3A_6 = arith.constant 0 : index
    %get3A_7 = arith.constant 0 : index
    %get3A_8 = vector.load %arg4[%get3A_6, %get3A_7] : memref<1x128xf32, #tpu.memory_space<vmem>>, vector<1x128xf32>
    %add3A = vector.broadcast %get3A_8 : vector<1x128xf32> to vector<2000x128xf32>
    %add3A_9 = arith.addf %dot_general3A_5, %add3A : vector<2000x128xf32>
    %swap3A = arith.constant 0 : index
    %swap3A_10 = arith.constant 0 : index
    %swap3A_11 = vector.load %arg6[%swap3A, %swap3A_10] : memref<2000x128xf32, #tpu.memory_space<vmem>>, vector<2000x128xf32>
    tpu.vector_store %arg6[%swap3A, %swap3A_10], %add3A_9 {strides = array<i32>} : memref<2000x128xf32, #tpu.memory_space<vmem>>, vector<2000x128xf32>,
    %get3A_12 = arith.constant 0 : index
    %get3A_13 = arith.constant 0 : index
    %get3A_14 = vector.load %arg3[%get3A_12, %get3A_13] : memref<128x128xf32, #tpu.memory_space<vmem>>, vector<128x128xf32>
    %dot_general3A_15 = arith.constant dense<0.000000e+00> : vector<2000x128xf32>
    %dot_general3A_16 = tpu.matmul %get3A_1, %get3A_14, %dot_general3A_15 {dimension_numbers = #tpu.dot_dimension_numbers<[1], [0], [0], [1], [0, 0, 1, 1], [], []>, transpose_lhs_hint = false} : vector<2000x128xf32>, vector<128x128xf32>, vector<2000x128xf32> -> vector<2000x128xf32>
    %get3A_17 = arith.constant 0 : index
    %get3A_18 = arith.constant 0 : index
    %get3A_19 = vector.load %arg5[%get3A_17, %get3A_18] : memref<1x128xf32, #tpu.memory_space<vmem>>, vector<1x128xf32>
    %add3A_20 = vector.broadcast %get3A_19 : vector<1x128xf32> to vector<2000x128xf32>
    %add3A_21 = arith.addf %dot_general3A_16, %add3A_20 : vector<2000x128xf32>
    %swap3A_22 = arith.constant 0 : index
    %swap3A_23 = arith.constant 0 : index
    %swap3A_24 = vector.load %arg7[%swap3A_22, %swap3A_23] : memref<2000x128xf32, #tpu.memory_space<vmem>>, vector<2000x128xf32>
    tpu.vector_store %arg7[%swap3A_22, %swap3A_23], %add3A_21 {strides = array<i32>} : memref<2000x128xf32, #tpu.memory_space<vmem>>, vector<2000x128xf32>,
    return
  }
  func.func @transform_0(%arg0: i32) -> (i32, i32) {
    %c0_i32 = arith.constant 0 : i32
    %c0_i32_0 = arith.constant 0 : i32
    return %arg0, %c0_i32 : i32, i32
  }
  func.func @transform_1(%arg0: i32) -> (i32, i32) {
    %c0_i32 = arith.constant 0 : i32
    %c0_i32_0 = arith.constant 0 : i32
    %c0_i32_1 = arith.constant 0 : i32
    return %c0_i32, %c0_i32_0 : i32, i32
  }
  func.func @transform_2(%arg0: i32) -> (i32, i32) {
    %c0_i32 = arith.constant 0 : i32
    %c0_i32_0 = arith.constant 0 : i32
    %c0_i32_1 = arith.constant 0 : i32
    return %c0_i32, %c0_i32_0 : i32, i32
  }
  func.func @transform_3(%arg0: i32) -> (i32, i32) {
    %c0_i32 = arith.constant 0 : i32
    %c0_i32_0 = arith.constant 0 : i32
    %c0_i32_1 = arith.constant 0 : i32
    return %c0_i32, %c0_i32_0 : i32, i32
  }
  func.func @transform_4(%arg0: i32) -> (i32, i32) {
    %c0_i32 = arith.constant 0 : i32
    %c0_i32_0 = arith.constant 0 : i32
    %c0_i32_1 = arith.constant 0 : i32
    return %c0_i32, %c0_i32_0 : i32, i32
  }
  func.func @transform_5(%arg0: i32) -> (i32, i32) {
    %c0_i32 = arith.constant 0 : i32
    %c0_i32_0 = arith.constant 0 : i32
    return %arg0, %c0_i32 : i32, i32
  }
  func.func @transform_6(%arg0: i32) -> (i32, i32) {
    %c0_i32 = arith.constant 0 : i32
    %c0_i32_0 = arith.constant 0 : i32
    return %arg0, %c0_i32 : i32, i32
  }
}

module attributes {stable_mosaic.version = 14 : i64} {
  func.func @_edge_body(%arg0: i32, %arg1: memref<16x6400xf32, #tpu.memory_space<vmem>>, %arg2: memref<16x128xf32, #tpu.memory_space<vmem>>, %arg3: memref<6400x128xf32, #tpu.memory_space<vmem>>) attributes {dimension_semantics = [#tpu.dimension_semantics<arbitrary>], iteration_bounds = array<i64: 50>, scalar_prefetch = 0 : i64, scratch_operands = 0 : i64, tpu.core_type = #tpu.core_type<tc>, window_params = [{transform_indices = @transform_0, window_bounds = array<i64: 16, 6400>}, {pipeline_mode = #tpu.pipeline_mode<synchronous>, transform_indices = @transform_1, window_bounds = array<i64: 16, 128>}, {transform_indices = @transform_2, window_bounds = array<i64: 6400, 128>}]} {
    %get3A = arith.constant 0 : index
    %get3A_0 = arith.constant 0 : index
    %get3A_1 = vector.load %arg1[%get3A, %get3A_0] : memref<16x6400xf32, #tpu.memory_space<vmem>>, vector<16x6400xf32>
    %get3A_2 = arith.constant 0 : index
    %get3A_3 = arith.constant 0 : index
    %get3A_4 = vector.load %arg2[%get3A_2, %get3A_3] : memref<16x128xf32, #tpu.memory_space<vmem>>, vector<16x128xf32>
    %dot_general3A = arith.constant dense<0.000000e+00> : vector<6400x128xf32>
    %dot_general3A_5 = tpu.matmul %get3A_1, %get3A_4, %dot_general3A {dimension_numbers = #tpu.dot_dimension_numbers<[0], [0], [1], [1], [0, 1, 1, 1], [], []>, transpose_lhs_hint = false} : vector<16x6400xf32>, vector<16x128xf32>, vector<6400x128xf32> -> vector<6400x128xf32>
    %swap3A = arith.constant 0 : index
    %swap3A_6 = arith.constant 0 : index
    %swap3A_7 = vector.load %arg3[%swap3A, %swap3A_6] : memref<6400x128xf32, #tpu.memory_space<vmem>>, vector<6400x128xf32>
    tpu.vector_store %arg3[%swap3A, %swap3A_6], %dot_general3A_5 {strides = array<i32>} : memref<6400x128xf32, #tpu.memory_space<vmem>>, vector<6400x128xf32>,
    return
  }
  func.func @transform_0(%arg0: i32) -> (i32, i32) {
    %c0_i32 = arith.constant 0 : i32
    %c0_i32_0 = arith.constant 0 : i32
    return %c0_i32, %arg0 : i32, i32
  }
  func.func @transform_1(%arg0: i32) -> (i32, i32) {
    %c0_i32 = arith.constant 0 : i32
    %c0_i32_0 = arith.constant 0 : i32
    %c0_i32_1 = arith.constant 0 : i32
    return %c0_i32, %c0_i32_0 : i32, i32
  }
  func.func @transform_2(%arg0: i32) -> (i32, i32) {
    %c0_i32 = arith.constant 0 : i32
    %c0_i32_0 = arith.constant 0 : i32
    return %arg0, %c0_i32 : i32, i32
  }
}

module attributes {stable_mosaic.version = 14 : i64} {
  func.func @_final_body(%arg0: i32, %arg1: memref<2x1000x128xf32, #tpu.memory_space<vmem>>, %arg2: memref<2x1000x1xf32, #tpu.memory_space<vmem>>, %arg3: memref<1x128xf32, #tpu.memory_space<vmem>>, %arg4: memref<1000x128xf32, #tpu.memory_space<vmem>>) attributes {dimension_semantics = [#tpu.dimension_semantics<arbitrary>], iteration_bounds = array<i64: 10>, scalar_prefetch = 0 : i64, scratch_operands = 0 : i64, tpu.core_type = #tpu.core_type<tc>, window_params = [{transform_indices = @transform_0, window_bounds = array<i64: 2, 1000, 128>}, {transform_indices = @transform_1, window_bounds = array<i64: 2, 1000, 1>}, {pipeline_mode = #tpu.pipeline_mode<synchronous>, transform_indices = @transform_2, window_bounds = array<i64: 1, 128>}, {transform_indices = @transform_3, window_bounds = array<i64: 1000, 128>}]} {
    %get3A = arith.constant 0 : index
    %get3A_0 = arith.constant 0 : index
    %get3A_1 = arith.constant 0 : index
    %get3A_2 = vector.load %arg1[%get3A, %get3A_0, %get3A_1] : memref<2x1000x128xf32, #tpu.memory_space<vmem>>, vector<1x1000x128xf32>
    %get3A_3 = vector.shape_cast %get3A_2 : vector<1x1000x128xf32> to vector<1000x128xf32>
    %get3A_4 = arith.constant 1 : index
    %get3A_5 = arith.constant 0 : index
    %get3A_6 = arith.constant 0 : index
    %get3A_7 = vector.load %arg1[%get3A_4, %get3A_5, %get3A_6] : memref<2x1000x128xf32, #tpu.memory_space<vmem>>, vector<1x1000x128xf32>
    %get3A_8 = vector.shape_cast %get3A_7 : vector<1x1000x128xf32> to vector<1000x128xf32>
    %add3A = arith.addf %get3A_3, %get3A_8 : vector<1000x128xf32>
    %get3A_9 = arith.constant 0 : index
    %get3A_10 = arith.constant 0 : index
    %get3A_11 = arith.constant 0 : index
    %get3A_12 = vector.load %arg2[%get3A_9, %get3A_10, %get3A_11] : memref<2x1000x1xf32, #tpu.memory_space<vmem>>, vector<1x1000x1xf32>
    %get3A_13 = vector.shape_cast %get3A_12 : vector<1x1000x1xf32> to vector<1000x1xf32>
    %get3A_14 = arith.constant 1 : index
    %get3A_15 = arith.constant 0 : index
    %get3A_16 = arith.constant 0 : index
    %get3A_17 = vector.load %arg2[%get3A_14, %get3A_15, %get3A_16] : memref<2x1000x1xf32, #tpu.memory_space<vmem>>, vector<1x1000x1xf32>
    %get3A_18 = vector.shape_cast %get3A_17 : vector<1x1000x1xf32> to vector<1000x1xf32>
    %add3A_19 = arith.addf %get3A_13, %get3A_18 : vector<1000x1xf32>
    %add3A_20 = arith.constant 1.000000e-16 : f32
    %add3A_21 = vector.broadcast %add3A_20 : f32 to vector<1000x1xf32>
    %add3A_22 = arith.addf %add3A_19, %add3A_21 : vector<1000x1xf32>
    %div3A = vector.broadcast %add3A_22 : vector<1000x1xf32> to vector<1000x128xf32>
    %div3A_23 = arith.divf %add3A, %div3A : vector<1000x128xf32>
    %get3A_24 = arith.constant 0 : index
    %get3A_25 = arith.constant 0 : index
    %get3A_26 = vector.load %arg3[%get3A_24, %get3A_25] : memref<1x128xf32, #tpu.memory_space<vmem>>, vector<1x128xf32>
    %add3A_27 = vector.broadcast %get3A_26 : vector<1x128xf32> to vector<1000x128xf32>
    %add3A_28 = arith.addf %div3A_23, %add3A_27 : vector<1000x128xf32>
    %swap3A = arith.constant 0 : index
    %swap3A_29 = arith.constant 0 : index
    %swap3A_30 = vector.load %arg4[%swap3A, %swap3A_29] : memref<1000x128xf32, #tpu.memory_space<vmem>>, vector<1000x128xf32>
    tpu.vector_store %arg4[%swap3A, %swap3A_29], %add3A_28 {strides = array<i32>} : memref<1000x128xf32, #tpu.memory_space<vmem>>, vector<1000x128xf32>,
    return
  }
  func.func @transform_0(%arg0: i32) -> (i32, i32, i32) {
    %c0_i32 = arith.constant 0 : i32
    %c0_i32_0 = arith.constant 0 : i32
    %c0_i32_1 = arith.constant 0 : i32
    return %c0_i32, %arg0, %c0_i32_0 : i32, i32, i32
  }
  func.func @transform_1(%arg0: i32) -> (i32, i32, i32) {
    %c0_i32 = arith.constant 0 : i32
    %c0_i32_0 = arith.constant 0 : i32
    %c0_i32_1 = arith.constant 0 : i32
    return %c0_i32, %arg0, %c0_i32_0 : i32, i32, i32
  }
  func.func @transform_2(%arg0: i32) -> (i32, i32) {
    %c0_i32 = arith.constant 0 : i32
    %c0_i32_0 = arith.constant 0 : i32
    %c0_i32_1 = arith.constant 0 : i32
    return %c0_i32, %c0_i32_0 : i32, i32
  }
  func.func @transform_3(%arg0: i32) -> (i32, i32) {
    %c0_i32 = arith.constant 0 : i32
    %c0_i32_0 = arith.constant 0 : i32
    return %arg0, %c0_i32 : i32, i32
  }
}

</mosaic_0001>

<sc_bundles>
// kernel: kernel.6.cloned.1.call-start
scs
__scs_entry_jumppad:
0x0: {  	(pc) =	sbr.rel $0x88, $3  }
0x1: {  	(tag) =	ssettag $0x0;
	lr =	simm.s32 $0x1  }
0x2: {  	[smem:$0x3F97] =	sst lr;
	_ =	strace $0xD0000000  }
0x3: {  	_ = 	snop  }
0x4: {  	_ = 	snop  }
0x5: {  	_ = 	snop  }
0x6: {  	_ = 	snop  }
0x7: {  	_ = 	snop  }
__scs_overlays_trampoline_lowered:
0x8: {  	[smem:$0x3FA6] =	sst s0  }
0x9: {  	[smem:$0x3FA7] =	sst s1  }
0xa: {  	[smem:$0x3FA8] =	sst s2  }
0xb: {  	[smem:$0x3FA9] =	sst s3  }
0xc: {  	[smem:$0x3FAA] =	sst s4  }
0xd: {  	[smem:$0x3FAB] =	sst s5  }
0xe: {  	[smem:$0x3FAC] =	sst s6  }
0xf: {  	[smem:$0x3FAD] =	sst s7  }
0x10: {  	[smem:$0x3FAE] =	sst s8  }
0x11: {  	[smem:$0x3FAF] =	sst s9;
	s0 =	simm.s32 @!p0 $0x0  }
0x12: {  	s1 =	sld [smem:$0x3F95];
	s0 =	simm.s32 @p0 $0x1  }
0x13: {  	[smem:$0x3FB0] =	sst s0;
	s0 =	simm.s32 @!p1 $0x0  }
0x14: {  	s2 =	sld [smem:$0x3F94];
	s0 =	simm.s32 @p1 $0x1  }
0x15: {  	[smem:$0x3FB1] =	sst s0;
	s0 =	simm.s32 @!p2 $0x0  }
0x16: {  	s3 =	sld [smem:$0x3FDB];
	s0 =	simm.s32 @p2 $0x1  }
0x17: {  	s4 =	simm.s32 $0x1BF5;
	[smem:$0x3FB3] =	sst s0  }
0x18: {  	s0 =	sld [smem:$0x3F96];
	_ =	swait.ge [sflag:s4], $0x0  }
0x19: {  	s7 =	sld [smem:$0x3F97]  }
0x1a: {  	s8 =	sadd.s32 $0xFFFFE003, lr  }
0x1b: {  	s9 =	sadd.s32 $0xFFFFFEF7, lr;
	s5 =	simm.s32 $0xFFFFFFFF;
	p2 =	slt.u32 s8, $0xFFFFF086  }
0x1c: {  	p1 =	slt.u32 s9, $0xF7A;
	s5 =	simm.s32 @!p2 $0x0  }
0x1d: {  	s5 =	simm.s32 @p1 $0x1;
	p0 =	seq.s32 s7, s2  }
0x1e: {  	s7 =	smul.u32 @!p0 $0xF7A, s2;
	p2 =	seq.s32 @!p0 s5, $0x0  }
0x1f: {  	s9 =	smul.u32 $0xF7A, s1;
	s8 =	simm.s32 @!p0 $0x1BF5;
	p2 =	por !p2, p0  }
0x20: {  	[sflag:s8] =	ssyncset.s32 @!p0 $0xFFFFF086;
	s6 =	sadd.s32 @!p0 s3, s7;
	s7 =	simm.s32 @!p0 $0x108  }
0x21: {  	s3 =	sadd.s32 s3, s9;
	s6 =	sadd.s32 @!p0 $0x88, s6;
	s7 =	simm.s32 @p2 $0x1082  }
0x22: {  	[simem:s7], [sflag:s8] =	dma.local @!p0 [hbm:s6], $0xF7A  }
0x23: {  	s9 =	sor.u32 $0xD0000000, s2;
	s6 =	simm.s32 $0x108;
	_ =	swait.ge @!p0 [sflag:s8], $0x0  }
0x24: {  	s3 =	sadd.s32 $0x88, s3;
	s6 =	simm.s32 @!p1 $0x1082;
	[sflag:s4] =	ssyncset.s32 $0xFFFFF086  }
0x25: {  	[simem:s6], [sflag:s4] =	dma.local [hbm:s3], $0xF7A  }
0x26: {  	[smem:$0x3F97] =	sst s1;
	(tag) =	ssettag s2;
	_ =	strace s9  }
0x27: {  	s1 =	sld [smem:$0x3FA7]  }
0x28: {  	s2 =	sld [smem:$0x3FA8]  }
0x29: {  	s4 =	sld [smem:$0x3FAA]  }
0x2a: {  	p0 =	seq.s32 s5, $0x0;
	s5 =	sld [smem:$0x3FAB]  }
0x2b: {  	s6 =	sld [smem:$0x3FAC]  }
0x2c: {  	s7 =	sld [smem:$0x3FAD]  }
0x2d: {  	s3 =	simm.s32 $0x108;
	s8 =	sld [smem:$0x3FAE]  }
0x2e: {  	s3 =	simm.s32 @!p0 $0x1082;
	s9 =	sld [smem:$0x3FAF]  }
0x2f: {  	lr =	sadd.s32 s0, s3;
	s0 =	sld [smem:$0x3FA6]  }
0x30: {  	s3 =	sld [smem:$0x3FA9]  }
0x31: {  	[smem:$0x3FB2] =	sst s10  }
0x32: {  	s10 =	sld [smem:$0x3FB0];
	_ =	sdelay $0x3  }
0x33: {  	p0 =	seq.s32 s10, $0x1;
	s10 =	sld [smem:$0x3FB2];
	_ =	sdelay $0x3  }
0x34: {  	[smem:$0x3FB2] =	sst s10  }
0x35: {  	s10 =	sld [smem:$0x3FB1];
	_ =	sdelay $0x3  }
0x36: {  	p1 =	seq.s32 s10, $0x1;
	s10 =	sld [smem:$0x3FB2];
	_ =	sdelay $0x3  }
0x37: {  	[smem:$0x3FB2] =	sst s10  }
0x38: {  	s10 =	sld [smem:$0x3FB3]  }
0x39: {  	_ = 	snop;
	(pc) =	sbr.ind lr, $3  }
0x3a: {  	_ = 	snop  }
0x3b: {  	_ = 	snop  }
0x3c: {  	p2 =	seq.s32 s10, $0x1;
	s10 =	sld [smem:$0x3FB2]  }
0x3d: {  	_ =	shalt  }
0x3e: {  	_ =	shalt  }
0x3f: {  	_ =	shalt  }
0x40: {  	_ =	shalt  }
0x41: {  	_ =	shalt  }
0x42: {  	_ =	shalt  }
0x43: {  	_ =	shalt  }
0x44: {  	_ =	shalt  }
0x45: {  	_ =	shalt  }
0x46: {  	_ =	shalt  }
0x47: {  	_ =	shalt  }
0x48: {  	_ =	shalt  }
0x49: {  	_ =	shalt  }
0x4a: {  	_ =	shalt  }
0x4b: {  	_ =	shalt  }
0x4c: {  	_ =	shalt  }
0x4d: {  	_ =	shalt  }
0x4e: {  	_ =	shalt  }
0x4f: {  	_ =	shalt  }
0x50: {  	_ =	shalt  }
0x51: {  	_ =	shalt  }
0x52: {  	_ =	shalt  }
0x53: {  	_ =	shalt  }
0x54: {  	_ =	shalt  }
0x55: {  	_ =	shalt  }
0x56: {  	_ =	shalt  }
0x57: {  	_ =	shalt  }
0x58: {  	_ =	shalt  }
0x59: {  	_ =	shalt  }
0x5a: {  	_ =	shalt  }
0x5b: {  	_ =	shalt  }
0x5c: {  	_ =	shalt  }
0x5d: {  	_ =	shalt  }
0x5e: {  	_ =	shalt  }
0x5f: {  	_ =	shalt  }
0x60: {  	_ =	shalt  }
0x61: {  	_ =	shalt  }
0x62: {  	_ =	shalt  }
0x63: {  	_ =	shalt  }
0x64: {  	_ =	shalt  }
0x65: {  	_ =	shalt  }
0x66: {  	_ =	shalt  }
0x67: {  	_ =	shalt  }
0x68: {  	_ =	shalt  }
0x69: {  	_ =	shalt  }
0x6a: {  	_ =	shalt  }
0x6b: {  	_ =	shalt  }
0x6c: {  	_ =	shalt  }
0x6d: {  	_ =	shalt  }
0x6e: {  	_ =	shalt  }
0x6f: {  	_ =	shalt  }
0x70: {  	_ =	shalt  }
0x71: {  	_ =	shalt  }
0x72: {  	_ =	shalt  }
0x73: {  	_ =	shalt  }
0x74: {  	_ =	shalt  }
0x75: {  	_ =	shalt  }
0x76: {  	_ =	shalt  }
0x77: {  	_ =	shalt  }
0x78: {  	_ =	shalt  }
0x79: {  	_ =	shalt  }
0x7a: {  	_ =	shalt  }
0x7b: {  	_ =	shalt  }
0x7c: {  	_ =	shalt  }
0x7d: {  	_ =	shalt  }
0x7e: {  	_ =	shalt  }
0x7f: {  	_ =	shalt  }
0x80: {  	_ =	shalt  }
0x81: {  	_ =	shalt  }
0x82: {  	_ =	shalt  }
0x83: {  	_ =	shalt  }
0x84: {  	_ =	shalt  }
0x85: {  	_ =	shalt  }
0x86: {  	_ =	shalt  }
0x87: {  	_ =	shalt  }
.Lfunc_end0:
.L_simem_size_0:
called_computation_lowered:
.L_overlay_start_0:
0x88: {  	s2 =	sld [smem:$0x3FD9]  }
0x89: {  	s3 =	sld [smem:$0x3FFE];
	_ =	sdelay $0x1  }
0x8a: {  	s1 =	srdreg.scid  }
0x8b: {  	s0 =	sand.u32 $0x1, s1  }
0x8c: {  	s17 =	sshll.u32 s0, $0xA;
	s2 =	sadd.s32 s3, s2  }
0x8d: {  	s2 =	sadd.s32 s2, s17  }
0x8e: {  	[smem:$0x3FBE] =	sst s2  }
0x8f: {  	_ = 	snop  }
0x90: {  	s2 =	sld [smem:$0x3FC1]  }
0x91: {  	s18 =	sld [smem:$0x3FD0];
	(tm) =	ssettm $0x1  }
0x92: {  	s4 =	sld [smem:$0x3FFB];
	_ =	sdelay $0x3  }
0x93: {  	_ =	strace s4  }
0x94: {  	s4 =	sld [smem:$0x3FFC];
	_ =	sdelay $0x3  }
0x95: {  	_ =	strace s4  }
0x96: {  	s4 =	sld [smem:$0x3FFD];
	_ =	sdelay $0x3  }
0x97: {  	_ =	strace s4  }
0x98: {  	_ =	strace $0x8FFFFFFF  }
0x99: {  	s19 =	sld [smem:$0x3FDB];
	_ =	sdelay $0x1  }
0x9a: {  	s5 =	simm.s32 $_scs_section_size  }
0x9b: {  	s6 =	simm.s32 $_size__tile_overlayer_lowered;
	s7 =	simm.s32 $_tile_overlayer_lowered  }
0x9c: {  	s22 =	simm.s32 $0x1BFF;
	s21 =	sshll.u32 s7, $0x1;
	s4 =	sadd.s32 s5, s19  }
0x9d: {  	s8 =	simm.s32 $0x0;
	s20 =	sshll.u32 s6, $0x1;
	s6 =	sadd.s32 s21, s4  }
0x9e: {  	[timem:s8], [sflag:s22] =	dma.local [hbm:s6], s20  }
0x9f: {  	_ =	swait.ge [sflag:s22], s20  }
0xa0: {  	s5 =	ssub.s32 $0x0, s20;
	[sflag:s22] =	ssyncset.done $0x0  }
0xa1: {  	[sflag:s22] =	ssyncadd.s32 s5;
	_ =	sdelay $0x1  }
0xa2: {  	s23 =	simm.s32 $0x1B8B  }
0xa3: {  	_ =	swait.ge [sflag:s23], $0x1  }
0xa4: {  	[sflag:s23] =	ssyncset.done $0x0  }
0xa5: {  	s25 =	simm.s32 $0x1B8E;
	s24 =	sld [smem:$0x3FFE];
	[sflag:s23] =	ssyncadd.s32 $0xFFFFFFFF  }
0xa6: {  	s26 =	simm.s32 $execute0_lowered;
	[smem:$0x3FD2] =	sst s25  }
0xa7: {  	s6 =	sshll.u32 s26, $0x1;
	_ =	strace $0x80000046;
	[dreg:$0x1] =	wrdreg $0xFFFFFFFF  }
0xa8: {  	s28 =	simm.s32 $_size_execute0_lowered;
	s4 =	sadd.s32 s4, s6;
	[dreg:$0x0] =	wrdreg $0x0  }
0xa9: {  	s6 =	sshll.u32 s28, $0x1;
	[dreg:$0x2] =	wrdreg s4  }
0xaa: {  	[dreg:$0x3] =	wrdreg s6  }
0xab: {  	[dreg:$0x4] =	wrdreg $0xC0  }
0xac: {  	_ =	task [dreg:s8], $0x5FFFF  }
0xad: {  	[dreg:$0x1] =	wrdreg $0xFFFFFFFF  }
0xae: {  	[dreg:$0x0] =	wrdreg $0x60  }
0xaf: {  	[dreg:$0x2] =	wrdreg s18  }
0xb0: {  	[dreg:$0x3] =	wrdreg s24  }
0xb1: {  	[dreg:$0x4] =	wrdreg s2  }
0xb2: {  	[dreg:$0x5] =	wrdreg $0x0  }
0xb3: {  	[dreg:$0x6] =	wrdreg $0x140000  }
0xb4: {  	[dreg:$0x7] =	wrdreg $0x9  }
0xb5: {  	_ =	task.clear_ibuf [dreg:s8], $0x8FFFF;
	_ =	strace $0x90000046  }
0xb6: {  	s29 =	simm.s32 $0x9;
	_ =	strace $0x80000048  }
0xb7: {  	_ =	swait.ge [sflag:s29], $0x1  }
0xb8: {  	[sflag:s29] =	ssyncadd.s32 $0xFFFFFFFF  }
0xb9: {  	_ =	strace $0x90000048  }
0xba: {  	_ =	sfence  }
0xbb: {  	s30 =	sld [smem:$0x0];
	_ =	sdelay $0x2  }
0xbc: {  	s31 =	sshll.u32 s1, $0xD;
	s1 =	sshrl.u32 s1, $0x2  }
0xbd: {  	s3 =	sand.u32 $0x4000, s31;
	s1 =	sadd.s32 s1, s30  }
0xbe: {  	s0 =	sor.u32 s3, s0;
	s1 =	sshll.u32 s1, $0x11  }
0xbf: {  	s0 =	sor.u32 s1, s0  }
0xc0: {  	s0 =	sadd.s32 $0x8F2B, s0  }
0xc1: {  	[sflag:s0] =	ssyncadd.remote.s32 $0x1  }
0xc2: {  	_ =	sfence.sel $0xFFFF  }
0xc3: {  	[dreg:$0x0] =	wrdreg $0xFFFFFFFF;
	(pc) =	sbr.abs _section_cstart, $3  }
0xc4: {  	[dreg:$0x1] =	wrdreg $0xFFFFFFFF  }
0xc5: {  	_ =	task.clear_ibuf [dreg:s8], $0x2FFFF;
	_ =	strace $0x9FFFFFFF  }
0xc6: {  	(tm) =	ssettm $0x7FFFFFFF  }
0xc7: {  	_ =	shalt  }
tec
execute0_lowered:
.L_overlay_start_1:
0x0: {  	(tag) =	ssettag $0x1  }
0x1: {  	s0 =	rddreg [dreg:$0x1]  }
0x2: {  	s13 =	rddreg [dreg:$0x3]  }
0x3: {  	s14 =	rddreg [dreg:$0x4]  }
0x4: {  	s1 =	srdreg.scid;
	s12 =	stileid.u32;
	s3 =	simm.s32 $0x0  }
0x5: {  	s30 =	simm.s32 $0x15790;
	s29 =	simm.s32 $0x5;
	s31 =	simm.s32 $0x7  }
0x6: {  	s28 =	simm.s32 $0x14368;
	s1 =	sand.u32 $0x1, s1;
	s2 =	smul.u32 $0x14000, s12  }
0x7: {  	[smem:$0x7FF] =	sst s3;
	s4 =	smul.u32 $0x280, s12;
	s7 =	sadd.s32 $0x4F7400, s0  }
0x8: {  	s8 =	sadd.s32 $0x15400, s0;
	s9 =	sadd.s32 $0xB600, s0;
	s11 =	smul.u32 $0x50000, s12  }
0x9: {  	s10 =	sadd.s32 $0x1800, s0;
	s25 =	smul.u32 $0x140000, s1;
	_ =	strace $0x80000047  }
0xa: {  	s5 =	smul.u32 $0x2800, s1;
	s6 =	ssub.s32 $0x2, s1;
	s1 =	sshll.u32 s1, $0x4  }
0xb: {  	s26 =	sshrl.u32 s6, $0x1;
	s11 =	sshrl.u32 s11, $0x2;
	s1 =	sor.u32 s12, s1  }
0xc: {  	s12 =	sadd.s32 s2, s13;
	s3 =	sadd.s32 s2, s25;
	s2 =	sadd.s32 s11, s13  }
0xd: {  	s5 =	sadd.s32 s4, s5;
	[dreg:$0x6] =	wrdreg s12;
	s15 =	sadd.s32 $0x2800, s2  }
0xe: {  	s25 =	smul.u32 $0x2710, s1;
	s16 =	sadd.s32 $0x3C00, s2;
	[dreg:$0x8] =	wrdreg s15  }
0xf: {  	s1 =	smul.u32 $0x27100, s1;
	s17 =	sadd.s32 $0x5000, s2;
	[dreg:$0x9] =	wrdreg s16  }
0x10: {  	s11 =	simm.s32 $0x1BBC0;
	s18 =	sadd.s32 $0x6400, s2;
	[dreg:$0xa] =	wrdreg s17  }
0x11: {  	s3 =	sshrl.u32 s3, $0x3;
	s19 =	sadd.s32 $0x7800, s2;
	[dreg:$0xb] =	wrdreg s18  }
0x12: {  	s5 =	sshrl.u32 s5, $0x3;
	s20 =	sadd.s32 $0x8C00, s2;
	[dreg:$0xc] =	wrdreg s19  }
0x13: {  	s21 =	sadd.s32 $0xA000, s2;
	s22 =	sadd.s32 $0xB400, s2;
	[dreg:$0xd] =	wrdreg s20  }
0x14: {  	s23 =	sadd.s32 $0xC800, s2;
	s24 =	sadd.s32 $0xDC00, s2;
	[dreg:$0xe] =	wrdreg s21  }
0x15: {  	s13 =	sadd.s32 $0x10400, s2;
	s3 =	sadd.s32 s3, s0;
	[dreg:$0xf] =	wrdreg s22  }
0x16: {  	s0 =	sadd.s32 s5, s0;
	s5 =	ssub.s32 s6, s26;
	[dreg:$0x10] =	wrdreg s23  }
0x17: {  	s6 =	sadd.s32 $0x1400, s2;
	[dreg:$0x11] =	wrdreg s24;
	s26 =	sadd.s32 $0xF000, s2  }
0x18: {  	[dreg:$0x13] =	wrdreg s13;
	s15 =	sadd.s32 $0x11800, s2;
	s2 =	sadd.s32 $0x12C00, s2  }
0x19: {  	s16 =	sshrl.u32 s25, $0x3;
	s21 =	smov.u32 s14;
	[dreg:$0x7] =	wrdreg s6  }
0x1a: {  	s13 =	sadd.s32 s4, s14;
	s18 =	sadd.s32 $0x28, s25;
	[dreg:$0x12] =	wrdreg s26  }
0x1b: {  	s1 =	sadd.s32 s8, s1;
	s22 =	sadd.s32 $0x50, s25;
	[dreg:$0x14] =	wrdreg s15  }
0x1c: {  	s24 =	sadd.s32 $0x78, s25;
	s14 =	simm.s32 $0x4;
	[dreg:$0x15] =	wrdreg s2  }
0x1d: {  	s4 =	simm.s32 $0x0;
	s17 =	sadd.s32 s9, s16;
	[dreg:$0x19] =	wrdreg s1  }
0x1e: {  	s2 =	sadd.s32 s10, s16;
	s23 =	smov.u32 s18;
	[dreg:$0x1c] =	wrdreg s22  }
0x1f: {  	s19 =	sshrl.u32 s18, $0x3;
	[dreg:$0x1d] =	wrdreg s24;
	s25 =	sadd.s32 $0x51F000, s3  }
0x20: {  	s0 =	sadd.s32 $0x51E600, s0;
	s26 =	smax.u32 s5, $0x1;
	[dreg:$0x16] =	wrdreg s13  }
0x21: {  	s18 =	simm.s32 $0xD;
	s22 =	simm.s32 $0x2;
	[dreg:$0x17] =	wrdreg s17  }
0x22: {  	s3 =	simm.s32 $0x14340;
	s15 =	simm.s32 $0x6;
	[dreg:$0x18] =	wrdreg s2  }
.Ltmp0:
0x23: {  	s16 =	simm.s32 $0x8;
	[dreg:$0x1e] =	wrdreg s25;
	(pc) =	sbr.rel .LBB2_1-.Ltmp0, $4  }
0x24: {  	v1 =	vlaneseq.u32;
	s20 =	sadd.s32 s9, s19;
	s1 =	sadd.s32 s10, s19;
	[dreg:$0x1f] =	wrdreg s0  }
0x25: {  	v1 =	vmul.u32 $0x10, v1;
	[smem:$0x7FD] =	sst s26;
	s19 =	simm.s32 $0x28;
	s17 =	simm.s32 $0x142B0  }
0x26: {  	s26 =	simm.s32 $0x3;
	s0 =	simm.s32 $0x1BBF0;
	[dreg:$0x1a] =	wrdreg s20  }
0x27: {  	v0 =	vimm.f32 $0.0e+00;
	[tilespmem:$0x1FFF0] =	vst v1;
	s2 =	simm.s32 $0x1BB90;
	[dreg:$0x1b] =	wrdreg s1;
	s20 =	simm.s32 $0x14310  }
.LBB2_14:
0x28: {  	s1 =	simm.s32 $0xA  }
0x29: {  	_ =	swait.ge [sflag:s1], $0x1400  }
0x2a: {  	[sflag:s1] =	ssyncset.done $0x0  }
0x2b: {  	s25 =	simm.s32 $0xC;
	[sflag:s1] =	ssyncadd.s32 $0xFFFFEC00  }
0x2c: {  	_ =	swait.ge [sflag:s25], $0x28  }
0x2d: {  	[sflag:s25] =	ssyncset.done $0x0  }
0x2e: {  	[sflag:s25] =	ssyncadd.s32 $0xFFFFFFD8  }
0x2f: {  	s4 =	stileid.u32;
	[bflag:$0x0] =	sbarrier.arrive $0xFFFF  }
0x30: {  	s1 =	sshll.u32 s4, $0x6;
	s12 =	rddreg [dreg:$0x6]  }
0x31: {  	s1 =	sor.u32 $0x1C0D, s1;
	s5 =	rddreg [dreg:$0x1e];
	s4 =	sshrl.u32 s12, $0x3  }
0x32: {  	[hbm:s5], [sflag:s1] =	dma.local [spmem:s4], $0x2800  }
0x33: {  	_ =	swait.ge [sflag:s18], $0x2800  }
0x34: {  	[sflag:s18] =	ssyncset.done $0x0;
	s13 =	rddreg [dreg:$0x16]  }
0x35: {  	s6 =	rddreg [dreg:$0x1f];
	[sflag:s18] =	ssyncadd.s32 $0xFFFFD800;
	s5 =	sshrl.u32 s13, $0x3  }
0x36: {  	[hbm:s6], [sflag:s1] =	dma.local [spmem:s5], $0x50  }
0x37: {  	_ =	swait.ge [sflag:s18], $0x50  }
0x38: {  	s24 =	sld [smem:$0x7FC]  }
0x39: {  	s25 =	sld [smem:$0x7FD];
	_ =	sdelay $0x1  }
0x3a: {  	s4 =	sadd.s32 $0x1, s24  }
0x3b: {  	p0 =	sne.s32 s4, s25  }
.Ltmp1:
0x3c: {  	_ = 	snop;
	(pc) =	sbr.rel @!p0 .LBB2_15-.Ltmp1, $3  }
0x3d: {  	_ =	sdelay $0x1  }
0x3e: {  	[sflag:s18] =	ssyncset.done $0x0  }
0x3f: {  	v0 =	vimm.f32 $0.0e+00;
	[sflag:s18] =	ssyncadd.s32 $0xFFFFFFB0  }
.LBB2_1:
0x40: {  	[smem:$0x7FC] =	sst s4;
	s1 =	simm.s32 $0x0;
	s4 =	simm.s32 $0x200  }
.LBB2_2:
0x41: {  	p0 =	sne.s32 s4, $0x4E00;
	[tilespmem:s1+$0x14400] =	vst v0  }
0x42: {  	[tilespmem:s1+$0x14390] =	vst v0  }
0x43: {  	[tilespmem:s1+$0x143A0] =	vst v0  }
.Ltmp2:
0x44: {  	[tilespmem:s1+$0x143B0] =	vst v0;
	(pc) =	sbr.rel @p0 .LBB2_2-.Ltmp2, $4  }
0x45: {  	[tilespmem:s1+$0x143C0] =	vst v0  }
0x46: {  	[tilespmem:s1+$0x143D0] =	vst v0  }
0x47: {  	[tilespmem:s1+$0x143E0] =	vst v0  }
0x48: {  	[tilespmem:s1+$0x143F0] =	vst v0;
	s1 =	sshra.s32 s4, $0x2;
	s4 =	sadd.s32 $0x200, s4  }
0x49: {  	[tilespmem:s1+$0x14400] =	vst v0  }
0x4a: {  	[tilespmem:s1+$0x14390] =	vst v0  }
0x4b: {  	[tilespmem:s1+$0x143A0] =	vst v0  }
0x4c: {  	[tilespmem:s1+$0x143B0] =	vst v0  }
0x4d: {  	[tilespmem:s1+$0x143C0] =	vst v0  }
0x4e: {  	[tilespmem:s1+$0x143D0] =	vst v0  }
0x4f: {  	[tilespmem:s1+$0x143E0] =	vst v0  }
0x50: {  	[tilespmem:s1+$0x143F0] =	vst v0  }
0x51: {  	[tilespmem:$0x1BF70] =	vst v0  }
0x52: {  	[tilespmem:$0x1BF80] =	vst v0  }
0x53: {  	[tilespmem:$0x1BF90] =	vst v0  }
0x54: {  	[tilespmem:$0x1BFA0] =	vst v0  }
0x55: {  	[tilespmem:$0x1BFB0] =	vst v0  }
0x56: {  	[tilespmem:$0x1BFC0] =	vst v0  }
0x57: {  	[tilespmem:$0x1BFD0] =	vst v0  }
0x58: {  	[tilespmem:$0x1BFE0] =	vst v0  }
0x59: {  	[tilespmem:$0x1BFF0] =	vst v0  }
0x5a: {  	[tilespmem:$0x1C000] =	vst v0  }
0x5b: {  	[tilespmem:$0x1C010] =	vst v0  }
0x5c: {  	[tilespmem:$0x1C020] =	vst v0  }
0x5d: {  	[tilespmem:$0x1C030] =	vst v0  }
0x5e: {  	[tilespmem:$0x1C040] =	vst v0  }
0x5f: {  	[tilespmem:$0x1C050] =	vst v0  }
0x60: {  	[tilespmem:$0x1C060] =	vst v0  }
0x61: {  	[tilespmem:$0x1C070] =	vst v0  }
0x62: {  	[tilespmem:$0x1C080] =	vst v0  }
0x63: {  	[tilespmem:$0x1C090] =	vst v0  }
0x64: {  	[tilespmem:$0x1C0A0] =	vst v0  }
0x65: {  	[tilespmem:$0x1C0B0] =	vst v0  }
0x66: {  	[tilespmem:$0x1C0C0] =	vst v0  }
0x67: {  	[tilespmem:$0x1C0D0] =	vst v0  }
0x68: {  	[tilespmem:$0x1C0E0] =	vst v0  }
0x69: {  	[tilespmem:$0x1C0F0] =	vst v0  }
0x6a: {  	[tilespmem:$0x1C100] =	vst v0  }
0x6b: {  	[tilespmem:$0x1C110] =	vst v0  }
0x6c: {  	[tilespmem:$0x1C120] =	vst v0  }
0x6d: {  	[tilespmem:$0x1C130] =	vst v0  }
0x6e: {  	[tilespmem:$0x1C140] =	vst v0  }
0x6f: {  	[tilespmem:$0x1C150] =	vst v0  }
0x70: {  	[tilespmem:$0x1C160] =	vst v0  }
0x71: {  	[tilespmem:$0x1C170] =	vst v0  }
0x72: {  	[tilespmem:$0x1C180] =	vst v0  }
0x73: {  	[tilespmem:$0x1C190] =	vst v0  }
0x74: {  	[tilespmem:$0x1C1A0] =	vst v0  }
0x75: {  	[tilespmem:$0x1C1B0] =	vst v0  }
0x76: {  	[tilespmem:$0x1C1C0] =	vst v0  }
0x77: {  	[tilespmem:$0x1C1D0] =	vst v0  }
0x78: {  	s4 =	simm.s32 $0x14390;
	[tilespmem:$0x1C1E0] =	vst v0  }
0x79: {  	[spmem:s12] =	stream.linear.scatter [tilespmem:s4], [sflag:$0xD], $0x1400, $0x38;
	[tilespmem:$0x1C1F0] =	vst v63  }
0x7a: {  	_ =	swait.ge [sflag:s18], $0x1400  }
0x7b: {  	[sflag:s18] =	ssyncset.done $0x0  }
0x7c: {  	s24 =	rddreg [dreg:$0x7];
	[sflag:s18] =	ssyncadd.s32 $0xFFFFEC00  }
0x7d: {  	[spmem:s24] =	stream.linear.scatter [tilespmem:s4], [sflag:$0xD], $0x1400, $0x38;
	[tilespmem:$0x1C1F0] =	vst v63  }
0x7e: {  	_ =	swait.ge [sflag:s18], $0x1400  }
0x7f: {  	[sflag:s18] =	ssyncset.done $0x0  }
0x80: {  	s25 =	rddreg [dreg:$0x8];
	[sflag:s18] =	ssyncadd.s32 $0xFFFFEC00  }
0x81: {  	[spmem:s25] =	stream.linear.scatter [tilespmem:s4], [sflag:$0xD], $0x1400, $0x38;
	[tilespmem:$0x1C1F0] =	vst v63  }
0x82: {  	_ =	swait.ge [sflag:s18], $0x1400  }
0x83: {  	[sflag:s18] =	ssyncset.done $0x0  }
0x84: {  	s5 =	rddreg [dreg:$0x9];
	[sflag:s18] =	ssyncadd.s32 $0xFFFFEC00  }
0x85: {  	[spmem:s5] =	stream.linear.scatter [tilespmem:s4], [sflag:$0xD], $0x1400, $0x38;
	[tilespmem:$0x1C1F0] =	vst v63  }
0x86: {  	_ =	swait.ge [sflag:s18], $0x1400  }
0x87: {  	[sflag:s18] =	ssyncset.done $0x0  }
0x88: {  	s6 =	rddreg [dreg:$0xa];
	[sflag:s18] =	ssyncadd.s32 $0xFFFFEC00  }
0x89: {  	[spmem:s6] =	stream.linear.scatter [tilespmem:s4], [sflag:$0xD], $0x1400, $0x38;
	[tilespmem:$0x1C1F0] =	vst v63  }
0x8a: {  	_ =	swait.ge [sflag:s18], $0x1400  }
0x8b: {  	[sflag:s18] =	ssyncset.done $0x0  }
0x8c: {  	s12 =	rddreg [dreg:$0xb];
	[sflag:s18] =	ssyncadd.s32 $0xFFFFEC00  }
0x8d: {  	[spmem:s12] =	stream.linear.scatter [tilespmem:s4], [sflag:$0xD], $0x1400, $0x38;
	[tilespmem:$0x1C1F0] =	vst v63  }
0x8e: {  	_ =	swait.ge [sflag:s18], $0x1400  }
0x8f: {  	[sflag:s18] =	ssyncset.done $0x0  }
0x90: {  	s24 =	rddreg [dreg:$0xc];
	[sflag:s18] =	ssyncadd.s32 $0xFFFFEC00  }
0x91: {  	[spmem:s24] =	stream.linear.scatter [tilespmem:s4], [sflag:$0xD], $0x1400, $0x38;
	[tilespmem:$0x1C1F0] =	vst v63  }
0x92: {  	_ =	swait.ge [sflag:s18], $0x1400  }
0x93: {  	[sflag:s18] =	ssyncset.done $0x0  }
0x94: {  	s25 =	rddreg [dreg:$0xd];
	[sflag:s18] =	ssyncadd.s32 $0xFFFFEC00  }
0x95: {  	[spmem:s25] =	stream.linear.scatter [tilespmem:s4], [sflag:$0xD], $0x1400, $0x38;
	[tilespmem:$0x1C1F0] =	vst v63  }
0x96: {  	_ =	swait.ge [sflag:s18], $0x1400  }
0x97: {  	[sflag:s18] =	ssyncset.done $0x0  }
0x98: {  	s5 =	rddreg [dreg:$0xe];
	[sflag:s18] =	ssyncadd.s32 $0xFFFFEC00  }
0x99: {  	[spmem:s5] =	stream.linear.scatter [tilespmem:s4], [sflag:$0xD], $0x1400, $0x38;
	[tilespmem:$0x1C1F0] =	vst v63  }
0x9a: {  	_ =	swait.ge [sflag:s18], $0x1400  }
0x9b: {  	[sflag:s18] =	ssyncset.done $0x0  }
0x9c: {  	s6 =	rddreg [dreg:$0xf];
	[sflag:s18] =	ssyncadd.s32 $0xFFFFEC00  }
0x9d: {  	[spmem:s6] =	stream.linear.scatter [tilespmem:s4], [sflag:$0xD], $0x1400, $0x38;
	[tilespmem:$0x1C1F0] =	vst v63  }
0x9e: {  	_ =	swait.ge [sflag:s18], $0x1400  }
0x9f: {  	[sflag:s18] =	ssyncset.done $0x0  }
0xa0: {  	s12 =	rddreg [dreg:$0x10];
	[sflag:s18] =	ssyncadd.s32 $0xFFFFEC00  }
0xa1: {  	[spmem:s12] =	stream.linear.scatter [tilespmem:s4], [sflag:$0xD], $0x1400, $0x38;
	[tilespmem:$0x1C1F0] =	vst v63  }
0xa2: {  	_ =	swait.ge [sflag:s18], $0x1400  }
0xa3: {  	[sflag:s18] =	ssyncset.done $0x0  }
0xa4: {  	s24 =	rddreg [dreg:$0x11];
	[sflag:s18] =	ssyncadd.s32 $0xFFFFEC00  }
0xa5: {  	[spmem:s24] =	stream.linear.scatter [tilespmem:s4], [sflag:$0xD], $0x1400, $0x38;
	[tilespmem:$0x1C1F0] =	vst v63  }
0xa6: {  	_ =	swait.ge [sflag:s18], $0x1400  }
0xa7: {  	[sflag:s18] =	ssyncset.done $0x0  }
0xa8: {  	s25 =	rddreg [dreg:$0x12];
	[sflag:s18] =	ssyncadd.s32 $0xFFFFEC00  }
0xa9: {  	[spmem:s25] =	stream.linear.scatter [tilespmem:s4], [sflag:$0xD], $0x1400, $0x38;
	[tilespmem:$0x1C1F0] =	vst v63  }
0xaa: {  	_ =	swait.ge [sflag:s18], $0x1400  }
0xab: {  	[sflag:s18] =	ssyncset.done $0x0  }
0xac: {  	s5 =	rddreg [dreg:$0x13];
	[sflag:s18] =	ssyncadd.s32 $0xFFFFEC00  }
0xad: {  	[spmem:s5] =	stream.linear.scatter [tilespmem:s4], [sflag:$0xD], $0x1400, $0x38;
	[tilespmem:$0x1C1F0] =	vst v63  }
0xae: {  	_ =	swait.ge [sflag:s18], $0x1400  }
0xaf: {  	[sflag:s18] =	ssyncset.done $0x0  }
0xb0: {  	s6 =	rddreg [dreg:$0x14];
	[sflag:s18] =	ssyncadd.s32 $0xFFFFEC00  }
0xb1: {  	[spmem:s6] =	stream.linear.scatter [tilespmem:s4], [sflag:$0xD], $0x1400, $0x38;
	[tilespmem:$0x1C1F0] =	vst v63  }
0xb2: {  	_ =	swait.ge [sflag:s18], $0x1400  }
0xb3: {  	[sflag:s18] =	ssyncset.done $0x0  }
0xb4: {  	s12 =	rddreg [dreg:$0x15];
	[sflag:s18] =	ssyncadd.s32 $0xFFFFEC00  }
0xb5: {  	[spmem:s12] =	stream.linear.scatter [tilespmem:s4], [sflag:$0xD], $0x1400, $0x38;
	[tilespmem:$0x1C1F0] =	vst v63  }
0xb6: {  	_ =	swait.ge [sflag:s18], $0x1400  }
0xb7: {  	[sflag:s18] =	ssyncset.done $0x0  }
0xb8: {  	s24 =	simm.s32 $0x1BF70;
	[sflag:s18] =	ssyncadd.s32 $0xFFFFEC00  }
0xb9: {  	[spmem:s13] =	stream.linear.scatter [tilespmem:s24], [sflag:$0xD], $0x280, $0x38;
	[tilespmem:$0x1C1F0] =	vst v63  }
0xba: {  	_ =	swait.ge [sflag:s18], $0x280  }
0xbb: {  	[sflag:s18] =	ssyncset.done $0x0  }
0xbc: {  	[sflag:s18] =	ssyncadd.s32 $0xFFFFFD80  }
0xbd: {  	[bflag:$0x0] =	sbarrier.arrive $0xFFFF  }
0xbe: {  	s5 =	simm.s32 $0x1BEF0;
	s12 =	simm.s32 $0x0;
	s25 =	rddreg [dreg:$0x2]  }
0xbf: {  	[tilespmem:s5], [sflag:$0xD] =	stream.linear.gather [hbm4b:s25+s12], $0x80, $0x38;
	[tilespmem:$0x1C1F0] =	vst v63  }
0xc0: {  	_ =	swait.ge [sflag:s18], $0x80  }
0xc1: {  	[sflag:s18] =	ssyncset.done $0x0  }
0xc2: {  	[sflag:s18] =	ssyncadd.s32 $0xFFFFFF80  }
0xc3: {  	v34 =	vld [tilespmem:$0x1BEF0]  }
0xc4: {  	v48 =	vld [tilespmem:$0x1BF00]  }
0xc5: {  	v52 =	vld [tilespmem:$0x1BF10]  }
0xc6: {  	v45 =	vld [tilespmem:$0x1BF20]  }
0xc7: {  	v44 =	vld [tilespmem:$0x1BF30]  }
0xc8: {  	v46 =	vld [tilespmem:$0x1BF40]  }
0xc9: {  	s13 =	simm.s32 $0x14280;
	s6 =	rddreg [dreg:$0x17];
	v61 =	vld [tilespmem:$0x1BF50]  }
0xca: {  	v47 =	vld [tilespmem:$0x1BF60];
	[tilespmem:s13], [sflag:$0xD] =	stream.linear.gather [hbm4b:s6+s12], $0x28, $0x38  }
0xcb: {  	_ =	swait.ge [sflag:s18], $0x28  }
0xcc: {  	[sflag:s18] =	ssyncset.done $0x0  }
0xcd: {  	s6 =	simm.s32 $0x142E0;
	s24 =	rddreg [dreg:$0x18];
	[sflag:s18] =	ssyncadd.s32 $0xFFFFFFD8  }
0xce: {  	[tilespmem:s6], [sflag:$0xD] =	stream.linear.gather [hbm4b:s24+s12], $0x28, $0x38;
	[tilespmem:$0x1C1F0] =	vst v63  }
0xcf: {  	_ =	swait.ge [sflag:s18], $0x28  }
0xd0: {  	[sflag:s18] =	ssyncset.done $0x0;
	[tilespmem:$0x1FF70] =	vst v34  }
0xd1: {  	[tilespmem:$0x1FF80] =	vst v48;
	[sflag:s18] =	ssyncadd.s32 $0xFFFFFFD8  }
0xd2: {  	[tilespmem:$0x1FF90] =	vst v52;
	s25 =	rddreg [dreg:$0x0]  }
0xd3: {  	[tilespmem:s4], [sflag:$0x3] =	stream.indirect.gather [hbm4b:s25+s19], $0x80, s13, s19, $0xb8;
	[tilespmem:$0x1C1F0] =	vst v63  }
0xd4: {  	s5 =	simm.s32 $0x16B90;
	[tilespmem:$0x1FFA0] =	vst v45  }
0xd5: {  	[tilespmem:s5], [sflag:$0x5] =	stream.indirect.gather [hbm4b:s7+s19], $0x80, s6, s19, $0xb8;
	[tilespmem:$0x1C1F0] =	vst v63  }
0xd6: {  	[tilespmem:$0x1FFB0] =	vst v44;
	s13 =	simm.s32 $0x19390;
	s6 =	rddreg [dreg:$0x19]  }
0xd7: {  	[tilespmem:s13], [sflag:$0x7] =	stream.linear.gather [hbm4b:s6+s12], $0x1400, $0x38;
	[tilespmem:$0x1C1F0] =	vst v63  }
0xd8: {  	s24 =	rddreg [dreg:$0x1a];
	[tilespmem:$0x1FFC0] =	vst v46  }
0xd9: {  	[tilespmem:s17], [sflag:$0x2] =	stream.linear.gather [hbm4b:s24+s12], $0x28, $0x38;
	[tilespmem:$0x1C1F0] =	vst v63  }
0xda: {  	[tilespmem:$0x1FFD0] =	vst v61;
	s25 =	rddreg [dreg:$0x1b]  }
0xdb: {  	[tilespmem:s20], [sflag:$0x2] =	stream.linear.gather [hbm4b:s25+s12], $0x28, $0x38;
	[tilespmem:$0x1C1F0] =	vst v63  }
0xdc: {  	[tilespmem:$0x1FFE0] =	vst v47;
	s25 =	simm.s32 $0x0  }
.LBB2_4:
0xdd: {  	p0 =	seq.s32 s25, $0x0  }
0xde: {  	s1 =	simm.s32 @!p0 $0xA  }
0xdf: {  	_ =	swait.ge @!p0 [sflag:s1], $0x1400  }
0xe0: {  	[sflag:s1] =	ssyncset.done @!p0 $0x0  }
0xe1: {  	[sflag:s1] =	ssyncadd.s32 @!p0 $0xFFFFEC00;
	s1 =	simm.s32 @!p0 $0xC  }
0xe2: {  	_ =	swait.ge @!p0 [sflag:s1], $0x28  }
0xe3: {  	[sflag:s1] =	ssyncset.done @!p0 $0x0  }
0xe4: {  	[sflag:s1] =	ssyncadd.s32 @!p0 $0xFFFFFFD8  }
0xe5: {  	_ =	swait.ge [sflag:s22], $0x28  }
0xe6: {  	[sflag:s22] =	ssyncset.done $0x0  }
0xe7: {  	[sflag:s22] =	ssyncadd.s32 $0xFFFFFFD8  }
0xe8: {  	_ =	swait.ge [sflag:s22], $0x28  }
0xe9: {  	[sflag:s22] =	ssyncset.done $0x0  }
0xea: {  	[sflag:s22] =	ssyncadd.s32 $0xFFFFFFD8  }
0xeb: {  	s24 =	smul.u32 $0x50, s25;
	s13 =	rddreg [dreg:$0x0]  }
0xec: {  	[tilespmem:s30], [sflag:$0x4] =	stream.indirect.gather [hbm4b:s13+s19], $0x80, s17, s19, $0xb8;
	[tilespmem:$0x1C1F0] =	vst v63  }
0xed: {  	s30 =	sadd.s32 s24, s23  }
0xee: {  	s17 =	simm.s32 $0x17F90;
	s1 =	sshll.u32 s30, $0x4  }
0xef: {  	[tilespmem:s17], [sflag:$0x6] =	stream.indirect.gather [hbm4b:s7+s19], $0x80, s20, s19, $0xb8;
	[tilespmem:$0x1C1F0] =	vst v63  }
0xf0: {  	s1 =	sand.u32 $0x1FFFFF80, s1  }
0xf1: {  	s4 =	simm.s32 $0x1A790;
	s5 =	simm.s32 $0x0;
	s1 =	sadd.s32 s8, s1  }
0xf2: {  	[tilespmem:s4], [sflag:$0x8] =	stream.linear.gather [hbm4b:s1+s5], $0x1400, $0x38;
	[tilespmem:$0x1C1F0] =	vst v63  }
0xf3: {  	_ =	swait.ge [sflag:s26], $0x1400  }
0xf4: {  	[sflag:s26] =	ssyncset.done $0x0  }
0xf5: {  	[sflag:s26] =	ssyncadd.s32 $0xFFFFEC00  }
0xf6: {  	_ =	swait.ge [sflag:s29], $0x1400  }
0xf7: {  	[sflag:s29] =	ssyncset.done $0x0  }
0xf8: {  	[sflag:s29] =	ssyncadd.s32 $0xFFFFEC00  }
0xf9: {  	_ =	swait.ge [sflag:s31], $0x1400  }
0xfa: {  	[sflag:s31] =	ssyncset.done $0x0  }
0xfb: {  	[sflag:s31] =	ssyncadd.s32 $0xFFFFEC00  }
0xfc: {  	v1 =	vld [tilespmem:$0x142E0]  }
0xfd: {  	v10 =	vld [tilespmem:$0x142F0]  }
0xfe: {  	v11 =	vld [tilespmem:$0x142F8];
	_ =	sdelay $0x2  }
0xff: {  	[tilespmem:$0x14340] =	vst v1  }
0x100: {  	[tilespmem:$0x14350] =	vst v10  }
0x101: {  	s17 =	simm.s32 $0x0;
	[tilespmem:$0x14358] =	vst v11  }
.LBB2_5:
0x102: {  	s1 =	sshll.u32 s17, $0x7  }
0x103: {  	v10 =	vld [tilespmem:s1+$0x14390]  }
0x104: {  	v11 =	vld [tilespmem:s1+$0x16B90]  }
0x105: {  	v12 =	vld [tilespmem:s1+$0x19390]  }
0x106: {  	v14 =	vld [tilespmem:s1+$0x143A0]  }
0x107: {  	v16 =	vld [tilespmem:s1+$0x16BA0]  }
0x108: {  	v19 =	vld [tilespmem:s1+$0x193A0]  }
0x109: {  	v13 =	vld [tilespmem:s1+$0x143B0]  }
0x10a: {  	v18 =	vld [tilespmem:s1+$0x16BB0]  }
0x10b: {  	v20 =	vld [tilespmem:s1+$0x193B0]  }
0x10c: {  	v21 =	vld [tilespmem:s1+$0x143C0]  }
0x10d: {  	v23 =	vld [tilespmem:s1+$0x16BC0]  }
0x10e: {  	v32 =	vld [tilespmem:s1+$0x193C0]  }
0x10f: {  	v33 =	vld [tilespmem:s1+$0x143D0]  }
0x110: {  	v35 =	vld [tilespmem:s1+$0x16BD0]  }
0x111: {  	v36 =	vld [tilespmem:s1+$0x193D0]  }
0x112: {  	v41 =	vld [tilespmem:s1+$0x143E0]  }
0x113: {  	v42 =	vld [tilespmem:s1+$0x16BE0]  }
0x114: {  	v44 =	vld [tilespmem:s1+$0x193E0]  }
0x115: {  	v45 =	vld [tilespmem:s1+$0x143F0]  }
0x116: {  	v46 =	vld [tilespmem:s1+$0x16BF0]  }
0x117: {  	v49 =	vld [tilespmem:s1+$0x193F0]  }
0x118: {  	v50 =	vld [tilespmem:s1+$0x14400]  }
0x119: {  	s6 =	sor.u32 $0x1, s17;
	v51 =	vld [tilespmem:s1+$0x16C00]  }
0x11a: {  	v55 =	vld [tilespmem:s1+$0x19400];
	s5 =	sshll.u32 s6, $0x7  }
0x11b: {  	v0 =	vld [tilespmem:s5+$0x14390]  }
0x11c: {  	v2 =	vld [tilespmem:s5+$0x16B90]  }
0x11d: {  	v3 =	vld [tilespmem:s5+$0x19390]  }
0x11e: {  	v4 =	vld [tilespmem:s5+$0x143A0]  }
0x11f: {  	v5 =	vld [tilespmem:s5+$0x16BA0]  }
0x120: {  	v6 =	vld [tilespmem:s5+$0x193A0]  }
0x121: {  	v7 =	vld [tilespmem:s5+$0x143B0]  }
0x122: {  	v8 =	vld [tilespmem:s5+$0x16BB0]  }
0x123: {  	v9 =	vld [tilespmem:s5+$0x193B0]  }
0x124: {  	v15 =	vld [tilespmem:s5+$0x143C0]  }
0x125: {  	v1 =	vld [tilespmem:s5+$0x16BC0]  }
0x126: {  	v27 =	vld [tilespmem:s5+$0x193C0]  }
0x127: {  	v22 =	vld [tilespmem:s5+$0x143D0]  }
0x128: {  	v17 =	vld [tilespmem:s5+$0x16BD0]  }
0x129: {  	v25 =	vld [tilespmem:s5+$0x193D0]  }
0x12a: {  	v26 =	vld [tilespmem:s5+$0x143E0]  }
0x12b: {  	v24 =	vld [tilespmem:s5+$0x16BE0]  }
0x12c: {  	v63 =	vld [tilespmem:s5+$0x193E0]  }
0x12d: {  	s13 =	sor.u32 $0x2, s17;
	v43 =	vld [tilespmem:s5+$0x143F0]  }
0x12e: {  	s4 =	sshll.u32 s13, $0x7;
	v28 =	vld [tilespmem:s5+$0x16BF0]  }
0x12f: {  	v31 =	vld [tilespmem:s4+$0x193C0]  }
0x130: {  	v56 =	vld [tilespmem:s5+$0x193F0]  }
0x131: {  	v53 =	vld [tilespmem:s5+$0x14400]  }
0x132: {  	v57 =	vld [tilespmem:s5+$0x16C00]  }
0x133: {  	v62 =	vld [tilespmem:s5+$0x19400]  }
0x134: {  	[tilespmem:$0x1FEE0] =	vst v31;
	v31 =	vld [tilespmem:s4+$0x193D0]  }
0x135: {  	v59 =	vld [tilespmem:s4+$0x14390]  }
0x136: {  	v61 =	vld [tilespmem:s4+$0x16B90]  }
0x137: {  	v54 =	vld [tilespmem:s4+$0x19390]  }
0x138: {  	v47 =	vld [tilespmem:s4+$0x143A0]  }
0x139: {  	[tilespmem:$0x1FEF0] =	vst v31;
	v31 =	vld [tilespmem:s4+$0x143E0]  }
0x13a: {  	v30 =	vld [tilespmem:s4+$0x16BA0]  }
0x13b: {  	v39 =	vld [tilespmem:s4+$0x193A0]  }
0x13c: {  	v58 =	vld [tilespmem:s4+$0x143B0]  }
0x13d: {  	v60 =	vld [tilespmem:s4+$0x16BB0]  }
0x13e: {  	[tilespmem:$0x1FF10] =	vst v31;
	v31 =	vld [tilespmem:s4+$0x16BE0]  }
0x13f: {  	v29 =	vld [tilespmem:s4+$0x193B0]  }
0x140: {  	v37 =	vld [tilespmem:s4+$0x143C0]  }
0x141: {  	v38 =	vld [tilespmem:s4+$0x143D0]  }
0x142: {  	v40 =	vld [tilespmem:s4+$0x16BC0];
	v10 =	vadd.f32 v11, v10  }
0x143: {  	s5 =	sor.u32 $0x3, s17;
	v21 =	vadd.f32 v23, v21;
	v23 =	vadd.f32 v35, v33;
	[tilespmem:$0x1FF00] =	vst v31;
	v31 =	vld [tilespmem:s4+$0x193E0]  }
0x144: {  	s12 =	sshll.u32 s5, $0x7;
	v11 =	vld [tilespmem:s4+$0x16C00];
	v41 =	vadd.f32 v42, v41;
	v46 =	vadd.f32 v46, v45  }
0x145: {  	v42 =	vld [tilespmem:s12+$0x193A0];
	v4 =	vadd.f32 v5, v4;
	v1 =	vadd.f32 v1, v15  }
0x146: {  	[tilespmem:$0x1FED0] =	vst v38;
	v38 =	vld [tilespmem:s4+$0x16BD0];
	v17 =	vadd.f32 v17, v22;
	v24 =	vadd.f32 v24, v26  }
0x147: {  	v12 =	vadd.f32 v12, v10;
	v10 =	vld [tilespmem:s4+$0x16BF0];
	v23 =	vadd.f32 v36, v23  }
0x148: {  	v36 =	vadd.f32 v44, v41;
	v41 =	vadd.f32 v51, v50;
	[tilespmem:$0x1FF20] =	vst v31;
	v31 =	vld [tilespmem:s4+$0x143F0]  }
0x149: {  	v44 =	vadd.f32 v49, v46;
	v50 =	vld [tilespmem:$0x1FFA0];
	v4 =	vadd.f32 v6, v4  }
0x14a: {  	v1 =	vadd.f32 v27, v1;
	v6 =	vadd.f32 v63, v24;
	v63 =	vld [tilespmem:$0x1FFA0]  }
0x14b: {  	v27 =	vadd.f32 v28, v43;
	v43 =	vld [tilespmem:s12+$0x19400]  }
0x14c: {  	v22 =	vadd.f32 v25, v17;
	v17 =	vld [tilespmem:$0x1FFB0];
	v49 =	vmul.f32 $2.000000030e-01, v44;
	[tilespmem:$0x1FF60] =	vst v42;
	v25 =	vmul.f32 $2.000000030e-01, v1  }
0x14d: {  	v42 =	vmul.f32 $2.000000030e-01, v23;
	[tilespmem:$0x1FF30] =	vst v31;
	v31 =	vadd.f32 v18, v13;
	v18 =	vld [tilespmem:s4+$0x193F0]  }
0x14e: {  	v44 =	vmax.f32 v44, v49;
	v49 =	vld [tilespmem:$0x1FFC0];
	v1 =	vmax.f32 v1, v25  }
0x14f: {  	v23 =	vmax.f32 v23, v42;
	v42 =	vld [tilespmem:s12+$0x16BD0];
	v1 =	vmul.f32 v1, v63  }
0x150: {  	v63 =	vadd.f32 v30, v47;
	v30 =	vld [tilespmem:$0x1FED0];
	v20 =	vadd.f32 v20, v31;
	v31 =	vmul.f32 $2.000000030e-01, v12  }
0x151: {  	v14 =	vadd.f32 v16, v14;
	v13 =	vld [tilespmem:s4+$0x14400]  }
0x152: {  	v16 =	vmul.f32 $2.000000030e-01, v20;
	[tilespmem:$0x1FF40] =	vst v18;
	v18 =	vmax.f32 v12, v31;
	v12 =	vld [tilespmem:s4+$0x19400]  }
0x153: {  	v19 =	vadd.f32 v19, v14;
	v31 =	vmul.f32 v18, v34;
	v18 =	vld [tilespmem:s12+$0x14390]  }
0x154: {  	v16 =	vmax.f32 v20, v16;
	v34 =	vld [tilespmem:s12+$0x16B90];
	v20 =	vadd.f32 v32, v21  }
0x155: {  	v32 =	vmul.f32 $2.000000030e-01, v19;
	v14 =	vmul.f32 v16, v52;
	v16 =	vld [tilespmem:s12+$0x19390];
	v21 =	vadd.f32 $0.0e+00, v31  }
0x156: {  	v31 =	vld [tilespmem:s12+$0x143A0]  }
0x157: {  	v19 =	vmax.f32 v19, v32;
	v32 =	vld [tilespmem:s12+$0x16BB0];
	v35 =	vadd.f32 v14, v21;
	v21 =	vmul.f32 $2.000000030e-01, v20  }
0x158: {  	v33 =	vmul.f32 v19, v48;
	v19 =	vld [tilespmem:s12+$0x143B0]  }
0x159: {  	v14 =	vld [tilespmem:s12+$0x16BA0];
	v20 =	vmax.f32 v20, v21  }
0x15a: {  	v33 =	vadd.f32 $0.0e+00, v33;
	v21 =	vld [tilespmem:s12+$0x143C0];
	v51 =	vmul.f32 v20, v50  }
0x15b: {  	v0 =	vadd.f32 v2, v0;
	v41 =	vadd.f32 v55, v41;
	v20 =	vld [tilespmem:s12+$0x193B0]  }
0x15c: {  	[tilespmem:$0x1FF50] =	vst v31;
	v31 =	vmul.f32 $2.000000030e-01, v36;
	v50 =	vadd.f32 v8, v7;
	v45 =	vadd.f32 v51, v33;
	v51 =	vld [tilespmem:$0x1FFB0]  }
0x15d: {  	v0 =	vadd.f32 v3, v0;
	v33 =	vld [tilespmem:s12+$0x16BC0]  }
0x15e: {  	v36 =	vmax.f32 v36, v31;
	v31 =	vmul.f32 $2.000000030e-01, v41;
	v3 =	vadd.f32 v9, v50;
	v9 =	vld [tilespmem:$0x1FF70]  }
0x15f: {  	v50 =	vld [tilespmem:s12+$0x143F0]  }
0x160: {  	v36 =	vmul.f32 v36, v49;
	v49 =	vld [tilespmem:s12+$0x16BE0];
	v2 =	vmax.f32 v41, v31;
	v41 =	vmul.f32 $2.000000030e-01, v0  }
0x161: {  	v31 =	vld [tilespmem:$0x1FFE0]  }
0x162: {  	v15 =	vmul.f32 $2.000000030e-01, v4;
	v5 =	vmax.f32 v0, v41;
	v41 =	vld [tilespmem:s12+$0x14400]  }
0x163: {  	v55 =	vmul.f32 v23, v51;
	v23 =	vld [tilespmem:s12+$0x193C0]  }
0x164: {  	v4 =	vmax.f32 v4, v15;
	v51 =	vadd.f32 v36, v45;
	v36 =	vld [tilespmem:s12+$0x193D0]  }
0x165: {  	v4 =	vmul.f32 v4, v48;
	v45 =	vld [tilespmem:s12+$0x143E0]  }
0x166: {  	v46 =	vadd.f32 v55, v35;
	v55 =	vld [tilespmem:$0x1FFD0];
	v2 =	vmul.f32 v2, v31;
	v31 =	vadd.f32 v57, v53  }
0x167: {  	v28 =	vadd.f32 $0.0e+00, v4;
	v35 =	vld [tilespmem:s12+$0x143D0]  }
0x168: {  	v2 =	vadd.f32 v2, v51;
	v51 =	vld [tilespmem:s12+$0x193F0];
	v4 =	vadd.f32 v62, v31  }
0x169: {  	v31 =	vadd.f32 v60, v58;
	v60 =	vld [tilespmem:$0x1FFC0]  }
0x16a: {  	v15 =	vadd.f32 v56, v27;
	v62 =	vld [tilespmem:$0x1FFD0];
	v27 =	vmul.f32 $2.000000030e-01, v4  }
0x16b: {  	v8 =	vmul.f32 v44, v55;
	v44 =	vld [tilespmem:s12+$0x16C00]  }
0x16c: {  	v55 =	vmul.f32 $2.000000030e-01, v3;
	v4 =	vmax.f32 v4, v27;
	v27 =	vld [tilespmem:$0x1FF70]  }
0x16d: {  	s4 =	sor.u32 $0x4, s17;
	v8 =	vadd.f32 v8, v46;
	v46 =	vld [tilespmem:s12+$0x193E0]  }
0x16e: {  	v3 =	vmax.f32 v3, v55;
	v55 =	vld [tilespmem:s12+$0x16BF0];
	s12 =	sshll.u32 s4, $0x7  }
0x16f: {  	v53 =	vld [tilespmem:s12+$0x14390]  }
0x170: {  	v57 =	vld [tilespmem:s12+$0x16B90]  }
0x171: {  	v56 =	vld [tilespmem:s12+$0x19390]  }
0x172: {  	v25 =	vadd.f32 v61, v59;
	v59 =	vld [tilespmem:s12+$0x143A0]  }
0x173: {  	v26 =	vmul.f32 $2.000000030e-01, v22;
	v61 =	vld [tilespmem:s12+$0x16BA0]  }
0x174: {  	v58 =	vld [tilespmem:s12+$0x143B0];
	v0 =	vadd.f32 v2, v8;
	v2 =	vmul.f32 v5, v9  }
0x175: {  	v47 =	vld [tilespmem:s12+$0x193B0];
	v5 =	vmax.f32 v22, v26;
	v22 =	vmul.f32 $2.000000030e-01, v6  }
0x176: {  	v3 =	vmul.f32 v3, v52;
	v8 =	vadd.f32 v29, v31;
	v31 =	vld [tilespmem:$0x1FEE0];
	v2 =	vadd.f32 $0.0e+00, v2  }
0x177: {  	v26 =	vmax.f32 v6, v22;
	v6 =	vadd.f32 v39, v63;
	v39 =	vld [tilespmem:$0x1FF10]  }
0x178: {  	v24 =	vmul.f32 $2.000000030e-01, v15;
	v63 =	vld [tilespmem:$0x1FF30];
	v2 =	vadd.f32 v3, v2  }
0x179: {  	v3 =	vadd.f32 v1, v28;
	v28 =	vadd.f32 v54, v25;
	v54 =	vld [tilespmem:s12+$0x193A0]  }
0x17a: {  	v1 =	vmax.f32 v15, v24;
	v24 =	vld [tilespmem:$0x1FFE0]  }
0x17b: {  	v15 =	vadd.f32 v38, v30;
	v38 =	vld [tilespmem:$0x1FF00]  }
0x17c: {  	v5 =	vmul.f32 v5, v17;
	v30 =	vld [tilespmem:s12+$0x16BE0]  }
0x17d: {  	s1 =	sor.u32 $0x5, s17;
	v29 =	vmul.f32 $2.000000030e-01, v6;
	v9 =	vmul.f32 v1, v62;
	v1 =	vld [tilespmem:s12+$0x16BB0]  }
0x17e: {  	s20 =	sshll.u32 s1, $0x7;
	v2 =	vadd.f32 v5, v2;
	v5 =	vmul.f32 v26, v60;
	v60 =	vld [tilespmem:$0x1FF20]  }
0x17f: {  	v6 =	vmax.f32 v6, v29;
	v29 =	vld [tilespmem:s20+$0x16B90]  }
0x180: {  	v22 =	vmul.f32 $2.000000030e-01, v28;
	v10 =	vadd.f32 v10, v63;
	v63 =	vadd.f32 v34, v18;
	v18 =	vld [tilespmem:s12+$0x16BF0]  }
0x181: {  	v2 =	vadd.f32 v9, v2;
	v9 =	vld [tilespmem:s12+$0x143C0]  }
0x182: {  	v26 =	vmul.f32 $2.000000030e-01, v8;
	v25 =	vmax.f32 v28, v22;
	v22 =	vld [tilespmem:s12+$0x16BC0]  }
0x183: {  	v28 =	vadd.f32 v40, v37;
	v37 =	vld [tilespmem:$0x1FEF0]  }
0x184: {  	v7 =	vmax.f32 v8, v26;
	v26 =	vld [tilespmem:s12+$0x16BD0]  }
0x185: {  	v4 =	vmul.f32 v4, v24;
	v24 =	vld [tilespmem:s12+$0x193C0]  }
0x186: {  	v3 =	vadd.f32 v5, v3;
	v5 =	vadd.f32 v31, v28;
	v28 =	vld [tilespmem:s12+$0x143E0]  }
0x187: {  	v31 =	vld [tilespmem:$0x1FFC0]  }
0x188: {  	v1 =	vadd.f32 v1, v58;
	v3 =	vadd.f32 v4, v3;
	v4 =	vmul.f32 v25, v27;
	v25 =	vld [tilespmem:s12+$0x143D0]  }
0x189: {  	v27 =	vld [tilespmem:s12+$0x193D0]  }
0x18a: {  	v1 =	vadd.f32 v47, v1;
	v47 =	vld [tilespmem:$0x1FFE0]  }
0x18b: {  	v8 =	vadd.f32 v37, v15;
	v15 =	vadd.f32 v38, v39;
	v39 =	vld [tilespmem:$0x1FF40]  }
0x18c: {  	v40 =	vmul.f32 $2.000000030e-01, v5;
	v37 =	vadd.f32 v11, v13;
	v13 =	vld [tilespmem:s12+$0x193E0]  }
0x18d: {  	v9 =	vadd.f32 v22, v9;
	v22 =	vld [tilespmem:s20+$0x193E0]  }
0x18e: {  	v5 =	vmax.f32 v5, v40;
	v40 =	vld [tilespmem:$0x1FFA0]  }
0x18f: {  	v17 =	vadd.f32 v60, v15;
	v60 =	vld [tilespmem:$0x1FFB0]  }
0x190: {  	v15 =	vld [tilespmem:s12+$0x143F0]  }
0x191: {  	v7 =	vmul.f32 v7, v52;
	v9 =	vadd.f32 v24, v9;
	v24 =	vld [tilespmem:s20+$0x16BF0]  }
0x192: {  	v4 =	vadd.f32 $0.0e+00, v4;
	v28 =	vadd.f32 v30, v28;
	v30 =	vld [tilespmem:s20+$0x19400];
	v38 =	vmul.f32 $2.000000030e-01, v17  }
0x193: {  	v10 =	vadd.f32 v39, v10;
	v39 =	vld [tilespmem:$0x1FFD0]  }
0x194: {  	v4 =	vadd.f32 v7, v4;
	v7 =	vadd.f32 v12, v37;
	v11 =	vmax.f32 v17, v38;
	v17 =	vld [tilespmem:s12+$0x193F0]  }
0x195: {  	v6 =	vmul.f32 v6, v48;
	v62 =	vmul.f32 $2.000000030e-01, v8;
	v38 =	vadd.f32 v16, v63;
	v16 =	vld [tilespmem:s12+$0x14400]  }
0x196: {  	v34 =	vmul.f32 $2.000000030e-01, v7;
	v5 =	vmul.f32 v5, v40;
	v40 =	vld [tilespmem:$0x1FFE0]  }
0x197: {  	v6 =	vadd.f32 $0.0e+00, v6;
	v8 =	vmax.f32 v8, v62;
	v63 =	vadd.f32 v32, v19;
	v19 =	vld [tilespmem:s20+$0x14390]  }
0x198: {  	v7 =	vmax.f32 v7, v34;
	v34 =	vld [tilespmem:$0x1FF60];
	v8 =	vmul.f32 v8, v60  }
0x199: {  	v62 =	vmul.f32 $2.000000030e-01, v10;
	v5 =	vadd.f32 v5, v6;
	v6 =	vmul.f32 v11, v31;
	v31 =	vld [tilespmem:s20+$0x16BA0]  }
0x19a: {  	v4 =	vadd.f32 v8, v4;
	v8 =	vld [tilespmem:s12+$0x16C00]  }
0x19b: {  	v60 =	vmul.f32 $2.000000030e-01, v38;
	v37 =	vmax.f32 v10, v62;
	v62 =	vld [tilespmem:$0x1FF50]  }
0x19c: {  	v5 =	vadd.f32 v6, v5;
	v6 =	vmul.f32 v37, v39;
	v37 =	vld [tilespmem:$0x1FF70]  }
0x19d: {  	v32 =	vmax.f32 v38, v60;
	v60 =	vadd.f32 v42, v35;
	v42 =	vadd.f32 v55, v50;
	v55 =	vld [tilespmem:$0x1FFB0]  }
0x19e: {  	v35 =	vld [tilespmem:s20+$0x193C0]  }
0x19f: {  	v7 =	vmul.f32 v7, v40;
	v40 =	vadd.f32 v33, v21;
	v21 =	vld [tilespmem:s20+$0x143B0]  }
0x1a0: {  	v4 =	vadd.f32 v6, v4;
	v6 =	vld [tilespmem:s20+$0x19390]  }
0x1a1: {  	v38 =	vadd.f32 v20, v63;
	v63 =	vadd.f32 v36, v60;
	v36 =	vld [tilespmem:s20+$0x193B0]  }
0x1a2: {  	v33 =	vadd.f32 v51, v42;
	v42 =	vld [tilespmem:s20+$0x16C00]  }
0x1a3: {  	v5 =	vadd.f32 v7, v5;
	v7 =	vld [tilespmem:s20+$0x143A0]  }
0x1a4: {  	v12 =	vadd.f32 v14, v62;
	v14 =	vld [tilespmem:s12+$0x19400]  }
0x1a5: {  	v62 =	vadd.f32 v49, v45;
	v45 =	vld [tilespmem:$0x1FFA0]  }
0x1a6: {  	v11 =	vadd.f32 v5, v4;
	v5 =	vadd.f32 v23, v40;
	v23 =	vld [tilespmem:s20+$0x193A0]  }
0x1a7: {  	v20 =	vmul.f32 $2.000000030e-01, v38;
	v10 =	vadd.f32 v34, v12;
	v34 =	vld [tilespmem:s20+$0x16BB0]  }
0x1a8: {  	v12 =	vadd.f32 v3, v2;
	v2 =	vmul.f32 v32, v37;
	v37 =	vld [tilespmem:s20+$0x143C0]  }
0x1a9: {  	v60 =	vmul.f32 $2.000000030e-01, v33;
	v3 =	vmax.f32 v38, v20;
	v20 =	vld [tilespmem:s20+$0x16BC0];
	v40 =	vmul.f32 $2.000000030e-01, v5  }
0x1aa: {  	v38 =	vld [tilespmem:s20+$0x143D0];
	v39 =	vmul.f32 $2.000000030e-01, v10  }
0x1ab: {  	v5 =	vmax.f32 v5, v40;
	v40 =	vmax.f32 v33, v60;
	v33 =	vld [tilespmem:s20+$0x16BD0];
	v60 =	vmul.f32 $2.000000030e-01, v9  }
0x1ac: {  	v4 =	vmax.f32 v10, v39;
	v10 =	vadd.f32 v46, v62;
	v46 =	vmul.f32 $2.000000030e-01, v63;
	v62 =	vld [tilespmem:$0x1FFC0]  }
0x1ad: {  	v9 =	vmax.f32 v9, v60;
	v60 =	vld [tilespmem:$0x1FF70]  }
0x1ae: {  	v51 =	vmax.f32 v63, v46;
	v63 =	vadd.f32 v44, v41;
	v44 =	vld [tilespmem:$0x1FFB0]  }
0x1af: {  	v3 =	vmul.f32 v3, v52;
	v2 =	vadd.f32 $0.0e+00, v2;
	v46 =	vld [tilespmem:$0x1FFC0]  }
0x1b0: {  	v50 =	vmul.f32 v5, v45;
	v5 =	vmul.f32 v51, v55;
	v51 =	vadd.f32 v61, v59;
	v61 =	vld [tilespmem:$0x1FFD0]  }
0x1b1: {  	v4 =	vmul.f32 v4, v48;
	v49 =	vmul.f32 $2.000000030e-01, v10;
	v55 =	vadd.f32 v26, v25;
	v25 =	vld [tilespmem:s20+$0x143F0]  }
0x1b2: {  	v41 =	vadd.f32 v57, v53;
	v59 =	vld [tilespmem:$0x1FF70]  }
0x1b3: {  	v2 =	vadd.f32 v3, v2;
	v4 =	vadd.f32 $0.0e+00, v4;
	v10 =	vmax.f32 v10, v49;
	v49 =	vld [tilespmem:$0x1FFD0]  }
0x1b4: {  	v32 =	vadd.f32 v56, v41;
	v41 =	vld [tilespmem:s20+$0x16BE0];
	v39 =	vadd.f32 v54, v51  }
0x1b5: {  	v3 =	vadd.f32 v50, v4;
	v4 =	vmul.f32 v10, v62;
	v2 =	vadd.f32 v5, v2;
	v10 =	vld [tilespmem:s20+$0x193D0]  }
0x1b6: {  	v5 =	vadd.f32 v27, v55;
	v27 =	vld [tilespmem:s20+$0x193F0];
	v54 =	vmul.f32 $2.000000030e-01, v32;
	v57 =	vmul.f32 $2.000000030e-01, v39  }
0x1b7: {  	s30 =	sor.u32 $0x6, s17;
	v50 =	vadd.f32 v43, v63;
	v43 =	vld [tilespmem:s20+$0x14400];
	v3 =	vadd.f32 v4, v3  }
0x1b8: {  	v56 =	vmax.f32 v32, v54;
	v4 =	vmul.f32 v40, v49;
	v40 =	vld [tilespmem:s20+$0x143E0];
	v32 =	vmax.f32 v39, v57;
	s20 =	sshll.u32 s30, $0x7  }
0x1b9: {  	v63 =	vmul.f32 v32, v48;
	v32 =	vld [tilespmem:s20+$0x14390]  }
0x1ba: {  	v28 =	vadd.f32 v13, v28;
	v39 =	vld [tilespmem:s20+$0x16B90]  }
0x1bb: {  	v8 =	vadd.f32 v8, v16;
	v62 =	vmul.f32 $2.000000030e-01, v5;
	v16 =	vld [tilespmem:s20+$0x193A0]  }
0x1bc: {  	v51 =	vmul.f32 $2.000000030e-01, v28;
	v55 =	vadd.f32 v31, v7;
	v7 =	vld [tilespmem:s20+$0x143B0]  }
0x1bd: {  	v8 =	vadd.f32 v14, v8;
	v54 =	vadd.f32 v29, v19;
	v5 =	vmax.f32 v5, v62;
	v19 =	vld [tilespmem:s20+$0x16BB0]  }
0x1be: {  	v53 =	vmul.f32 $2.000000030e-01, v50;
	v49 =	vmul.f32 v5, v44;
	v5 =	vmax.f32 v28, v51;
	v28 =	vld [tilespmem:s20+$0x193C0]  }
0x1bf: {  	v58 =	vmul.f32 $2.000000030e-01, v1;
	v20 =	vadd.f32 v20, v37;
	v24 =	vadd.f32 v24, v25;
	v29 =	vld [tilespmem:s20+$0x143D0]  }
0x1c0: {  	v2 =	vadd.f32 v4, v2;
	v4 =	vmax.f32 v50, v53;
	v53 =	vadd.f32 v18, v15;
	v15 =	vld [tilespmem:s20+$0x143A0]  }
0x1c1: {  	v1 =	vmax.f32 v1, v58;
	v42 =	vadd.f32 v42, v43;
	v18 =	vld [tilespmem:s20+$0x16BA0];
	v26 =	vadd.f32 $0.0e+00, v63  }
0x1c2: {  	v1 =	vmul.f32 v1, v52;
	v63 =	vadd.f32 v35, v20;
	v35 =	vadd.f32 v33, v38;
	v33 =	vld [tilespmem:s20+$0x193D0]  }
0x1c3: {  	v58 =	vmul.f32 $2.000000030e-01, v8;
	v4 =	vmul.f32 v4, v47;
	v38 =	vld [tilespmem:s20+$0x143E0]  }
0x1c4: {  	v9 =	vmul.f32 v9, v45;
	v24 =	vadd.f32 v27, v24;
	v27 =	vadd.f32 v30, v42;
	v30 =	vld [tilespmem:s20+$0x16BF0]  }
0x1c5: {  	v3 =	vadd.f32 v4, v3;
	v4 =	vmul.f32 v56, v59;
	v56 =	vadd.f32 v34, v21;
	v21 =	vld [tilespmem:s20+$0x193B0]  }
0x1c6: {  	v8 =	vmax.f32 v8, v58;
	v50 =	vadd.f32 v9, v26;
	v9 =	vadd.f32 v17, v53;
	v26 =	vld [tilespmem:s20+$0x16BC0]  }
0x1c7: {  	v8 =	vmul.f32 v8, v47;
	v10 =	vadd.f32 v10, v35;
	v37 =	vadd.f32 v41, v40;
	v41 =	vld [tilespmem:s20+$0x16BE0]  }
0x1c8: {  	v5 =	vmul.f32 v5, v46;
	v34 =	vld [tilespmem:s20+$0x193E0];
	v4 =	vadd.f32 $0.0e+00, v4;
	v13 =	vadd.f32 v3, v2  }
0x1c9: {  	v35 =	vld [tilespmem:s20+$0x14400];
	v2 =	vadd.f32 v6, v54;
	v17 =	vmul.f32 $2.000000030e-01, v9;
	v6 =	vadd.f32 v23, v55  }
0x1ca: {  	v3 =	vld [tilespmem:s20+$0x19390];
	v14 =	vadd.f32 v36, v56;
	v40 =	vmul.f32 $2.000000030e-01, v10;
	v22 =	vadd.f32 v22, v37  }
0x1cb: {  	v23 =	vld [tilespmem:s20+$0x143C0];
	v1 =	vadd.f32 v1, v4;
	v4 =	vadd.f32 v5, v50;
	v57 =	vmul.f32 $2.000000030e-01, v2  }
0x1cc: {  	v9 =	vmax.f32 v9, v17;
	v62 =	vmul.f32 $2.000000030e-01, v14;
	v17 =	vld [tilespmem:s20+$0x16BD0];
	v10 =	vmax.f32 v10, v40  }
0x1cd: {  	v43 =	vmul.f32 $2.000000030e-01, v22;
	v40 =	vld [tilespmem:$0x1FF70];
	v9 =	vmul.f32 v9, v61;
	v2 =	vmax.f32 v2, v57  }
0x1ce: {  	v50 =	vmul.f32 v10, v44;
	v10 =	vld [tilespmem:s20+$0x193F0];
	v1 =	vadd.f32 v49, v1;
	v2 =	vmul.f32 v2, v60  }
0x1cf: {  	v38 =	vadd.f32 v41, v38;
	v14 =	vmax.f32 v14, v62;
	v20 =	vmax.f32 v22, v43;
	v22 =	vld [tilespmem:s20+$0x16C00]  }
0x1d0: {  	v14 =	vmul.f32 v14, v52;
	v1 =	vadd.f32 v9, v1;
	v9 =	vld [tilespmem:s20+$0x19400];
	v2 =	vadd.f32 $0.0e+00, v2  }
0x1d1: {  	s12 =	sor.u32 $0x7, s17;
	v53 =	vmul.f32 $2.000000030e-01, v27;
	v37 =	vadd.f32 v17, v29;
	v17 =	vadd.f32 v34, v38;
	v34 =	vld [tilespmem:$0x1FF70]  }
0x1d2: {  	v15 =	vadd.f32 v18, v15;
	v59 =	vmul.f32 $2.000000030e-01, v6;
	v2 =	vadd.f32 v14, v2;
	v14 =	vld [tilespmem:s20+$0x143F0];
	s20 =	sshll.u32 s12, $0x7  }
0x1d3: {  	v58 =	vadd.f32 v39, v32;
	v36 =	vmul.f32 $2.000000030e-01, v63;
	v4 =	vadd.f32 v8, v4;
	v8 =	vld [tilespmem:s20+$0x14390]  }
0x1d4: {  	v56 =	vmax.f32 v27, v53;
	v15 =	vadd.f32 v16, v15;
	v5 =	vmax.f32 v6, v59;
	v18 =	vld [tilespmem:s20+$0x16B90]  }
0x1d5: {  	v49 =	vmul.f32 $2.000000030e-01, v24;
	v57 =	vmul.f32 v56, v47;
	v59 =	vadd.f32 v19, v7;
	v7 =	vld [tilespmem:s20+$0x19390]  }
0x1d6: {  	v6 =	vmax.f32 v63, v36;
	v63 =	vmul.f32 $2.000000030e-01, v15;
	v5 =	vmul.f32 v5, v48;
	v16 =	vld [tilespmem:s20+$0x143A0]  }
0x1d7: {  	v6 =	vmul.f32 v6, v45;
	v54 =	vmul.f32 v20, v46;
	v3 =	vadd.f32 v3, v58;
	v20 =	vld [tilespmem:s20+$0x16BA0]  }
0x1d8: {  	v60 =	vadd.f32 v26, v23;
	v51 =	vmax.f32 v24, v49;
	v15 =	vmax.f32 v15, v63;
	v36 =	vld [tilespmem:s20+$0x143B0]  }
0x1d9: {  	v5 =	vadd.f32 $0.0e+00, v5;
	v55 =	vmul.f32 v51, v61;
	v62 =	vmul.f32 $2.000000030e-01, v3;
	v39 =	vld [tilespmem:s20+$0x16BB0]  }
0x1da: {  	v19 =	vadd.f32 v28, v60;
	v15 =	vmul.f32 v15, v48;
	v1 =	vadd.f32 v4, v1;
	v41 =	vld [tilespmem:s20+$0x193B0]  }
0x1db: {  	v5 =	vadd.f32 v6, v5;
	v6 =	vadd.f32 v21, v59;
	v3 =	vmax.f32 v3, v62;
	v43 =	vld [tilespmem:s20+$0x143C0]  }
0x1dc: {  	v42 =	vmul.f32 $2.000000030e-01, v19;
	v4 =	vadd.f32 v33, v37;
	v51 =	vmul.f32 $2.000000030e-01, v17;
	v49 =	vld [tilespmem:s20+$0x16BC0]  }
0x1dd: {  	v15 =	vadd.f32 $0.0e+00, v15;
	v59 =	vadd.f32 v22, v35;
	v3 =	vmul.f32 v3, v40;
	v53 =	vld [tilespmem:s20+$0x193C0]  }
0x1de: {  	v56 =	vld [tilespmem:s20+$0x16BD0];
	v2 =	vadd.f32 v50, v2;
	v5 =	vadd.f32 v54, v5;
	v32 =	vmul.f32 $2.000000030e-01, v6  }
0x1df: {  	v58 =	vld [tilespmem:s20+$0x193D0];
	v19 =	vmax.f32 v19, v42;
	v50 =	vmul.f32 $2.000000030e-01, v4;
	v9 =	vadd.f32 v9, v59  }
0x1e0: {  	v60 =	vld [tilespmem:s20+$0x143E0];
	v17 =	vmax.f32 v17, v51;
	v2 =	vadd.f32 v55, v2;
	v5 =	vadd.f32 v57, v5  }
0x1e1: {  	v62 =	vld [tilespmem:s20+$0x16BE0];
	v3 =	vadd.f32 $0.0e+00, v3;
	v54 =	vmul.f32 v19, v45;
	v6 =	vmax.f32 v6, v32  }
0x1e2: {  	v28 =	vld [tilespmem:s20+$0x193E0];
	v4 =	vmax.f32 v4, v50;
	v14 =	vadd.f32 v30, v14;
	v2 =	vadd.f32 v5, v2  }
0x1e3: {  	v31 =	vld [tilespmem:s20+$0x143F0];
	v6 =	vmul.f32 v6, v52;
	v8 =	vadd.f32 v18, v8;
	v16 =	vadd.f32 v20, v16  }
0x1e4: {  	v55 =	vld [tilespmem:s20+$0x143D0];
	v57 =	vmul.f32 v17, v46;
	v30 =	vadd.f32 v39, v36;
	v35 =	vadd.f32 v49, v43  }
0x1e5: {  	v37 =	vmul.f32 $2.000000030e-01, v9;
	v5 =	vld [tilespmem:s20+$0x193A0];
	v3 =	vadd.f32 v6, v3;
	v6 =	vadd.f32 v54, v15  }
0x1e6: {  	v4 =	vmul.f32 v4, v44;
	v36 =	vld [tilespmem:s20+$0x16BF0];
	v10 =	vadd.f32 v10, v14;
	v7 =	vadd.f32 v7, v8  }
0x1e7: {  	v39 =	vld [tilespmem:s20+$0x193F0];
	v9 =	vmax.f32 v9, v37;
	v38 =	vadd.f32 v41, v30;
	v8 =	vadd.f32 v53, v35  }
0x1e8: {  	v49 =	vld [tilespmem:s20+$0x16C00];
	v9 =	vmul.f32 v9, v47;
	v3 =	vadd.f32 v4, v3;
	v4 =	vadd.f32 v57, v6  }
0x1e9: {  	v41 =	vld [tilespmem:s20+$0x14400];
	v63 =	vmul.f32 $2.000000030e-01, v10;
	v19 =	vadd.f32 v56, v55;
	v6 =	vadd.f32 v62, v60  }
0x1ea: {  	v40 =	vmul.f32 $2.000000030e-01, v7;
	v43 =	vmul.f32 $2.000000030e-01, v38;
	v5 =	vadd.f32 v5, v16  }
0x1eb: {  	v50 =	vmul.f32 $2.000000030e-01, v8;
	v17 =	vadd.f32 v58, v19;
	v14 =	vadd.f32 v36, v31  }
0x1ec: {  	v51 =	vld [tilespmem:s20+$0x19400];
	v6 =	vadd.f32 v28, v6;
	v7 =	vmax.f32 v7, v40;
	v16 =	vmax.f32 v38, v43  }
0x1ed: {  	v8 =	vmax.f32 v8, v50;
	v42 =	vmul.f32 $2.000000030e-01, v5;
	v53 =	vmul.f32 $2.000000030e-01, v17  }
0x1ee: {  	v7 =	vmul.f32 v7, v34;
	v14 =	vadd.f32 v39, v14;
	v55 =	vadd.f32 v49, v41  }
0x1ef: {  	v16 =	vmul.f32 v16, v52;
	v8 =	vmul.f32 v8, v45;
	v5 =	vmax.f32 v5, v42  }
0x1f0: {  	v56 =	vmul.f32 $2.000000030e-01, v6;
	v54 =	vmax.f32 v17, v53;
	v5 =	vmul.f32 v5, v48  }
0x1f1: {  	v7 =	vadd.f32 $0.0e+00, v7;
	v17 =	vadd.f32 v51, v55;
	v57 =	vmul.f32 $2.000000030e-01, v14  }
0x1f2: {  	v6 =	vmax.f32 v6, v56;
	v15 =	vmul.f32 v54, v44;
	v5 =	vadd.f32 $0.0e+00, v5  }
0x1f3: {  	s6 =	sshll.u32 s6, $0x4;
	v10 =	vmax.f32 v10, v63;
	v6 =	vmul.f32 v6, v46;
	v58 =	vmul.f32 $2.000000030e-01, v17  }
0x1f4: {  	s6 =	sand.u32 $0x3FFFFFF0, s6;
	s20 =	sshll.u32 s17, $0x4;
	v7 =	vadd.f32 v16, v7;
	v14 =	vmax.f32 v14, v57;
	v5 =	vadd.f32 v8, v5  }
0x1f5: {  	s5 =	sshll.u32 s5, $0x4;
	[tilespmem:s6+$0x1BBF0] =	vst v12;
	s20 =	sand.u32 $0x3FFFFFF0, s20;
	v60 =	vmul.f32 v10, v61;
	v62 =	vmul.f32 v14, v61;
	v59 =	vmax.f32 v17, v58  }
0x1f6: {  	s5 =	sand.u32 $0x3FFFFFF0, s5;
	s4 =	sshll.u32 s4, $0x4;
	[tilespmem:s20+$0x1BBF0] =	vst v0;
	v7 =	vadd.f32 v15, v7;
	v0 =	vmul.f32 v59, v47;
	v5 =	vadd.f32 v6, v5  }
0x1f7: {  	p0 =	slt.u32 s17, $0x20;
	s1 =	sshll.u32 s1, $0x4;
	s4 =	sand.u32 $0x3FFFFFF0, s4;
	[tilespmem:s5+$0x1BBF0] =	vst v13;
	v4 =	vadd.f32 v9, v4;
	v3 =	vadd.f32 v60, v3  }
.Ltmp3:
0x1f8: {  	s13 =	sshll.u32 s13, $0x4;
	s1 =	sand.u32 $0x3FFFFFF0, s1;
	[tilespmem:s4+$0x1BBF0] =	vst v1;
	v6 =	vadd.f32 v62, v7;
	v0 =	vadd.f32 v0, v5;
	(pc) =	sbr.rel @p0 .LBB2_5-.Ltmp3, $4  }
0x1f9: {  	s5 =	sshll.u32 s30, $0x4;
	[tilespmem:s1+$0x1BBF0] =	vst v2;
	s20 =	sand.u32 $0x3FFFFFF0, s13;
	v63 =	vadd.f32 v4, v3  }
0x1fa: {  	s6 =	sand.u32 $0x3FFFFFF0, s5;
	s13 =	sshll.u32 s12, $0x4;
	[tilespmem:s20+$0x1BBF0] =	vst v11;
	v0 =	vadd.f32 v0, v6  }
0x1fb: {  	s30 =	sadd.s32 $0x8, s17;
	s20 =	sand.u32 $0x3FFFFFF0, s13;
	[tilespmem:s6+$0x1BBF0] =	vst v63  }
0x1fc: {  	s17 =	smov.u32 s30;
	[tilespmem:s20+$0x1BBF0] =	vst v0  }
0x1fd: {  	v15 =	vld [tilespmem:$0x1FFF0];
	_ =	sdelay $0x4  }
0x1fe: {  	v1 =	vor.u32 $0x1, v15  }
0x1ff: {  	v2 =	vor.u32 $0x2, v15  }
0x200: {  	v3 =	vor.u32 $0x3, v15  }
0x201: {  	v4 =	vor.u32 $0x4, v15  }
0x202: {  	v5 =	vor.u32 $0x5, v15;
	v0 =	vld.idx.msk [tilespmem:v15+s0+$0x0], $0xffff  }
0x203: {  	v6 =	vor.u32 $0x6, v15;
	[tilespmem:$0x1FBE0] =	vst v1;
	v1 =	vld.idx.msk [tilespmem:v1+s0+$0x0], $0xffff  }
0x204: {  	v7 =	vor.u32 $0x7, v15;
	[tilespmem:$0x1FBF0] =	vst v2;
	v2 =	vld.idx.msk [tilespmem:v2+s0+$0x0], $0xffff  }
0x205: {  	v8 =	vor.u32 $0x8, v15;
	[tilespmem:$0x1FC00] =	vst v3;
	v3 =	vld.idx.msk [tilespmem:v3+s0+$0x0], $0xffff  }
0x206: {  	v9 =	vor.u32 $0x9, v15;
	[tilespmem:$0x1FC10] =	vst v4;
	v4 =	vld.idx.msk [tilespmem:v4+s0+$0x0], $0xffff  }
0x207: {  	v10 =	vor.u32 $0xA, v15;
	[tilespmem:$0x1FC20] =	vst v5;
	v5 =	vld.idx.msk [tilespmem:v5+s0+$0x0], $0xffff  }
0x208: {  	v11 =	vor.u32 $0xB, v15;
	[tilespmem:$0x1FC30] =	vst v6;
	v6 =	vld.idx.msk [tilespmem:v6+s0+$0x0], $0xffff  }
0x209: {  	v12 =	vor.u32 $0xC, v15;
	[tilespmem:$0x1FC40] =	vst v7;
	v7 =	vld.idx.msk [tilespmem:v7+s0+$0x0], $0xffff  }
0x20a: {  	v13 =	vor.u32 $0xD, v15;
	[tilespmem:$0x1FC50] =	vst v8;
	v8 =	vld.idx.msk [tilespmem:v8+s0+$0x0], $0xffff  }
0x20b: {  	v14 =	vor.u32 $0xE, v15;
	[tilespmem:$0x1FC60] =	vst v9;
	v9 =	vld.idx.msk [tilespmem:v9+s0+$0x0], $0xffff  }
0x20c: {  	v16 =	vor.u32 $0xF, v15;
	[tilespmem:$0x1FC70] =	vst v10;
	v10 =	vld.idx.msk [tilespmem:v10+s0+$0x0], $0xffff  }
0x20d: {  	[tilespmem:$0x1FC80] =	vst v11;
	v11 =	vld.idx.msk [tilespmem:v11+s0+$0x0], $0xffff  }
0x20e: {  	[tilespmem:$0x1FC90] =	vst v12;
	v12 =	vld.idx.msk [tilespmem:v12+s0+$0x0], $0xffff  }
0x20f: {  	[tilespmem:$0x1FCA0] =	vst v13;
	v13 =	vld.idx.msk [tilespmem:v13+s0+$0x0], $0xffff;
	v0 =	vadd.f32 $0.0e+00, v0;
	v1 =	vadd.f32 $0.0e+00, v1  }
0x210: {  	[tilespmem:$0x1FCB0] =	vst v14;
	v14 =	vld.idx.msk [tilespmem:v14+s0+$0x0], $0xffff;
	v2 =	vadd.f32 $0.0e+00, v2;
	v3 =	vadd.f32 $0.0e+00, v3  }
0x211: {  	v25 =	vld.idx.msk [tilespmem:v16+s0+$0x0], $0xffff;
	v0 =	vadd.f32 v4, v0;
	v1 =	vadd.f32 v5, v1  }
0x212: {  	v2 =	vadd.f32 v6, v2;
	v3 =	vadd.f32 v7, v3  }
0x213: {  	v0 =	vadd.f32 v8, v0;
	v1 =	vadd.f32 v9, v1  }
0x214: {  	v2 =	vadd.f32 v10, v2;
	v3 =	vadd.f32 v11, v3  }
0x215: {  	v0 =	vadd.f32 v12, v0;
	v1 =	vadd.f32 v13, v1  }
0x216: {  	v2 =	vadd.f32 v14, v2;
	v3 =	vadd.f32 v25, v3;
	_ =	sdelay $0x1  }
0x217: {  	v0 =	vadd.f32 v1, v0;
	v1 =	vadd.f32 v3, v2;
	_ =	sdelay $0x1  }
0x218: {  	v0 =	vadd.f32 v1, v0;
	_ =	sdelay $0x1  }
0x219: {  	v0 =	vmul.f32 $1.442695020e+00, v0;
	_ =	sdelay $0x1  }
0x21a: {  	(erf) = vpow2.f32 v0;
	_ =	sdelay $0x5  }
0x21b: {  	v1 =	vor.u32 $0x100, v15  }
0x21c: {  	v2 =	vor.u32 $0x101, v15  }
0x21d: {  	v3 =	vor.u32 $0x102, v15  }
0x21e: {  	v26 =	vor.u32 $0x103, v15;
	v0 =	vpop (erf)  }
0x21f: {  	v27 =	vor.u32 $0x104, v15;
	[tilespmem:$0x1BB90] =	vst v0  }
0x220: {  	v28 =	vor.u32 $0x105, v15;
	v0 =	vld.idx.msk [tilespmem:v1+s0+$0x0], $0xffff  }
0x221: {  	v29 =	vor.u32 $0x106, v15;
	[tilespmem:$0x1FCD0] =	vst v1;
	v1 =	vld.idx.msk [tilespmem:v2+s0+$0x0], $0xffff  }
0x222: {  	v8 =	vor.u32 $0x107, v15;
	[tilespmem:$0x1FCE0] =	vst v2;
	v2 =	vld.idx.msk [tilespmem:v3+s0+$0x0], $0xffff  }
0x223: {  	v9 =	vor.u32 $0x108, v15;
	[tilespmem:$0x1FCF0] =	vst v3;
	v3 =	vld.idx.msk [tilespmem:v26+s0+$0x0], $0xffff  }
0x224: {  	v10 =	vor.u32 $0x109, v15;
	v30 =	vld.idx.msk [tilespmem:v27+s0+$0x0], $0xffff  }
0x225: {  	v11 =	vor.u32 $0x10A, v15;
	v31 =	vld.idx.msk [tilespmem:v28+s0+$0x0], $0xffff  }
0x226: {  	v12 =	vor.u32 $0x10B, v15;
	v32 =	vld.idx.msk [tilespmem:v29+s0+$0x0], $0xffff  }
0x227: {  	v17 =	vor.u32 $0x10C, v15;
	[tilespmem:$0x1FCC0] =	vst v16;
	v33 =	vld.idx.msk [tilespmem:v8+s0+$0x0], $0xffff  }
0x228: {  	[tilespmem:$0x1FD40] =	vst v8;
	v13 =	vor.u32 $0x10D, v15;
	v8 =	vld.idx.msk [tilespmem:v9+s0+$0x0], $0xffff  }
0x229: {  	[tilespmem:$0x1FD50] =	vst v9;
	v14 =	vor.u32 $0x10E, v15;
	v9 =	vld.idx.msk [tilespmem:v10+s0+$0x0], $0xffff  }
0x22a: {  	v16 =	vor.u32 $0x10F, v15;
	[tilespmem:$0x1FD60] =	vst v10;
	v10 =	vld.idx.msk [tilespmem:v11+s0+$0x0], $0xffff  }
0x22b: {  	[tilespmem:$0x1FD70] =	vst v11;
	v11 =	vld.idx.msk [tilespmem:v12+s0+$0x0], $0xffff  }
0x22c: {  	[tilespmem:$0x1FD80] =	vst v12;
	v12 =	vld.idx.msk [tilespmem:v17+s0+$0x0], $0xffff  }
0x22d: {  	[tilespmem:$0x1FDA0] =	vst v13;
	v13 =	vld.idx.msk [tilespmem:v13+s0+$0x0], $0xffff;
	v0 =	vadd.f32 $0.0e+00, v0;
	v1 =	vadd.f32 $0.0e+00, v1  }
0x22e: {  	[tilespmem:$0x1FDB0] =	vst v14;
	v14 =	vld.idx.msk [tilespmem:v14+s0+$0x0], $0xffff;
	v2 =	vadd.f32 $0.0e+00, v2;
	v3 =	vadd.f32 $0.0e+00, v3  }
0x22f: {  	v34 =	vld.idx.msk [tilespmem:v16+s0+$0x0], $0xffff;
	v0 =	vadd.f32 v30, v0;
	v1 =	vadd.f32 v31, v1  }
0x230: {  	v2 =	vadd.f32 v32, v2;
	v3 =	vadd.f32 v33, v3  }
0x231: {  	v0 =	vadd.f32 v8, v0;
	v1 =	vadd.f32 v9, v1  }
0x232: {  	v2 =	vadd.f32 v10, v2;
	v3 =	vadd.f32 v11, v3  }
0x233: {  	v0 =	vadd.f32 v12, v0;
	v1 =	vadd.f32 v13, v1  }
0x234: {  	v2 =	vadd.f32 v14, v2;
	v3 =	vadd.f32 v34, v3;
	_ =	sdelay $0x1  }
0x235: {  	v0 =	vadd.f32 v1, v0;
	v1 =	vadd.f32 v3, v2;
	_ =	sdelay $0x1  }
0x236: {  	v0 =	vadd.f32 v1, v0;
	_ =	sdelay $0x1  }
0x237: {  	v0 =	vmul.f32 $1.442695020e+00, v0;
	_ =	sdelay $0x1  }
0x238: {  	(erf) = vpow2.f32 v0;
	_ =	sdelay $0x5  }
0x239: {  	v1 =	vor.u32 $0x200, v15  }
0x23a: {  	v2 =	vor.u32 $0x201, v15  }
0x23b: {  	v3 =	vor.u32 $0x202, v15  }
0x23c: {  	v35 =	vor.u32 $0x203, v15;
	v0 =	vpop (erf)  }
0x23d: {  	v36 =	vor.u32 $0x204, v15;
	[tilespmem:$0x1BBA0] =	vst v0  }
0x23e: {  	v37 =	vor.u32 $0x205, v15;
	v0 =	vld.idx.msk [tilespmem:v1+s0+$0x0], $0xffff  }
0x23f: {  	v38 =	vor.u32 $0x206, v15;
	[tilespmem:$0x1FDD0] =	vst v1;
	v1 =	vld.idx.msk [tilespmem:v2+s0+$0x0], $0xffff  }
0x240: {  	v8 =	vor.u32 $0x207, v15;
	[tilespmem:$0x1FDE0] =	vst v2;
	v2 =	vld.idx.msk [tilespmem:v3+s0+$0x0], $0xffff  }
0x241: {  	v9 =	vor.u32 $0x208, v15;
	[tilespmem:$0x1FDF0] =	vst v3;
	v3 =	vld.idx.msk [tilespmem:v35+s0+$0x0], $0xffff  }
0x242: {  	v10 =	vor.u32 $0x209, v15;
	v39 =	vld.idx.msk [tilespmem:v36+s0+$0x0], $0xffff  }
0x243: {  	v11 =	vor.u32 $0x20A, v15;
	v40 =	vld.idx.msk [tilespmem:v37+s0+$0x0], $0xffff  }
0x244: {  	v12 =	vor.u32 $0x20B, v15;
	v41 =	vld.idx.msk [tilespmem:v38+s0+$0x0], $0xffff  }
0x245: {  	[tilespmem:$0x1FDC0] =	vst v16;
	v16 =	vor.u32 $0x20C, v15;
	v42 =	vld.idx.msk [tilespmem:v8+s0+$0x0], $0xffff  }
0x246: {  	[tilespmem:$0x1FE40] =	vst v8;
	v13 =	vor.u32 $0x20D, v15;
	v8 =	vld.idx.msk [tilespmem:v9+s0+$0x0], $0xffff  }
0x247: {  	[tilespmem:$0x1FE50] =	vst v9;
	v14 =	vor.u32 $0x20E, v15;
	v9 =	vld.idx.msk [tilespmem:v10+s0+$0x0], $0xffff  }
0x248: {  	[tilespmem:$0x1FE60] =	vst v10;
	v15 =	vor.u32 $0x20F, v15;
	v10 =	vld.idx.msk [tilespmem:v11+s0+$0x0], $0xffff  }
0x249: {  	[tilespmem:$0x1FE70] =	vst v11;
	v11 =	vld.idx.msk [tilespmem:v12+s0+$0x0], $0xffff  }
0x24a: {  	[tilespmem:$0x1FE80] =	vst v12;
	v12 =	vld.idx.msk [tilespmem:v16+s0+$0x0], $0xffff  }
0x24b: {  	[tilespmem:$0x1FEA0] =	vst v13;
	v13 =	vld.idx.msk [tilespmem:v13+s0+$0x0], $0xffff;
	v0 =	vadd.f32 $0.0e+00, v0;
	v1 =	vadd.f32 $0.0e+00, v1  }
0x24c: {  	[tilespmem:$0x1FEB0] =	vst v14;
	v14 =	vld.idx.msk [tilespmem:v14+s0+$0x0], $0xffff;
	v2 =	vadd.f32 $0.0e+00, v2;
	v3 =	vadd.f32 $0.0e+00, v3  }
0x24d: {  	v43 =	vld.idx.msk [tilespmem:v15+s0+$0x0], $0xffff;
	v0 =	vadd.f32 v39, v0;
	v1 =	vadd.f32 v40, v1  }
0x24e: {  	v2 =	vadd.f32 v41, v2;
	v3 =	vadd.f32 v42, v3  }
0x24f: {  	v0 =	vadd.f32 v8, v0;
	v1 =	vadd.f32 v9, v1  }
0x250: {  	v2 =	vadd.f32 v10, v2;
	v3 =	vadd.f32 v11, v3  }
0x251: {  	v0 =	vadd.f32 v12, v0;
	v1 =	vadd.f32 v13, v1  }
0x252: {  	v2 =	vadd.f32 v14, v2;
	v3 =	vadd.f32 v43, v3;
	_ =	sdelay $0x1  }
0x253: {  	v0 =	vadd.f32 v1, v0;
	v1 =	vadd.f32 v3, v2;
	_ =	sdelay $0x1  }
0x254: {  	v0 =	vadd.f32 v1, v0;
	_ =	sdelay $0x1  }
0x255: {  	v0 =	vmul.f32 $1.442695020e+00, v0  }
0x256: {  	[tilespmem:$0x1FD00] =	vst v26  }
0x257: {  	[tilespmem:$0x1FD10] =	vst v27;
	(erf) = vpow2.f32 v0  }
0x258: {  	[tilespmem:$0x1FD20] =	vst v28  }
0x259: {  	s1 =	simm.s32 $0x0;
	[tilespmem:$0x1FD30] =	vst v29  }
0x25a: {  	s13 =	simm.s32 $0x2;
	[tilespmem:$0x1FD90] =	vst v17;
	v0 =	vmov s1  }
0x25b: {  	[tilespmem:$0x1FE00] =	vst v35;
	v1 =	vmov s13;
	v0 =	vand.u32 $0xFFFFFFFC, v0  }
0x25c: {  	[tilespmem:$0x1FE10] =	vst v36;
	v1 =	vand.u32 $0xFFFFFFFE, v1;
	v0 =	vbroadcast v0, $0x0  }
0x25d: {  	[tilespmem:$0x1FE20] =	vst v37;
	v1 =	vbroadcast v1, $0x0  }
0x25e: {  	[tilespmem:$0x1FE30] =	vst v38  }
0x25f: {  	[tilespmem:$0x1FE90] =	vst v16  }
0x260: {  	[tilespmem:$0x1FEC0] =	vst v15;
	v2 =	vpop (erf)  }
0x261: {  	[tilespmem:$0x1BBB0] =	vst v2  }
0x262: {  	v0 =	vld.idx.msk [tilespmem:v0+s2+$0x0], $0xffff  }
0x263: {  	s1 =	simm.s32 $0x14490;
	v58 =	vld.idx.msk [tilespmem:v1+s2+$0x0], $0xffff  }
0x264: {  	v2 =	vld [tilespmem:s1+$0x70]  }
0x265: {  	v3 =	vld [tilespmem:s1+$0xFFFFFF00]  }
0x266: {  	s4 =	simm.s32 $0x1;
	v44 =	vld [tilespmem:s1+$0xFFFFFF10]  }
0x267: {  	v1 =	vmov s4;
	v45 =	vld [tilespmem:s1+$0xFFFFFF20]  }
0x268: {  	v46 =	vld [tilespmem:s1+$0xFFFFFF30];
	v1 =	vand.u32 $0xFFFFFFFD, v1  }
0x269: {  	v47 =	vld [tilespmem:s1+$0xFFFFFF40];
	v1 =	vbroadcast v1, $0x0  }
0x26a: {  	v8 =	vld [tilespmem:s1+$0xFFFFFF50]  }
0x26b: {  	v9 =	vld [tilespmem:s1+$0xFFFFFF60];
	v3 =	vmul.f32 v3, v0  }
0x26c: {  	v48 =	vld [tilespmem:s1+$0xFFFFFF70];
	v2 =	vmul.f32 v2, v58  }
0x26d: {  	v49 =	vld [tilespmem:s1+$0xFFFFFF80];
	[tilespmem:s1+$0xFFFFFF00] =	vst v3;
	v3 =	vmul.f32 v44, v0  }
0x26e: {  	v50 =	vld [tilespmem:s1+$0xFFFFFF90];
	[tilespmem:s1+$0x70] =	vst v2;
	v2 =	vmul.f32 v45, v0  }
0x26f: {  	v1 =	vld.idx.msk [tilespmem:v1+s2+$0x0], $0xffff;
	[tilespmem:s1+$0xFFFFFF10] =	vst v3;
	v3 =	vmul.f32 v46, v0  }
0x270: {  	v56 =	vld [tilespmem:s1+$0x10];
	[tilespmem:s1+$0xFFFFFF20] =	vst v2;
	v2 =	vmul.f32 v47, v0  }
0x271: {  	v51 =	vld [tilespmem:s1+$0xFFFFFFA0];
	[tilespmem:s1+$0xFFFFFF30] =	vst v3;
	v3 =	vmul.f32 v8, v0  }
0x272: {  	s17 =	simm.s32 $0x3;
	v52 =	vld [tilespmem:s1+$0xFFFFFFD0];
	[tilespmem:s1+$0xFFFFFF40] =	vst v2;
	v2 =	vmul.f32 v9, v0  }
0x273: {  	v10 =	vmov s17;
	v9 =	vld [tilespmem:s1+$0xFFFFFFC0];
	v0 =	vmul.f32 v48, v0;
	[tilespmem:s1+$0xFFFFFF50] =	vst v3  }
0x274: {  	v8 =	vld [tilespmem:s1+$0xFFFFFFB0];
	v3 =	vmul.f32 v49, v1;
	[tilespmem:s1+$0xFFFFFF60] =	vst v2  }
0x275: {  	v61 =	vmul.f32 v56, v58;
	v2 =	vld [tilespmem:s1+$0xFFFFFFE0];
	[tilespmem:s1+$0xFFFFFF70] =	vst v0  }
0x276: {  	v0 =	vmul.f32 v51, v1;
	[tilespmem:s1+$0xFFFFFF80] =	vst v3;
	v3 =	vld [tilespmem:s1+$0xFFFFFFF0]  }
0x277: {  	v55 =	vld [tilespmem:s1+$0x0];
	[tilespmem:s1+$0x10] =	vst v61;
	v53 =	vmul.f32 v50, v1  }
0x278: {  	v57 =	vld.idx.msk [tilespmem:v10+s2+$0x0], $0xffff;
	[tilespmem:s1+$0xFFFFFFA0] =	vst v0;
	v0 =	vmul.f32 v9, v1  }
0x279: {  	v60 =	vld [tilespmem:s1+$0x20];
	v59 =	vmul.f32 v52, v1;
	[tilespmem:s1+$0xFFFFFF90] =	vst v53  }
0x27a: {  	[tilespmem:s1+$0xFFFFFFC0] =	vst v0;
	v0 =	vmul.f32 v2, v1;
	v2 =	vld [tilespmem:s1+$0x30]  }
0x27b: {  	[tilespmem:s1+$0xFFFFFFD0] =	vst v59;
	v54 =	vmul.f32 v8, v1;
	v1 =	vmul.f32 v3, v1;
	v3 =	vld [tilespmem:s1+$0x40]  }
0x27c: {  	v10 =	vld [tilespmem:s1+$0x50];
	[tilespmem:s1+$0xFFFFFFE0] =	vst v0;
	v0 =	vmul.f32 v55, v58  }
0x27d: {  	s20 =	simm.s32 $0x4;
	[tilespmem:s1+$0xFFFFFFF0] =	vst v1;
	v1 =	vld [tilespmem:s1+$0x60]  }
0x27e: {  	s5 =	simm.s32 $0x5;
	v62 =	vmov s20;
	v14 =	vld [tilespmem:s1+$0x80];
	[tilespmem:s1+$0x0] =	vst v0;
	v0 =	vmul.f32 v60, v58  }
0x27f: {  	s30 =	simm.s32 $0x7;
	v18 =	vmov s5;
	v63 =	vand.u32 $0xFFFFFFFC, v62;
	v13 =	vld [tilespmem:s1+$0x90];
	[tilespmem:s1+$0xFFFFFFB0] =	vst v54;
	v16 =	vmul.f32 v2, v58  }
0x280: {  	s6 =	simm.s32 $0x6;
	s5 =	simm.s32 $0x8;
	v11 =	vmov s30;
	v12 =	vbroadcast v63, $0x0;
	v15 =	vld [tilespmem:s1+$0xA0];
	s4 =	simm.s32 $0x14490;
	[tilespmem:s1+$0x20] =	vst v0;
	v17 =	vmul.f32 v3, v58  }
.LBB2_7:
0x281: {  	p0 =	slt.u32 s5, $0x24;
	v0 =	vand.u32 $0xFFFFFFFD, v18;
	v2 =	vmov s6;
	[tilespmem:s1+$0x30] =	vst v16;
	v3 =	vmul.f32 v10, v58;
	v4 =	vld [tilespmem:s1+$0xB0]  }
0x282: {  	v0 =	vbroadcast v0, $0x0;
	v2 =	vand.u32 $0xFFFFFFFE, v2;
	[tilespmem:s1+$0x40] =	vst v17;
	v1 =	vmul.f32 v1, v58;
	v5 =	vld [tilespmem:s1+$0xC0]  }
0x283: {  	v2 =	vbroadcast v2, $0x0;
	[tilespmem:s1+$0x50] =	vst v3;
	v3 =	vmul.f32 v14, v57;
	v6 =	vld [tilespmem:s1+$0xD0]  }
0x284: {  	[tilespmem:s1+$0x60] =	vst v1;
	v1 =	vmul.f32 v13, v57;
	v7 =	vld [tilespmem:s1+$0xE0]  }
0x285: {  	[tilespmem:s1+$0x80] =	vst v3;
	v3 =	vmul.f32 v15, v57;
	v8 =	vld [tilespmem:s1+$0xF0]  }
0x286: {  	v9 =	vld.idx.msk [tilespmem:v11+s2+$0x0], $0xffff;
	[tilespmem:s1+$0x90] =	vst v1;
	v1 =	vmul.f32 v4, v57  }
0x287: {  	v4 =	vld.idx.msk [tilespmem:v12+s2+$0x0], $0xffff;
	[tilespmem:s1+$0xA0] =	vst v3;
	v3 =	vmul.f32 v5, v57  }
0x288: {  	v0 =	vld.idx.msk [tilespmem:v0+s2+$0x0], $0xffff;
	[tilespmem:s1+$0xB0] =	vst v1;
	v1 =	vmul.f32 v6, v57  }
0x289: {  	s1 =	sadd.s32 $0x200, s1;
	v58 =	vld.idx.msk [tilespmem:v2+s2+$0x0], $0xffff;
	[tilespmem:s4+$0xC0] =	vst v3;
	v2 =	vmul.f32 v7, v57  }
0x28a: {  	v3 =	vld [tilespmem:s1+$0x70];
	[tilespmem:s4+$0xD0] =	vst v1;
	v1 =	vmul.f32 v8, v57  }
0x28b: {  	v5 =	vld [tilespmem:s1+$0xFFFFFF00];
	[tilespmem:s4+$0xE0] =	vst v2  }
0x28c: {  	v57 =	vmov v9;
	v2 =	vld [tilespmem:s1+$0xFFFFFF10];
	[tilespmem:s4+$0xF0] =	vst v1;
	s4 =	smov.u32 s1  }
0x28d: {  	v1 =	vld [tilespmem:s1+$0xFFFFFF20]  }
0x28e: {  	v6 =	vld [tilespmem:s1+$0xFFFFFF30]  }
0x28f: {  	v7 =	vld [tilespmem:s1+$0xFFFFFF40];
	v3 =	vmul.f32 v3, v58  }
0x290: {  	v5 =	vmul.f32 v5, v4;
	v8 =	vld [tilespmem:s1+$0xFFFFFF50]  }
0x291: {  	v2 =	vmul.f32 v2, v4;
	v9 =	vld [tilespmem:s1+$0xFFFFFF60];
	[tilespmem:s1+$0x70] =	vst v3  }
0x292: {  	[tilespmem:s1+$0xFFFFFF00] =	vst v5;
	v1 =	vmul.f32 v1, v4;
	v3 =	vld [tilespmem:s1+$0xFFFFFF70]  }
0x293: {  	[tilespmem:s1+$0xFFFFFF10] =	vst v2;
	v2 =	vmul.f32 v6, v4;
	v5 =	vld [tilespmem:s1+$0xFFFFFF80]  }
0x294: {  	[tilespmem:s1+$0xFFFFFF20] =	vst v1;
	v1 =	vmul.f32 v7, v4;
	v6 =	vld [tilespmem:s1+$0xFFFFFF90]  }
0x295: {  	[tilespmem:s1+$0xFFFFFF30] =	vst v2;
	v2 =	vmul.f32 v8, v4;
	v7 =	vld [tilespmem:s1+$0xFFFFFFA0]  }
0x296: {  	[tilespmem:s1+$0xFFFFFF40] =	vst v1;
	v1 =	vmul.f32 v9, v4;
	v8 =	vld [tilespmem:s1+$0xFFFFFFB0]  }
0x297: {  	[tilespmem:s1+$0xFFFFFF50] =	vst v2;
	v2 =	vmul.f32 v3, v4;
	v3 =	vld [tilespmem:s1+$0xFFFFFFC0]  }
0x298: {  	[tilespmem:s1+$0xFFFFFF60] =	vst v1;
	v1 =	vmul.f32 v5, v0;
	v4 =	vld [tilespmem:s1+$0xFFFFFFD0]  }
0x299: {  	[tilespmem:s1+$0xFFFFFF70] =	vst v2;
	v2 =	vmul.f32 v6, v0;
	v5 =	vld [tilespmem:s1+$0xFFFFFFE0]  }
0x29a: {  	[tilespmem:s1+$0xFFFFFF80] =	vst v1;
	v1 =	vmul.f32 v7, v0;
	v6 =	vld [tilespmem:s1+$0xFFFFFFF0]  }
0x29b: {  	[tilespmem:s1+$0xFFFFFF90] =	vst v2;
	v2 =	vmul.f32 v8, v0;
	v7 =	vld [tilespmem:s1+$0x0]  }
0x29c: {  	[tilespmem:s1+$0xFFFFFFA0] =	vst v1;
	v1 =	vmul.f32 v3, v0;
	v3 =	vld [tilespmem:s1+$0x10]  }
0x29d: {  	[tilespmem:s1+$0xFFFFFFB0] =	vst v2;
	v2 =	vmul.f32 v4, v0;
	v4 =	vld [tilespmem:s1+$0x20]  }
0x29e: {  	[tilespmem:s1+$0xFFFFFFC0] =	vst v1;
	v1 =	vmul.f32 v5, v0;
	v5 =	vld [tilespmem:s1+$0x30]  }
0x29f: {  	[tilespmem:s1+$0xFFFFFFD0] =	vst v2;
	v0 =	vmul.f32 v6, v0;
	v2 =	vld [tilespmem:s1+$0x40]  }
.Ltmp4:
0x2a0: {  	[tilespmem:s1+$0xFFFFFFE0] =	vst v1;
	v6 =	vmul.f32 v7, v58;
	v10 =	vld [tilespmem:s1+$0x50];
	(pc) =	sbr.rel @p0 .LBB2_7-.Ltmp4, $4  }
0x2a1: {  	[tilespmem:s1+$0xFFFFFFF0] =	vst v0;
	v0 =	vmul.f32 v3, v58;
	v1 =	vld [tilespmem:s1+$0x60]  }
0x2a2: {  	s6 =	sadd.s32 $0x3, s5;
	v3 =	vmov s5;
	[tilespmem:s1+$0x0] =	vst v6;
	v4 =	vmul.f32 v4, v58;
	v14 =	vld [tilespmem:s1+$0x80]  }
0x2a3: {  	s12 =	sadd.s32 $0x1, s5;
	v11 =	vmov s6;
	v3 =	vand.u32 $0xFFFFFFFC, v3;
	[tilespmem:s1+$0x10] =	vst v0;
	v16 =	vmul.f32 v5, v58;
	v13 =	vld [tilespmem:s1+$0x90]  }
0x2a4: {  	v18 =	vmov s12;
	s6 =	sadd.s32 $0x2, s5;
	s5 =	sadd.s32 $0x4, s5;
	v12 =	vbroadcast v3, $0x0;
	[tilespmem:s1+$0x20] =	vst v4;
	v17 =	vmul.f32 v2, v58;
	v15 =	vld [tilespmem:s1+$0xA0]  }
0x2a5: {  	v0 =	vld [tilespmem:s1+$0xB0]  }
0x2a6: {  	v4 =	vld [tilespmem:s1+$0xC0]  }
0x2a7: {  	v6 =	vld [tilespmem:s1+$0xD0]  }
0x2a8: {  	v7 =	vld [tilespmem:s1+$0xE0]  }
0x2a9: {  	v46 =	vld [tilespmem:s1+$0xF0];
	[tilespmem:s1+$0x30] =	vst v16;
	v8 =	vmul.f32 v10, v58  }
0x2aa: {  	v9 =	vld.idx.msk [tilespmem:v11+s2+$0x0], $0xffff;
	[tilespmem:s1+$0x40] =	vst v17;
	v1 =	vmul.f32 v1, v58  }
0x2ab: {  	s5 =	sadd.s32 $0x200, s1;
	v47 =	vld.idx.msk [tilespmem:v12+s2+$0x0], $0xffff;
	v5 =	vmul.f32 v14, v57;
	[tilespmem:s1+$0x50] =	vst v8  }
0x2ac: {  	v52 =	vld [tilespmem:s5+$0xFFFFFF00];
	v48 =	vmul.f32 v13, v57;
	[tilespmem:s1+$0x60] =	vst v1  }
0x2ad: {  	v54 =	vld [tilespmem:s5+$0xFFFFFF10];
	[tilespmem:s1+$0x80] =	vst v5;
	v49 =	vmul.f32 v15, v57  }
0x2ae: {  	v56 =	vld [tilespmem:s5+$0xFFFFFF20];
	[tilespmem:s1+$0x90] =	vst v48;
	v0 =	vmul.f32 v0, v57  }
0x2af: {  	v58 =	vld [tilespmem:s5+$0xFFFFFF30];
	v51 =	vmul.f32 v4, v57;
	[tilespmem:s1+$0xA0] =	vst v49  }
0x2b0: {  	v59 =	vld [tilespmem:s5+$0xFFFFFF40];
	v53 =	vmul.f32 v6, v57;
	[tilespmem:s1+$0xB0] =	vst v0  }
0x2b1: {  	v61 =	vld [tilespmem:s5+$0xFFFFFF50];
	v55 =	vmul.f32 v7, v57;
	[tilespmem:s4+$0xC0] =	vst v51  }
0x2b2: {  	v62 =	vld [tilespmem:s5+$0xFFFFFF60];
	v57 =	vmul.f32 v46, v57;
	[tilespmem:s4+$0xD0] =	vst v53  }
0x2b3: {  	v2 =	vand.u32 $0xFFFFFFFD, v18;
	v12 =	vld [tilespmem:s5+$0xFFFFFF70];
	v60 =	vmul.f32 v52, v47;
	[tilespmem:s4+$0xE0] =	vst v55  }
0x2b4: {  	v2 =	vbroadcast v2, $0x0;
	v50 =	vld [tilespmem:s5+$0x70];
	v6 =	vmul.f32 v54, v47;
	[tilespmem:s4+$0xF0] =	vst v57  }
0x2b5: {  	v43 =	vld [tilespmem:s5+$0x90];
	v63 =	vmul.f32 v56, v47;
	[tilespmem:s5+$0xFFFFFF00] =	vst v60  }
0x2b6: {  	v45 =	vld [tilespmem:s5+$0xA0];
	v5 =	vmul.f32 v58, v47;
	[tilespmem:s5+$0xFFFFFF10] =	vst v6  }
0x2b7: {  	v13 =	vld [tilespmem:s5+$0xFFFFFF80];
	v14 =	vmul.f32 v59, v47;
	v4 =	vmul.f32 v61, v47;
	[tilespmem:s5+$0xFFFFFF20] =	vst v63  }
0x2b8: {  	v17 =	vmul.f32 v62, v47;
	v19 =	vmul.f32 v12, v47;
	v47 =	vld [tilespmem:s5+$0xB0];
	[tilespmem:s5+$0xFFFFFF30] =	vst v5  }
0x2b9: {  	v49 =	vld [tilespmem:s5+$0xC0];
	[tilespmem:s5+$0xFFFFFF40] =	vst v14  }
0x2ba: {  	v3 =	vmov s6;
	v2 =	vld.idx.msk [tilespmem:v2+s2+$0x0], $0xffff;
	[tilespmem:s5+$0xFFFFFF50] =	vst v4  }
0x2bb: {  	v3 =	vand.u32 $0xFFFFFFFE, v3;
	v15 =	vld [tilespmem:s5+$0xFFFFFF90];
	v52 =	vmul.f32 v43, v9;
	[tilespmem:s5+$0xFFFFFF60] =	vst v17  }
0x2bc: {  	v16 =	vld [tilespmem:s5+$0xFFFFFFA0];
	v3 =	vbroadcast v3, $0x0;
	v54 =	vmul.f32 v45, v9;
	[tilespmem:s5+$0xFFFFFF70] =	vst v19  }
0x2bd: {  	v18 =	vld [tilespmem:s5+$0xFFFFFFB0];
	[tilespmem:s5+$0x90] =	vst v52;
	v56 =	vmul.f32 v47, v9  }
0x2be: {  	v20 =	vld [tilespmem:s5+$0xFFFFFFC0];
	[tilespmem:s5+$0xA0] =	vst v54;
	v57 =	vmul.f32 v49, v9  }
0x2bf: {  	v22 =	vld [tilespmem:s5+$0xFFFFFFD0];
	v21 =	vmul.f32 v13, v2;
	[tilespmem:s5+$0xB0] =	vst v56  }
0x2c0: {  	v23 =	vld [tilespmem:s5+$0xFFFFFFE0];
	v1 =	vmul.f32 v15, v2;
	[tilespmem:s5+$0xC0] =	vst v57  }
0x2c1: {  	v25 =	vld [tilespmem:s5+$0xFFFFFFF0];
	v24 =	vmul.f32 v16, v2;
	[tilespmem:s5+$0xFFFFFF80] =	vst v21  }
0x2c2: {  	v3 =	vld.idx.msk [tilespmem:v3+s2+$0x0], $0xffff;
	v26 =	vmul.f32 v18, v2;
	[tilespmem:s5+$0xFFFFFF90] =	vst v1  }
0x2c3: {  	v27 =	vld [tilespmem:s5+$0x0];
	v28 =	vmul.f32 v20, v2;
	[tilespmem:s5+$0xFFFFFFA0] =	vst v24  }
0x2c4: {  	v29 =	vld [tilespmem:s5+$0x10];
	v30 =	vmul.f32 v22, v2;
	[tilespmem:s5+$0xFFFFFFB0] =	vst v26  }
0x2c5: {  	v31 =	vld [tilespmem:s5+$0x20];
	v32 =	vmul.f32 v23, v2;
	[tilespmem:s5+$0xFFFFFFC0] =	vst v28  }
0x2c6: {  	v33 =	vld [tilespmem:s5+$0x30];
	v34 =	vmul.f32 v25, v2;
	[tilespmem:s5+$0xFFFFFFD0] =	vst v30  }
0x2c7: {  	v35 =	vld [tilespmem:s5+$0x40];
	v8 =	vmul.f32 v50, v3;
	[tilespmem:s5+$0xFFFFFFE0] =	vst v32  }
0x2c8: {  	v37 =	vld [tilespmem:s5+$0x50];
	v36 =	vmul.f32 v27, v3;
	[tilespmem:s5+$0xFFFFFFF0] =	vst v34  }
0x2c9: {  	v39 =	vld [tilespmem:s5+$0x60];
	v38 =	vmul.f32 v29, v3;
	[tilespmem:s5+$0x70] =	vst v8  }
0x2ca: {  	v41 =	vld [tilespmem:s5+$0x80];
	v40 =	vmul.f32 v31, v3;
	[tilespmem:s5+$0x0] =	vst v36  }
0x2cb: {  	v51 =	vld [tilespmem:s5+$0xD0];
	v42 =	vmul.f32 v33, v3;
	[tilespmem:s5+$0x10] =	vst v38  }
0x2cc: {  	v53 =	vld [tilespmem:s5+$0xE0];
	v44 =	vmul.f32 v35, v3;
	[tilespmem:s5+$0x20] =	vst v40  }
0x2cd: {  	v55 =	vld [tilespmem:s5+$0xF0];
	v46 =	vmul.f32 v37, v3;
	[tilespmem:s5+$0x30] =	vst v42  }
0x2ce: {  	v48 =	vmul.f32 v39, v3;
	[tilespmem:s5+$0x40] =	vst v44  }
0x2cf: {  	v50 =	vmul.f32 v41, v9;
	[tilespmem:s5+$0x50] =	vst v46  }
0x2d0: {  	v58 =	vmul.f32 v51, v9;
	[tilespmem:s5+$0x60] =	vst v48  }
0x2d1: {  	v59 =	vmul.f32 v53, v9;
	[tilespmem:s5+$0x80] =	vst v50  }
0x2d2: {  	v60 =	vmul.f32 v55, v9;
	[tilespmem:s5+$0xD0] =	vst v58  }
0x2d3: {  	[tilespmem:s5+$0xE0] =	vst v59  }
0x2d4: {  	s20 =	rddreg [dreg:$0x3];
	s30 =	simm.s32 $0x14390;
	p0 =	seq.s32 s25, $0x7C;
	[tilespmem:s5+$0xF0] =	vst v60  }
0x2d5: {  	[spmem:s20] =	stream.indirect.scatter.add.f32 [tilespmem:s30], [sflag:$0x9], $0x80, s3, s19, $0xb8;
	[tilespmem:$0x1C1F0] =	vst v63  }
0x2d6: {  	s1 =	simm.s32 @p0 $0x9  }
0x2d7: {  	[spmem:s21] =	stream.indirect.scatter.add.f32 [tilespmem:s2], [sflag:$0xB], $0x1, s3, s19, $0xb8;
	[tilespmem:$0x1C1F0] =	vst v63  }
0x2d8: {  	_ =	swait.ge @p0 [sflag:s1], $0x1400  }
0x2d9: {  	[sflag:s1] =	ssyncset.done @p0 $0x0  }
0x2da: {  	[sflag:s1] =	ssyncadd.s32 @p0 $0xFFFFEC00;
	s1 =	simm.s32 @p0 $0xB  }
0x2db: {  	_ =	swait.ge @p0 [sflag:s1], $0x28  }
0x2dc: {  	s4 =	rddreg [dreg:$0x1c]  }
0x2dd: {  	[sflag:s1] =	ssyncset.done @p0 $0x0;
	s4 =	sadd.s32 @!p0 s24, s4  }
0x2de: {  	[sflag:s1] =	ssyncadd.s32 @p0 $0xFFFFFFD8;
	s1 =	sshrl.u32 @!p0 s4, $0x3  }
0x2df: {  	s6 =	simm.s32 @!p0 $0x0;
	s12 =	simm.s32 @!p0 $0x14280;
	s5 =	sadd.s32 @!p0 s9, s1  }
0x2e0: {  	[tilespmem:s12], [sflag:$0x1] =	stream.linear.gather @!p0 [hbm4b:s5+s6], $0x28, $0x38;
	[tilespmem:$0x1C1F0] =	vst v63  }
0x2e1: {  	s1 =	sadd.s32 @!p0 s10, s1;
	s5 =	simm.s32 @!p0 $0x142E0  }
0x2e2: {  	[tilespmem:s5], [sflag:$0x1] =	stream.linear.gather @!p0 [hbm4b:s1+s6], $0x28, $0x38;
	[tilespmem:$0x1C1F0] =	vst v63  }
0x2e3: {  	s1 =	simm.s32 @!p0 $0x9  }
0x2e4: {  	_ =	swait.ge @!p0 [sflag:s1], $0x1400  }
0x2e5: {  	[sflag:s1] =	ssyncset.done @!p0 $0x0  }
0x2e6: {  	[sflag:s1] =	ssyncadd.s32 @!p0 $0xFFFFEC00;
	s1 =	simm.s32 @!p0 $0xB  }
0x2e7: {  	_ =	swait.ge @!p0 [sflag:s1], $0x28  }
0x2e8: {  	[sflag:s1] =	ssyncset.done @!p0 $0x0  }
0x2e9: {  	[sflag:s1] =	ssyncadd.s32 @!p0 $0xFFFFFFD8;
	s1 =	simm.s32 @!p0 $0x1  }
0x2ea: {  	_ =	swait.ge @!p0 [sflag:s1], $0x28  }
0x2eb: {  	[sflag:s1] =	ssyncset.done @!p0 $0x0  }
0x2ec: {  	[sflag:s1] =	ssyncadd.s32 @!p0 $0xFFFFFFD8  }
0x2ed: {  	_ =	swait.ge @!p0 [sflag:s1], $0x28  }
0x2ee: {  	[sflag:s1] =	ssyncset.done @!p0 $0x0  }
0x2ef: {  	[sflag:s1] =	ssyncadd.s32 @!p0 $0xFFFFFFD8  }
0x2f0: {  	s13 =	simm.s32 @!p0 $0x14390;
	s1 =	simm.s32 @!p0 $0x28;
	s17 =	rddreg [dreg:$0x0]  }
0x2f1: {  	[tilespmem:s13], [sflag:$0x3] =	stream.indirect.gather @!p0 [hbm4b:s17+s1], $0x80, s12, s1, $0xb8;
	[tilespmem:$0x1C1F0] =	vst v63  }
0x2f2: {  	s12 =	simm.s32 @!p0 $0x16B90  }
0x2f3: {  	[tilespmem:s12], [sflag:$0x5] =	stream.indirect.gather @!p0 [hbm4b:s7+s1], $0x80, s5, s1, $0xb8;
	[tilespmem:$0x1C1F0] =	vst v63  }
0x2f4: {  	s1 =	sshll.u32 @!p0 s4, $0x4  }
0x2f5: {  	s1 =	sand.u32 @!p0 $0x1FFFFF00, s1  }
0x2f6: {  	s4 =	simm.s32 @!p0 $0x19390;
	s1 =	sadd.s32 @!p0 s8, s1  }
0x2f7: {  	[tilespmem:s4], [sflag:$0x7] =	stream.linear.gather @!p0 [hbm4b:s1+s6], $0x1400, $0x38;
	[tilespmem:$0x1C1F0] =	vst v63  }
0x2f8: {  	_ =	swait.ge [sflag:s14], $0x1400  }
0x2f9: {  	[sflag:s14] =	ssyncset.done $0x0  }
0x2fa: {  	[sflag:s14] =	ssyncadd.s32 $0xFFFFEC00  }
0x2fb: {  	_ =	swait.ge [sflag:s15], $0x1400  }
0x2fc: {  	[sflag:s15] =	ssyncset.done $0x0  }
0x2fd: {  	[sflag:s15] =	ssyncadd.s32 $0xFFFFEC00  }
0x2fe: {  	_ =	swait.ge [sflag:s16], $0x1400  }
0x2ff: {  	[sflag:s16] =	ssyncset.done $0x0  }
0x300: {  	v45 =	vld [tilespmem:$0x1FF90];
	[sflag:s16] =	ssyncadd.s32 $0xFFFFEC00  }
0x301: {  	v61 =	vld [tilespmem:$0x14310]  }
0x302: {  	v62 =	vld [tilespmem:$0x14320]  }
0x303: {  	v63 =	vld [tilespmem:$0x14328]  }
0x304: {  	v53 =	vld [tilespmem:$0x1FFA0]  }
0x305: {  	v47 =	vld [tilespmem:$0x1FFB0]  }
0x306: {  	v52 =	vld [tilespmem:$0x1FFC0];
	[tilespmem:$0x14368] =	vst v61  }
0x307: {  	v49 =	vld [tilespmem:$0x1FFE0];
	[tilespmem:$0x14378] =	vst v62  }
0x308: {  	s17 =	simm.s32 $0x0;
	v62 =	vld [tilespmem:$0x1FF80];
	[tilespmem:$0x14380] =	vst v63  }
.LBB2_9:
0x309: {  	s1 =	sshll.u32 s17, $0x7  }
0x30a: {  	v0 =	vld [tilespmem:s1+$0x15790]  }
0x30b: {  	v2 =	vld [tilespmem:s1+$0x17F90]  }
0x30c: {  	v3 =	vld [tilespmem:s1+$0x1A790]  }
0x30d: {  	v4 =	vld [tilespmem:s1+$0x157A0]  }
0x30e: {  	v5 =	vld [tilespmem:s1+$0x17FA0]  }
0x30f: {  	v6 =	vld [tilespmem:s1+$0x1A7A0]  }
0x310: {  	v7 =	vld [tilespmem:s1+$0x157B0]  }
0x311: {  	v8 =	vld [tilespmem:s1+$0x17FB0]  }
0x312: {  	v9 =	vld [tilespmem:s1+$0x1A7B0]  }
0x313: {  	v11 =	vld [tilespmem:s1+$0x157C0]  }
0x314: {  	v12 =	vld [tilespmem:s1+$0x17FC0]  }
0x315: {  	v13 =	vld [tilespmem:s1+$0x1A7C0]  }
0x316: {  	v14 =	vld [tilespmem:s1+$0x157D0]  }
0x317: {  	v16 =	vld [tilespmem:s1+$0x17FD0]  }
0x318: {  	v25 =	vld [tilespmem:s1+$0x1A7D0]  }
0x319: {  	v26 =	vld [tilespmem:s1+$0x157E0]  }
0x31a: {  	v28 =	vld [tilespmem:s1+$0x17FE0]  }
0x31b: {  	v29 =	vld [tilespmem:s1+$0x1A7E0]  }
0x31c: {  	v34 =	vld [tilespmem:s1+$0x157F0]  }
0x31d: {  	v35 =	vld [tilespmem:s1+$0x17FF0]  }
0x31e: {  	v37 =	vld [tilespmem:s1+$0x1A7F0]  }
0x31f: {  	v38 =	vld [tilespmem:s1+$0x15800]  }
0x320: {  	s6 =	sor.u32 $0x1, s17;
	v39 =	vld [tilespmem:s1+$0x18000]  }
0x321: {  	v42 =	vld [tilespmem:s1+$0x1A800];
	s5 =	sshll.u32 s6, $0x7  }
0x322: {  	v43 =	vld [tilespmem:s5+$0x15790]  }
0x323: {  	v44 =	vld [tilespmem:s5+$0x17F90]  }
0x324: {  	v48 =	vld [tilespmem:s5+$0x1A790]  }
0x325: {  	v57 =	vld [tilespmem:s5+$0x157A0]  }
0x326: {  	v58 =	vld [tilespmem:s5+$0x17FA0]  }
0x327: {  	v59 =	vld [tilespmem:s5+$0x1A7A0]  }
0x328: {  	v60 =	vld [tilespmem:s5+$0x157B0]  }
0x329: {  	s13 =	sor.u32 $0x2, s17;
	v61 =	vld [tilespmem:s5+$0x17FB0]  }
0x32a: {  	s4 =	sshll.u32 s13, $0x7;
	v63 =	vld [tilespmem:s5+$0x1A7B0]  }
0x32b: {  	v24 =	vld [tilespmem:s4+$0x157C0]  }
0x32c: {  	v15 =	vld [tilespmem:s5+$0x157C0]  }
0x32d: {  	v17 =	vld [tilespmem:s5+$0x17FC0]  }
0x32e: {  	v21 =	vld [tilespmem:s5+$0x1A7C0]  }
0x32f: {  	v22 =	vld [tilespmem:s5+$0x157D0]  }
0x330: {  	[tilespmem:$0x1FB30] =	vst v24;
	v24 =	vld [tilespmem:s4+$0x17FC0]  }
0x331: {  	v10 =	vld [tilespmem:s5+$0x17FD0]  }
0x332: {  	v20 =	vld [tilespmem:s5+$0x1A7D0]  }
0x333: {  	v19 =	vld [tilespmem:s5+$0x157E0]  }
0x334: {  	v18 =	vld [tilespmem:s5+$0x17FE0]  }
0x335: {  	[tilespmem:$0x1FB40] =	vst v24;
	v24 =	vld [tilespmem:s4+$0x1A7C0]  }
0x336: {  	v23 =	vld [tilespmem:s5+$0x1A7E0]  }
0x337: {  	v36 =	vld [tilespmem:s5+$0x157F0]  }
0x338: {  	v56 =	vld [tilespmem:s5+$0x17FF0]  }
0x339: {  	v27 =	vld [tilespmem:s5+$0x1A7F0]  }
0x33a: {  	[tilespmem:$0x1FB70] =	vst v24;
	v24 =	vld [tilespmem:s4+$0x157D0]  }
0x33b: {  	v46 =	vld [tilespmem:s5+$0x15800]  }
0x33c: {  	v50 =	vld [tilespmem:s5+$0x18000]  }
0x33d: {  	v55 =	vld [tilespmem:s5+$0x1A800]  }
0x33e: {  	v30 =	vld [tilespmem:s4+$0x15790]  }
0x33f: {  	[tilespmem:$0x1FB50] =	vst v24;
	v24 =	vld [tilespmem:s4+$0x17FD0]  }
0x340: {  	v54 =	vld [tilespmem:s4+$0x17F90]  }
0x341: {  	v32 =	vld [tilespmem:s4+$0x1A790]  }
0x342: {  	v40 =	vld [tilespmem:s4+$0x157A0]  }
0x343: {  	v41 =	vld [tilespmem:s4+$0x17FA0]  }
0x344: {  	[tilespmem:$0x1FB60] =	vst v24;
	v24 =	vld [tilespmem:s4+$0x1A7D0]  }
0x345: {  	v1 =	vld [tilespmem:s4+$0x1A7A0]  }
0x346: {  	v51 =	vld [tilespmem:s4+$0x157B0]  }
0x347: {  	v31 =	vld [tilespmem:s4+$0x17FB0]  }
0x348: {  	v33 =	vld [tilespmem:s4+$0x1A7B0]  }
0x349: {  	[tilespmem:$0x1FB80] =	vst v24;
	v24 =	vld [tilespmem:s4+$0x157E0]  }
0x34a: {  	v7 =	vadd.f32 v8, v7;
	v8 =	vld [tilespmem:s4+$0x17FF0];
	v4 =	vadd.f32 v5, v4  }
0x34b: {  	s5 =	sor.u32 $0x3, s17;
	v12 =	vadd.f32 v12, v11;
	v11 =	vld [tilespmem:$0x1FF70]  }
0x34c: {  	s12 =	sshll.u32 s5, $0x7;
	v7 =	vadd.f32 v9, v7;
	v9 =	vld [tilespmem:s4+$0x15800];
	v4 =	vadd.f32 v6, v4  }
0x34d: {  	v12 =	vadd.f32 v13, v12;
	v13 =	vadd.f32 v16, v14;
	v16 =	vld [tilespmem:s12+$0x157A0]  }
0x34e: {  	v14 =	vmul.f32 $2.000000030e-01, v4;
	[tilespmem:$0x1FB90] =	vst v24;
	v24 =	vld [tilespmem:s4+$0x17FE0]  }
0x34f: {  	v6 =	vld [tilespmem:s12+$0x17F90];
	v5 =	vmul.f32 $2.000000030e-01, v7  }
0x350: {  	v4 =	vmax.f32 v4, v14;
	v14 =	vadd.f32 v25, v13;
	v13 =	vadd.f32 v28, v26;
	v28 =	vld [tilespmem:s12+$0x1A7A0]  }
0x351: {  	v5 =	vmax.f32 v7, v5;
	v26 =	vadd.f32 v35, v34;
	v25 =	vld [tilespmem:s12+$0x17FB0]  }
0x352: {  	v34 =	vadd.f32 v44, v43;
	v7 =	vmul.f32 v5, v45;
	v5 =	vld [tilespmem:s12+$0x1A790];
	[tilespmem:$0x1FBC0] =	vst v16;
	v16 =	vmul.f32 $2.000000030e-01, v12  }
0x353: {  	v4 =	vmul.f32 v4, v62;
	[tilespmem:$0x1FBA0] =	vst v24;
	v24 =	vadd.f32 v2, v0;
	v0 =	vld [tilespmem:s4+$0x157F0]  }
0x354: {  	v35 =	vadd.f32 v37, v26;
	v26 =	vld [tilespmem:s12+$0x17FC0];
	v34 =	vadd.f32 v48, v34;
	v16 =	vmax.f32 v12, v16  }
0x355: {  	v48 =	vadd.f32 v61, v60;
	v61 =	vld [tilespmem:$0x1FFD0];
	v4 =	vadd.f32 $0.0e+00, v4;
	v16 =	vmul.f32 v16, v53  }
0x356: {  	v12 =	vld [tilespmem:s12+$0x157B0];
	[tilespmem:$0x1FBD0] =	vst v28;
	v28 =	vadd.f32 v29, v13;
	v29 =	vadd.f32 v39, v38;
	v38 =	vmul.f32 $2.000000030e-01, v14  }
0x357: {  	v13 =	vld [tilespmem:s12+$0x1A7B0]  }
0x358: {  	v4 =	vadd.f32 v16, v4;
	v16 =	vld [tilespmem:s12+$0x1A7C0];
	v39 =	vmax.f32 v14, v38;
	[tilespmem:$0x1FBB0] =	vst v0;
	v0 =	vadd.f32 v3, v24  }
0x359: {  	v29 =	vadd.f32 v42, v29;
	v42 =	vmul.f32 $2.000000030e-01, v28;
	v14 =	vld [tilespmem:s12+$0x157C0];
	v38 =	vmul.f32 $2.000000030e-01, v35  }
0x35a: {  	[tilespmem:$0x1FB20] =	vst v1;
	v37 =	vmul.f32 v39, v47;
	v39 =	vld [tilespmem:s12+$0x1A7E0];
	v1 =	vmul.f32 $2.000000030e-01, v0  }
0x35b: {  	v48 =	vadd.f32 v63, v48;
	v43 =	vmax.f32 v35, v38;
	v35 =	vld [tilespmem:s12+$0x17FD0]  }
0x35c: {  	v28 =	vmax.f32 v28, v42;
	v42 =	vmul.f32 $2.000000030e-01, v29;
	v38 =	vld [tilespmem:s12+$0x157E0];
	v1 =	vmax.f32 v0, v1  }
0x35d: {  	v44 =	vmul.f32 v28, v52;
	v28 =	vld [tilespmem:s12+$0x157D0];
	v1 =	vmul.f32 v1, v11  }
0x35e: {  	v63 =	vmul.f32 $2.000000030e-01, v48;
	v29 =	vmax.f32 v29, v42;
	v42 =	vld [tilespmem:s12+$0x17FE0]  }
0x35f: {  	s1 =	sor.u32 $0x5, s17;
	v60 =	vmul.f32 v29, v49;
	v29 =	vld [tilespmem:s12+$0x1A7D0];
	v1 =	vadd.f32 $0.0e+00, v1  }
0x360: {  	s20 =	sshll.u32 s1, $0x7;
	v4 =	vadd.f32 v44, v4;
	v44 =	vmax.f32 v48, v63;
	v48 =	vld [tilespmem:s12+$0x17FF0]  }
0x361: {  	v26 =	vadd.f32 v26, v14;
	v14 =	vld [tilespmem:s20+$0x157B0];
	v1 =	vadd.f32 v7, v1  }
0x362: {  	v24 =	vld [tilespmem:s4+$0x18000]  }
0x363: {  	v2 =	vld [tilespmem:s4+$0x1A7E0];
	v1 =	vadd.f32 v37, v1;
	v37 =	vmul.f32 v43, v61  }
0x364: {  	v57 =	vadd.f32 v58, v57;
	v0 =	vld [tilespmem:s4+$0x1A800]  }
0x365: {  	v4 =	vadd.f32 v60, v4;
	v3 =	vld [tilespmem:s4+$0x1A7F0];
	v1 =	vadd.f32 v37, v1  }
0x366: {  	v60 =	vadd.f32 v59, v57;
	v11 =	vld [tilespmem:s12+$0x15790]  }
0x367: {  	v9 =	vadd.f32 v24, v9;
	v57 =	vadd.f32 v4, v1;
	v4 =	vld [tilespmem:$0x1FF70]  }
0x368: {  	v7 =	vld [tilespmem:s12+$0x17FA0]  }
0x369: {  	v58 =	vmul.f32 $2.000000030e-01, v34;
	v0 =	vadd.f32 v0, v9;
	v9 =	vld [tilespmem:s20+$0x1A790]  }
0x36a: {  	v43 =	vld [tilespmem:s12+$0x157F0]  }
0x36b: {  	v10 =	vadd.f32 v10, v22;
	v34 =	vmax.f32 v34, v58;
	v58 =	vmul.f32 $2.000000030e-01, v60;
	v37 =	vld [tilespmem:s12+$0x18000]  }
0x36c: {  	v1 =	vmul.f32 v34, v4;
	v34 =	vadd.f32 v17, v15;
	v15 =	vmul.f32 v44, v45;
	v44 =	vld [tilespmem:s12+$0x1A7F0]  }
0x36d: {  	v10 =	vadd.f32 v20, v10;
	s4 =	sor.u32 $0x4, s17;
	v17 =	vmax.f32 v60, v58;
	v58 =	vadd.f32 v56, v36;
	v36 =	vld [tilespmem:s12+$0x1A800]  }
0x36e: {  	v4 =	vadd.f32 v21, v34;
	v34 =	vld [tilespmem:s12+$0x15800];
	s12 =	sshll.u32 s4, $0x7  }
0x36f: {  	v63 =	vadd.f32 v50, v46;
	v60 =	vmul.f32 $2.000000030e-01, v10;
	v46 =	vld [tilespmem:s12+$0x15790]  }
0x370: {  	v50 =	vld [tilespmem:s12+$0x17F90]  }
0x371: {  	v10 =	vmax.f32 v10, v60;
	v60 =	vld [tilespmem:s12+$0x1A790]  }
0x372: {  	v18 =	vadd.f32 v18, v19;
	v56 =	vld [tilespmem:s12+$0x157A0]  }
0x373: {  	v19 =	vadd.f32 v27, v58;
	v58 =	vadd.f32 v31, v51;
	v51 =	vld [tilespmem:s12+$0x157B0]  }
0x374: {  	v6 =	vadd.f32 v6, v11;
	v22 =	vld [tilespmem:s12+$0x17FC0]  }
0x375: {  	v18 =	vadd.f32 v23, v18;
	v17 =	vmul.f32 v17, v62;
	v24 =	vld [tilespmem:s12+$0x17FE0];
	v59 =	vmul.f32 $2.000000030e-01, v4  }
0x376: {  	v5 =	vadd.f32 v5, v6;
	v1 =	vadd.f32 $0.0e+00, v1;
	v11 =	vld [tilespmem:s12+$0x1A7F0]  }
0x377: {  	v6 =	vld [tilespmem:s12+$0x15800];
	v20 =	vadd.f32 v33, v58;
	v4 =	vmax.f32 v4, v59;
	v59 =	vadd.f32 $0.0e+00, v17  }
0x378: {  	v58 =	vld [tilespmem:$0x1FB30];
	v17 =	vadd.f32 v55, v63;
	v63 =	vadd.f32 v54, v30  }
0x379: {  	v27 =	vmul.f32 $2.000000030e-01, v18;
	v10 =	vmul.f32 v10, v47;
	v1 =	vadd.f32 v15, v1;
	v54 =	vld [tilespmem:s12+$0x17FA0]  }
0x37a: {  	v15 =	vmul.f32 $2.000000030e-01, v19;
	v55 =	vld [tilespmem:s12+$0x1A7A0];
	v4 =	vmul.f32 v4, v53;
	v32 =	vadd.f32 v32, v63  }
0x37b: {  	v27 =	vmax.f32 v18, v27;
	v10 =	vadd.f32 v10, v1;
	v1 =	vld [tilespmem:s12+$0x17FB0];
	v63 =	vadd.f32 v41, v40  }
0x37c: {  	v41 =	vld [tilespmem:$0x1FF70];
	v4 =	vadd.f32 v4, v59;
	v59 =	vmul.f32 v27, v52;
	v27 =	vmul.f32 $2.000000030e-01, v32  }
0x37d: {  	v15 =	vmax.f32 v19, v15;
	v19 =	vld [tilespmem:s12+$0x157C0]  }
0x37e: {  	v31 =	vmax.f32 v32, v27;
	v32 =	vld [tilespmem:$0x1FB20]  }
0x37f: {  	v15 =	vmul.f32 v15, v61;
	v4 =	vadd.f32 v59, v4;
	v59 =	vld [tilespmem:$0x1FB40]  }
0x380: {  	v30 =	vmul.f32 $2.000000030e-01, v17;
	v40 =	vld [tilespmem:s12+$0x1A7B0]  }
0x381: {  	v21 =	vadd.f32 v15, v10;
	v10 =	vmul.f32 v31, v41;
	v31 =	vld [tilespmem:$0x1FB50]  }
0x382: {  	v17 =	vmax.f32 v17, v30;
	v41 =	vld [tilespmem:$0x1FB80]  }
0x383: {  	v30 =	vmul.f32 v17, v49;
	v17 =	vadd.f32 v32, v63;
	v32 =	vld [tilespmem:$0x1FB60]  }
0x384: {  	v33 =	vmul.f32 $2.000000030e-01, v20;
	v15 =	vadd.f32 v59, v58;
	v58 =	vld [tilespmem:$0x1FB90]  }
0x385: {  	v59 =	vld [tilespmem:$0x1FBA0]  }
0x386: {  	v18 =	vmax.f32 v20, v33;
	v33 =	vld [tilespmem:$0x1FB70]  }
0x387: {  	v27 =	vld [tilespmem:s12+$0x1A7C0]  }
0x388: {  	v19 =	vadd.f32 v22, v19;
	v22 =	vld [tilespmem:s20+$0x1A7E0];
	v23 =	vadd.f32 v32, v31  }
0x389: {  	v1 =	vadd.f32 v1, v51;
	v4 =	vadd.f32 v30, v4;
	v30 =	vld [tilespmem:s12+$0x157D0]  }
0x38a: {  	v20 =	vadd.f32 v41, v23;
	v23 =	vadd.f32 v59, v58;
	v59 =	vld [tilespmem:$0x1FBB0]  }
0x38b: {  	v1 =	vadd.f32 v40, v1;
	v40 =	vld [tilespmem:s20+$0x15800]  }
0x38c: {  	v19 =	vadd.f32 v27, v19;
	v27 =	vld [tilespmem:s20+$0x17FF0];
	v15 =	vadd.f32 v33, v15;
	v63 =	vmul.f32 $2.000000030e-01, v17  }
0x38d: {  	v18 =	vmul.f32 v18, v45;
	v10 =	vadd.f32 $0.0e+00, v10;
	v33 =	vld [tilespmem:s12+$0x157E0]  }
0x38e: {  	v17 =	vmax.f32 v17, v63;
	v63 =	vmul.f32 $2.000000030e-01, v15;
	v31 =	vld [tilespmem:s12+$0x17FD0]  }
0x38f: {  	v18 =	vadd.f32 v18, v10;
	v17 =	vmul.f32 v17, v62;
	v32 =	vld [tilespmem:s12+$0x1A7D0];
	v8 =	vadd.f32 v8, v59  }
0x390: {  	v10 =	vmax.f32 v15, v63;
	v15 =	vld [tilespmem:s12+$0x17FF0];
	v2 =	vadd.f32 v2, v23;
	v58 =	vmul.f32 $2.000000030e-01, v20  }
0x391: {  	v41 =	vadd.f32 $0.0e+00, v17;
	v17 =	vld [tilespmem:s12+$0x1A7E0];
	v3 =	vadd.f32 v3, v8  }
0x392: {  	v63 =	vmax.f32 v20, v58;
	v58 =	vmul.f32 $2.000000030e-01, v2;
	v20 =	vld [tilespmem:s12+$0x1A800];
	v59 =	vmul.f32 v10, v53  }
0x393: {  	v23 =	vmul.f32 v63, v47;
	v10 =	vld [tilespmem:s12+$0x157F0];
	v63 =	vmul.f32 $2.000000030e-01, v3  }
0x394: {  	v2 =	vmax.f32 v2, v58;
	v58 =	vmul.f32 $2.000000030e-01, v0;
	v8 =	vadd.f32 v59, v41;
	v41 =	vld [tilespmem:$0x1FBD0]  }
0x395: {  	v2 =	vmul.f32 v2, v52;
	v3 =	vmax.f32 v3, v63;
	v63 =	vld [tilespmem:$0x1FBC0]  }
0x396: {  	v18 =	vadd.f32 v23, v18;
	v59 =	vmul.f32 $2.000000030e-01, v5;
	v0 =	vmax.f32 v0, v58;
	v58 =	vld [tilespmem:$0x1FF70]  }
0x397: {  	v2 =	vadd.f32 v2, v8;
	v8 =	vld [tilespmem:s12+$0x18000];
	v0 =	vmul.f32 v0, v49;
	v3 =	vmul.f32 v3, v61  }
0x398: {  	v12 =	vadd.f32 v25, v12;
	v25 =	vmax.f32 v5, v59;
	v59 =	vadd.f32 v4, v21;
	v21 =	vld [tilespmem:s20+$0x17FA0]  }
0x399: {  	v0 =	vadd.f32 v0, v2;
	v3 =	vadd.f32 v3, v18;
	v18 =	vld [tilespmem:s20+$0x15790]  }
0x39a: {  	v7 =	vadd.f32 v7, v63;
	v63 =	vadd.f32 v13, v12;
	v12 =	vld [tilespmem:s20+$0x157A0]  }
0x39b: {  	v2 =	vmul.f32 v25, v58;
	v58 =	vadd.f32 v0, v3;
	v3 =	vadd.f32 v16, v26;
	v16 =	vld [tilespmem:s20+$0x1A7A0]  }
0x39c: {  	v26 =	vld [tilespmem:s20+$0x17FB0];
	v5 =	vadd.f32 v41, v7;
	v13 =	vmul.f32 $2.000000030e-01, v63  }
0x39d: {  	v42 =	vadd.f32 v42, v38;
	v7 =	vld [tilespmem:s20+$0x17F90];
	v41 =	vadd.f32 v35, v28;
	v38 =	vmul.f32 $2.000000030e-01, v3  }
0x39e: {  	v2 =	vadd.f32 $0.0e+00, v2;
	v35 =	vld [tilespmem:s20+$0x157C0];
	v25 =	vmul.f32 $2.000000030e-01, v5;
	v4 =	vmax.f32 v63, v13  }
0x39f: {  	v28 =	vld [tilespmem:s20+$0x1A7C0];
	v63 =	vadd.f32 v29, v41;
	v41 =	vadd.f32 v48, v43;
	v3 =	vmax.f32 v3, v38  }
0x3a0: {  	v29 =	vld [tilespmem:s20+$0x1A7B0];
	v38 =	vadd.f32 v37, v34;
	v4 =	vmul.f32 v4, v45;
	v0 =	vmax.f32 v5, v25  }
0x3a1: {  	v13 =	vld [tilespmem:s20+$0x17FC0];
	v5 =	vadd.f32 v39, v42;
	v42 =	vmul.f32 $2.000000030e-01, v63;
	v25 =	vadd.f32 v44, v41  }
0x3a2: {  	v34 =	vld [tilespmem:s20+$0x157D0];
	v41 =	vadd.f32 v50, v46;
	v50 =	vadd.f32 v31, v30  }
0x3a3: {  	v37 =	vld [tilespmem:s20+$0x157E0];
	v2 =	vadd.f32 v4, v2;
	v44 =	vmax.f32 v63, v42;
	v48 =	vmul.f32 $2.000000030e-01, v25  }
0x3a4: {  	v30 =	vld [tilespmem:s20+$0x157F0];
	v43 =	vmul.f32 $2.000000030e-01, v5;
	v4 =	vmul.f32 v44, v47;
	v44 =	vadd.f32 v54, v56  }
0x3a5: {  	v0 =	vmul.f32 v0, v62;
	v39 =	vmax.f32 v25, v48;
	v25 =	vld [tilespmem:s20+$0x17FD0]  }
0x3a6: {  	v5 =	vmax.f32 v5, v43;
	v43 =	vadd.f32 v36, v38;
	v38 =	vld [tilespmem:s20+$0x17FE0];
	v36 =	vadd.f32 v55, v44  }
0x3a7: {  	v3 =	vmul.f32 v3, v53;
	v0 =	vadd.f32 $0.0e+00, v0;
	v63 =	vmul.f32 v5, v52;
	v5 =	vld [tilespmem:s20+$0x1A7D0]  }
0x3a8: {  	v2 =	vadd.f32 v4, v2;
	v4 =	vadd.f32 v32, v50;
	v32 =	vld [tilespmem:s20+$0x1A7F0];
	v51 =	vmul.f32 $2.000000030e-01, v36  }
0x3a9: {  	v24 =	vadd.f32 v24, v33;
	v0 =	vadd.f32 v3, v0;
	v55 =	vld [tilespmem:$0x1FF70]  }
0x3aa: {  	s30 =	sor.u32 $0x6, s17;
	v10 =	vadd.f32 v15, v10;
	v42 =	vmul.f32 v39, v61;
	v39 =	vld [tilespmem:s20+$0x18000];
	v31 =	vmax.f32 v36, v51  }
0x3ab: {  	v6 =	vadd.f32 v8, v6;
	v0 =	vadd.f32 v63, v0;
	v63 =	vmul.f32 v31, v62;
	v31 =	vld [tilespmem:s20+$0x1A800];
	s20 =	sshll.u32 s30, $0x7  }
0x3ac: {  	v17 =	vadd.f32 v17, v24;
	v10 =	vadd.f32 v11, v10;
	v33 =	vld [tilespmem:s20+$0x15790]  }
0x3ad: {  	v6 =	vadd.f32 v20, v6;
	v14 =	vadd.f32 v26, v14;
	v54 =	vmul.f32 $2.000000030e-01, v1;
	v24 =	vld [tilespmem:s20+$0x17F90]  }
0x3ae: {  	v23 =	vadd.f32 v60, v41;
	v56 =	vmul.f32 $2.000000030e-01, v19;
	v46 =	vmul.f32 $2.000000030e-01, v43;
	v15 =	vld [tilespmem:s20+$0x157A0]  }
0x3af: {  	v14 =	vadd.f32 v29, v14;
	v44 =	vadd.f32 v7, v18;
	v60 =	vmul.f32 $2.000000030e-01, v4;
	v7 =	vld [tilespmem:s20+$0x17FA0]  }
0x3b0: {  	v13 =	vadd.f32 v13, v35;
	v3 =	vmax.f32 v43, v46;
	v43 =	vmul.f32 $2.000000030e-01, v17;
	v8 =	vld [tilespmem:s20+$0x1A7A0]  }
0x3b1: {  	v48 =	vmul.f32 $2.000000030e-01, v23;
	v1 =	vmax.f32 v1, v54;
	v4 =	vmax.f32 v4, v60;
	v11 =	vld [tilespmem:s20+$0x157B0]  }
0x3b2: {  	v3 =	vmul.f32 v3, v49;
	v41 =	vmul.f32 v4, v47;
	v4 =	vmax.f32 v17, v43;
	v17 =	vld [tilespmem:s20+$0x17FB0]  }
0x3b3: {  	v19 =	vmax.f32 v19, v56;
	v56 =	vmul.f32 $2.000000030e-01, v14;
	v23 =	vmax.f32 v23, v48;
	v18 =	vld [tilespmem:s20+$0x157C0]  }
0x3b4: {  	v48 =	vmul.f32 $2.000000030e-01, v10;
	v0 =	vadd.f32 v3, v0;
	v3 =	vmul.f32 v23, v55;
	v55 =	vld [tilespmem:$0x1FF70]  }
0x3b5: {  	v1 =	vmul.f32 v1, v45;
	v19 =	vmul.f32 v19, v53;
	v2 =	vadd.f32 v42, v2;
	v20 =	vld [tilespmem:s20+$0x1A7C0]  }
0x3b6: {  	v46 =	vadd.f32 v21, v12;
	v10 =	vmax.f32 v10, v48;
	v35 =	vadd.f32 v38, v37;
	v21 =	vld [tilespmem:s20+$0x157D0]  }
0x3b7: {  	v12 =	vmax.f32 v14, v56;
	v51 =	vmul.f32 $2.000000030e-01, v6;
	v29 =	vadd.f32 v25, v34;
	v14 =	vld [tilespmem:s20+$0x17FD0]  }
0x3b8: {  	v10 =	vmul.f32 v10, v61;
	v25 =	vld [tilespmem:s20+$0x1A7D0];
	v22 =	vadd.f32 v22, v35;
	v23 =	vadd.f32 $0.0e+00, v63  }
0x3b9: {  	v4 =	vmul.f32 v4, v52;
	v37 =	vld [tilespmem:s20+$0x157E0];
	v63 =	vadd.f32 v28, v13;
	v3 =	vadd.f32 $0.0e+00, v3  }
0x3ba: {  	v6 =	vmax.f32 v6, v51;
	v43 =	vld [tilespmem:s20+$0x1A7E0];
	v60 =	vadd.f32 v0, v2;
	v42 =	vadd.f32 v19, v23  }
0x3bb: {  	v6 =	vmul.f32 v6, v49;
	v2 =	vld [tilespmem:s20+$0x1A790];
	v36 =	vadd.f32 v1, v3;
	v1 =	vadd.f32 v9, v44  }
0x3bc: {  	v19 =	vld [tilespmem:s20+$0x17FC0];
	v34 =	vmul.f32 $2.000000030e-01, v63;
	v9 =	vadd.f32 v16, v46;
	v3 =	vadd.f32 v4, v42  }
0x3bd: {  	v16 =	vld [tilespmem:s20+$0x1A7B0];
	v44 =	vmul.f32 $2.000000030e-01, v22;
	v42 =	vadd.f32 v39, v40;
	v0 =	vadd.f32 v41, v36  }
0x3be: {  	v50 =	vmul.f32 $2.000000030e-01, v1;
	v54 =	vmul.f32 $2.000000030e-01, v9;
	v36 =	vadd.f32 v27, v30;
	v41 =	vld [tilespmem:s20+$0x17FE0]  }
0x3bf: {  	v13 =	vmax.f32 v22, v44;
	v30 =	vld [tilespmem:s20+$0x15800];
	v28 =	vadd.f32 v31, v42;
	v3 =	vadd.f32 v6, v3  }
0x3c0: {  	v22 =	vld [tilespmem:s20+$0x18000];
	v1 =	vmax.f32 v1, v50;
	v4 =	vmax.f32 v9, v54;
	v0 =	vadd.f32 v10, v0  }
0x3c1: {  	v31 =	vld [tilespmem:s20+$0x17FF0];
	v9 =	vmax.f32 v63, v34;
	v34 =	vadd.f32 v14, v21;
	v1 =	vmul.f32 v1, v55  }
0x3c2: {  	v5 =	vadd.f32 v5, v29;
	v10 =	vld [tilespmem:s20+$0x1A800];
	v4 =	vmul.f32 v4, v62;
	v0 =	vadd.f32 v3, v0  }
0x3c3: {  	v12 =	vmul.f32 v12, v45;
	v3 =	vadd.f32 v25, v34;
	v34 =	vld [tilespmem:$0x1FF70];
	v1 =	vadd.f32 $0.0e+00, v1  }
0x3c4: {  	v9 =	vmul.f32 v9, v53;
	v4 =	vadd.f32 $0.0e+00, v4;
	v35 =	vadd.f32 v41, v37;
	v37 =	vld [tilespmem:$0x1FF70]  }
0x3c5: {  	s12 =	sor.u32 $0x7, s17;
	v38 =	vmul.f32 $2.000000030e-01, v5;
	v1 =	vadd.f32 v12, v1;
	v12 =	vld [tilespmem:s20+$0x157F0]  }
0x3c6: {  	v7 =	vadd.f32 v7, v15;
	v4 =	vadd.f32 v9, v4;
	v9 =	vld [tilespmem:s20+$0x1A7F0];
	s20 =	sshll.u32 s12, $0x7  }
0x3c7: {  	v5 =	vmax.f32 v5, v38;
	v26 =	vadd.f32 v32, v36;
	v6 =	vld [tilespmem:s20+$0x15790]  }
0x3c8: {  	v5 =	vmul.f32 v5, v47;
	v7 =	vadd.f32 v8, v7;
	v63 =	vadd.f32 v24, v33;
	v15 =	vld [tilespmem:s20+$0x17F90]  }
0x3c9: {  	v24 =	vadd.f32 v17, v11;
	v50 =	vmul.f32 $2.000000030e-01, v28;
	v46 =	vmul.f32 $2.000000030e-01, v26;
	v11 =	vld [tilespmem:s20+$0x1A790]  }
0x3ca: {  	v51 =	vmul.f32 v13, v52;
	v32 =	vmul.f32 $2.000000030e-01, v7;
	v2 =	vadd.f32 v2, v63;
	v8 =	vld [tilespmem:s20+$0x157A0]  }
0x3cb: {  	v55 =	vmax.f32 v28, v50;
	v48 =	vmax.f32 v26, v46;
	v26 =	vadd.f32 v19, v18;
	v19 =	vld [tilespmem:s20+$0x157B0]  }
0x3cc: {  	v7 =	vmax.f32 v7, v32;
	v56 =	vmul.f32 v55, v49;
	v28 =	vmul.f32 $2.000000030e-01, v2;
	v36 =	vld [tilespmem:s20+$0x17FB0]  }
0x3cd: {  	v7 =	vmul.f32 v7, v62;
	v42 =	vmul.f32 $2.000000030e-01, v3;
	v38 =	vld [tilespmem:s20+$0x1A7B0]  }
0x3ce: {  	v55 =	vadd.f32 v22, v30;
	v54 =	vmul.f32 v48, v61;
	v14 =	vadd.f32 v43, v35;
	v40 =	vld [tilespmem:s20+$0x157C0]  }
0x3cf: {  	v13 =	vadd.f32 v20, v26;
	v2 =	vmax.f32 v2, v28;
	v41 =	vld [tilespmem:s20+$0x17FC0];
	v7 =	vadd.f32 $0.0e+00, v7  }
0x3d0: {  	v44 =	vld [tilespmem:s20+$0x1A7C0];
	v3 =	vmax.f32 v3, v42;
	v1 =	vadd.f32 v5, v1;
	v4 =	vadd.f32 v51, v4  }
0x3d1: {  	v48 =	vld [tilespmem:s20+$0x157D0];
	v5 =	vadd.f32 v16, v24;
	v43 =	vmul.f32 $2.000000030e-01, v14;
	v3 =	vmul.f32 v3, v47  }
0x3d2: {  	v50 =	vld [tilespmem:s20+$0x17FD0];
	v26 =	vadd.f32 v10, v55;
	v2 =	vmul.f32 v2, v37;
	v39 =	vmul.f32 $2.000000030e-01, v13  }
0x3d3: {  	v16 =	vld [tilespmem:s20+$0x17FA0];
	v1 =	vadd.f32 v54, v1;
	v4 =	vadd.f32 v56, v4;
	v33 =	vmul.f32 $2.000000030e-01, v5  }
0x3d4: {  	v30 =	vld [tilespmem:s20+$0x157F0];
	v14 =	vmax.f32 v14, v43;
	v2 =	vadd.f32 $0.0e+00, v2;
	v12 =	vadd.f32 v31, v12  }
0x3d5: {  	v32 =	vld [tilespmem:s20+$0x17FF0];
	v13 =	vmax.f32 v13, v39;
	v1 =	vadd.f32 v4, v1;
	v6 =	vadd.f32 v15, v6  }
0x3d6: {  	v24 =	vld [tilespmem:s20+$0x17FE0];
	v5 =	vmax.f32 v5, v33;
	v29 =	vadd.f32 v36, v19;
	v31 =	vadd.f32 v41, v40  }
0x3d7: {  	v54 =	vld [tilespmem:s20+$0x1A7D0];
	v46 =	vmul.f32 v13, v53;
	v13 =	vadd.f32 v50, v48;
	v9 =	vadd.f32 v9, v12  }
0x3d8: {  	v56 =	vld [tilespmem:s20+$0x157E0];
	v5 =	vmul.f32 v5, v45;
	v8 =	vadd.f32 v16, v8;
	v6 =	vadd.f32 v11, v6  }
0x3d9: {  	v4 =	vld [tilespmem:s20+$0x1A7A0];
	v33 =	vmul.f32 $2.000000030e-01, v26;
	v35 =	vadd.f32 v38, v29;
	v10 =	vadd.f32 v44, v31  }
0x3da: {  	v51 =	vmul.f32 v14, v52;
	v36 =	vld [tilespmem:s20+$0x1A7F0];
	v11 =	vadd.f32 v32, v30;
	v2 =	vadd.f32 v5, v2  }
0x3db: {  	v28 =	vld [tilespmem:s20+$0x1A7E0];
	v5 =	vadd.f32 v46, v7;
	v27 =	vmul.f32 $2.000000030e-01, v9;
	v7 =	vmax.f32 v26, v33  }
0x3dc: {  	v41 =	vld [tilespmem:s20+$0x18000];
	v13 =	vadd.f32 v54, v13;
	v37 =	vmul.f32 $2.000000030e-01, v6;
	v40 =	vmul.f32 $2.000000030e-01, v35  }
0x3dd: {  	v38 =	vld [tilespmem:s20+$0x15800];
	v42 =	vmul.f32 $2.000000030e-01, v10;
	v7 =	vmul.f32 v7, v49;
	v2 =	vadd.f32 v3, v2  }
0x3de: {  	v63 =	vadd.f32 v51, v5;
	v9 =	vmax.f32 v9, v27;
	v4 =	vadd.f32 v4, v8  }
0x3df: {  	v43 =	vld [tilespmem:s20+$0x1A800];
	v5 =	vadd.f32 v24, v56;
	v44 =	vmul.f32 $2.000000030e-01, v13;
	v11 =	vadd.f32 v36, v11  }
0x3e0: {  	v6 =	vmax.f32 v6, v37;
	v8 =	vmax.f32 v35, v40;
	v39 =	vmul.f32 $2.000000030e-01, v4  }
0x3e1: {  	v10 =	vmax.f32 v10, v42;
	v5 =	vadd.f32 v28, v5;
	v6 =	vmul.f32 v6, v34  }
0x3e2: {  	v48 =	vadd.f32 v41, v38;
	v8 =	vmul.f32 v8, v45;
	v4 =	vmax.f32 v4, v39  }
0x3e3: {  	v46 =	vmax.f32 v13, v44;
	v10 =	vmul.f32 v10, v53;
	v4 =	vmul.f32 v4, v62  }
0x3e4: {  	v54 =	vmul.f32 $2.000000030e-01, v11;
	v13 =	vadd.f32 v43, v48;
	v50 =	vmul.f32 $2.000000030e-01, v5  }
0x3e5: {  	v51 =	vmul.f32 v46, v47;
	v6 =	vadd.f32 $0.0e+00, v6;
	v4 =	vadd.f32 $0.0e+00, v4  }
0x3e6: {  	s20 =	sshll.u32 s17, $0x4;
	v56 =	vmax.f32 v11, v54;
	v5 =	vmax.f32 v5, v50;
	v55 =	vmul.f32 $2.000000030e-01, v13  }
0x3e7: {  	s6 =	sshll.u32 s6, $0x4;
	s20 =	sand.u32 $0x3FFFFFF0, s20;
	v6 =	vadd.f32 v8, v6;
	v5 =	vmul.f32 v5, v52;
	v4 =	vadd.f32 v10, v4  }
0x3e8: {  	s6 =	sand.u32 $0x3FFFFFF0, s6;
	s5 =	sshll.u32 s5, $0x4;
	[tilespmem:s20+$0x1BBF0] =	vst v57;
	v9 =	vmul.f32 v9, v61;
	v57 =	vmul.f32 v56, v61;
	v10 =	vmax.f32 v13, v55  }
0x3e9: {  	s5 =	sand.u32 $0x3FFFFFF0, s5;
	s4 =	sshll.u32 s4, $0x4;
	[tilespmem:s6+$0x1BBF0] =	vst v59;
	v6 =	vadd.f32 v51, v6;
	v59 =	vmul.f32 v10, v49;
	v4 =	vadd.f32 v5, v4  }
0x3ea: {  	p1 =	slt.u32 s17, $0x20;
	s1 =	sshll.u32 s1, $0x4;
	s4 =	sand.u32 $0x3FFFFFF0, s4;
	[tilespmem:s5+$0x1BBF0] =	vst v60;
	v3 =	vadd.f32 v7, v63;
	v2 =	vadd.f32 v9, v2  }
.Ltmp5:
0x3eb: {  	s13 =	sshll.u32 s13, $0x4;
	s1 =	sand.u32 $0x3FFFFFF0, s1;
	[tilespmem:s4+$0x1BBF0] =	vst v0;
	v5 =	vadd.f32 v57, v6;
	v4 =	vadd.f32 v59, v4;
	(pc) =	sbr.rel @p1 .LBB2_9-.Ltmp5, $4  }
0x3ec: {  	s5 =	sshll.u32 s30, $0x4;
	[tilespmem:s1+$0x1BBF0] =	vst v1;
	s20 =	sand.u32 $0x3FFFFFF0, s13;
	v61 =	vadd.f32 v3, v2  }
0x3ed: {  	s6 =	sand.u32 $0x3FFFFFF0, s5;
	s13 =	sshll.u32 s12, $0x4;
	[tilespmem:s20+$0x1BBF0] =	vst v58;
	v63 =	vadd.f32 v4, v5  }
0x3ee: {  	s30 =	sadd.s32 $0x8, s17;
	s20 =	sand.u32 $0x3FFFFFF0, s13;
	[tilespmem:s6+$0x1BBF0] =	vst v61  }
0x3ef: {  	s17 =	smov.u32 s30;
	[tilespmem:s20+$0x1BBF0] =	vst v63  }
0x3f0: {  	v0 =	vld [tilespmem:$0x1FFF0]  }
0x3f1: {  	v1 =	vld [tilespmem:$0x1FBE0]  }
0x3f2: {  	v2 =	vld [tilespmem:$0x1FBF0]  }
0x3f3: {  	v3 =	vld [tilespmem:$0x1FC00]  }
0x3f4: {  	v4 =	vld [tilespmem:$0x1FC10]  }
0x3f5: {  	v5 =	vld [tilespmem:$0x1FC20]  }
0x3f6: {  	v6 =	vld [tilespmem:$0x1FC30]  }
0x3f7: {  	v7 =	vld [tilespmem:$0x1FC40]  }
0x3f8: {  	v8 =	vld [tilespmem:$0x1FC50]  }
0x3f9: {  	v9 =	vld [tilespmem:$0x1FC60]  }
0x3fa: {  	v10 =	vld [tilespmem:$0x1FC70]  }
0x3fb: {  	v11 =	vld [tilespmem:$0x1FC80]  }
0x3fc: {  	v12 =	vld [tilespmem:$0x1FC90]  }
0x3fd: {  	v13 =	vld [tilespmem:$0x1FCA0]  }
0x3fe: {  	v14 =	vld [tilespmem:$0x1FCB0]  }
0x3ff: {  	v35 =	vld [tilespmem:$0x1FCC0]  }
0x400: {  	v0 =	vld.idx.msk [tilespmem:v0+s0+$0x0], $0xffff  }
0x401: {  	v1 =	vld.idx.msk [tilespmem:v1+s0+$0x0], $0xffff  }
0x402: {  	v2 =	vld.idx.msk [tilespmem:v2+s0+$0x0], $0xffff  }
0x403: {  	v3 =	vld.idx.msk [tilespmem:v3+s0+$0x0], $0xffff  }
0x404: {  	v4 =	vld.idx.msk [tilespmem:v4+s0+$0x0], $0xffff  }
0x405: {  	v5 =	vld.idx.msk [tilespmem:v5+s0+$0x0], $0xffff  }
0x406: {  	v6 =	vld.idx.msk [tilespmem:v6+s0+$0x0], $0xffff  }
0x407: {  	v7 =	vld.idx.msk [tilespmem:v7+s0+$0x0], $0xffff  }
0x408: {  	v8 =	vld.idx.msk [tilespmem:v8+s0+$0x0], $0xffff  }
0x409: {  	v9 =	vld.idx.msk [tilespmem:v9+s0+$0x0], $0xffff  }
0x40a: {  	v10 =	vld.idx.msk [tilespmem:v10+s0+$0x0], $0xffff  }
0x40b: {  	v11 =	vld.idx.msk [tilespmem:v11+s0+$0x0], $0xffff  }
0x40c: {  	v12 =	vld.idx.msk [tilespmem:v12+s0+$0x0], $0xffff  }
0x40d: {  	v13 =	vld.idx.msk [tilespmem:v13+s0+$0x0], $0xffff;
	v0 =	vadd.f32 $0.0e+00, v0;
	v1 =	vadd.f32 $0.0e+00, v1  }
0x40e: {  	v14 =	vld.idx.msk [tilespmem:v14+s0+$0x0], $0xffff;
	v2 =	vadd.f32 $0.0e+00, v2;
	v3 =	vadd.f32 $0.0e+00, v3  }
0x40f: {  	v0 =	vadd.f32 v4, v0;
	v1 =	vadd.f32 v5, v1;
	v4 =	vld.idx.msk [tilespmem:v35+s0+$0x0], $0xffff  }
0x410: {  	v2 =	vadd.f32 v6, v2;
	v3 =	vadd.f32 v7, v3  }
0x411: {  	v0 =	vadd.f32 v8, v0;
	v1 =	vadd.f32 v9, v1  }
0x412: {  	v2 =	vadd.f32 v10, v2;
	v3 =	vadd.f32 v11, v3  }
0x413: {  	v0 =	vadd.f32 v12, v0;
	v1 =	vadd.f32 v13, v1  }
0x414: {  	v2 =	vadd.f32 v14, v2;
	v3 =	vadd.f32 v4, v3;
	_ =	sdelay $0x1  }
0x415: {  	v0 =	vadd.f32 v1, v0;
	v1 =	vadd.f32 v3, v2  }
0x416: {  	v36 =	vld [tilespmem:$0x1FD10]  }
0x417: {  	v37 =	vld [tilespmem:$0x1FD20];
	v0 =	vadd.f32 v1, v0  }
0x418: {  	v38 =	vld [tilespmem:$0x1FD30]  }
0x419: {  	v39 =	vld [tilespmem:$0x1FD40];
	v0 =	vmul.f32 $1.442695020e+00, v0  }
0x41a: {  	v40 =	vld [tilespmem:$0x1FDC0]  }
0x41b: {  	v8 =	vld [tilespmem:$0x1FD50];
	(erf) = vpow2.f32 v0  }
0x41c: {  	v9 =	vld [tilespmem:$0x1FD60]  }
0x41d: {  	v10 =	vld [tilespmem:$0x1FD70]  }
0x41e: {  	v1 =	vld [tilespmem:$0x1FCE0]  }
0x41f: {  	v2 =	vld [tilespmem:$0x1FCF0]  }
0x420: {  	v3 =	vld [tilespmem:$0x1FD00]  }
0x421: {  	v11 =	vld [tilespmem:$0x1FD80]  }
0x422: {  	v12 =	vld [tilespmem:$0x1FD90]  }
0x423: {  	v13 =	vld [tilespmem:$0x1FDA0]  }
0x424: {  	v14 =	vld [tilespmem:$0x1FDB0];
	v0 =	vpop (erf)  }
0x425: {  	[tilespmem:$0x1BBC0] =	vst v0;
	v0 =	vld [tilespmem:$0x1FCD0]  }
0x426: {  	v1 =	vld.idx.msk [tilespmem:v1+s0+$0x0], $0xffff  }
0x427: {  	v2 =	vld.idx.msk [tilespmem:v2+s0+$0x0], $0xffff  }
0x428: {  	v3 =	vld.idx.msk [tilespmem:v3+s0+$0x0], $0xffff  }
0x429: {  	v4 =	vld.idx.msk [tilespmem:v36+s0+$0x0], $0xffff  }
0x42a: {  	v5 =	vld.idx.msk [tilespmem:v37+s0+$0x0], $0xffff  }
0x42b: {  	v6 =	vld.idx.msk [tilespmem:v38+s0+$0x0], $0xffff  }
0x42c: {  	v7 =	vld.idx.msk [tilespmem:v39+s0+$0x0], $0xffff  }
0x42d: {  	v8 =	vld.idx.msk [tilespmem:v8+s0+$0x0], $0xffff  }
0x42e: {  	v0 =	vld.idx.msk [tilespmem:v0+s0+$0x0], $0xffff  }
0x42f: {  	v9 =	vld.idx.msk [tilespmem:v9+s0+$0x0], $0xffff  }
0x430: {  	v10 =	vld.idx.msk [tilespmem:v10+s0+$0x0], $0xffff  }
0x431: {  	v11 =	vld.idx.msk [tilespmem:v11+s0+$0x0], $0xffff  }
0x432: {  	v12 =	vld.idx.msk [tilespmem:v12+s0+$0x0], $0xffff;
	v1 =	vadd.f32 $0.0e+00, v1  }
0x433: {  	v13 =	vld.idx.msk [tilespmem:v13+s0+$0x0], $0xffff;
	v2 =	vadd.f32 $0.0e+00, v2;
	v0 =	vadd.f32 $0.0e+00, v0  }
0x434: {  	v14 =	vld.idx.msk [tilespmem:v14+s0+$0x0], $0xffff;
	v3 =	vadd.f32 $0.0e+00, v3;
	v1 =	vadd.f32 v5, v1  }
0x435: {  	v2 =	vadd.f32 v6, v2;
	v0 =	vadd.f32 v4, v0;
	v4 =	vld.idx.msk [tilespmem:v40+s0+$0x0], $0xffff  }
0x436: {  	v3 =	vadd.f32 v7, v3  }
0x437: {  	v1 =	vadd.f32 v9, v1;
	v2 =	vadd.f32 v10, v2  }
0x438: {  	v3 =	vadd.f32 v11, v3;
	v0 =	vadd.f32 v8, v0  }
0x439: {  	v1 =	vadd.f32 v13, v1;
	v2 =	vadd.f32 v14, v2  }
0x43a: {  	v0 =	vadd.f32 v12, v0;
	v3 =	vadd.f32 v4, v3;
	_ =	sdelay $0x1  }
0x43b: {  	v0 =	vadd.f32 v1, v0;
	v1 =	vadd.f32 v3, v2  }
0x43c: {  	v41 =	vld [tilespmem:$0x1FE10]  }
0x43d: {  	v42 =	vld [tilespmem:$0x1FE20];
	v0 =	vadd.f32 v1, v0  }
0x43e: {  	v43 =	vld [tilespmem:$0x1FE30]  }
0x43f: {  	v44 =	vld [tilespmem:$0x1FE40];
	v0 =	vmul.f32 $1.442695020e+00, v0  }
0x440: {  	v45 =	vld [tilespmem:$0x1FEC0]  }
0x441: {  	v9 =	vld [tilespmem:$0x1FE60];
	(erf) = vpow2.f32 v0  }
0x442: {  	v10 =	vld [tilespmem:$0x1FE70]  }
0x443: {  	v11 =	vld [tilespmem:$0x1FE80]  }
0x444: {  	v1 =	vld [tilespmem:$0x1FDE0]  }
0x445: {  	v2 =	vld [tilespmem:$0x1FDF0]  }
0x446: {  	v3 =	vld [tilespmem:$0x1FE00]  }
0x447: {  	v13 =	vld [tilespmem:$0x1FEA0]  }
0x448: {  	v14 =	vld [tilespmem:$0x1FEB0]  }
0x449: {  	v8 =	vld [tilespmem:$0x1FE50]  }
0x44a: {  	v12 =	vld [tilespmem:$0x1FE90];
	v0 =	vpop (erf)  }
0x44b: {  	[tilespmem:$0x1BBD0] =	vst v0;
	v0 =	vld [tilespmem:$0x1FDD0]  }
0x44c: {  	v1 =	vld.idx.msk [tilespmem:v1+s0+$0x0], $0xffff  }
0x44d: {  	v2 =	vld.idx.msk [tilespmem:v2+s0+$0x0], $0xffff  }
0x44e: {  	v3 =	vld.idx.msk [tilespmem:v3+s0+$0x0], $0xffff  }
0x44f: {  	v4 =	vld.idx.msk [tilespmem:v41+s0+$0x0], $0xffff  }
0x450: {  	v5 =	vld.idx.msk [tilespmem:v42+s0+$0x0], $0xffff  }
0x451: {  	v6 =	vld.idx.msk [tilespmem:v43+s0+$0x0], $0xffff  }
0x452: {  	v7 =	vld.idx.msk [tilespmem:v44+s0+$0x0], $0xffff  }
0x453: {  	v8 =	vld.idx.msk [tilespmem:v8+s0+$0x0], $0xffff  }
0x454: {  	v0 =	vld.idx.msk [tilespmem:v0+s0+$0x0], $0xffff  }
0x455: {  	v9 =	vld.idx.msk [tilespmem:v9+s0+$0x0], $0xffff  }
0x456: {  	v10 =	vld.idx.msk [tilespmem:v10+s0+$0x0], $0xffff  }
0x457: {  	v11 =	vld.idx.msk [tilespmem:v11+s0+$0x0], $0xffff  }
0x458: {  	v12 =	vld.idx.msk [tilespmem:v12+s0+$0x0], $0xffff;
	v1 =	vadd.f32 $0.0e+00, v1  }
0x459: {  	v13 =	vld.idx.msk [tilespmem:v13+s0+$0x0], $0xffff;
	v2 =	vadd.f32 $0.0e+00, v2;
	v0 =	vadd.f32 $0.0e+00, v0  }
0x45a: {  	v14 =	vld.idx.msk [tilespmem:v14+s0+$0x0], $0xffff;
	v3 =	vadd.f32 $0.0e+00, v3;
	v1 =	vadd.f32 v5, v1  }
0x45b: {  	v2 =	vadd.f32 v6, v2;
	v0 =	vadd.f32 v4, v0;
	v4 =	vld.idx.msk [tilespmem:v45+s0+$0x0], $0xffff  }
0x45c: {  	v3 =	vadd.f32 v7, v3  }
0x45d: {  	v1 =	vadd.f32 v9, v1;
	v2 =	vadd.f32 v10, v2  }
0x45e: {  	v3 =	vadd.f32 v11, v3;
	v0 =	vadd.f32 v8, v0  }
0x45f: {  	v1 =	vadd.f32 v13, v1;
	v2 =	vadd.f32 v14, v2  }
0x460: {  	v0 =	vadd.f32 v12, v0;
	v3 =	vadd.f32 v4, v3;
	_ =	sdelay $0x1  }
0x461: {  	v0 =	vadd.f32 v1, v0;
	v1 =	vadd.f32 v3, v2;
	_ =	sdelay $0x1  }
0x462: {  	v0 =	vadd.f32 v1, v0;
	_ =	sdelay $0x1  }
0x463: {  	v0 =	vmul.f32 $1.442695020e+00, v0;
	_ =	sdelay $0x1  }
0x464: {  	(erf) = vpow2.f32 v0;
	_ =	sdelay $0x1  }
0x465: {  	s1 =	simm.s32 $0x0  }
0x466: {  	s13 =	simm.s32 $0x2;
	v0 =	vmov s1  }
0x467: {  	v1 =	vmov s13;
	v0 =	vand.u32 $0xFFFFFFFC, v0  }
0x468: {  	v1 =	vand.u32 $0xFFFFFFFE, v1;
	v0 =	vbroadcast v0, $0x0  }
0x469: {  	v1 =	vbroadcast v1, $0x0;
	_ =	sdelay $0x2  }
0x46a: {  	v2 =	vpop (erf)  }
0x46b: {  	[tilespmem:$0x1BBE0] =	vst v2  }
0x46c: {  	v0 =	vld.idx.msk [tilespmem:v0+s11+$0x0], $0xffff  }
0x46d: {  	s1 =	simm.s32 $0x15980;
	v11 =	vld.idx.msk [tilespmem:v1+s11+$0x0], $0xffff  }
0x46e: {  	v2 =	vld [tilespmem:s1+$0xFFFFFF80]  }
0x46f: {  	v3 =	vld [tilespmem:s1+$0xFFFFFE10]  }
0x470: {  	s4 =	simm.s32 $0x1;
	v46 =	vld [tilespmem:s1+$0xFFFFFE20]  }
0x471: {  	v1 =	vmov s4;
	v47 =	vld [tilespmem:s1+$0xFFFFFE30]  }
0x472: {  	v48 =	vld [tilespmem:s1+$0xFFFFFE40];
	v1 =	vand.u32 $0xFFFFFFFD, v1  }
0x473: {  	v49 =	vld [tilespmem:s1+$0xFFFFFE50];
	v1 =	vbroadcast v1, $0x0  }
0x474: {  	v8 =	vld [tilespmem:s1+$0xFFFFFE60]  }
0x475: {  	v9 =	vld [tilespmem:s1+$0xFFFFFE70];
	v3 =	vmul.f32 v3, v0  }
0x476: {  	v50 =	vld [tilespmem:s1+$0xFFFFFE80];
	v2 =	vmul.f32 v2, v11  }
0x477: {  	v51 =	vld [tilespmem:s1+$0xFFFFFE90];
	[tilespmem:s1+$0xFFFFFE10] =	vst v3;
	v3 =	vmul.f32 v46, v0  }
0x478: {  	v52 =	vld [tilespmem:s1+$0xFFFFFEA0];
	[tilespmem:s1+$0xFFFFFF80] =	vst v2;
	v2 =	vmul.f32 v47, v0  }
0x479: {  	v1 =	vld.idx.msk [tilespmem:v1+s11+$0x0], $0xffff;
	[tilespmem:s1+$0xFFFFFE20] =	vst v3;
	v3 =	vmul.f32 v48, v0  }
0x47a: {  	v58 =	vld [tilespmem:s1+$0xFFFFFF20];
	[tilespmem:s1+$0xFFFFFE30] =	vst v2;
	v2 =	vmul.f32 v49, v0  }
0x47b: {  	v53 =	vld [tilespmem:s1+$0xFFFFFEB0];
	[tilespmem:s1+$0xFFFFFE40] =	vst v3;
	v3 =	vmul.f32 v8, v0  }
0x47c: {  	s17 =	simm.s32 $0x3;
	v54 =	vld [tilespmem:s1+$0xFFFFFEE0];
	[tilespmem:s1+$0xFFFFFE50] =	vst v2;
	v2 =	vmul.f32 v9, v0  }
0x47d: {  	v10 =	vmov s17;
	v9 =	vld [tilespmem:s1+$0xFFFFFED0];
	v0 =	vmul.f32 v50, v0;
	[tilespmem:s1+$0xFFFFFE60] =	vst v3  }
0x47e: {  	v8 =	vld [tilespmem:s1+$0xFFFFFEC0];
	v3 =	vmul.f32 v51, v1;
	[tilespmem:s1+$0xFFFFFE70] =	vst v2  }
0x47f: {  	v61 =	vmul.f32 v58, v11;
	v2 =	vld [tilespmem:s1+$0xFFFFFEF0];
	[tilespmem:s1+$0xFFFFFE80] =	vst v0  }
0x480: {  	v0 =	vmul.f32 v53, v1;
	[tilespmem:s1+$0xFFFFFE90] =	vst v3;
	v3 =	vld [tilespmem:s1+$0xFFFFFF00]  }
0x481: {  	v57 =	vld [tilespmem:s1+$0xFFFFFF10];
	[tilespmem:s1+$0xFFFFFF20] =	vst v61;
	v55 =	vmul.f32 v52, v1  }
0x482: {  	v10 =	vld.idx.msk [tilespmem:v10+s11+$0x0], $0xffff;
	[tilespmem:s1+$0xFFFFFEB0] =	vst v0;
	v0 =	vmul.f32 v9, v1  }
0x483: {  	v60 =	vld [tilespmem:s1+$0xFFFFFF30];
	v59 =	vmul.f32 v54, v1;
	[tilespmem:s1+$0xFFFFFEA0] =	vst v55  }
0x484: {  	[tilespmem:s1+$0xFFFFFED0] =	vst v0;
	v0 =	vmul.f32 v2, v1;
	v2 =	vld [tilespmem:s1+$0xFFFFFF40]  }
0x485: {  	[tilespmem:s1+$0xFFFFFEE0] =	vst v59;
	v56 =	vmul.f32 v8, v1;
	v1 =	vmul.f32 v3, v1;
	v3 =	vld [tilespmem:s1+$0xFFFFFF50]  }
0x486: {  	v12 =	vld [tilespmem:s1+$0xFFFFFF60];
	[tilespmem:s1+$0xFFFFFEF0] =	vst v0;
	v0 =	vmul.f32 v57, v11  }
0x487: {  	s20 =	simm.s32 $0x4;
	[tilespmem:s1+$0xFFFFFF00] =	vst v1;
	v1 =	vld [tilespmem:s1+$0xFFFFFF70]  }
0x488: {  	s5 =	simm.s32 $0x5;
	v62 =	vmov s20;
	v16 =	vld [tilespmem:s1+$0xFFFFFF90];
	[tilespmem:s1+$0xFFFFFF10] =	vst v0;
	v0 =	vmul.f32 v60, v11  }
0x489: {  	s30 =	simm.s32 $0x7;
	s6 =	simm.s32 $0x6;
	v20 =	vmov s5;
	v63 =	vand.u32 $0xFFFFFFFC, v62;
	v15 =	vld [tilespmem:s1+$0xFFFFFFA0];
	[tilespmem:s1+$0xFFFFFEC0] =	vst v56;
	v18 =	vmul.f32 v2, v11  }
0x48a: {  	s5 =	simm.s32 $0x8;
	s20 =	simm.s32 $0x14310;
	v13 =	vmov s30;
	v14 =	vbroadcast v63, $0x0;
	v17 =	vld [tilespmem:s1+$0xFFFFFFB0];
	s4 =	simm.s32 $0x15980;
	[tilespmem:s1+$0xFFFFFF30] =	vst v0;
	v19 =	vmul.f32 v3, v11  }
.LBB2_11:
0x48b: {  	p1 =	slt.u32 s5, $0x24;
	v0 =	vand.u32 $0xFFFFFFFD, v20;
	v2 =	vmov s6;
	[tilespmem:s1+$0xFFFFFF40] =	vst v18;
	v3 =	vmul.f32 v12, v11;
	v4 =	vld [tilespmem:s1+$0xFFFFFFC0]  }
0x48c: {  	v0 =	vbroadcast v0, $0x0;
	v2 =	vand.u32 $0xFFFFFFFE, v2;
	[tilespmem:s1+$0xFFFFFF50] =	vst v19;
	v1 =	vmul.f32 v1, v11;
	v5 =	vld [tilespmem:s1+$0xFFFFFFD0]  }
0x48d: {  	v2 =	vbroadcast v2, $0x0;
	[tilespmem:s1+$0xFFFFFF60] =	vst v3;
	v3 =	vmul.f32 v16, v10;
	v6 =	vld [tilespmem:s1+$0xFFFFFFE0]  }
0x48e: {  	[tilespmem:s1+$0xFFFFFF70] =	vst v1;
	v1 =	vmul.f32 v15, v10;
	v7 =	vld [tilespmem:s1+$0xFFFFFFF0]  }
0x48f: {  	[tilespmem:s1+$0xFFFFFF90] =	vst v3;
	v3 =	vmul.f32 v17, v10;
	v8 =	vld [tilespmem:s1+$0x0]  }
0x490: {  	v9 =	vld.idx.msk [tilespmem:v13+s11+$0x0], $0xffff;
	[tilespmem:s1+$0xFFFFFFA0] =	vst v1;
	v1 =	vmul.f32 v4, v10  }
0x491: {  	v4 =	vld.idx.msk [tilespmem:v14+s11+$0x0], $0xffff;
	[tilespmem:s1+$0xFFFFFFB0] =	vst v3;
	v3 =	vmul.f32 v5, v10  }
0x492: {  	v0 =	vld.idx.msk [tilespmem:v0+s11+$0x0], $0xffff;
	[tilespmem:s1+$0xFFFFFFC0] =	vst v1;
	v1 =	vmul.f32 v6, v10  }
0x493: {  	s1 =	sadd.s32 $0x200, s1;
	v11 =	vld.idx.msk [tilespmem:v2+s11+$0x0], $0xffff;
	[tilespmem:s4+$0xFFFFFFD0] =	vst v3;
	v2 =	vmul.f32 v7, v10  }
0x494: {  	v3 =	vld [tilespmem:s1+$0xFFFFFF80];
	[tilespmem:s4+$0xFFFFFFE0] =	vst v1;
	v1 =	vmul.f32 v8, v10  }
0x495: {  	v5 =	vld [tilespmem:s1+$0xFFFFFE10];
	[tilespmem:s4+$0xFFFFFFF0] =	vst v2  }
0x496: {  	v10 =	vmov v9;
	v2 =	vld [tilespmem:s1+$0xFFFFFE20];
	[tilespmem:s4+$0x0] =	vst v1;
	s4 =	smov.u32 s1  }
0x497: {  	v1 =	vld [tilespmem:s1+$0xFFFFFE30]  }
0x498: {  	v6 =	vld [tilespmem:s1+$0xFFFFFE40]  }
0x499: {  	v7 =	vld [tilespmem:s1+$0xFFFFFE50];
	v3 =	vmul.f32 v3, v11  }
0x49a: {  	v5 =	vmul.f32 v5, v4;
	v8 =	vld [tilespmem:s1+$0xFFFFFE60]  }
0x49b: {  	v2 =	vmul.f32 v2, v4;
	v9 =	vld [tilespmem:s1+$0xFFFFFE70];
	[tilespmem:s1+$0xFFFFFF80] =	vst v3  }
0x49c: {  	[tilespmem:s1+$0xFFFFFE10] =	vst v5;
	v1 =	vmul.f32 v1, v4;
	v3 =	vld [tilespmem:s1+$0xFFFFFE80]  }
0x49d: {  	[tilespmem:s1+$0xFFFFFE20] =	vst v2;
	v2 =	vmul.f32 v6, v4;
	v5 =	vld [tilespmem:s1+$0xFFFFFE90]  }
0x49e: {  	[tilespmem:s1+$0xFFFFFE30] =	vst v1;
	v1 =	vmul.f32 v7, v4;
	v6 =	vld [tilespmem:s1+$0xFFFFFEA0]  }
0x49f: {  	[tilespmem:s1+$0xFFFFFE40] =	vst v2;
	v2 =	vmul.f32 v8, v4;
	v7 =	vld [tilespmem:s1+$0xFFFFFEB0]  }
0x4a0: {  	[tilespmem:s1+$0xFFFFFE50] =	vst v1;
	v1 =	vmul.f32 v9, v4;
	v8 =	vld [tilespmem:s1+$0xFFFFFEC0]  }
0x4a1: {  	[tilespmem:s1+$0xFFFFFE60] =	vst v2;
	v2 =	vmul.f32 v3, v4;
	v3 =	vld [tilespmem:s1+$0xFFFFFED0]  }
0x4a2: {  	[tilespmem:s1+$0xFFFFFE70] =	vst v1;
	v1 =	vmul.f32 v5, v0;
	v4 =	vld [tilespmem:s1+$0xFFFFFEE0]  }
0x4a3: {  	[tilespmem:s1+$0xFFFFFE80] =	vst v2;
	v2 =	vmul.f32 v6, v0;
	v5 =	vld [tilespmem:s1+$0xFFFFFEF0]  }
0x4a4: {  	[tilespmem:s1+$0xFFFFFE90] =	vst v1;
	v1 =	vmul.f32 v7, v0;
	v6 =	vld [tilespmem:s1+$0xFFFFFF00]  }
0x4a5: {  	[tilespmem:s1+$0xFFFFFEA0] =	vst v2;
	v2 =	vmul.f32 v8, v0;
	v7 =	vld [tilespmem:s1+$0xFFFFFF10]  }
0x4a6: {  	[tilespmem:s1+$0xFFFFFEB0] =	vst v1;
	v1 =	vmul.f32 v3, v0;
	v3 =	vld [tilespmem:s1+$0xFFFFFF20]  }
0x4a7: {  	[tilespmem:s1+$0xFFFFFEC0] =	vst v2;
	v2 =	vmul.f32 v4, v0;
	v4 =	vld [tilespmem:s1+$0xFFFFFF30]  }
0x4a8: {  	[tilespmem:s1+$0xFFFFFED0] =	vst v1;
	v1 =	vmul.f32 v5, v0;
	v5 =	vld [tilespmem:s1+$0xFFFFFF40]  }
0x4a9: {  	[tilespmem:s1+$0xFFFFFEE0] =	vst v2;
	v0 =	vmul.f32 v6, v0;
	v2 =	vld [tilespmem:s1+$0xFFFFFF50]  }
.Ltmp6:
0x4aa: {  	[tilespmem:s1+$0xFFFFFEF0] =	vst v1;
	v6 =	vmul.f32 v7, v11;
	v12 =	vld [tilespmem:s1+$0xFFFFFF60];
	(pc) =	sbr.rel @p1 .LBB2_11-.Ltmp6, $4  }
0x4ab: {  	[tilespmem:s1+$0xFFFFFF00] =	vst v0;
	v0 =	vmul.f32 v3, v11;
	v1 =	vld [tilespmem:s1+$0xFFFFFF70]  }
0x4ac: {  	s6 =	sadd.s32 $0x3, s5;
	v3 =	vmov s5;
	[tilespmem:s1+$0xFFFFFF10] =	vst v6;
	v4 =	vmul.f32 v4, v11;
	v16 =	vld [tilespmem:s1+$0xFFFFFF90]  }
0x4ad: {  	s12 =	sadd.s32 $0x1, s5;
	v13 =	vmov s6;
	v3 =	vand.u32 $0xFFFFFFFC, v3;
	[tilespmem:s1+$0xFFFFFF20] =	vst v0;
	v18 =	vmul.f32 v5, v11;
	v15 =	vld [tilespmem:s1+$0xFFFFFFA0]  }
0x4ae: {  	v20 =	vmov s12;
	s6 =	sadd.s32 $0x2, s5;
	s5 =	sadd.s32 $0x4, s5;
	v14 =	vbroadcast v3, $0x0;
	[tilespmem:s1+$0xFFFFFF30] =	vst v4;
	v19 =	vmul.f32 v2, v11;
	v17 =	vld [tilespmem:s1+$0xFFFFFFB0]  }
0x4af: {  	v0 =	vld [tilespmem:s1+$0xFFFFFFC0]  }
0x4b0: {  	v4 =	vld [tilespmem:s1+$0xFFFFFFD0]  }
0x4b1: {  	v6 =	vld [tilespmem:s1+$0xFFFFFFE0]  }
0x4b2: {  	v7 =	vld [tilespmem:s1+$0xFFFFFFF0]  }
0x4b3: {  	v48 =	vld [tilespmem:s1+$0x0];
	[tilespmem:s1+$0xFFFFFF40] =	vst v18;
	v8 =	vmul.f32 v12, v11  }
0x4b4: {  	v9 =	vld.idx.msk [tilespmem:v13+s11+$0x0], $0xffff;
	[tilespmem:s1+$0xFFFFFF50] =	vst v19;
	v1 =	vmul.f32 v1, v11  }
0x4b5: {  	s5 =	sadd.s32 $0x200, s1;
	v49 =	vld.idx.msk [tilespmem:v14+s11+$0x0], $0xffff;
	v5 =	vmul.f32 v16, v10;
	[tilespmem:s1+$0xFFFFFF60] =	vst v8  }
0x4b6: {  	v52 =	vld [tilespmem:s5+$0xFFFFFF80];
	v50 =	vmul.f32 v15, v10;
	[tilespmem:s1+$0xFFFFFF70] =	vst v1  }
0x4b7: {  	v54 =	vld [tilespmem:s5+$0xFFFFFE10];
	[tilespmem:s1+$0xFFFFFF90] =	vst v5;
	v51 =	vmul.f32 v17, v10  }
0x4b8: {  	v56 =	vld [tilespmem:s5+$0xFFFFFE20];
	[tilespmem:s1+$0xFFFFFFA0] =	vst v50;
	v0 =	vmul.f32 v0, v10  }
0x4b9: {  	v58 =	vld [tilespmem:s5+$0xFFFFFE30];
	v53 =	vmul.f32 v4, v10;
	[tilespmem:s1+$0xFFFFFFB0] =	vst v51  }
0x4ba: {  	v60 =	vld [tilespmem:s5+$0xFFFFFE40];
	v55 =	vmul.f32 v6, v10;
	[tilespmem:s1+$0xFFFFFFC0] =	vst v0  }
0x4bb: {  	v61 =	vld [tilespmem:s5+$0xFFFFFE50];
	v57 =	vmul.f32 v7, v10;
	[tilespmem:s4+$0xFFFFFFD0] =	vst v53  }
0x4bc: {  	v63 =	vld [tilespmem:s5+$0xFFFFFE60];
	v59 =	vmul.f32 v48, v10;
	[tilespmem:s4+$0xFFFFFFE0] =	vst v55  }
0x4bd: {  	v12 =	vld [tilespmem:s5+$0xFFFFFE70];
	v62 =	vmul.f32 v54, v49;
	[tilespmem:s4+$0xFFFFFFF0] =	vst v57  }
0x4be: {  	v14 =	vld [tilespmem:s5+$0xFFFFFE80];
	v6 =	vmul.f32 v56, v49;
	[tilespmem:s4+$0x0] =	vst v59  }
0x4bf: {  	v44 =	vld [tilespmem:s5+$0xFFFFFF90];
	v13 =	vmul.f32 v58, v49;
	[tilespmem:s5+$0xFFFFFE10] =	vst v62  }
0x4c0: {  	v2 =	vand.u32 $0xFFFFFFFD, v20;
	v46 =	vld [tilespmem:s5+$0xFFFFFFA0];
	v5 =	vmul.f32 v60, v49;
	[tilespmem:s5+$0xFFFFFE20] =	vst v6  }
0x4c1: {  	v2 =	vbroadcast v2, $0x0;
	v15 =	vld [tilespmem:s5+$0xFFFFFE90];
	v16 =	vmul.f32 v61, v49;
	[tilespmem:s5+$0xFFFFFE30] =	vst v13  }
0x4c2: {  	v48 =	vld [tilespmem:s5+$0xFFFFFFB0];
	v4 =	vmul.f32 v63, v49;
	[tilespmem:s5+$0xFFFFFE40] =	vst v5  }
0x4c3: {  	v50 =	vld [tilespmem:s5+$0xFFFFFFC0];
	v19 =	vmul.f32 v12, v49;
	[tilespmem:s5+$0xFFFFFE50] =	vst v16  }
0x4c4: {  	v21 =	vmul.f32 v14, v49;
	v54 =	vld [tilespmem:s5+$0xFFFFFFE0];
	[tilespmem:s5+$0xFFFFFE60] =	vst v4  }
0x4c5: {  	v56 =	vld [tilespmem:s5+$0xFFFFFFF0];
	[tilespmem:s5+$0xFFFFFE70] =	vst v19;
	v53 =	vmul.f32 v44, v9  }
0x4c6: {  	v58 =	vld [tilespmem:s5+$0x0];
	[tilespmem:s5+$0xFFFFFE80] =	vst v21;
	v55 =	vmul.f32 v46, v9  }
0x4c7: {  	v3 =	vmov s6;
	v2 =	vld.idx.msk [tilespmem:v2+s11+$0x0], $0xffff;
	[tilespmem:s5+$0xFFFFFF90] =	vst v53;
	v57 =	vmul.f32 v48, v9  }
0x4c8: {  	v3 =	vand.u32 $0xFFFFFFFE, v3;
	v17 =	vld [tilespmem:s5+$0xFFFFFEA0];
	[tilespmem:s5+$0xFFFFFFA0] =	vst v55;
	v59 =	vmul.f32 v50, v9  }
0x4c9: {  	v18 =	vld [tilespmem:s5+$0xFFFFFEB0];
	v3 =	vbroadcast v3, $0x0;
	v61 =	vmul.f32 v54, v9;
	[tilespmem:s5+$0xFFFFFFB0] =	vst v57  }
0x4ca: {  	v20 =	vld [tilespmem:s5+$0xFFFFFEC0];
	v62 =	vmul.f32 v56, v9;
	[tilespmem:s5+$0xFFFFFFC0] =	vst v59  }
0x4cb: {  	v22 =	vld [tilespmem:s5+$0xFFFFFED0];
	v63 =	vmul.f32 v58, v9;
	[tilespmem:s5+$0xFFFFFFE0] =	vst v61  }
0x4cc: {  	v24 =	vld [tilespmem:s5+$0xFFFFFEE0];
	v23 =	vmul.f32 v15, v2;
	[tilespmem:s5+$0xFFFFFFF0] =	vst v62  }
0x4cd: {  	v25 =	vld [tilespmem:s5+$0xFFFFFEF0];
	v1 =	vmul.f32 v17, v2;
	[tilespmem:s5+$0x0] =	vst v63  }
0x4ce: {  	v27 =	vld [tilespmem:s5+$0xFFFFFF00];
	v26 =	vmul.f32 v18, v2;
	[tilespmem:s5+$0xFFFFFE90] =	vst v23  }
0x4cf: {  	v3 =	vld.idx.msk [tilespmem:v3+s11+$0x0], $0xffff;
	v28 =	vmul.f32 v20, v2;
	[tilespmem:s5+$0xFFFFFEA0] =	vst v1  }
0x4d0: {  	v29 =	vld [tilespmem:s5+$0xFFFFFF10];
	v30 =	vmul.f32 v22, v2;
	[tilespmem:s5+$0xFFFFFEB0] =	vst v26  }
0x4d1: {  	v31 =	vld [tilespmem:s5+$0xFFFFFF20];
	v32 =	vmul.f32 v24, v2;
	[tilespmem:s5+$0xFFFFFEC0] =	vst v28  }
0x4d2: {  	v33 =	vld [tilespmem:s5+$0xFFFFFF30];
	v35 =	vmul.f32 v25, v2;
	[tilespmem:s5+$0xFFFFFED0] =	vst v30  }
0x4d3: {  	v36 =	vld [tilespmem:s5+$0xFFFFFF40];
	v37 =	vmul.f32 v27, v2;
	[tilespmem:s5+$0xFFFFFEE0] =	vst v32  }
0x4d4: {  	v38 =	vld [tilespmem:s5+$0xFFFFFF50];
	v8 =	vmul.f32 v52, v3;
	[tilespmem:s5+$0xFFFFFEF0] =	vst v35  }
0x4d5: {  	v40 =	vld [tilespmem:s5+$0xFFFFFF60];
	v39 =	vmul.f32 v29, v3;
	[tilespmem:s5+$0xFFFFFF00] =	vst v37  }
0x4d6: {  	v42 =	vld [tilespmem:s5+$0xFFFFFF70];
	v41 =	vmul.f32 v31, v3;
	[tilespmem:s5+$0xFFFFFF80] =	vst v8  }
0x4d7: {  	v43 =	vmul.f32 v33, v3;
	v52 =	vld [tilespmem:s5+$0xFFFFFFD0];
	[tilespmem:s5+$0xFFFFFF10] =	vst v39  }
0x4d8: {  	v45 =	vmul.f32 v36, v3;
	[tilespmem:s5+$0xFFFFFF20] =	vst v41  }
0x4d9: {  	v47 =	vmul.f32 v38, v3;
	[tilespmem:s5+$0xFFFFFF30] =	vst v43  }
0x4da: {  	v49 =	vmul.f32 v40, v3;
	[tilespmem:s5+$0xFFFFFF40] =	vst v45  }
0x4db: {  	v51 =	vmul.f32 v42, v3;
	[tilespmem:s5+$0xFFFFFF50] =	vst v47  }
0x4dc: {  	[tilespmem:s5+$0xFFFFFF60] =	vst v49;
	v60 =	vmul.f32 v52, v9  }
.Ltmp7:
0x4dd: {  	[tilespmem:s5+$0xFFFFFF70] =	vst v51;
	(pc) =	sbr.rel @p0 .LBB2_14-.Ltmp7, $4  }
0x4de: {  	s17 =	rddreg [dreg:$0x3];
	s30 =	simm.s32 $0x15790;
	[tilespmem:s5+$0xFFFFFFD0] =	vst v60  }
0x4df: {  	[spmem:s17] =	stream.indirect.scatter.add.f32 [tilespmem:s30], [sflag:$0xA], $0x80, s28, s19, $0xb8;
	[tilespmem:$0x1C1F0] =	vst v63  }
0x4e0: {  	s17 =	simm.s32 $0x142B0;
	v48 =	vld [tilespmem:$0x1FF80]  }
0x4e1: {  	v52 =	vld [tilespmem:$0x1FF90];
	[spmem:s21] =	stream.indirect.scatter.add.f32 [tilespmem:s11], [sflag:$0xC], $0x1, s28, s19, $0xb8  }
0x4e2: {  	s1 =	rddreg [dreg:$0x1d]  }
0x4e3: {  	s1 =	sadd.s32 s24, s1  }
.Ltmp8:
0x4e4: {  	s1 =	sshrl.u32 s1, $0x3;
	(pc) =	sbr.rel .LBB2_4-.Ltmp8, $4  }
0x4e5: {  	s5 =	simm.s32 $0x0;
	s4 =	sadd.s32 s9, s1  }
0x4e6: {  	[tilespmem:s17], [sflag:$0x2] =	stream.linear.gather [hbm4b:s4+s5], $0x28, $0x38;
	[tilespmem:$0x1C1F0] =	vst v63  }
0x4e7: {  	s25 =	sadd.s32 $0x1, s25;
	s1 =	sadd.s32 s10, s1  }
0x4e8: {  	[tilespmem:s20], [sflag:$0x2] =	stream.linear.gather [hbm4b:s1+s5], $0x28, $0x38;
	[tilespmem:$0x1C1F0] =	vst v63  }
.LBB2_15:
0x4e9: {  	_ =	sfence.sel $0x180000  }
0x4ea: {  	[bflag:$0x0] =	sbarrier.arrive $0xFFFF  }
0x4eb: {  	_ =	strace $0x90000047  }
0x4ec: {  	s0 =	stileid.u32;
	[bflag:$0x2] =	sbarrier.arrive $0xFFFF  }
0x4ed: {  	p0 =	sne.s32 s0, $0x0;
	s0 =	rddreg [dreg:$0x5]  }
0x4ee: {  	s0 =	sadd.s32 @!p0 $0x100000, s0  }
0x4ef: {  	[sflag:s0] =	ssyncadd.tile.s32 @!p0 $0x1;
	_ =	shalt  }
.Lfunc_end2:
_tile_overlayer_lowered:
.L_overlay_start_2:
0x4f0: {  	(tag) =	ssettag $0x2  }
0x4f1: {  	s0 =	rddreg [dreg:$0x0];
	s2 =	stileid.u32  }
0x4f2: {  	s1 =	rddreg [dreg:$0x1];
	p0 =	sne.s32 s2, $0x0  }
0x4f3: {  	s3 =	rddreg [dreg:$0x2];
	[bflag:$0x3] =	sbarrier.arrive $0xFFFF;
	s2 =	simm.s32 @!p0 $0x1C0D  }
0x4f4: {  	[timem:s3], [sflag:s2] =	dma.local @!p0 [hbm:s0], s1  }
0x4f5: {  	s0 =	simm.s32 @!p0 $0xD  }
0x4f6: {  	_ =	swait.ge @!p0 [sflag:s0], s1  }
0x4f7: {  	s1 =	ssub.s32 @!p0 $0x0, s1;
	[sflag:s0] =	ssyncset.done @!p0 $0x0  }
0x4f8: {  	[sflag:s0] =	ssyncadd.s32 @!p0 s1  }
0x4f9: {  	[bflag:$0x3] =	sbarrier.arrive $0xFFFF  }
0x4fa: {  	_ =	shalt  }

</sc_bundles>
